<compile_context>
chip_gen: v7x
topology: tpu7x:2x2x1
jax: 0.10.2.dev20260603
libtpu: 0.0.44.dev20260713+nightly
codegen_flags: <defaults>
</compile_context>

<pallas_src>
import functools

import jax
import jax.numpy as jnp
from jax import lax
from jax.experimental import pallas as pl
from jax.experimental.pallas import tpu as pltpu
from jax.experimental.pallas import tpu_sc as plsc

_NC, _NS = 2, 16
_NW = _NC * _NS
_K = 128
_B = 512


_CW = 16


def _sc_gather(idx_a, idx_b, table, charge2d):
    nw, ng, k = idx_a.shape
    _, e1 = table.shape
    npad = nw * ng * k

    nbuf = 4

    @functools.partial(
        pl.kernel,
        mesh=plsc.VectorSubcoreMesh(core_axis_name="c", subcore_axis_name="s"),
        compiler_params=pltpu.CompilerParams(use_tc_tiling_on_sc=False),
        out_type=[
            jax.ShapeDtypeStruct((npad, e1), jnp.float32),
            jax.ShapeDtypeStruct((npad, _CW), jnp.int32),
        ],
        scratch_types=(
            [pltpu.VMEM((ng, k), jnp.int32),
             pltpu.VMEM((ng, k), jnp.int32),
             pltpu.VMEM((nbuf, k, e1), jnp.float32),
             pltpu.VMEM((nbuf, k, _CW), jnp.int32)]
            + [pltpu.SemaphoreType.DMA] * (2 * nbuf)
        ),
    )
    def sc_k(idx_a_hbm, idx_b_hbm, table_hbm, charge_hbm, ea_hbm, cn_hbm,
             ia_v, ib_v, rows_v, cv_v, *sems):
        gsems, ssems = sems[:nbuf], sems[nbuf:]
        wid = lax.axis_index("s") * _NC + lax.axis_index("c")
        pltpu.sync_copy(idx_a_hbm.at[wid], ia_v)
        pltpu.sync_copy(idx_b_hbm.at[wid], ib_v)
        base = wid * ng * k

        def start_gather(g):
            b = g % nbuf
            return (
                pltpu.async_copy(table_hbm.at[ia_v.at[g]], rows_v.at[b], gsems[b]),
                pltpu.async_copy(charge_hbm.at[ib_v.at[g]], cv_v.at[b], gsems[b]),
            )

        def start_store(g):
            b = g % nbuf
            return (
                pltpu.async_copy(rows_v.at[b], ea_hbm.at[pl.ds(base + g * k, k)], ssems[b]),
                pltpu.async_copy(cv_v.at[b], cn_hbm.at[pl.ds(base + g * k, k)], ssems[b]),
            )

        gd = [None] * nbuf
        sd = [None] * nbuf
        issued = 0
        for g in range(ng):
            while issued < min(g + nbuf, ng):
                b = issued % nbuf
                if sd[b] is not None:
                    for d in sd[b]:
                        d.wait()
                    sd[b] = None
                gd[b] = start_gather(issued)
                issued += 1
            b = g % nbuf
            for d in gd[b]:
                d.wait()
            sd[b] = start_store(g)
        for b in range(nbuf):
            if sd[b] is not None:
                for d in sd[b]:
                    d.wait()

    return sc_k(idx_a, idx_b, table, charge2d)


def _tc_body(ea_ref, pos_ref, cn_ref, w1_ref, b1_ref, w2_ref, b2_ref,
             ec_ref, wa_ref, wh_ref, wc_ref, o_ref):
    pos = pos_ref[...]
    t = jnp.dot(pos, w1_ref[...], preferred_element_type=jnp.float32) + b1_ref[...]
    t = t * jax.nn.sigmoid(t)
    h = jnp.dot(t, w2_ref[...], preferred_element_type=jnp.float32) + b2_ref[...]
    cn = cn_ref[:, :1]
    ncls = ec_ref.shape[0]
    oh = (cn == lax.broadcasted_iota(jnp.int32, (cn.shape[0], ncls), 1))
    ech = jnp.dot(oh.astype(jnp.float32), ec_ref[...],
                  preferred_element_type=jnp.float32)
    acc = (jnp.dot(ea_ref[...], wa_ref[...], preferred_element_type=jnp.float32)
           + jnp.dot(h, wh_ref[...], preferred_element_type=jnp.float32)
           + jnp.dot(ech, wc_ref[...], preferred_element_type=jnp.float32))
    o_ref[...] = acc * jax.nn.sigmoid(acc)


def kernel(batch, atom_type, pos_feat, charge, emb_atom, W1, b1, W2, b2,
           emb_charge, W_proj):
    n = batch.shape[0]
    v, e1 = emb_atom.shape
    in_dim, e2 = W1.shape
    vc, e3 = emb_charge.shape
    out_dim = W_proj.shape[1]

    batch = batch.astype(jnp.int32)
    atom_type = atom_type.astype(jnp.int32)
    charge = charge.astype(jnp.int32)

    ng = -(-n // (_NW * _K))
    npad = _NW * ng * _K
    pad = npad - n
    idx_a = jnp.pad(atom_type, (0, pad)).reshape(_NW, ng, _K)
    idx_b = jnp.pad(batch, (0, pad)).reshape(_NW, ng, _K)

    g = charge.shape[0]
    charge_rows = jnp.broadcast_to(charge[:, None], (g, _CW))
    ea, cn = _sc_gather(idx_a, idx_b, emb_atom, charge_rows)

    ncls = 32
    ec_pad = jnp.pad(emb_charge, ((0, ncls - vc), (0, 0)))
    wa = W_proj[:e1]
    wh = W_proj[e1:e1 + e2]
    wc = W_proj[e1 + e2:]
    n_blocks = -(-n // _B)

    out = pl.pallas_call(
        _tc_body,
        grid=(n_blocks,),
        in_specs=[
            pl.BlockSpec((_B, e1), lambda i: (i, 0)),
            pl.BlockSpec((_B, in_dim), lambda i: (i, 0)),
            pl.BlockSpec((_B, _CW), lambda i: (i, 0)),
            pl.BlockSpec((in_dim, e2), lambda i: (0, 0)),
            pl.BlockSpec((1, e2), lambda i: (0, 0)),
            pl.BlockSpec((e2, e2), lambda i: (0, 0)),
            pl.BlockSpec((1, e2), lambda i: (0, 0)),
            pl.BlockSpec((ncls, e3), lambda i: (0, 0)),
            pl.BlockSpec((e1, out_dim), lambda i: (0, 0)),
            pl.BlockSpec((e2, out_dim), lambda i: (0, 0)),
            pl.BlockSpec((e3, out_dim), lambda i: (0, 0)),
        ],
        out_specs=pl.BlockSpec((_B, out_dim), lambda i: (i, 0)),
        out_shape=jax.ShapeDtypeStruct((n, out_dim), jnp.float32),
    )(ea, pos_feat, cn, W1, b1[None, :], W2, b2[None, :], ec_pad, wa, wh, wc)
    return out

# --- scband reference (transcript-rebuilt; emitter-appended) ---
"""Pipeline reference for scband-generic-joint-embedding-24292335026425 (READ-ONLY COPY).

The authoritative reference and input builder live on the scoring server;
editing this copy changes nothing except your own understanding.
"""

import jax, jax.numpy as jnp
import numpy as np

N = 100000   # nodes
G = 1000     # graphs
V = 100000   # atom_type vocab
E1 = 64      # atom_type emb dim
IN = 16      # continuous in_dim
E2 = 64      # continuous emb dim
VC = 21      # charge num_classes
E3 = 32      # charge emb dim
OUT = 128    # out_dim


def setup_inputs(seed: int = 0) -> dict:
    key = jax.random.key(seed)
    ks = jax.random.split(key, 10)
    batch = jnp.sort(jax.random.randint(ks[0], (N,), 0, G)).astype(jnp.int64)
    atom_type = jax.random.randint(ks[1], (N,), 0, V).astype(jnp.int64)
    pos_feat = jax.random.normal(ks[2], (N, IN), dtype=jnp.float32)
    charge = jax.random.randint(ks[3], (G,), 0, VC).astype(jnp.int64)
    emb_atom = jax.random.normal(ks[4], (V, E1), dtype=jnp.float32) * 0.02
    W1 = jax.random.normal(ks[5], (IN, E2), dtype=jnp.float32) * (1.0 / np.sqrt(IN))
    b1 = jnp.zeros((E2,), dtype=jnp.float32)
    W2 = jax.random.normal(ks[6], (E2, E2), dtype=jnp.float32) * (1.0 / np.sqrt(E2))
    b2 = jnp.zeros((E2,), dtype=jnp.float32)
    emb_charge = jax.random.normal(ks[7], (VC, E3), dtype=jnp.float32) * 0.02
    W_proj = jax.random.normal(ks[8], (E1 + E2 + E3, OUT), dtype=jnp.float32) * (1.0 / np.sqrt(E1 + E2 + E3))
    return {"batch": batch, "atom_type": atom_type, "pos_feat": pos_feat, "charge": charge,
            "emb_atom": emb_atom, "W1": W1, "b1": b1, "W2": W2, "b2": b2,
            "emb_charge": emb_charge, "W_proj": W_proj}


def reference(batch, atom_type, pos_feat, charge, emb_atom, W1, b1, W2, b2, emb_charge, W_proj):
    # spec 'atom_type': categorical, per-node -> embedding gather
    e_atom = jnp.take(emb_atom, atom_type, axis=0)                      # [N, E1]
    # spec 'pos_feat': continuous, per-node -> Linear, SiLU, Linear
    h = jax.nn.silu(pos_feat @ W1 + b1) @ W2 + b2                       # [N, E2]
    # spec 'charge': categorical, per-graph -> upsample via batch, then embedding
    charge_per_node = jnp.take(charge, batch, axis=0)                   # [N]
    e_charge = jnp.take(emb_charge, charge_per_node, axis=0)            # [N, E3]
    x = jnp.concatenate([e_atom, h, e_charge], axis=-1)                 # [N, E1+E2+E3]
    # project: Linear(total_dim, out_dim, bias=False) then SiLU
    return jax.nn.silu(x @ W_proj)                                      # [N, OUT]

if __name__ == "__main__":
    import jax
    _d = setup_inputs()
    print(jax.jit(kernel)(*tuple(_d.values())))

</pallas_src>

<mosaic_0001>
#map = affine_map<(d0, d1) -> (0, 0, 0)>
#map1 = affine_map<(d0, d1) -> (0, 0)>
module attributes {stable_mosaic.version = 14 : i64} {
  func.func @sc_k(%arg0: i32, %arg1: i32, %arg2: memref<32x25x128xi32, #tpu.memory_space<hbm>>, %arg3: memref<32x25x128xi32, #tpu.memory_space<hbm>>, %arg4: memref<100000x64xf32, #tpu.memory_space<hbm>>, %arg5: memref<1000x16xi32, #tpu.memory_space<hbm>>, %arg6: memref<102400x64xf32, #tpu.memory_space<hbm>>, %arg7: memref<102400x16xi32, #tpu.memory_space<hbm>>, %arg8: memref<25x128xi32, #tpu.memory_space<vmem>>, %arg9: memref<25x128xi32, #tpu.memory_space<vmem>>, %arg10: memref<4x128x64xf32, #tpu.memory_space<vmem>>, %arg11: memref<4x128x16xi32, #tpu.memory_space<vmem>>, %arg12: memref<!tpu.dma_semaphore, #tpu.memory_space<semaphore_mem>>, %arg13: memref<!tpu.dma_semaphore, #tpu.memory_space<semaphore_mem>>, %arg14: memref<!tpu.dma_semaphore, #tpu.memory_space<semaphore_mem>>, %arg15: memref<!tpu.dma_semaphore, #tpu.memory_space<semaphore_mem>>, %arg16: memref<!tpu.dma_semaphore, #tpu.memory_space<semaphore_mem>>, %arg17: memref<!tpu.dma_semaphore, #tpu.memory_space<semaphore_mem>>, %arg18: memref<!tpu.dma_semaphore, #tpu.memory_space<semaphore_mem>>, %arg19: memref<!tpu.dma_semaphore, #tpu.memory_space<semaphore_mem>>) attributes {dimension_semantics = [#tpu.dimension_semantics<core_parallel>, #tpu.dimension_semantics<subcore_parallel>], iteration_bounds = array<i64: 2, 16>, scalar_prefetch = 0 : i64, scratch_operands = 12 : i64, tpu.core_type = #tpu.core_type<sc_vector_subcore>, window_params = [{transform_indices = #map}, {transform_indices = #map}, {transform_indices = #map1}, {transform_indices = #map1}, {transform_indices = #map1}, {transform_indices = #map1}]} {
    %mul3A = arith.constant 2 : i32
    %mul3A_0 = arith.muli %arg1, %mul3A : i32
    %add3A = arith.addi %mul3A_0, %arg0 : i32
    "tpu.region"() ({
      %run_scoped3A = tpu.sem_alloc : memref<!tpu.dma_semaphore, #tpu.memory_space<semaphore_mem>>
      %dma_start3A_2603 = arith.constant 0 : i32
      %dma_start3A_2604 = arith.constant 0 : i32
      %dma_start3A_2605 = tpu.memref_slice %arg2[%add3A, %dma_start3A_2603, %dma_start3A_2604] : memref<32x25x128xi32, #tpu.memory_space<hbm>> -> memref<1x25x128xi32, #tpu.memory_space<hbm>>
      %dma_start3A_2606 = tpu.memref_squeeze %dma_start3A_2605 : memref<1x25x128xi32, #tpu.memory_space<hbm>> -> memref<25x128xi32, #tpu.memory_space<hbm>>
      %dma_start3A_2607 = arith.constant 0 : i32
      %dma_start3A_2608 = arith.constant 0 : i32
      %dma_start3A_2609 = tpu.memref_slice %arg2[%add3A, %dma_start3A_2607, %dma_start3A_2608] : memref<32x25x128xi32, #tpu.memory_space<hbm>> -> memref<1x25x128xi32, #tpu.memory_space<hbm>>
      %dma_start3A_2610 = tpu.memref_squeeze %dma_start3A_2609 : memref<1x25x128xi32, #tpu.memory_space<hbm>> -> memref<25x128xi32, #tpu.memory_space<hbm>>
      tpu.enqueue_dma source(%dma_start3A_2610 : memref<25x128xi32, #tpu.memory_space<hbm>>) target(%arg8 : memref<25x128xi32, #tpu.memory_space<vmem>>) target_semaphore(%run_scoped3A : memref<!tpu.dma_semaphore, #tpu.memory_space<semaphore_mem>>)
      %dma_wait3A_2611 = arith.constant 0 : i32
      %dma_wait3A_2612 = arith.constant 0 : i32
      %dma_wait3A_2613 = tpu.memref_slice %arg2[%add3A, %dma_wait3A_2611, %dma_wait3A_2612] : memref<32x25x128xi32, #tpu.memory_space<hbm>> -> memref<1x25x128xi32, #tpu.memory_space<hbm>>
      %dma_wait3A_2614 = tpu.memref_squeeze %dma_wait3A_2613 : memref<1x25x128xi32, #tpu.memory_space<hbm>> -> memref<25x128xi32, #tpu.memory_space<hbm>>
      %dma_wait3A_2615 = arith.constant 0 : i32
      %dma_wait3A_2616 = arith.constant 0 : i32
      %dma_wait3A_2617 = tpu.memref_slice %arg2[%add3A, %dma_wait3A_2615, %dma_wait3A_2616] : memref<32x25x128xi32, #tpu.memory_space<hbm>> -> memref<1x25x128xi32, #tpu.memory_space<hbm>>
      %dma_wait3A_2618 = tpu.memref_squeeze %dma_wait3A_2617 : memref<1x25x128xi32, #tpu.memory_space<hbm>> -> memref<25x128xi32, #tpu.memory_space<hbm>>
      tpu.wait_dma2 semaphore(%run_scoped3A : memref<!tpu.dma_semaphore, #tpu.memory_space<semaphore_mem>>) src(%dma_wait3A_2618 : memref<25x128xi32, #tpu.memory_space<hbm>>) dst(%arg8 : memref<25x128xi32, #tpu.memory_space<vmem>>)
      tpu.yield
    }) : () -> ()
    "tpu.region"() ({
      %run_scoped3A = tpu.sem_alloc : memref<!tpu.dma_semaphore, #tpu.memory_space<semaphore_mem>>
      %dma_start3A_2603 = arith.constant 0 : i32
      %dma_start3A_2604 = arith.constant 0 : i32
      %dma_start3A_2605 = tpu.memref_slice %arg3[%add3A, %dma_start3A_2603, %dma_start3A_2604] : memref<32x25x128xi32, #tpu.memory_space<hbm>> -> memref<1x25x128xi32, #tpu.memory_space<hbm>>
      %dma_start3A_2606 = tpu.memref_squeeze %dma_start3A_2605 : memref<1x25x128xi32, #tpu.memory_space<hbm>> -> memref<25x128xi32, #tpu.memory_space<hbm>>
      %dma_start3A_2607 = arith.constant 0 : i32
      %dma_start3A_2608 = arith.constant 0 : i32
      %dma_start3A_2609 = tpu.memref_slice %arg3[%add3A, %dma_start3A_2607, %dma_start3A_2608] : memref<32x25x128xi32, #tpu.memory_space<hbm>> -> memref<1x25x128xi32, #tpu.memory_space<hbm>>
      %dma_start3A_2610 = tpu.memref_squeeze %dma_start3A_2609 : memref<1x25x128xi32, #tpu.memory_space<hbm>> -> memref<25x128xi32, #tpu.memory_space<hbm>>
      tpu.enqueue_dma source(%dma_start3A_2610 : memref<25x128xi32, #tpu.memory_space<hbm>>) target(%arg9 : memref<25x128xi32, #tpu.memory_space<vmem>>) target_semaphore(%run_scoped3A : memref<!tpu.dma_semaphore, #tpu.memory_space<semaphore_mem>>)
      %dma_wait3A_2611 = arith.constant 0 : i32
      %dma_wait3A_2612 = arith.constant 0 : i32
      %dma_wait3A_2613 = tpu.memref_slice %arg3[%add3A, %dma_wait3A_2611, %dma_wait3A_2612] : memref<32x25x128xi32, #tpu.memory_space<hbm>> -> memref<1x25x128xi32, #tpu.memory_space<hbm>>
      %dma_wait3A_2614 = tpu.memref_squeeze %dma_wait3A_2613 : memref<1x25x128xi32, #tpu.memory_space<hbm>> -> memref<25x128xi32, #tpu.memory_space<hbm>>
      %dma_wait3A_2615 = arith.constant 0 : i32
      %dma_wait3A_2616 = arith.constant 0 : i32
      %dma_wait3A_2617 = tpu.memref_slice %arg3[%add3A, %dma_wait3A_2615, %dma_wait3A_2616] : memref<32x25x128xi32, #tpu.memory_space<hbm>> -> memref<1x25x128xi32, #tpu.memory_space<hbm>>
      %dma_wait3A_2618 = tpu.memref_squeeze %dma_wait3A_2617 : memref<1x25x128xi32, #tpu.memory_space<hbm>> -> memref<25x128xi32, #tpu.memory_space<hbm>>
      tpu.wait_dma2 semaphore(%run_scoped3A : memref<!tpu.dma_semaphore, #tpu.memory_space<semaphore_mem>>) src(%dma_wait3A_2618 : memref<25x128xi32, #tpu.memory_space<hbm>>) dst(%arg9 : memref<25x128xi32, #tpu.memory_space<vmem>>)
      tpu.yield
    }) : () -> ()
    %mul3A_1 = arith.constant 25 : i32
    %mul3A_2 = arith.muli %add3A, %mul3A_1 : i32
    %mul3A_3 = arith.constant 128 : i32
    %mul3A_4 = arith.muli %mul3A_2, %mul3A_3 : i32
    %dma_start3A = arith.constant 0 : i32
    %dma_start3A_5 = arith.constant 0 : i32
    %dma_start3A_6 = arith.constant 0 : i32
    %dma_start3A_7 = arith.constant 0 : i32
    %dma_start3A_8 = tpu.memref_slice %arg10[%dma_start3A_5, %dma_start3A_6, %dma_start3A_7] : memref<4x128x64xf32, #tpu.memory_space<vmem>> -> memref<1x128x64xf32, #tpu.memory_space<vmem>>
    %dma_start3A_9 = tpu.memref_squeeze %dma_start3A_8 : memref<1x128x64xf32, #tpu.memory_space<vmem>> -> memref<128x64xf32, #tpu.memory_space<vmem>>
    %dma_start3A_10 = arith.constant 0 : i32
    %dma_start3A_11 = tpu.memref_slice %arg8[%dma_start3A, %dma_start3A_10] : memref<25x128xi32, #tpu.memory_space<vmem>> -> memref<1x128xi32, #tpu.memory_space<vmem>>
    %dma_start3A_12 = tpu.memref_squeeze %dma_start3A_11 : memref<1x128xi32, #tpu.memory_space<vmem>> -> memref<128xi32, #tpu.memory_space<vmem>>
    %dma_start3A_13 = arith.constant 0 : i32
    %dma_start3A_14 = arith.constant 0 : i32
    %dma_start3A_15 = tpu.memref_slice %arg4[%dma_start3A_13, %dma_start3A_14] : memref<100000x64xf32, #tpu.memory_space<hbm>> -> memref<100000x64xf32, #tpu.memory_space<hbm>>
    tpu.enqueue_indirect_dma source(%dma_start3A_15 : memref<100000x64xf32, #tpu.memory_space<hbm>>) target(%dma_start3A_9 : memref<128x64xf32, #tpu.memory_space<vmem>>) offsets(%dma_start3A_12 : memref<128xi32, #tpu.memory_space<vmem>>) semaphore(%arg12 : memref<!tpu.dma_semaphore, #tpu.memory_space<semaphore_mem>>)
    %dma_start3A_16 = arith.constant 0 : i32
    %dma_start3A_17 = arith.constant 0 : i32
    %dma_start3A_18 = arith.constant 0 : i32
    %dma_start3A_19 = arith.constant 0 : i32
    %dma_start3A_20 = tpu.memref_slice %arg11[%dma_start3A_17, %dma_start3A_18, %dma_start3A_19] : memref<4x128x16xi32, #tpu.memory_space<vmem>> -> memref<1x128x16xi32, #tpu.memory_space<vmem>>
    %dma_start3A_21 = tpu.memref_squeeze %dma_start3A_20 : memref<1x128x16xi32, #tpu.memory_space<vmem>> -> memref<128x16xi32, #tpu.memory_space<vmem>>
    %dma_start3A_22 = arith.constant 0 : i32
    %dma_start3A_23 = tpu.memref_slice %arg9[%dma_start3A_16, %dma_start3A_22] : memref<25x128xi32, #tpu.memory_space<vmem>> -> memref<1x128xi32, #tpu.memory_space<vmem>>
    %dma_start3A_24 = tpu.memref_squeeze %dma_start3A_23 : memref<1x128xi32, #tpu.memory_space<vmem>> -> memref<128xi32, #tpu.memory_space<vmem>>
    %dma_start3A_25 = arith.constant 0 : i32
    %dma_start3A_26 = arith.constant 0 : i32
    %dma_start3A_27 = tpu.memref_slice %arg5[%dma_start3A_25, %dma_start3A_26] : memref<1000x16xi32, #tpu.memory_space<hbm>> -> memref<1000x16xi32, #tpu.memory_space<hbm>>
    tpu.enqueue_indirect_dma source(%dma_start3A_27 : memref<1000x16xi32, #tpu.memory_space<hbm>>) target(%dma_start3A_21 : memref<128x16xi32, #tpu.memory_space<vmem>>) offsets(%dma_start3A_24 : memref<128xi32, #tpu.memory_space<vmem>>) semaphore(%arg12 : memref<!tpu.dma_semaphore, #tpu.memory_space<semaphore_mem>>)
    %dma_start3A_28 = arith.constant 1 : i32
    %dma_start3A_29 = arith.constant 1 : i32
    %dma_start3A_30 = arith.constant 0 : i32
    %dma_start3A_31 = arith.constant 0 : i32
    %dma_start3A_32 = tpu.memref_slice %arg10[%dma_start3A_29, %dma_start3A_30, %dma_start3A_31] : memref<4x128x64xf32, #tpu.memory_space<vmem>> -> memref<1x128x64xf32, #tpu.memory_space<vmem>>
    %dma_start3A_33 = tpu.memref_squeeze %dma_start3A_32 : memref<1x128x64xf32, #tpu.memory_space<vmem>> -> memref<128x64xf32, #tpu.memory_space<vmem>>
    %dma_start3A_34 = arith.constant 0 : i32
    %dma_start3A_35 = tpu.memref_slice %arg8[%dma_start3A_28, %dma_start3A_34] : memref<25x128xi32, #tpu.memory_space<vmem>> -> memref<1x128xi32, #tpu.memory_space<vmem>>
    %dma_start3A_36 = tpu.memref_squeeze %dma_start3A_35 : memref<1x128xi32, #tpu.memory_space<vmem>> -> memref<128xi32, #tpu.memory_space<vmem>>
    %dma_start3A_37 = arith.constant 0 : i32
    %dma_start3A_38 = arith.constant 0 : i32
    %dma_start3A_39 = tpu.memref_slice %arg4[%dma_start3A_37, %dma_start3A_38] : memref<100000x64xf32, #tpu.memory_space<hbm>> -> memref<100000x64xf32, #tpu.memory_space<hbm>>
    tpu.enqueue_indirect_dma source(%dma_start3A_39 : memref<100000x64xf32, #tpu.memory_space<hbm>>) target(%dma_start3A_33 : memref<128x64xf32, #tpu.memory_space<vmem>>) offsets(%dma_start3A_36 : memref<128xi32, #tpu.memory_space<vmem>>) semaphore(%arg13 : memref<!tpu.dma_semaphore, #tpu.memory_space<semaphore_mem>>)
    %dma_start3A_40 = arith.constant 1 : i32
    %dma_start3A_41 = arith.constant 1 : i32
    %dma_start3A_42 = arith.constant 0 : i32
    %dma_start3A_43 = arith.constant 0 : i32
    %dma_start3A_44 = tpu.memref_slice %arg11[%dma_start3A_41, %dma_start3A_42, %dma_start3A_43] : memref<4x128x16xi32, #tpu.memory_space<vmem>> -> memref<1x128x16xi32, #tpu.memory_space<vmem>>
    %dma_start3A_45 = tpu.memref_squeeze %dma_start3A_44 : memref<1x128x16xi32, #tpu.memory_space<vmem>> -> memref<128x16xi32, #tpu.memory_space<vmem>>
    %dma_start3A_46 = arith.constant 0 : i32
    %dma_start3A_47 = tpu.memref_slice %arg9[%dma_start3A_40, %dma_start3A_46] : memref<25x128xi32, #tpu.memory_space<vmem>> -> memref<1x128xi32, #tpu.memory_space<vmem>>
    %dma_start3A_48 = tpu.memref_squeeze %dma_start3A_47 : memref<1x128xi32, #tpu.memory_space<vmem>> -> memref<128xi32, #tpu.memory_space<vmem>>
    %dma_start3A_49 = arith.constant 0 : i32
    %dma_start3A_50 = arith.constant 0 : i32
    %dma_start3A_51 = tpu.memref_slice %arg5[%dma_start3A_49, %dma_start3A_50] : memref<1000x16xi32, #tpu.memory_space<hbm>> -> memref<1000x16xi32, #tpu.memory_space<hbm>>
    tpu.enqueue_indirect_dma source(%dma_start3A_51 : memref<1000x16xi32, #tpu.memory_space<hbm>>) target(%dma_start3A_45 : memref<128x16xi32, #tpu.memory_space<vmem>>) offsets(%dma_start3A_48 : memref<128xi32, #tpu.memory_space<vmem>>) semaphore(%arg13 : memref<!tpu.dma_semaphore, #tpu.memory_space<semaphore_mem>>)
    %dma_start3A_52 = arith.constant 2 : i32
    %dma_start3A_53 = arith.constant 2 : i32
    %dma_start3A_54 = arith.constant 0 : i32
    %dma_start3A_55 = arith.constant 0 : i32
    %dma_start3A_56 = tpu.memref_slice %arg10[%dma_start3A_53, %dma_start3A_54, %dma_start3A_55] : memref<4x128x64xf32, #tpu.memory_space<vmem>> -> memref<1x128x64xf32, #tpu.memory_space<vmem>>
    %dma_start3A_57 = tpu.memref_squeeze %dma_start3A_56 : memref<1x128x64xf32, #tpu.memory_space<vmem>> -> memref<128x64xf32, #tpu.memory_space<vmem>>
    %dma_start3A_58 = arith.constant 0 : i32
    %dma_start3A_59 = tpu.memref_slice %arg8[%dma_start3A_52, %dma_start3A_58] : memref<25x128xi32, #tpu.memory_space<vmem>> -> memref<1x128xi32, #tpu.memory_space<vmem>>
    %dma_start3A_60 = tpu.memref_squeeze %dma_start3A_59 : memref<1x128xi32, #tpu.memory_space<vmem>> -> memref<128xi32, #tpu.memory_space<vmem>>
    %dma_start3A_61 = arith.constant 0 : i32
    %dma_start3A_62 = arith.constant 0 : i32
    %dma_start3A_63 = tpu.memref_slice %arg4[%dma_start3A_61, %dma_start3A_62] : memref<100000x64xf32, #tpu.memory_space<hbm>> -> memref<100000x64xf32, #tpu.memory_space<hbm>>
    tpu.enqueue_indirect_dma source(%dma_start3A_63 : memref<100000x64xf32, #tpu.memory_space<hbm>>) target(%dma_start3A_57 : memref<128x64xf32, #tpu.memory_space<vmem>>) offsets(%dma_start3A_60 : memref<128xi32, #tpu.memory_space<vmem>>) semaphore(%arg14 : memref<!tpu.dma_semaphore, #tpu.memory_space<semaphore_mem>>)
    %dma_start3A_64 = arith.constant 2 : i32
    %dma_start3A_65 = arith.constant 2 : i32
    %dma_start3A_66 = arith.constant 0 : i32
    %dma_start3A_67 = arith.constant 0 : i32
    %dma_start3A_68 = tpu.memref_slice %arg11[%dma_start3A_65, %dma_start3A_66, %dma_start3A_67] : memref<4x128x16xi32, #tpu.memory_space<vmem>> -> memref<1x128x16xi32, #tpu.memory_space<vmem>>
    %dma_start3A_69 = tpu.memref_squeeze %dma_start3A_68 : memref<1x128x16xi32, #tpu.memory_space<vmem>> -> memref<128x16xi32, #tpu.memory_space<vmem>>
    %dma_start3A_70 = arith.constant 0 : i32
    %dma_start3A_71 = tpu.memref_slice %arg9[%dma_start3A_64, %dma_start3A_70] : memref<25x128xi32, #tpu.memory_space<vmem>> -> memref<1x128xi32, #tpu.memory_space<vmem>>
    %dma_start3A_72 = tpu.memref_squeeze %dma_start3A_71 : memref<1x128xi32, #tpu.memory_space<vmem>> -> memref<128xi32, #tpu.memory_space<vmem>>
    %dma_start3A_73 = arith.constant 0 : i32
    %dma_start3A_74 = arith.constant 0 : i32
    %dma_start3A_75 = tpu.memref_slice %arg5[%dma_start3A_73, %dma_start3A_74] : memref<1000x16xi32, #tpu.memory_space<hbm>> -> memref<1000x16xi32, #tpu.memory_space<hbm>>
    tpu.enqueue_indirect_dma source(%dma_start3A_75 : memref<1000x16xi32, #tpu.memory_space<hbm>>) target(%dma_start3A_69 : memref<128x16xi32, #tpu.memory_space<vmem>>) offsets(%dma_start3A_72 : memref<128xi32, #tpu.memory_space<vmem>>) semaphore(%arg14 : memref<!tpu.dma_semaphore, #tpu.memory_space<semaphore_mem>>)
    %dma_start3A_76 = arith.constant 3 : i32
    %dma_start3A_77 = arith.constant 3 : i32
    %dma_start3A_78 = arith.constant 0 : i32
    %dma_start3A_79 = arith.constant 0 : i32
    %dma_start3A_80 = tpu.memref_slice %arg10[%dma_start3A_77, %dma_start3A_78, %dma_start3A_79] : memref<4x128x64xf32, #tpu.memory_space<vmem>> -> memref<1x128x64xf32, #tpu.memory_space<vmem>>
    %dma_start3A_81 = tpu.memref_squeeze %dma_start3A_80 : memref<1x128x64xf32, #tpu.memory_space<vmem>> -> memref<128x64xf32, #tpu.memory_space<vmem>>
    %dma_start3A_82 = arith.constant 0 : i32
    %dma_start3A_83 = tpu.memref_slice %arg8[%dma_start3A_76, %dma_start3A_82] : memref<25x128xi32, #tpu.memory_space<vmem>> -> memref<1x128xi32, #tpu.memory_space<vmem>>
    %dma_start3A_84 = tpu.memref_squeeze %dma_start3A_83 : memref<1x128xi32, #tpu.memory_space<vmem>> -> memref<128xi32, #tpu.memory_space<vmem>>
    %dma_start3A_85 = arith.constant 0 : i32
    %dma_start3A_86 = arith.constant 0 : i32
    %dma_start3A_87 = tpu.memref_slice %arg4[%dma_start3A_85, %dma_start3A_86] : memref<100000x64xf32, #tpu.memory_space<hbm>> -> memref<100000x64xf32, #tpu.memory_space<hbm>>
    tpu.enqueue_indirect_dma source(%dma_start3A_87 : memref<100000x64xf32, #tpu.memory_space<hbm>>) target(%dma_start3A_81 : memref<128x64xf32, #tpu.memory_space<vmem>>) offsets(%dma_start3A_84 : memref<128xi32, #tpu.memory_space<vmem>>) semaphore(%arg15 : memref<!tpu.dma_semaphore, #tpu.memory_space<semaphore_mem>>)
    %dma_start3A_88 = arith.constant 3 : i32
    %dma_start3A_89 = arith.constant 3 : i32
    %dma_start3A_90 = arith.constant 0 : i32
    %dma_start3A_91 = arith.constant 0 : i32
    %dma_start3A_92 = tpu.memref_slice %arg11[%dma_start3A_89, %dma_start3A_90, %dma_start3A_91] : memref<4x128x16xi32, #tpu.memory_space<vmem>> -> memref<1x128x16xi32, #tpu.memory_space<vmem>>
    %dma_start3A_93 = tpu.memref_squeeze %dma_start3A_92 : memref<1x128x16xi32, #tpu.memory_space<vmem>> -> memref<128x16xi32, #tpu.memory_space<vmem>>
    %dma_start3A_94 = arith.constant 0 : i32
    %dma_start3A_95 = tpu.memref_slice %arg9[%dma_start3A_88, %dma_start3A_94] : memref<25x128xi32, #tpu.memory_space<vmem>> -> memref<1x128xi32, #tpu.memory_space<vmem>>
    %dma_start3A_96 = tpu.memref_squeeze %dma_start3A_95 : memref<1x128xi32, #tpu.memory_space<vmem>> -> memref<128xi32, #tpu.memory_space<vmem>>
    %dma_start3A_97 = arith.constant 0 : i32
    %dma_start3A_98 = arith.constant 0 : i32
    %dma_start3A_99 = tpu.memref_slice %arg5[%dma_start3A_97, %dma_start3A_98] : memref<1000x16xi32, #tpu.memory_space<hbm>> -> memref<1000x16xi32, #tpu.memory_space<hbm>>
    tpu.enqueue_indirect_dma source(%dma_start3A_99 : memref<1000x16xi32, #tpu.memory_space<hbm>>) target(%dma_start3A_93 : memref<128x16xi32, #tpu.memory_space<vmem>>) offsets(%dma_start3A_96 : memref<128xi32, #tpu.memory_space<vmem>>) semaphore(%arg15 : memref<!tpu.dma_semaphore, #tpu.memory_space<semaphore_mem>>)
    %dma_wait3A = arith.constant 0 : i32
    %dma_wait3A_100 = arith.constant 0 : i32
    %dma_wait3A_101 = arith.constant 0 : i32
    %dma_wait3A_102 = arith.constant 0 : i32
    %dma_wait3A_103 = tpu.memref_slice %arg10[%dma_wait3A_100, %dma_wait3A_101, %dma_wait3A_102] : memref<4x128x64xf32, #tpu.memory_space<vmem>> -> memref<1x128x64xf32, #tpu.memory_space<vmem>>
    %dma_wait3A_104 = tpu.memref_squeeze %dma_wait3A_103 : memref<1x128x64xf32, #tpu.memory_space<vmem>> -> memref<128x64xf32, #tpu.memory_space<vmem>>
    %dma_wait3A_105 = arith.constant 0 : i32
    %dma_wait3A_106 = tpu.memref_slice %arg8[%dma_wait3A, %dma_wait3A_105] : memref<25x128xi32, #tpu.memory_space<vmem>> -> memref<1x128xi32, #tpu.memory_space<vmem>>
    %dma_wait3A_107 = tpu.memref_squeeze %dma_wait3A_106 : memref<1x128xi32, #tpu.memory_space<vmem>> -> memref<128xi32, #tpu.memory_space<vmem>>
    %dma_wait3A_108 = arith.constant 0 : i32
    %dma_wait3A_109 = arith.constant 0 : i32
    %dma_wait3A_110 = tpu.memref_slice %arg4[%dma_wait3A_108, %dma_wait3A_109] : memref<100000x64xf32, #tpu.memory_space<hbm>> -> memref<100000x64xf32, #tpu.memory_space<hbm>>
    tpu.wait_indirect_dma semaphore(%arg12 : memref<!tpu.dma_semaphore, #tpu.memory_space<semaphore_mem>>) src(%dma_wait3A_110 : memref<100000x64xf32, #tpu.memory_space<hbm>>) dst(%dma_wait3A_104 : memref<128x64xf32, #tpu.memory_space<vmem>>)
    %dma_wait3A_111 = arith.constant 0 : i32
    %dma_wait3A_112 = arith.constant 0 : i32
    %dma_wait3A_113 = arith.constant 0 : i32
    %dma_wait3A_114 = arith.constant 0 : i32
    %dma_wait3A_115 = tpu.memref_slice %arg11[%dma_wait3A_112, %dma_wait3A_113, %dma_wait3A_114] : memref<4x128x16xi32, #tpu.memory_space<vmem>> -> memref<1x128x16xi32, #tpu.memory_space<vmem>>
    %dma_wait3A_116 = tpu.memref_squeeze %dma_wait3A_115 : memref<1x128x16xi32, #tpu.memory_space<vmem>> -> memref<128x16xi32, #tpu.memory_space<vmem>>
    %dma_wait3A_117 = arith.constant 0 : i32
    %dma_wait3A_118 = tpu.memref_slice %arg9[%dma_wait3A_111, %dma_wait3A_117] : memref<25x128xi32, #tpu.memory_space<vmem>> -> memref<1x128xi32, #tpu.memory_space<vmem>>
    %dma_wait3A_119 = tpu.memref_squeeze %dma_wait3A_118 : memref<1x128xi32, #tpu.memory_space<vmem>> -> memref<128xi32, #tpu.memory_space<vmem>>
    %dma_wait3A_120 = arith.constant 0 : i32
    %dma_wait3A_121 = arith.constant 0 : i32
    %dma_wait3A_122 = tpu.memref_slice %arg5[%dma_wait3A_120, %dma_wait3A_121] : memref<1000x16xi32, #tpu.memory_space<hbm>> -> memref<1000x16xi32, #tpu.memory_space<hbm>>
    tpu.wait_indirect_dma semaphore(%arg12 : memref<!tpu.dma_semaphore, #tpu.memory_space<semaphore_mem>>) src(%dma_wait3A_122 : memref<1000x16xi32, #tpu.memory_space<hbm>>) dst(%dma_wait3A_116 : memref<128x16xi32, #tpu.memory_space<vmem>>)
    %add3A_123 = arith.constant 0 : i32
    %add3A_124 = arith.addi %mul3A_4, %add3A_123 : i32
    %dma_start3A_125 = arith.constant 0 : i32
    %dma_start3A_126 = arith.constant 0 : i32
    %dma_start3A_127 = arith.constant 0 : i32
    %dma_start3A_128 = tpu.memref_slice %arg10[%dma_start3A_125, %dma_start3A_126, %dma_start3A_127] : memref<4x128x64xf32, #tpu.memory_space<vmem>> -> memref<1x128x64xf32, #tpu.memory_space<vmem>>
    %dma_start3A_129 = tpu.memref_squeeze %dma_start3A_128 : memref<1x128x64xf32, #tpu.memory_space<vmem>> -> memref<128x64xf32, #tpu.memory_space<vmem>>
    %dma_start3A_130 = arith.constant 0 : i32
    %dma_start3A_131 = tpu.memref_slice %arg6[%add3A_124, %dma_start3A_130] : memref<102400x64xf32, #tpu.memory_space<hbm>> -> memref<128x64xf32, #tpu.memory_space<hbm>>
    %dma_start3A_132 = arith.constant 0 : i32
    %dma_start3A_133 = tpu.memref_slice %arg6[%add3A_124, %dma_start3A_132] : memref<102400x64xf32, #tpu.memory_space<hbm>> -> memref<128x64xf32, #tpu.memory_space<hbm>>
    %dma_start3A_134 = arith.constant 0 : i32
    %dma_start3A_135 = arith.constant 0 : i32
    %dma_start3A_136 = tpu.memref_slice %arg10[%dma_start3A_125, %dma_start3A_134, %dma_start3A_135] : memref<4x128x64xf32, #tpu.memory_space<vmem>> -> memref<1x128x64xf32, #tpu.memory_space<vmem>>
    %dma_start3A_137 = tpu.memref_squeeze %dma_start3A_136 : memref<1x128x64xf32, #tpu.memory_space<vmem>> -> memref<128x64xf32, #tpu.memory_space<vmem>>
    tpu.enqueue_dma source(%dma_start3A_137 : memref<128x64xf32, #tpu.memory_space<vmem>>) target(%dma_start3A_133 : memref<128x64xf32, #tpu.memory_space<hbm>>) target_semaphore(%arg16 : memref<!tpu.dma_semaphore, #tpu.memory_space<semaphore_mem>>)
    %add3A_138 = arith.constant 0 : i32
    %add3A_139 = arith.addi %mul3A_4, %add3A_138 : i32
    %dma_start3A_140 = arith.constant 0 : i32
    %dma_start3A_141 = arith.constant 0 : i32
    %dma_start3A_142 = arith.constant 0 : i32
    %dma_start3A_143 = tpu.memref_slice %arg11[%dma_start3A_140, %dma_start3A_141, %dma_start3A_142] : memref<4x128x16xi32, #tpu.memory_space<vmem>> -> memref<1x128x16xi32, #tpu.memory_space<vmem>>
    %dma_start3A_144 = tpu.memref_squeeze %dma_start3A_143 : memref<1x128x16xi32, #tpu.memory_space<vmem>> -> memref<128x16xi32, #tpu.memory_space<vmem>>
    %dma_start3A_145 = arith.constant 0 : i32
    %dma_start3A_146 = tpu.memref_slice %arg7[%add3A_139, %dma_start3A_145] : memref<102400x16xi32, #tpu.memory_space<hbm>> -> memref<128x16xi32, #tpu.memory_space<hbm>>
    %dma_start3A_147 = arith.constant 0 : i32
    %dma_start3A_148 = tpu.memref_slice %arg7[%add3A_139, %dma_start3A_147] : memref<102400x16xi32, #tpu.memory_space<hbm>> -> memref<128x16xi32, #tpu.memory_space<hbm>>
    %dma_start3A_149 = arith.constant 0 : i32
    %dma_start3A_150 = arith.constant 0 : i32
    %dma_start3A_151 = tpu.memref_slice %arg11[%dma_start3A_140, %dma_start3A_149, %dma_start3A_150] : memref<4x128x16xi32, #tpu.memory_space<vmem>> -> memref<1x128x16xi32, #tpu.memory_space<vmem>>
    %dma_start3A_152 = tpu.memref_squeeze %dma_start3A_151 : memref<1x128x16xi32, #tpu.memory_space<vmem>> -> memref<128x16xi32, #tpu.memory_space<vmem>>
    tpu.enqueue_dma source(%dma_start3A_152 : memref<128x16xi32, #tpu.memory_space<vmem>>) target(%dma_start3A_148 : memref<128x16xi32, #tpu.memory_space<hbm>>) target_semaphore(%arg16 : memref<!tpu.dma_semaphore, #tpu.memory_space<semaphore_mem>>)
    %dma_wait3A_153 = arith.constant 0 : i32
    %dma_wait3A_154 = arith.constant 0 : i32
    %dma_wait3A_155 = arith.constant 0 : i32
    %dma_wait3A_156 = tpu.memref_slice %arg10[%dma_wait3A_153, %dma_wait3A_154, %dma_wait3A_155] : memref<4x128x64xf32, #tpu.memory_space<vmem>> -> memref<1x128x64xf32, #tpu.memory_space<vmem>>
    %dma_wait3A_157 = tpu.memref_squeeze %dma_wait3A_156 : memref<1x128x64xf32, #tpu.memory_space<vmem>> -> memref<128x64xf32, #tpu.memory_space<vmem>>
    %dma_wait3A_158 = arith.constant 0 : i32
    %dma_wait3A_159 = tpu.memref_slice %arg6[%add3A_124, %dma_wait3A_158] : memref<102400x64xf32, #tpu.memory_space<hbm>> -> memref<128x64xf32, #tpu.memory_space<hbm>>
    %dma_wait3A_160 = arith.constant 0 : i32
    %dma_wait3A_161 = tpu.memref_slice %arg6[%add3A_124, %dma_wait3A_160] : memref<102400x64xf32, #tpu.memory_space<hbm>> -> memref<128x64xf32, #tpu.memory_space<hbm>>
    %dma_wait3A_162 = arith.constant 0 : i32
    %dma_wait3A_163 = arith.constant 0 : i32
    %dma_wait3A_164 = tpu.memref_slice %arg10[%dma_wait3A_153, %dma_wait3A_162, %dma_wait3A_163] : memref<4x128x64xf32, #tpu.memory_space<vmem>> -> memref<1x128x64xf32, #tpu.memory_space<vmem>>
    %dma_wait3A_165 = tpu.memref_squeeze %dma_wait3A_164 : memref<1x128x64xf32, #tpu.memory_space<vmem>> -> memref<128x64xf32, #tpu.memory_space<vmem>>
    tpu.wait_dma2 semaphore(%arg16 : memref<!tpu.dma_semaphore, #tpu.memory_space<semaphore_mem>>) src(%dma_wait3A_165 : memref<128x64xf32, #tpu.memory_space<vmem>>) dst(%dma_wait3A_161 : memref<128x64xf32, #tpu.memory_space<hbm>>)
    %dma_wait3A_166 = arith.constant 0 : i32
    %dma_wait3A_167 = arith.constant 0 : i32
    %dma_wait3A_168 = arith.constant 0 : i32
    %dma_wait3A_169 = tpu.memref_slice %arg11[%dma_wait3A_166, %dma_wait3A_167, %dma_wait3A_168] : memref<4x128x16xi32, #tpu.memory_space<vmem>> -> memref<1x128x16xi32, #tpu.memory_space<vmem>>
    %dma_wait3A_170 = tpu.memref_squeeze %dma_wait3A_169 : memref<1x128x16xi32, #tpu.memory_space<vmem>> -> memref<128x16xi32, #tpu.memory_space<vmem>>
    %dma_wait3A_171 = arith.constant 0 : i32
    %dma_wait3A_172 = tpu.memref_slice %arg7[%add3A_139, %dma_wait3A_171] : memref<102400x16xi32, #tpu.memory_space<hbm>> -> memref<128x16xi32, #tpu.memory_space<hbm>>
    %dma_wait3A_173 = arith.constant 0 : i32
    %dma_wait3A_174 = tpu.memref_slice %arg7[%add3A_139, %dma_wait3A_173] : memref<102400x16xi32, #tpu.memory_space<hbm>> -> memref<128x16xi32, #tpu.memory_space<hbm>>
    %dma_wait3A_175 = arith.constant 0 : i32
    %dma_wait3A_176 = arith.constant 0 : i32
    %dma_wait3A_177 = tpu.memref_slice %arg11[%dma_wait3A_166, %dma_wait3A_175, %dma_wait3A_176] : memref<4x128x16xi32, #tpu.memory_space<vmem>> -> memref<1x128x16xi32, #tpu.memory_space<vmem>>
    %dma_wait3A_178 = tpu.memref_squeeze %dma_wait3A_177 : memref<1x128x16xi32, #tpu.memory_space<vmem>> -> memref<128x16xi32, #tpu.memory_space<vmem>>
    tpu.wait_dma2 semaphore(%arg16 : memref<!tpu.dma_semaphore, #tpu.memory_space<semaphore_mem>>) src(%dma_wait3A_178 : memref<128x16xi32, #tpu.memory_space<vmem>>) dst(%dma_wait3A_174 : memref<128x16xi32, #tpu.memory_space<hbm>>)
    %dma_start3A_179 = arith.constant 4 : i32
    %dma_start3A_180 = arith.constant 0 : i32
    %dma_start3A_181 = arith.constant 0 : i32
    %dma_start3A_182 = arith.constant 0 : i32
    %dma_start3A_183 = tpu.memref_slice %arg10[%dma_start3A_180, %dma_start3A_181, %dma_start3A_182] : memref<4x128x64xf32, #tpu.memory_space<vmem>> -> memref<1x128x64xf32, #tpu.memory_space<vmem>>
    %dma_start3A_184 = tpu.memref_squeeze %dma_start3A_183 : memref<1x128x64xf32, #tpu.memory_space<vmem>> -> memref<128x64xf32, #tpu.memory_space<vmem>>
    %dma_start3A_185 = arith.constant 0 : i32
    %dma_start3A_186 = tpu.memref_slice %arg8[%dma_start3A_179, %dma_start3A_185] : memref<25x128xi32, #tpu.memory_space<vmem>> -> memref<1x128xi32, #tpu.memory_space<vmem>>
    %dma_start3A_187 = tpu.memref_squeeze %dma_start3A_186 : memref<1x128xi32, #tpu.memory_space<vmem>> -> memref<128xi32, #tpu.memory_space<vmem>>
    %dma_start3A_188 = arith.constant 0 : i32
    %dma_start3A_189 = arith.constant 0 : i32
    %dma_start3A_190 = tpu.memref_slice %arg4[%dma_start3A_188, %dma_start3A_189] : memref<100000x64xf32, #tpu.memory_space<hbm>> -> memref<100000x64xf32, #tpu.memory_space<hbm>>
    tpu.enqueue_indirect_dma source(%dma_start3A_190 : memref<100000x64xf32, #tpu.memory_space<hbm>>) target(%dma_start3A_184 : memref<128x64xf32, #tpu.memory_space<vmem>>) offsets(%dma_start3A_187 : memref<128xi32, #tpu.memory_space<vmem>>) semaphore(%arg12 : memref<!tpu.dma_semaphore, #tpu.memory_space<semaphore_mem>>)
    %dma_start3A_191 = arith.constant 4 : i32
    %dma_start3A_192 = arith.constant 0 : i32
    %dma_start3A_193 = arith.constant 0 : i32
    %dma_start3A_194 = arith.constant 0 : i32
    %dma_start3A_195 = tpu.memref_slice %arg11[%dma_start3A_192, %dma_start3A_193, %dma_start3A_194] : memref<4x128x16xi32, #tpu.memory_space<vmem>> -> memref<1x128x16xi32, #tpu.memory_space<vmem>>
    %dma_start3A_196 = tpu.memref_squeeze %dma_start3A_195 : memref<1x128x16xi32, #tpu.memory_space<vmem>> -> memref<128x16xi32, #tpu.memory_space<vmem>>
    %dma_start3A_197 = arith.constant 0 : i32
    %dma_start3A_198 = tpu.memref_slice %arg9[%dma_start3A_191, %dma_start3A_197] : memref<25x128xi32, #tpu.memory_space<vmem>> -> memref<1x128xi32, #tpu.memory_space<vmem>>
    %dma_start3A_199 = tpu.memref_squeeze %dma_start3A_198 : memref<1x128xi32, #tpu.memory_space<vmem>> -> memref<128xi32, #tpu.memory_space<vmem>>
    %dma_start3A_200 = arith.constant 0 : i32
    %dma_start3A_201 = arith.constant 0 : i32
    %dma_start3A_202 = tpu.memref_slice %arg5[%dma_start3A_200, %dma_start3A_201] : memref<1000x16xi32, #tpu.memory_space<hbm>> -> memref<1000x16xi32, #tpu.memory_space<hbm>>
    tpu.enqueue_indirect_dma source(%dma_start3A_202 : memref<1000x16xi32, #tpu.memory_space<hbm>>) target(%dma_start3A_196 : memref<128x16xi32, #tpu.memory_space<vmem>>) offsets(%dma_start3A_199 : memref<128xi32, #tpu.memory_space<vmem>>) semaphore(%arg12 : memref<!tpu.dma_semaphore, #tpu.memory_space<semaphore_mem>>)
    %dma_wait3A_203 = arith.constant 1 : i32
    %dma_wait3A_204 = arith.constant 1 : i32
    %dma_wait3A_205 = arith.constant 0 : i32
    %dma_wait3A_206 = arith.constant 0 : i32
    %dma_wait3A_207 = tpu.memref_slice %arg10[%dma_wait3A_204, %dma_wait3A_205, %dma_wait3A_206] : memref<4x128x64xf32, #tpu.memory_space<vmem>> -> memref<1x128x64xf32, #tpu.memory_space<vmem>>
    %dma_wait3A_208 = tpu.memref_squeeze %dma_wait3A_207 : memref<1x128x64xf32, #tpu.memory_space<vmem>> -> memref<128x64xf32, #tpu.memory_space<vmem>>
    %dma_wait3A_209 = arith.constant 0 : i32
    %dma_wait3A_210 = tpu.memref_slice %arg8[%dma_wait3A_203, %dma_wait3A_209] : memref<25x128xi32, #tpu.memory_space<vmem>> -> memref<1x128xi32, #tpu.memory_space<vmem>>
    %dma_wait3A_211 = tpu.memref_squeeze %dma_wait3A_210 : memref<1x128xi32, #tpu.memory_space<vmem>> -> memref<128xi32, #tpu.memory_space<vmem>>
    %dma_wait3A_212 = arith.constant 0 : i32
    %dma_wait3A_213 = arith.constant 0 : i32
    %dma_wait3A_214 = tpu.memref_slice %arg4[%dma_wait3A_212, %dma_wait3A_213] : memref<100000x64xf32, #tpu.memory_space<hbm>> -> memref<100000x64xf32, #tpu.memory_space<hbm>>
    tpu.wait_indirect_dma semaphore(%arg13 : memref<!tpu.dma_semaphore, #tpu.memory_space<semaphore_mem>>) src(%dma_wait3A_214 : memref<100000x64xf32, #tpu.memory_space<hbm>>) dst(%dma_wait3A_208 : memref<128x64xf32, #tpu.memory_space<vmem>>)
    %dma_wait3A_215 = arith.constant 1 : i32
    %dma_wait3A_216 = arith.constant 1 : i32
    %dma_wait3A_217 = arith.constant 0 : i32
    %dma_wait3A_218 = arith.constant 0 : i32
    %dma_wait3A_219 = tpu.memref_slice %arg11[%dma_wait3A_216, %dma_wait3A_217, %dma_wait3A_218] : memref<4x128x16xi32, #tpu.memory_space<vmem>> -> memref<1x128x16xi32, #tpu.memory_space<vmem>>
    %dma_wait3A_220 = tpu.memref_squeeze %dma_wait3A_219 : memref<1x128x16xi32, #tpu.memory_space<vmem>> -> memref<128x16xi32, #tpu.memory_space<vmem>>
    %dma_wait3A_221 = arith.constant 0 : i32
    %dma_wait3A_222 = tpu.memref_slice %arg9[%dma_wait3A_215, %dma_wait3A_221] : memref<25x128xi32, #tpu.memory_space<vmem>> -> memref<1x128xi32, #tpu.memory_space<vmem>>
    %dma_wait3A_223 = tpu.memref_squeeze %dma_wait3A_222 : memref<1x128xi32, #tpu.memory_space<vmem>> -> memref<128xi32, #tpu.memory_space<vmem>>
    %dma_wait3A_224 = arith.constant 0 : i32
    %dma_wait3A_225 = arith.constant 0 : i32
    %dma_wait3A_226 = tpu.memref_slice %arg5[%dma_wait3A_224, %dma_wait3A_225] : memref<1000x16xi32, #tpu.memory_space<hbm>> -> memref<1000x16xi32, #tpu.memory_space<hbm>>
    tpu.wait_indirect_dma semaphore(%arg13 : memref<!tpu.dma_semaphore, #tpu.memory_space<semaphore_mem>>) src(%dma_wait3A_226 : memref<1000x16xi32, #tpu.memory_space<hbm>>) dst(%dma_wait3A_220 : memref<128x16xi32, #tpu.memory_space<vmem>>)
    %add3A_227 = arith.constant 128 : i32
    %add3A_228 = arith.addi %mul3A_4, %add3A_227 : i32
    %dma_start3A_229 = arith.constant 1 : i32
    %dma_start3A_230 = arith.constant 0 : i32
    %dma_start3A_231 = arith.constant 0 : i32
    %dma_start3A_232 = tpu.memref_slice %arg10[%dma_start3A_229, %dma_start3A_230, %dma_start3A_231] : memref<4x128x64xf32, #tpu.memory_space<vmem>> -> memref<1x128x64xf32, #tpu.memory_space<vmem>>
    %dma_start3A_233 = tpu.memref_squeeze %dma_start3A_232 : memref<1x128x64xf32, #tpu.memory_space<vmem>> -> memref<128x64xf32, #tpu.memory_space<vmem>>
    %dma_start3A_234 = arith.constant 0 : i32
    %dma_start3A_235 = tpu.memref_slice %arg6[%add3A_228, %dma_start3A_234] : memref<102400x64xf32, #tpu.memory_space<hbm>> -> memref<128x64xf32, #tpu.memory_space<hbm>>
    %dma_start3A_236 = arith.constant 0 : i32
    %dma_start3A_237 = tpu.memref_slice %arg6[%add3A_228, %dma_start3A_236] : memref<102400x64xf32, #tpu.memory_space<hbm>> -> memref<128x64xf32, #tpu.memory_space<hbm>>
    %dma_start3A_238 = arith.constant 0 : i32
    %dma_start3A_239 = arith.constant 0 : i32
    %dma_start3A_240 = tpu.memref_slice %arg10[%dma_start3A_229, %dma_start3A_238, %dma_start3A_239] : memref<4x128x64xf32, #tpu.memory_space<vmem>> -> memref<1x128x64xf32, #tpu.memory_space<vmem>>
    %dma_start3A_241 = tpu.memref_squeeze %dma_start3A_240 : memref<1x128x64xf32, #tpu.memory_space<vmem>> -> memref<128x64xf32, #tpu.memory_space<vmem>>
    tpu.enqueue_dma source(%dma_start3A_241 : memref<128x64xf32, #tpu.memory_space<vmem>>) target(%dma_start3A_237 : memref<128x64xf32, #tpu.memory_space<hbm>>) target_semaphore(%arg17 : memref<!tpu.dma_semaphore, #tpu.memory_space<semaphore_mem>>)
    %add3A_242 = arith.constant 128 : i32
    %add3A_243 = arith.addi %mul3A_4, %add3A_242 : i32
    %dma_start3A_244 = arith.constant 1 : i32
    %dma_start3A_245 = arith.constant 0 : i32
    %dma_start3A_246 = arith.constant 0 : i32
    %dma_start3A_247 = tpu.memref_slice %arg11[%dma_start3A_244, %dma_start3A_245, %dma_start3A_246] : memref<4x128x16xi32, #tpu.memory_space<vmem>> -> memref<1x128x16xi32, #tpu.memory_space<vmem>>
    %dma_start3A_248 = tpu.memref_squeeze %dma_start3A_247 : memref<1x128x16xi32, #tpu.memory_space<vmem>> -> memref<128x16xi32, #tpu.memory_space<vmem>>
    %dma_start3A_249 = arith.constant 0 : i32
    %dma_start3A_250 = tpu.memref_slice %arg7[%add3A_243, %dma_start3A_249] : memref<102400x16xi32, #tpu.memory_space<hbm>> -> memref<128x16xi32, #tpu.memory_space<hbm>>
    %dma_start3A_251 = arith.constant 0 : i32
    %dma_start3A_252 = tpu.memref_slice %arg7[%add3A_243, %dma_start3A_251] : memref<102400x16xi32, #tpu.memory_space<hbm>> -> memref<128x16xi32, #tpu.memory_space<hbm>>
    %dma_start3A_253 = arith.constant 0 : i32
    %dma_start3A_254 = arith.constant 0 : i32
    %dma_start3A_255 = tpu.memref_slice %arg11[%dma_start3A_244, %dma_start3A_253, %dma_start3A_254] : memref<4x128x16xi32, #tpu.memory_space<vmem>> -> memref<1x128x16xi32, #tpu.memory_space<vmem>>
    %dma_start3A_256 = tpu.memref_squeeze %dma_start3A_255 : memref<1x128x16xi32, #tpu.memory_space<vmem>> -> memref<128x16xi32, #tpu.memory_space<vmem>>
    tpu.enqueue_dma source(%dma_start3A_256 : memref<128x16xi32, #tpu.memory_space<vmem>>) target(%dma_start3A_252 : memref<128x16xi32, #tpu.memory_space<hbm>>) target_semaphore(%arg17 : memref<!tpu.dma_semaphore, #tpu.memory_space<semaphore_mem>>)
    %dma_wait3A_257 = arith.constant 1 : i32
    %dma_wait3A_258 = arith.constant 0 : i32
    %dma_wait3A_259 = arith.constant 0 : i32
    %dma_wait3A_260 = tpu.memref_slice %arg10[%dma_wait3A_257, %dma_wait3A_258, %dma_wait3A_259] : memref<4x128x64xf32, #tpu.memory_space<vmem>> -> memref<1x128x64xf32, #tpu.memory_space<vmem>>
    %dma_wait3A_261 = tpu.memref_squeeze %dma_wait3A_260 : memref<1x128x64xf32, #tpu.memory_space<vmem>> -> memref<128x64xf32, #tpu.memory_space<vmem>>
    %dma_wait3A_262 = arith.constant 0 : i32
    %dma_wait3A_263 = tpu.memref_slice %arg6[%add3A_228, %dma_wait3A_262] : memref<102400x64xf32, #tpu.memory_space<hbm>> -> memref<128x64xf32, #tpu.memory_space<hbm>>
    %dma_wait3A_264 = arith.constant 0 : i32
    %dma_wait3A_265 = tpu.memref_slice %arg6[%add3A_228, %dma_wait3A_264] : memref<102400x64xf32, #tpu.memory_space<hbm>> -> memref<128x64xf32, #tpu.memory_space<hbm>>
    %dma_wait3A_266 = arith.constant 0 : i32
    %dma_wait3A_267 = arith.constant 0 : i32
    %dma_wait3A_268 = tpu.memref_slice %arg10[%dma_wait3A_257, %dma_wait3A_266, %dma_wait3A_267] : memref<4x128x64xf32, #tpu.memory_space<vmem>> -> memref<1x128x64xf32, #tpu.memory_space<vmem>>
    %dma_wait3A_269 = tpu.memref_squeeze %dma_wait3A_268 : memref<1x128x64xf32, #tpu.memory_space<vmem>> -> memref<128x64xf32, #tpu.memory_space<vmem>>
    tpu.wait_dma2 semaphore(%arg17 : memref<!tpu.dma_semaphore, #tpu.memory_space<semaphore_mem>>) src(%dma_wait3A_269 : memref<128x64xf32, #tpu.memory_space<vmem>>) dst(%dma_wait3A_265 : memref<128x64xf32, #tpu.memory_space<hbm>>)
    %dma_wait3A_270 = arith.constant 1 : i32
    %dma_wait3A_271 = arith.constant 0 : i32
    %dma_wait3A_272 = arith.constant 0 : i32
    %dma_wait3A_273 = tpu.memref_slice %arg11[%dma_wait3A_270, %dma_wait3A_271, %dma_wait3A_272] : memref<4x128x16xi32, #tpu.memory_space<vmem>> -> memref<1x128x16xi32, #tpu.memory_space<vmem>>
    %dma_wait3A_274 = tpu.memref_squeeze %dma_wait3A_273 : memref<1x128x16xi32, #tpu.memory_space<vmem>> -> memref<128x16xi32, #tpu.memory_space<vmem>>
    %dma_wait3A_275 = arith.constant 0 : i32
    %dma_wait3A_276 = tpu.memref_slice %arg7[%add3A_243, %dma_wait3A_275] : memref<102400x16xi32, #tpu.memory_space<hbm>> -> memref<128x16xi32, #tpu.memory_space<hbm>>
    %dma_wait3A_277 = arith.constant 0 : i32
    %dma_wait3A_278 = tpu.memref_slice %arg7[%add3A_243, %dma_wait3A_277] : memref<102400x16xi32, #tpu.memory_space<hbm>> -> memref<128x16xi32, #tpu.memory_space<hbm>>
    %dma_wait3A_279 = arith.constant 0 : i32
    %dma_wait3A_280 = arith.constant 0 : i32
    %dma_wait3A_281 = tpu.memref_slice %arg11[%dma_wait3A_270, %dma_wait3A_279, %dma_wait3A_280] : memref<4x128x16xi32, #tpu.memory_space<vmem>> -> memref<1x128x16xi32, #tpu.memory_space<vmem>>
    %dma_wait3A_282 = tpu.memref_squeeze %dma_wait3A_281 : memref<1x128x16xi32, #tpu.memory_space<vmem>> -> memref<128x16xi32, #tpu.memory_space<vmem>>
    tpu.wait_dma2 semaphore(%arg17 : memref<!tpu.dma_semaphore, #tpu.memory_space<semaphore_mem>>) src(%dma_wait3A_282 : memref<128x16xi32, #tpu.memory_space<vmem>>) dst(%dma_wait3A_278 : memref<128x16xi32, #tpu.memory_space<hbm>>)
    %dma_start3A_283 = arith.constant 5 : i32
    %dma_start3A_284 = arith.constant 1 : i32
    %dma_start3A_285 = arith.constant 0 : i32
    %dma_start3A_286 = arith.constant 0 : i32
    %dma_start3A_287 = tpu.memref_slice %arg10[%dma_start3A_284, %dma_start3A_285, %dma_start3A_286] : memref<4x128x64xf32, #tpu.memory_space<vmem>> -> memref<1x128x64xf32, #tpu.memory_space<vmem>>
    %dma_start3A_288 = tpu.memref_squeeze %dma_start3A_287 : memref<1x128x64xf32, #tpu.memory_space<vmem>> -> memref<128x64xf32, #tpu.memory_space<vmem>>
    %dma_start3A_289 = arith.constant 0 : i32
    %dma_start3A_290 = tpu.memref_slice %arg8[%dma_start3A_283, %dma_start3A_289] : memref<25x128xi32, #tpu.memory_space<vmem>> -> memref<1x128xi32, #tpu.memory_space<vmem>>
    %dma_start3A_291 = tpu.memref_squeeze %dma_start3A_290 : memref<1x128xi32, #tpu.memory_space<vmem>> -> memref<128xi32, #tpu.memory_space<vmem>>
    %dma_start3A_292 = arith.constant 0 : i32
    %dma_start3A_293 = arith.constant 0 : i32
    %dma_start3A_294 = tpu.memref_slice %arg4[%dma_start3A_292, %dma_start3A_293] : memref<100000x64xf32, #tpu.memory_space<hbm>> -> memref<100000x64xf32, #tpu.memory_space<hbm>>
    tpu.enqueue_indirect_dma source(%dma_start3A_294 : memref<100000x64xf32, #tpu.memory_space<hbm>>) target(%dma_start3A_288 : memref<128x64xf32, #tpu.memory_space<vmem>>) offsets(%dma_start3A_291 : memref<128xi32, #tpu.memory_space<vmem>>) semaphore(%arg13 : memref<!tpu.dma_semaphore, #tpu.memory_space<semaphore_mem>>)
    %dma_start3A_295 = arith.constant 5 : i32
    %dma_start3A_296 = arith.constant 1 : i32
    %dma_start3A_297 = arith.constant 0 : i32
    %dma_start3A_298 = arith.constant 0 : i32
    %dma_start3A_299 = tpu.memref_slice %arg11[%dma_start3A_296, %dma_start3A_297, %dma_start3A_298] : memref<4x128x16xi32, #tpu.memory_space<vmem>> -> memref<1x128x16xi32, #tpu.memory_space<vmem>>
    %dma_start3A_300 = tpu.memref_squeeze %dma_start3A_299 : memref<1x128x16xi32, #tpu.memory_space<vmem>> -> memref<128x16xi32, #tpu.memory_space<vmem>>
    %dma_start3A_301 = arith.constant 0 : i32
    %dma_start3A_302 = tpu.memref_slice %arg9[%dma_start3A_295, %dma_start3A_301] : memref<25x128xi32, #tpu.memory_space<vmem>> -> memref<1x128xi32, #tpu.memory_space<vmem>>
    %dma_start3A_303 = tpu.memref_squeeze %dma_start3A_302 : memref<1x128xi32, #tpu.memory_space<vmem>> -> memref<128xi32, #tpu.memory_space<vmem>>
    %dma_start3A_304 = arith.constant 0 : i32
    %dma_start3A_305 = arith.constant 0 : i32
    %dma_start3A_306 = tpu.memref_slice %arg5[%dma_start3A_304, %dma_start3A_305] : memref<1000x16xi32, #tpu.memory_space<hbm>> -> memref<1000x16xi32, #tpu.memory_space<hbm>>
    tpu.enqueue_indirect_dma source(%dma_start3A_306 : memref<1000x16xi32, #tpu.memory_space<hbm>>) target(%dma_start3A_300 : memref<128x16xi32, #tpu.memory_space<vmem>>) offsets(%dma_start3A_303 : memref<128xi32, #tpu.memory_space<vmem>>) semaphore(%arg13 : memref<!tpu.dma_semaphore, #tpu.memory_space<semaphore_mem>>)
    %dma_wait3A_307 = arith.constant 2 : i32
    %dma_wait3A_308 = arith.constant 2 : i32
    %dma_wait3A_309 = arith.constant 0 : i32
    %dma_wait3A_310 = arith.constant 0 : i32
    %dma_wait3A_311 = tpu.memref_slice %arg10[%dma_wait3A_308, %dma_wait3A_309, %dma_wait3A_310] : memref<4x128x64xf32, #tpu.memory_space<vmem>> -> memref<1x128x64xf32, #tpu.memory_space<vmem>>
    %dma_wait3A_312 = tpu.memref_squeeze %dma_wait3A_311 : memref<1x128x64xf32, #tpu.memory_space<vmem>> -> memref<128x64xf32, #tpu.memory_space<vmem>>
    %dma_wait3A_313 = arith.constant 0 : i32
    %dma_wait3A_314 = tpu.memref_slice %arg8[%dma_wait3A_307, %dma_wait3A_313] : memref<25x128xi32, #tpu.memory_space<vmem>> -> memref<1x128xi32, #tpu.memory_space<vmem>>
    %dma_wait3A_315 = tpu.memref_squeeze %dma_wait3A_314 : memref<1x128xi32, #tpu.memory_space<vmem>> -> memref<128xi32, #tpu.memory_space<vmem>>
    %dma_wait3A_316 = arith.constant 0 : i32
    %dma_wait3A_317 = arith.constant 0 : i32
    %dma_wait3A_318 = tpu.memref_slice %arg4[%dma_wait3A_316, %dma_wait3A_317] : memref<100000x64xf32, #tpu.memory_space<hbm>> -> memref<100000x64xf32, #tpu.memory_space<hbm>>
    tpu.wait_indirect_dma semaphore(%arg14 : memref<!tpu.dma_semaphore, #tpu.memory_space<semaphore_mem>>) src(%dma_wait3A_318 : memref<100000x64xf32, #tpu.memory_space<hbm>>) dst(%dma_wait3A_312 : memref<128x64xf32, #tpu.memory_space<vmem>>)
    %dma_wait3A_319 = arith.constant 2 : i32
    %dma_wait3A_320 = arith.constant 2 : i32
    %dma_wait3A_321 = arith.constant 0 : i32
    %dma_wait3A_322 = arith.constant 0 : i32
    %dma_wait3A_323 = tpu.memref_slice %arg11[%dma_wait3A_320, %dma_wait3A_321, %dma_wait3A_322] : memref<4x128x16xi32, #tpu.memory_space<vmem>> -> memref<1x128x16xi32, #tpu.memory_space<vmem>>
    %dma_wait3A_324 = tpu.memref_squeeze %dma_wait3A_323 : memref<1x128x16xi32, #tpu.memory_space<vmem>> -> memref<128x16xi32, #tpu.memory_space<vmem>>
    %dma_wait3A_325 = arith.constant 0 : i32
    %dma_wait3A_326 = tpu.memref_slice %arg9[%dma_wait3A_319, %dma_wait3A_325] : memref<25x128xi32, #tpu.memory_space<vmem>> -> memref<1x128xi32, #tpu.memory_space<vmem>>
    %dma_wait3A_327 = tpu.memref_squeeze %dma_wait3A_326 : memref<1x128xi32, #tpu.memory_space<vmem>> -> memref<128xi32, #tpu.memory_space<vmem>>
    %dma_wait3A_328 = arith.constant 0 : i32
    %dma_wait3A_329 = arith.constant 0 : i32
    %dma_wait3A_330 = tpu.memref_slice %arg5[%dma_wait3A_328, %dma_wait3A_329] : memref<1000x16xi32, #tpu.memory_space<hbm>> -> memref<1000x16xi32, #tpu.memory_space<hbm>>
    tpu.wait_indirect_dma semaphore(%arg14 : memref<!tpu.dma_semaphore, #tpu.memory_space<semaphore_mem>>) src(%dma_wait3A_330 : memref<1000x16xi32, #tpu.memory_space<hbm>>) dst(%dma_wait3A_324 : memref<128x16xi32, #tpu.memory_space<vmem>>)
    %add3A_331 = arith.constant 256 : i32
    %add3A_332 = arith.addi %mul3A_4, %add3A_331 : i32
    %dma_start3A_333 = arith.constant 2 : i32
    %dma_start3A_334 = arith.constant 0 : i32
    %dma_start3A_335 = arith.constant 0 : i32
    %dma_start3A_336 = tpu.memref_slice %arg10[%dma_start3A_333, %dma_start3A_334, %dma_start3A_335] : memref<4x128x64xf32, #tpu.memory_space<vmem>> -> memref<1x128x64xf32, #tpu.memory_space<vmem>>
    %dma_start3A_337 = tpu.memref_squeeze %dma_start3A_336 : memref<1x128x64xf32, #tpu.memory_space<vmem>> -> memref<128x64xf32, #tpu.memory_space<vmem>>
    %dma_start3A_338 = arith.constant 0 : i32
    %dma_start3A_339 = tpu.memref_slice %arg6[%add3A_332, %dma_start3A_338] : memref<102400x64xf32, #tpu.memory_space<hbm>> -> memref<128x64xf32, #tpu.memory_space<hbm>>
    %dma_start3A_340 = arith.constant 0 : i32
    %dma_start3A_341 = tpu.memref_slice %arg6[%add3A_332, %dma_start3A_340] : memref<102400x64xf32, #tpu.memory_space<hbm>> -> memref<128x64xf32, #tpu.memory_space<hbm>>
    %dma_start3A_342 = arith.constant 0 : i32
    %dma_start3A_343 = arith.constant 0 : i32
    %dma_start3A_344 = tpu.memref_slice %arg10[%dma_start3A_333, %dma_start3A_342, %dma_start3A_343] : memref<4x128x64xf32, #tpu.memory_space<vmem>> -> memref<1x128x64xf32, #tpu.memory_space<vmem>>
    %dma_start3A_345 = tpu.memref_squeeze %dma_start3A_344 : memref<1x128x64xf32, #tpu.memory_space<vmem>> -> memref<128x64xf32, #tpu.memory_space<vmem>>
    tpu.enqueue_dma source(%dma_start3A_345 : memref<128x64xf32, #tpu.memory_space<vmem>>) target(%dma_start3A_341 : memref<128x64xf32, #tpu.memory_space<hbm>>) target_semaphore(%arg18 : memref<!tpu.dma_semaphore, #tpu.memory_space<semaphore_mem>>)
    %add3A_346 = arith.constant 256 : i32
    %add3A_347 = arith.addi %mul3A_4, %add3A_346 : i32
    %dma_start3A_348 = arith.constant 2 : i32
    %dma_start3A_349 = arith.constant 0 : i32
    %dma_start3A_350 = arith.constant 0 : i32
    %dma_start3A_351 = tpu.memref_slice %arg11[%dma_start3A_348, %dma_start3A_349, %dma_start3A_350] : memref<4x128x16xi32, #tpu.memory_space<vmem>> -> memref<1x128x16xi32, #tpu.memory_space<vmem>>
    %dma_start3A_352 = tpu.memref_squeeze %dma_start3A_351 : memref<1x128x16xi32, #tpu.memory_space<vmem>> -> memref<128x16xi32, #tpu.memory_space<vmem>>
    %dma_start3A_353 = arith.constant 0 : i32
    %dma_start3A_354 = tpu.memref_slice %arg7[%add3A_347, %dma_start3A_353] : memref<102400x16xi32, #tpu.memory_space<hbm>> -> memref<128x16xi32, #tpu.memory_space<hbm>>
    %dma_start3A_355 = arith.constant 0 : i32
    %dma_start3A_356 = tpu.memref_slice %arg7[%add3A_347, %dma_start3A_355] : memref<102400x16xi32, #tpu.memory_space<hbm>> -> memref<128x16xi32, #tpu.memory_space<hbm>>
    %dma_start3A_357 = arith.constant 0 : i32
    %dma_start3A_358 = arith.constant 0 : i32
    %dma_start3A_359 = tpu.memref_slice %arg11[%dma_start3A_348, %dma_start3A_357, %dma_start3A_358] : memref<4x128x16xi32, #tpu.memory_space<vmem>> -> memref<1x128x16xi32, #tpu.memory_space<vmem>>
    %dma_start3A_360 = tpu.memref_squeeze %dma_start3A_359 : memref<1x128x16xi32, #tpu.memory_space<vmem>> -> memref<128x16xi32, #tpu.memory_space<vmem>>
    tpu.enqueue_dma source(%dma_start3A_360 : memref<128x16xi32, #tpu.memory_space<vmem>>) target(%dma_start3A_356 : memref<128x16xi32, #tpu.memory_space<hbm>>) target_semaphore(%arg18 : memref<!tpu.dma_semaphore, #tpu.memory_space<semaphore_mem>>)
    %dma_wait3A_361 = arith.constant 2 : i32
    %dma_wait3A_362 = arith.constant 0 : i32
    %dma_wait3A_363 = arith.constant 0 : i32
    %dma_wait3A_364 = tpu.memref_slice %arg10[%dma_wait3A_361, %dma_wait3A_362, %dma_wait3A_363] : memref<4x128x64xf32, #tpu.memory_space<vmem>> -> memref<1x128x64xf32, #tpu.memory_space<vmem>>
    %dma_wait3A_365 = tpu.memref_squeeze %dma_wait3A_364 : memref<1x128x64xf32, #tpu.memory_space<vmem>> -> memref<128x64xf32, #tpu.memory_space<vmem>>
    %dma_wait3A_366 = arith.constant 0 : i32
    %dma_wait3A_367 = tpu.memref_slice %arg6[%add3A_332, %dma_wait3A_366] : memref<102400x64xf32, #tpu.memory_space<hbm>> -> memref<128x64xf32, #tpu.memory_space<hbm>>
    %dma_wait3A_368 = arith.constant 0 : i32
    %dma_wait3A_369 = tpu.memref_slice %arg6[%add3A_332, %dma_wait3A_368] : memref<102400x64xf32, #tpu.memory_space<hbm>> -> memref<128x64xf32, #tpu.memory_space<hbm>>
    %dma_wait3A_370 = arith.constant 0 : i32
    %dma_wait3A_371 = arith.constant 0 : i32
    %dma_wait3A_372 = tpu.memref_slice %arg10[%dma_wait3A_361, %dma_wait3A_370, %dma_wait3A_371] : memref<4x128x64xf32, #tpu.memory_space<vmem>> -> memref<1x128x64xf32, #tpu.memory_space<vmem>>
    %dma_wait3A_373 = tpu.memref_squeeze %dma_wait3A_372 : memref<1x128x64xf32, #tpu.memory_space<vmem>> -> memref<128x64xf32, #tpu.memory_space<vmem>>
    tpu.wait_dma2 semaphore(%arg18 : memref<!tpu.dma_semaphore, #tpu.memory_space<semaphore_mem>>) src(%dma_wait3A_373 : memref<128x64xf32, #tpu.memory_space<vmem>>) dst(%dma_wait3A_369 : memref<128x64xf32, #tpu.memory_space<hbm>>)
    %dma_wait3A_374 = arith.constant 2 : i32
    %dma_wait3A_375 = arith.constant 0 : i32
    %dma_wait3A_376 = arith.constant 0 : i32
    %dma_wait3A_377 = tpu.memref_slice %arg11[%dma_wait3A_374, %dma_wait3A_375, %dma_wait3A_376] : memref<4x128x16xi32, #tpu.memory_space<vmem>> -> memref<1x128x16xi32, #tpu.memory_space<vmem>>
    %dma_wait3A_378 = tpu.memref_squeeze %dma_wait3A_377 : memref<1x128x16xi32, #tpu.memory_space<vmem>> -> memref<128x16xi32, #tpu.memory_space<vmem>>
    %dma_wait3A_379 = arith.constant 0 : i32
    %dma_wait3A_380 = tpu.memref_slice %arg7[%add3A_347, %dma_wait3A_379] : memref<102400x16xi32, #tpu.memory_space<hbm>> -> memref<128x16xi32, #tpu.memory_space<hbm>>
    %dma_wait3A_381 = arith.constant 0 : i32
    %dma_wait3A_382 = tpu.memref_slice %arg7[%add3A_347, %dma_wait3A_381] : memref<102400x16xi32, #tpu.memory_space<hbm>> -> memref<128x16xi32, #tpu.memory_space<hbm>>
    %dma_wait3A_383 = arith.constant 0 : i32
    %dma_wait3A_384 = arith.constant 0 : i32
    %dma_wait3A_385 = tpu.memref_slice %arg11[%dma_wait3A_374, %dma_wait3A_383, %dma_wait3A_384] : memref<4x128x16xi32, #tpu.memory_space<vmem>> -> memref<1x128x16xi32, #tpu.memory_space<vmem>>
    %dma_wait3A_386 = tpu.memref_squeeze %dma_wait3A_385 : memref<1x128x16xi32, #tpu.memory_space<vmem>> -> memref<128x16xi32, #tpu.memory_space<vmem>>
    tpu.wait_dma2 semaphore(%arg18 : memref<!tpu.dma_semaphore, #tpu.memory_space<semaphore_mem>>) src(%dma_wait3A_386 : memref<128x16xi32, #tpu.memory_space<vmem>>) dst(%dma_wait3A_382 : memref<128x16xi32, #tpu.memory_space<hbm>>)
    %dma_start3A_387 = arith.constant 6 : i32
    %dma_start3A_388 = arith.constant 2 : i32
    %dma_start3A_389 = arith.constant 0 : i32
    %dma_start3A_390 = arith.constant 0 : i32
    %dma_start3A_391 = tpu.memref_slice %arg10[%dma_start3A_388, %dma_start3A_389, %dma_start3A_390] : memref<4x128x64xf32, #tpu.memory_space<vmem>> -> memref<1x128x64xf32, #tpu.memory_space<vmem>>
    %dma_start3A_392 = tpu.memref_squeeze %dma_start3A_391 : memref<1x128x64xf32, #tpu.memory_space<vmem>> -> memref<128x64xf32, #tpu.memory_space<vmem>>
    %dma_start3A_393 = arith.constant 0 : i32
    %dma_start3A_394 = tpu.memref_slice %arg8[%dma_start3A_387, %dma_start3A_393] : memref<25x128xi32, #tpu.memory_space<vmem>> -> memref<1x128xi32, #tpu.memory_space<vmem>>
    %dma_start3A_395 = tpu.memref_squeeze %dma_start3A_394 : memref<1x128xi32, #tpu.memory_space<vmem>> -> memref<128xi32, #tpu.memory_space<vmem>>
    %dma_start3A_396 = arith.constant 0 : i32
    %dma_start3A_397 = arith.constant 0 : i32
    %dma_start3A_398 = tpu.memref_slice %arg4[%dma_start3A_396, %dma_start3A_397] : memref<100000x64xf32, #tpu.memory_space<hbm>> -> memref<100000x64xf32, #tpu.memory_space<hbm>>
    tpu.enqueue_indirect_dma source(%dma_start3A_398 : memref<100000x64xf32, #tpu.memory_space<hbm>>) target(%dma_start3A_392 : memref<128x64xf32, #tpu.memory_space<vmem>>) offsets(%dma_start3A_395 : memref<128xi32, #tpu.memory_space<vmem>>) semaphore(%arg14 : memref<!tpu.dma_semaphore, #tpu.memory_space<semaphore_mem>>)
    %dma_start3A_399 = arith.constant 6 : i32
    %dma_start3A_400 = arith.constant 2 : i32
    %dma_start3A_401 = arith.constant 0 : i32
    %dma_start3A_402 = arith.constant 0 : i32
    %dma_start3A_403 = tpu.memref_slice %arg11[%dma_start3A_400, %dma_start3A_401, %dma_start3A_402] : memref<4x128x16xi32, #tpu.memory_space<vmem>> -> memref<1x128x16xi32, #tpu.memory_space<vmem>>
    %dma_start3A_404 = tpu.memref_squeeze %dma_start3A_403 : memref<1x128x16xi32, #tpu.memory_space<vmem>> -> memref<128x16xi32, #tpu.memory_space<vmem>>
    %dma_start3A_405 = arith.constant 0 : i32
    %dma_start3A_406 = tpu.memref_slice %arg9[%dma_start3A_399, %dma_start3A_405] : memref<25x128xi32, #tpu.memory_space<vmem>> -> memref<1x128xi32, #tpu.memory_space<vmem>>
    %dma_start3A_407 = tpu.memref_squeeze %dma_start3A_406 : memref<1x128xi32, #tpu.memory_space<vmem>> -> memref<128xi32, #tpu.memory_space<vmem>>
    %dma_start3A_408 = arith.constant 0 : i32
    %dma_start3A_409 = arith.constant 0 : i32
    %dma_start3A_410 = tpu.memref_slice %arg5[%dma_start3A_408, %dma_start3A_409] : memref<1000x16xi32, #tpu.memory_space<hbm>> -> memref<1000x16xi32, #tpu.memory_space<hbm>>
    tpu.enqueue_indirect_dma source(%dma_start3A_410 : memref<1000x16xi32, #tpu.memory_space<hbm>>) target(%dma_start3A_404 : memref<128x16xi32, #tpu.memory_space<vmem>>) offsets(%dma_start3A_407 : memref<128xi32, #tpu.memory_space<vmem>>) semaphore(%arg14 : memref<!tpu.dma_semaphore, #tpu.memory_space<semaphore_mem>>)
    %dma_wait3A_411 = arith.constant 3 : i32
    %dma_wait3A_412 = arith.constant 3 : i32
    %dma_wait3A_413 = arith.constant 0 : i32
    %dma_wait3A_414 = arith.constant 0 : i32
    %dma_wait3A_415 = tpu.memref_slice %arg10[%dma_wait3A_412, %dma_wait3A_413, %dma_wait3A_414] : memref<4x128x64xf32, #tpu.memory_space<vmem>> -> memref<1x128x64xf32, #tpu.memory_space<vmem>>
    %dma_wait3A_416 = tpu.memref_squeeze %dma_wait3A_415 : memref<1x128x64xf32, #tpu.memory_space<vmem>> -> memref<128x64xf32, #tpu.memory_space<vmem>>
    %dma_wait3A_417 = arith.constant 0 : i32
    %dma_wait3A_418 = tpu.memref_slice %arg8[%dma_wait3A_411, %dma_wait3A_417] : memref<25x128xi32, #tpu.memory_space<vmem>> -> memref<1x128xi32, #tpu.memory_space<vmem>>
    %dma_wait3A_419 = tpu.memref_squeeze %dma_wait3A_418 : memref<1x128xi32, #tpu.memory_space<vmem>> -> memref<128xi32, #tpu.memory_space<vmem>>
    %dma_wait3A_420 = arith.constant 0 : i32
    %dma_wait3A_421 = arith.constant 0 : i32
    %dma_wait3A_422 = tpu.memref_slice %arg4[%dma_wait3A_420, %dma_wait3A_421] : memref<100000x64xf32, #tpu.memory_space<hbm>> -> memref<100000x64xf32, #tpu.memory_space<hbm>>
    tpu.wait_indirect_dma semaphore(%arg15 : memref<!tpu.dma_semaphore, #tpu.memory_space<semaphore_mem>>) src(%dma_wait3A_422 : memref<100000x64xf32, #tpu.memory_space<hbm>>) dst(%dma_wait3A_416 : memref<128x64xf32, #tpu.memory_space<vmem>>)
    %dma_wait3A_423 = arith.constant 3 : i32
    %dma_wait3A_424 = arith.constant 3 : i32
    %dma_wait3A_425 = arith.constant 0 : i32
    %dma_wait3A_426 = arith.constant 0 : i32
    %dma_wait3A_427 = tpu.memref_slice %arg11[%dma_wait3A_424, %dma_wait3A_425, %dma_wait3A_426] : memref<4x128x16xi32, #tpu.memory_space<vmem>> -> memref<1x128x16xi32, #tpu.memory_space<vmem>>
    %dma_wait3A_428 = tpu.memref_squeeze %dma_wait3A_427 : memref<1x128x16xi32, #tpu.memory_space<vmem>> -> memref<128x16xi32, #tpu.memory_space<vmem>>
    %dma_wait3A_429 = arith.constant 0 : i32
    %dma_wait3A_430 = tpu.memref_slice %arg9[%dma_wait3A_423, %dma_wait3A_429] : memref<25x128xi32, #tpu.memory_space<vmem>> -> memref<1x128xi32, #tpu.memory_space<vmem>>
    %dma_wait3A_431 = tpu.memref_squeeze %dma_wait3A_430 : memref<1x128xi32, #tpu.memory_space<vmem>> -> memref<128xi32, #tpu.memory_space<vmem>>
    %dma_wait3A_432 = arith.constant 0 : i32
    %dma_wait3A_433 = arith.constant 0 : i32
    %dma_wait3A_434 = tpu.memref_slice %arg5[%dma_wait3A_432, %dma_wait3A_433] : memref<1000x16xi32, #tpu.memory_space<hbm>> -> memref<1000x16xi32, #tpu.memory_space<hbm>>
    tpu.wait_indirect_dma semaphore(%arg15 : memref<!tpu.dma_semaphore, #tpu.memory_space<semaphore_mem>>) src(%dma_wait3A_434 : memref<1000x16xi32, #tpu.memory_space<hbm>>) dst(%dma_wait3A_428 : memref<128x16xi32, #tpu.memory_space<vmem>>)
    %add3A_435 = arith.constant 384 : i32
    %add3A_436 = arith.addi %mul3A_4, %add3A_435 : i32
    %dma_start3A_437 = arith.constant 3 : i32
    %dma_start3A_438 = arith.constant 0 : i32
    %dma_start3A_439 = arith.constant 0 : i32
    %dma_start3A_440 = tpu.memref_slice %arg10[%dma_start3A_437, %dma_start3A_438, %dma_start3A_439] : memref<4x128x64xf32, #tpu.memory_space<vmem>> -> memref<1x128x64xf32, #tpu.memory_space<vmem>>
    %dma_start3A_441 = tpu.memref_squeeze %dma_start3A_440 : memref<1x128x64xf32, #tpu.memory_space<vmem>> -> memref<128x64xf32, #tpu.memory_space<vmem>>
    %dma_start3A_442 = arith.constant 0 : i32
    %dma_start3A_443 = tpu.memref_slice %arg6[%add3A_436, %dma_start3A_442] : memref<102400x64xf32, #tpu.memory_space<hbm>> -> memref<128x64xf32, #tpu.memory_space<hbm>>
    %dma_start3A_444 = arith.constant 0 : i32
    %dma_start3A_445 = tpu.memref_slice %arg6[%add3A_436, %dma_start3A_444] : memref<102400x64xf32, #tpu.memory_space<hbm>> -> memref<128x64xf32, #tpu.memory_space<hbm>>
    %dma_start3A_446 = arith.constant 0 : i32
    %dma_start3A_447 = arith.constant 0 : i32
    %dma_start3A_448 = tpu.memref_slice %arg10[%dma_start3A_437, %dma_start3A_446, %dma_start3A_447] : memref<4x128x64xf32, #tpu.memory_space<vmem>> -> memref<1x128x64xf32, #tpu.memory_space<vmem>>
    %dma_start3A_449 = tpu.memref_squeeze %dma_start3A_448 : memref<1x128x64xf32, #tpu.memory_space<vmem>> -> memref<128x64xf32, #tpu.memory_space<vmem>>
    tpu.enqueue_dma source(%dma_start3A_449 : memref<128x64xf32, #tpu.memory_space<vmem>>) target(%dma_start3A_445 : memref<128x64xf32, #tpu.memory_space<hbm>>) target_semaphore(%arg19 : memref<!tpu.dma_semaphore, #tpu.memory_space<semaphore_mem>>)
    %add3A_450 = arith.constant 384 : i32
    %add3A_451 = arith.addi %mul3A_4, %add3A_450 : i32
    %dma_start3A_452 = arith.constant 3 : i32
    %dma_start3A_453 = arith.constant 0 : i32
    %dma_start3A_454 = arith.constant 0 : i32
    %dma_start3A_455 = tpu.memref_slice %arg11[%dma_start3A_452, %dma_start3A_453, %dma_start3A_454] : memref<4x128x16xi32, #tpu.memory_space<vmem>> -> memref<1x128x16xi32, #tpu.memory_space<vmem>>
    %dma_start3A_456 = tpu.memref_squeeze %dma_start3A_455 : memref<1x128x16xi32, #tpu.memory_space<vmem>> -> memref<128x16xi32, #tpu.memory_space<vmem>>
    %dma_start3A_457 = arith.constant 0 : i32
    %dma_start3A_458 = tpu.memref_slice %arg7[%add3A_451, %dma_start3A_457] : memref<102400x16xi32, #tpu.memory_space<hbm>> -> memref<128x16xi32, #tpu.memory_space<hbm>>
    %dma_start3A_459 = arith.constant 0 : i32
    %dma_start3A_460 = tpu.memref_slice %arg7[%add3A_451, %dma_start3A_459] : memref<102400x16xi32, #tpu.memory_space<hbm>> -> memref<128x16xi32, #tpu.memory_space<hbm>>
    %dma_start3A_461 = arith.constant 0 : i32
    %dma_start3A_462 = arith.constant 0 : i32
    %dma_start3A_463 = tpu.memref_slice %arg11[%dma_start3A_452, %dma_start3A_461, %dma_start3A_462] : memref<4x128x16xi32, #tpu.memory_space<vmem>> -> memref<1x128x16xi32, #tpu.memory_space<vmem>>
    %dma_start3A_464 = tpu.memref_squeeze %dma_start3A_463 : memref<1x128x16xi32, #tpu.memory_space<vmem>> -> memref<128x16xi32, #tpu.memory_space<vmem>>
    tpu.enqueue_dma source(%dma_start3A_464 : memref<128x16xi32, #tpu.memory_space<vmem>>) target(%dma_start3A_460 : memref<128x16xi32, #tpu.memory_space<hbm>>) target_semaphore(%arg19 : memref<!tpu.dma_semaphore, #tpu.memory_space<semaphore_mem>>)
    %dma_wait3A_465 = arith.constant 3 : i32
    %dma_wait3A_466 = arith.constant 0 : i32
    %dma_wait3A_467 = arith.constant 0 : i32
    %dma_wait3A_468 = tpu.memref_slice %arg10[%dma_wait3A_465, %dma_wait3A_466, %dma_wait3A_467] : memref<4x128x64xf32, #tpu.memory_space<vmem>> -> memref<1x128x64xf32, #tpu.memory_space<vmem>>
    %dma_wait3A_469 = tpu.memref_squeeze %dma_wait3A_468 : memref<1x128x64xf32, #tpu.memory_space<vmem>> -> memref<128x64xf32, #tpu.memory_space<vmem>>
    %dma_wait3A_470 = arith.constant 0 : i32
    %dma_wait3A_471 = tpu.memref_slice %arg6[%add3A_436, %dma_wait3A_470] : memref<102400x64xf32, #tpu.memory_space<hbm>> -> memref<128x64xf32, #tpu.memory_space<hbm>>
    %dma_wait3A_472 = arith.constant 0 : i32
    %dma_wait3A_473 = tpu.memref_slice %arg6[%add3A_436, %dma_wait3A_472] : memref<102400x64xf32, #tpu.memory_space<hbm>> -> memref<128x64xf32, #tpu.memory_space<hbm>>
    %dma_wait3A_474 = arith.constant 0 : i32
    %dma_wait3A_475 = arith.constant 0 : i32
    %dma_wait3A_476 = tpu.memref_slice %arg10[%dma_wait3A_465, %dma_wait3A_474, %dma_wait3A_475] : memref<4x128x64xf32, #tpu.memory_space<vmem>> -> memref<1x128x64xf32, #tpu.memory_space<vmem>>
    %dma_wait3A_477 = tpu.memref_squeeze %dma_wait3A_476 : memref<1x128x64xf32, #tpu.memory_space<vmem>> -> memref<128x64xf32, #tpu.memory_space<vmem>>
    tpu.wait_dma2 semaphore(%arg19 : memref<!tpu.dma_semaphore, #tpu.memory_space<semaphore_mem>>) src(%dma_wait3A_477 : memref<128x64xf32, #tpu.memory_space<vmem>>) dst(%dma_wait3A_473 : memref<128x64xf32, #tpu.memory_space<hbm>>)
    %dma_wait3A_478 = arith.constant 3 : i32
    %dma_wait3A_479 = arith.constant 0 : i32
    %dma_wait3A_480 = arith.constant 0 : i32
    %dma_wait3A_481 = tpu.memref_slice %arg11[%dma_wait3A_478, %dma_wait3A_479, %dma_wait3A_480] : memref<4x128x16xi32, #tpu.memory_space<vmem>> -> memref<1x128x16xi32, #tpu.memory_space<vmem>>
    %dma_wait3A_482 = tpu.memref_squeeze %dma_wait3A_481 : memref<1x128x16xi32, #tpu.memory_space<vmem>> -> memref<128x16xi32, #tpu.memory_space<vmem>>
    %dma_wait3A_483 = arith.constant 0 : i32
    %dma_wait3A_484 = tpu.memref_slice %arg7[%add3A_451, %dma_wait3A_483] : memref<102400x16xi32, #tpu.memory_space<hbm>> -> memref<128x16xi32, #tpu.memory_space<hbm>>
    %dma_wait3A_485 = arith.constant 0 : i32
    %dma_wait3A_486 = tpu.memref_slice %arg7[%add3A_451, %dma_wait3A_485] : memref<102400x16xi32, #tpu.memory_space<hbm>> -> memref<128x16xi32, #tpu.memory_space<hbm>>
    %dma_wait3A_487 = arith.constant 0 : i32
    %dma_wait3A_488 = arith.constant 0 : i32
    %dma_wait3A_489 = tpu.memref_slice %arg11[%dma_wait3A_478, %dma_wait3A_487, %dma_wait3A_488] : memref<4x128x16xi32, #tpu.memory_space<vmem>> -> memref<1x128x16xi32, #tpu.memory_space<vmem>>
    %dma_wait3A_490 = tpu.memref_squeeze %dma_wait3A_489 : memref<1x128x16xi32, #tpu.memory_space<vmem>> -> memref<128x16xi32, #tpu.memory_space<vmem>>
    tpu.wait_dma2 semaphore(%arg19 : memref<!tpu.dma_semaphore, #tpu.memory_space<semaphore_mem>>) src(%dma_wait3A_490 : memref<128x16xi32, #tpu.memory_space<vmem>>) dst(%dma_wait3A_486 : memref<128x16xi32, #tpu.memory_space<hbm>>)
    %dma_start3A_491 = arith.constant 7 : i32
    %dma_start3A_492 = arith.constant 3 : i32
    %dma_start3A_493 = arith.constant 0 : i32
    %dma_start3A_494 = arith.constant 0 : i32
    %dma_start3A_495 = tpu.memref_slice %arg10[%dma_start3A_492, %dma_start3A_493, %dma_start3A_494] : memref<4x128x64xf32, #tpu.memory_space<vmem>> -> memref<1x128x64xf32, #tpu.memory_space<vmem>>
    %dma_start3A_496 = tpu.memref_squeeze %dma_start3A_495 : memref<1x128x64xf32, #tpu.memory_space<vmem>> -> memref<128x64xf32, #tpu.memory_space<vmem>>
    %dma_start3A_497 = arith.constant 0 : i32
    %dma_start3A_498 = tpu.memref_slice %arg8[%dma_start3A_491, %dma_start3A_497] : memref<25x128xi32, #tpu.memory_space<vmem>> -> memref<1x128xi32, #tpu.memory_space<vmem>>
    %dma_start3A_499 = tpu.memref_squeeze %dma_start3A_498 : memref<1x128xi32, #tpu.memory_space<vmem>> -> memref<128xi32, #tpu.memory_space<vmem>>
    %dma_start3A_500 = arith.constant 0 : i32
    %dma_start3A_501 = arith.constant 0 : i32
    %dma_start3A_502 = tpu.memref_slice %arg4[%dma_start3A_500, %dma_start3A_501] : memref<100000x64xf32, #tpu.memory_space<hbm>> -> memref<100000x64xf32, #tpu.memory_space<hbm>>
    tpu.enqueue_indirect_dma source(%dma_start3A_502 : memref<100000x64xf32, #tpu.memory_space<hbm>>) target(%dma_start3A_496 : memref<128x64xf32, #tpu.memory_space<vmem>>) offsets(%dma_start3A_499 : memref<128xi32, #tpu.memory_space<vmem>>) semaphore(%arg15 : memref<!tpu.dma_semaphore, #tpu.memory_space<semaphore_mem>>)
    %dma_start3A_503 = arith.constant 7 : i32
    %dma_start3A_504 = arith.constant 3 : i32
    %dma_start3A_505 = arith.constant 0 : i32
    %dma_start3A_506 = arith.constant 0 : i32
    %dma_start3A_507 = tpu.memref_slice %arg11[%dma_start3A_504, %dma_start3A_505, %dma_start3A_506] : memref<4x128x16xi32, #tpu.memory_space<vmem>> -> memref<1x128x16xi32, #tpu.memory_space<vmem>>
    %dma_start3A_508 = tpu.memref_squeeze %dma_start3A_507 : memref<1x128x16xi32, #tpu.memory_space<vmem>> -> memref<128x16xi32, #tpu.memory_space<vmem>>
    %dma_start3A_509 = arith.constant 0 : i32
    %dma_start3A_510 = tpu.memref_slice %arg9[%dma_start3A_503, %dma_start3A_509] : memref<25x128xi32, #tpu.memory_space<vmem>> -> memref<1x128xi32, #tpu.memory_space<vmem>>
    %dma_start3A_511 = tpu.memref_squeeze %dma_start3A_510 : memref<1x128xi32, #tpu.memory_space<vmem>> -> memref<128xi32, #tpu.memory_space<vmem>>
    %dma_start3A_512 = arith.constant 0 : i32
    %dma_start3A_513 = arith.constant 0 : i32
    %dma_start3A_514 = tpu.memref_slice %arg5[%dma_start3A_512, %dma_start3A_513] : memref<1000x16xi32, #tpu.memory_space<hbm>> -> memref<1000x16xi32, #tpu.memory_space<hbm>>
    tpu.enqueue_indirect_dma source(%dma_start3A_514 : memref<1000x16xi32, #tpu.memory_space<hbm>>) target(%dma_start3A_508 : memref<128x16xi32, #tpu.memory_space<vmem>>) offsets(%dma_start3A_511 : memref<128xi32, #tpu.memory_space<vmem>>) semaphore(%arg15 : memref<!tpu.dma_semaphore, #tpu.memory_space<semaphore_mem>>)
    %dma_wait3A_515 = arith.constant 4 : i32
    %dma_wait3A_516 = arith.constant 0 : i32
    %dma_wait3A_517 = arith.constant 0 : i32
    %dma_wait3A_518 = arith.constant 0 : i32
    %dma_wait3A_519 = tpu.memref_slice %arg10[%dma_wait3A_516, %dma_wait3A_517, %dma_wait3A_518] : memref<4x128x64xf32, #tpu.memory_space<vmem>> -> memref<1x128x64xf32, #tpu.memory_space<vmem>>
    %dma_wait3A_520 = tpu.memref_squeeze %dma_wait3A_519 : memref<1x128x64xf32, #tpu.memory_space<vmem>> -> memref<128x64xf32, #tpu.memory_space<vmem>>
    %dma_wait3A_521 = arith.constant 0 : i32
    %dma_wait3A_522 = tpu.memref_slice %arg8[%dma_wait3A_515, %dma_wait3A_521] : memref<25x128xi32, #tpu.memory_space<vmem>> -> memref<1x128xi32, #tpu.memory_space<vmem>>
    %dma_wait3A_523 = tpu.memref_squeeze %dma_wait3A_522 : memref<1x128xi32, #tpu.memory_space<vmem>> -> memref<128xi32, #tpu.memory_space<vmem>>
    %dma_wait3A_524 = arith.constant 0 : i32
    %dma_wait3A_525 = arith.constant 0 : i32
    %dma_wait3A_526 = tpu.memref_slice %arg4[%dma_wait3A_524, %dma_wait3A_525] : memref<100000x64xf32, #tpu.memory_space<hbm>> -> memref<100000x64xf32, #tpu.memory_space<hbm>>
    tpu.wait_indirect_dma semaphore(%arg12 : memref<!tpu.dma_semaphore, #tpu.memory_space<semaphore_mem>>) src(%dma_wait3A_526 : memref<100000x64xf32, #tpu.memory_space<hbm>>) dst(%dma_wait3A_520 : memref<128x64xf32, #tpu.memory_space<vmem>>)
    %dma_wait3A_527 = arith.constant 4 : i32
    %dma_wait3A_528 = arith.constant 0 : i32
    %dma_wait3A_529 = arith.constant 0 : i32
    %dma_wait3A_530 = arith.constant 0 : i32
    %dma_wait3A_531 = tpu.memref_slice %arg11[%dma_wait3A_528, %dma_wait3A_529, %dma_wait3A_530] : memref<4x128x16xi32, #tpu.memory_space<vmem>> -> memref<1x128x16xi32, #tpu.memory_space<vmem>>
    %dma_wait3A_532 = tpu.memref_squeeze %dma_wait3A_531 : memref<1x128x16xi32, #tpu.memory_space<vmem>> -> memref<128x16xi32, #tpu.memory_space<vmem>>
    %dma_wait3A_533 = arith.constant 0 : i32
    %dma_wait3A_534 = tpu.memref_slice %arg9[%dma_wait3A_527, %dma_wait3A_533] : memref<25x128xi32, #tpu.memory_space<vmem>> -> memref<1x128xi32, #tpu.memory_space<vmem>>
    %dma_wait3A_535 = tpu.memref_squeeze %dma_wait3A_534 : memref<1x128xi32, #tpu.memory_space<vmem>> -> memref<128xi32, #tpu.memory_space<vmem>>
    %dma_wait3A_536 = arith.constant 0 : i32
    %dma_wait3A_537 = arith.constant 0 : i32
    %dma_wait3A_538 = tpu.memref_slice %arg5[%dma_wait3A_536, %dma_wait3A_537] : memref<1000x16xi32, #tpu.memory_space<hbm>> -> memref<1000x16xi32, #tpu.memory_space<hbm>>
    tpu.wait_indirect_dma semaphore(%arg12 : memref<!tpu.dma_semaphore, #tpu.memory_space<semaphore_mem>>) src(%dma_wait3A_538 : memref<1000x16xi32, #tpu.memory_space<hbm>>) dst(%dma_wait3A_532 : memref<128x16xi32, #tpu.memory_space<vmem>>)
    %add3A_539 = arith.constant 512 : i32
    %add3A_540 = arith.addi %mul3A_4, %add3A_539 : i32
    %dma_start3A_541 = arith.constant 0 : i32
    %dma_start3A_542 = arith.constant 0 : i32
    %dma_start3A_543 = arith.constant 0 : i32
    %dma_start3A_544 = tpu.memref_slice %arg10[%dma_start3A_541, %dma_start3A_542, %dma_start3A_543] : memref<4x128x64xf32, #tpu.memory_space<vmem>> -> memref<1x128x64xf32, #tpu.memory_space<vmem>>
    %dma_start3A_545 = tpu.memref_squeeze %dma_start3A_544 : memref<1x128x64xf32, #tpu.memory_space<vmem>> -> memref<128x64xf32, #tpu.memory_space<vmem>>
    %dma_start3A_546 = arith.constant 0 : i32
    %dma_start3A_547 = tpu.memref_slice %arg6[%add3A_540, %dma_start3A_546] : memref<102400x64xf32, #tpu.memory_space<hbm>> -> memref<128x64xf32, #tpu.memory_space<hbm>>
    %dma_start3A_548 = arith.constant 0 : i32
    %dma_start3A_549 = tpu.memref_slice %arg6[%add3A_540, %dma_start3A_548] : memref<102400x64xf32, #tpu.memory_space<hbm>> -> memref<128x64xf32, #tpu.memory_space<hbm>>
    %dma_start3A_550 = arith.constant 0 : i32
    %dma_start3A_551 = arith.constant 0 : i32
    %dma_start3A_552 = tpu.memref_slice %arg10[%dma_start3A_541, %dma_start3A_550, %dma_start3A_551] : memref<4x128x64xf32, #tpu.memory_space<vmem>> -> memref<1x128x64xf32, #tpu.memory_space<vmem>>
    %dma_start3A_553 = tpu.memref_squeeze %dma_start3A_552 : memref<1x128x64xf32, #tpu.memory_space<vmem>> -> memref<128x64xf32, #tpu.memory_space<vmem>>
    tpu.enqueue_dma source(%dma_start3A_553 : memref<128x64xf32, #tpu.memory_space<vmem>>) target(%dma_start3A_549 : memref<128x64xf32, #tpu.memory_space<hbm>>) target_semaphore(%arg16 : memref<!tpu.dma_semaphore, #tpu.memory_space<semaphore_mem>>)
    %add3A_554 = arith.constant 512 : i32
    %add3A_555 = arith.addi %mul3A_4, %add3A_554 : i32
    %dma_start3A_556 = arith.constant 0 : i32
    %dma_start3A_557 = arith.constant 0 : i32
    %dma_start3A_558 = arith.constant 0 : i32
    %dma_start3A_559 = tpu.memref_slice %arg11[%dma_start3A_556, %dma_start3A_557, %dma_start3A_558] : memref<4x128x16xi32, #tpu.memory_space<vmem>> -> memref<1x128x16xi32, #tpu.memory_space<vmem>>
    %dma_start3A_560 = tpu.memref_squeeze %dma_start3A_559 : memref<1x128x16xi32, #tpu.memory_space<vmem>> -> memref<128x16xi32, #tpu.memory_space<vmem>>
    %dma_start3A_561 = arith.constant 0 : i32
    %dma_start3A_562 = tpu.memref_slice %arg7[%add3A_555, %dma_start3A_561] : memref<102400x16xi32, #tpu.memory_space<hbm>> -> memref<128x16xi32, #tpu.memory_space<hbm>>
    %dma_start3A_563 = arith.constant 0 : i32
    %dma_start3A_564 = tpu.memref_slice %arg7[%add3A_555, %dma_start3A_563] : memref<102400x16xi32, #tpu.memory_space<hbm>> -> memref<128x16xi32, #tpu.memory_space<hbm>>
    %dma_start3A_565 = arith.constant 0 : i32
    %dma_start3A_566 = arith.constant 0 : i32
    %dma_start3A_567 = tpu.memref_slice %arg11[%dma_start3A_556, %dma_start3A_565, %dma_start3A_566] : memref<4x128x16xi32, #tpu.memory_space<vmem>> -> memref<1x128x16xi32, #tpu.memory_space<vmem>>
    %dma_start3A_568 = tpu.memref_squeeze %dma_start3A_567 : memref<1x128x16xi32, #tpu.memory_space<vmem>> -> memref<128x16xi32, #tpu.memory_space<vmem>>
    tpu.enqueue_dma source(%dma_start3A_568 : memref<128x16xi32, #tpu.memory_space<vmem>>) target(%dma_start3A_564 : memref<128x16xi32, #tpu.memory_space<hbm>>) target_semaphore(%arg16 : memref<!tpu.dma_semaphore, #tpu.memory_space<semaphore_mem>>)
    %dma_wait3A_569 = arith.constant 0 : i32
    %dma_wait3A_570 = arith.constant 0 : i32
    %dma_wait3A_571 = arith.constant 0 : i32
    %dma_wait3A_572 = tpu.memref_slice %arg10[%dma_wait3A_569, %dma_wait3A_570, %dma_wait3A_571] : memref<4x128x64xf32, #tpu.memory_space<vmem>> -> memref<1x128x64xf32, #tpu.memory_space<vmem>>
    %dma_wait3A_573 = tpu.memref_squeeze %dma_wait3A_572 : memref<1x128x64xf32, #tpu.memory_space<vmem>> -> memref<128x64xf32, #tpu.memory_space<vmem>>
    %dma_wait3A_574 = arith.constant 0 : i32
    %dma_wait3A_575 = tpu.memref_slice %arg6[%add3A_540, %dma_wait3A_574] : memref<102400x64xf32, #tpu.memory_space<hbm>> -> memref<128x64xf32, #tpu.memory_space<hbm>>
    %dma_wait3A_576 = arith.constant 0 : i32
    %dma_wait3A_577 = tpu.memref_slice %arg6[%add3A_540, %dma_wait3A_576] : memref<102400x64xf32, #tpu.memory_space<hbm>> -> memref<128x64xf32, #tpu.memory_space<hbm>>
    %dma_wait3A_578 = arith.constant 0 : i32
    %dma_wait3A_579 = arith.constant 0 : i32
    %dma_wait3A_580 = tpu.memref_slice %arg10[%dma_wait3A_569, %dma_wait3A_578, %dma_wait3A_579] : memref<4x128x64xf32, #tpu.memory_space<vmem>> -> memref<1x128x64xf32, #tpu.memory_space<vmem>>
    %dma_wait3A_581 = tpu.memref_squeeze %dma_wait3A_580 : memref<1x128x64xf32, #tpu.memory_space<vmem>> -> memref<128x64xf32, #tpu.memory_space<vmem>>
    tpu.wait_dma2 semaphore(%arg16 : memref<!tpu.dma_semaphore, #tpu.memory_space<semaphore_mem>>) src(%dma_wait3A_581 : memref<128x64xf32, #tpu.memory_space<vmem>>) dst(%dma_wait3A_577 : memref<128x64xf32, #tpu.memory_space<hbm>>)
    %dma_wait3A_582 = arith.constant 0 : i32
    %dma_wait3A_583 = arith.constant 0 : i32
    %dma_wait3A_584 = arith.constant 0 : i32
    %dma_wait3A_585 = tpu.memref_slice %arg11[%dma_wait3A_582, %dma_wait3A_583, %dma_wait3A_584] : memref<4x128x16xi32, #tpu.memory_space<vmem>> -> memref<1x128x16xi32, #tpu.memory_space<vmem>>
    %dma_wait3A_586 = tpu.memref_squeeze %dma_wait3A_585 : memref<1x128x16xi32, #tpu.memory_space<vmem>> -> memref<128x16xi32, #tpu.memory_space<vmem>>
    %dma_wait3A_587 = arith.constant 0 : i32
    %dma_wait3A_588 = tpu.memref_slice %arg7[%add3A_555, %dma_wait3A_587] : memref<102400x16xi32, #tpu.memory_space<hbm>> -> memref<128x16xi32, #tpu.memory_space<hbm>>
    %dma_wait3A_589 = arith.constant 0 : i32
    %dma_wait3A_590 = tpu.memref_slice %arg7[%add3A_555, %dma_wait3A_589] : memref<102400x16xi32, #tpu.memory_space<hbm>> -> memref<128x16xi32, #tpu.memory_space<hbm>>
    %dma_wait3A_591 = arith.constant 0 : i32
    %dma_wait3A_592 = arith.constant 0 : i32
    %dma_wait3A_593 = tpu.memref_slice %arg11[%dma_wait3A_582, %dma_wait3A_591, %dma_wait3A_592] : memref<4x128x16xi32, #tpu.memory_space<vmem>> -> memref<1x128x16xi32, #tpu.memory_space<vmem>>
    %dma_wait3A_594 = tpu.memref_squeeze %dma_wait3A_593 : memref<1x128x16xi32, #tpu.memory_space<vmem>> -> memref<128x16xi32, #tpu.memory_space<vmem>>
    tpu.wait_dma2 semaphore(%arg16 : memref<!tpu.dma_semaphore, #tpu.memory_space<semaphore_mem>>) src(%dma_wait3A_594 : memref<128x16xi32, #tpu.memory_space<vmem>>) dst(%dma_wait3A_590 : memref<128x16xi32, #tpu.memory_space<hbm>>)
    %dma_start3A_595 = arith.constant 8 : i32
    %dma_start3A_596 = arith.constant 0 : i32
    %dma_start3A_597 = arith.constant 0 : i32
    %dma_start3A_598 = arith.constant 0 : i32
    %dma_start3A_599 = tpu.memref_slice %arg10[%dma_start3A_596, %dma_start3A_597, %dma_start3A_598] : memref<4x128x64xf32, #tpu.memory_space<vmem>> -> memref<1x128x64xf32, #tpu.memory_space<vmem>>
    %dma_start3A_600 = tpu.memref_squeeze %dma_start3A_599 : memref<1x128x64xf32, #tpu.memory_space<vmem>> -> memref<128x64xf32, #tpu.memory_space<vmem>>
    %dma_start3A_601 = arith.constant 0 : i32
    %dma_start3A_602 = tpu.memref_slice %arg8[%dma_start3A_595, %dma_start3A_601] : memref<25x128xi32, #tpu.memory_space<vmem>> -> memref<1x128xi32, #tpu.memory_space<vmem>>
    %dma_start3A_603 = tpu.memref_squeeze %dma_start3A_602 : memref<1x128xi32, #tpu.memory_space<vmem>> -> memref<128xi32, #tpu.memory_space<vmem>>
    %dma_start3A_604 = arith.constant 0 : i32
    %dma_start3A_605 = arith.constant 0 : i32
    %dma_start3A_606 = tpu.memref_slice %arg4[%dma_start3A_604, %dma_start3A_605] : memref<100000x64xf32, #tpu.memory_space<hbm>> -> memref<100000x64xf32, #tpu.memory_space<hbm>>
    tpu.enqueue_indirect_dma source(%dma_start3A_606 : memref<100000x64xf32, #tpu.memory_space<hbm>>) target(%dma_start3A_600 : memref<128x64xf32, #tpu.memory_space<vmem>>) offsets(%dma_start3A_603 : memref<128xi32, #tpu.memory_space<vmem>>) semaphore(%arg12 : memref<!tpu.dma_semaphore, #tpu.memory_space<semaphore_mem>>)
    %dma_start3A_607 = arith.constant 8 : i32
    %dma_start3A_608 = arith.constant 0 : i32
    %dma_start3A_609 = arith.constant 0 : i32
    %dma_start3A_610 = arith.constant 0 : i32
    %dma_start3A_611 = tpu.memref_slice %arg11[%dma_start3A_608, %dma_start3A_609, %dma_start3A_610] : memref<4x128x16xi32, #tpu.memory_space<vmem>> -> memref<1x128x16xi32, #tpu.memory_space<vmem>>
    %dma_start3A_612 = tpu.memref_squeeze %dma_start3A_611 : memref<1x128x16xi32, #tpu.memory_space<vmem>> -> memref<128x16xi32, #tpu.memory_space<vmem>>
    %dma_start3A_613 = arith.constant 0 : i32
    %dma_start3A_614 = tpu.memref_slice %arg9[%dma_start3A_607, %dma_start3A_613] : memref<25x128xi32, #tpu.memory_space<vmem>> -> memref<1x128xi32, #tpu.memory_space<vmem>>
    %dma_start3A_615 = tpu.memref_squeeze %dma_start3A_614 : memref<1x128xi32, #tpu.memory_space<vmem>> -> memref<128xi32, #tpu.memory_space<vmem>>
    %dma_start3A_616 = arith.constant 0 : i32
    %dma_start3A_617 = arith.constant 0 : i32
    %dma_start3A_618 = tpu.memref_slice %arg5[%dma_start3A_616, %dma_start3A_617] : memref<1000x16xi32, #tpu.memory_space<hbm>> -> memref<1000x16xi32, #tpu.memory_space<hbm>>
    tpu.enqueue_indirect_dma source(%dma_start3A_618 : memref<1000x16xi32, #tpu.memory_space<hbm>>) target(%dma_start3A_612 : memref<128x16xi32, #tpu.memory_space<vmem>>) offsets(%dma_start3A_615 : memref<128xi32, #tpu.memory_space<vmem>>) semaphore(%arg12 : memref<!tpu.dma_semaphore, #tpu.memory_space<semaphore_mem>>)
    %dma_wait3A_619 = arith.constant 5 : i32
    %dma_wait3A_620 = arith.constant 1 : i32
    %dma_wait3A_621 = arith.constant 0 : i32
    %dma_wait3A_622 = arith.constant 0 : i32
    %dma_wait3A_623 = tpu.memref_slice %arg10[%dma_wait3A_620, %dma_wait3A_621, %dma_wait3A_622] : memref<4x128x64xf32, #tpu.memory_space<vmem>> -> memref<1x128x64xf32, #tpu.memory_space<vmem>>
    %dma_wait3A_624 = tpu.memref_squeeze %dma_wait3A_623 : memref<1x128x64xf32, #tpu.memory_space<vmem>> -> memref<128x64xf32, #tpu.memory_space<vmem>>
    %dma_wait3A_625 = arith.constant 0 : i32
    %dma_wait3A_626 = tpu.memref_slice %arg8[%dma_wait3A_619, %dma_wait3A_625] : memref<25x128xi32, #tpu.memory_space<vmem>> -> memref<1x128xi32, #tpu.memory_space<vmem>>
    %dma_wait3A_627 = tpu.memref_squeeze %dma_wait3A_626 : memref<1x128xi32, #tpu.memory_space<vmem>> -> memref<128xi32, #tpu.memory_space<vmem>>
    %dma_wait3A_628 = arith.constant 0 : i32
    %dma_wait3A_629 = arith.constant 0 : i32
    %dma_wait3A_630 = tpu.memref_slice %arg4[%dma_wait3A_628, %dma_wait3A_629] : memref<100000x64xf32, #tpu.memory_space<hbm>> -> memref<100000x64xf32, #tpu.memory_space<hbm>>
    tpu.wait_indirect_dma semaphore(%arg13 : memref<!tpu.dma_semaphore, #tpu.memory_space<semaphore_mem>>) src(%dma_wait3A_630 : memref<100000x64xf32, #tpu.memory_space<hbm>>) dst(%dma_wait3A_624 : memref<128x64xf32, #tpu.memory_space<vmem>>)
    %dma_wait3A_631 = arith.constant 5 : i32
    %dma_wait3A_632 = arith.constant 1 : i32
    %dma_wait3A_633 = arith.constant 0 : i32
    %dma_wait3A_634 = arith.constant 0 : i32
    %dma_wait3A_635 = tpu.memref_slice %arg11[%dma_wait3A_632, %dma_wait3A_633, %dma_wait3A_634] : memref<4x128x16xi32, #tpu.memory_space<vmem>> -> memref<1x128x16xi32, #tpu.memory_space<vmem>>
    %dma_wait3A_636 = tpu.memref_squeeze %dma_wait3A_635 : memref<1x128x16xi32, #tpu.memory_space<vmem>> -> memref<128x16xi32, #tpu.memory_space<vmem>>
    %dma_wait3A_637 = arith.constant 0 : i32
    %dma_wait3A_638 = tpu.memref_slice %arg9[%dma_wait3A_631, %dma_wait3A_637] : memref<25x128xi32, #tpu.memory_space<vmem>> -> memref<1x128xi32, #tpu.memory_space<vmem>>
    %dma_wait3A_639 = tpu.memref_squeeze %dma_wait3A_638 : memref<1x128xi32, #tpu.memory_space<vmem>> -> memref<128xi32, #tpu.memory_space<vmem>>
    %dma_wait3A_640 = arith.constant 0 : i32
    %dma_wait3A_641 = arith.constant 0 : i32
    %dma_wait3A_642 = tpu.memref_slice %arg5[%dma_wait3A_640, %dma_wait3A_641] : memref<1000x16xi32, #tpu.memory_space<hbm>> -> memref<1000x16xi32, #tpu.memory_space<hbm>>
    tpu.wait_indirect_dma semaphore(%arg13 : memref<!tpu.dma_semaphore, #tpu.memory_space<semaphore_mem>>) src(%dma_wait3A_642 : memref<1000x16xi32, #tpu.memory_space<hbm>>) dst(%dma_wait3A_636 : memref<128x16xi32, #tpu.memory_space<vmem>>)
    %add3A_643 = arith.constant 640 : i32
    %add3A_644 = arith.addi %mul3A_4, %add3A_643 : i32
    %dma_start3A_645 = arith.constant 1 : i32
    %dma_start3A_646 = arith.constant 0 : i32
    %dma_start3A_647 = arith.constant 0 : i32
    %dma_start3A_648 = tpu.memref_slice %arg10[%dma_start3A_645, %dma_start3A_646, %dma_start3A_647] : memref<4x128x64xf32, #tpu.memory_space<vmem>> -> memref<1x128x64xf32, #tpu.memory_space<vmem>>
    %dma_start3A_649 = tpu.memref_squeeze %dma_start3A_648 : memref<1x128x64xf32, #tpu.memory_space<vmem>> -> memref<128x64xf32, #tpu.memory_space<vmem>>
    %dma_start3A_650 = arith.constant 0 : i32
    %dma_start3A_651 = tpu.memref_slice %arg6[%add3A_644, %dma_start3A_650] : memref<102400x64xf32, #tpu.memory_space<hbm>> -> memref<128x64xf32, #tpu.memory_space<hbm>>
    %dma_start3A_652 = arith.constant 0 : i32
    %dma_start3A_653 = tpu.memref_slice %arg6[%add3A_644, %dma_start3A_652] : memref<102400x64xf32, #tpu.memory_space<hbm>> -> memref<128x64xf32, #tpu.memory_space<hbm>>
    %dma_start3A_654 = arith.constant 0 : i32
    %dma_start3A_655 = arith.constant 0 : i32
    %dma_start3A_656 = tpu.memref_slice %arg10[%dma_start3A_645, %dma_start3A_654, %dma_start3A_655] : memref<4x128x64xf32, #tpu.memory_space<vmem>> -> memref<1x128x64xf32, #tpu.memory_space<vmem>>
    %dma_start3A_657 = tpu.memref_squeeze %dma_start3A_656 : memref<1x128x64xf32, #tpu.memory_space<vmem>> -> memref<128x64xf32, #tpu.memory_space<vmem>>
    tpu.enqueue_dma source(%dma_start3A_657 : memref<128x64xf32, #tpu.memory_space<vmem>>) target(%dma_start3A_653 : memref<128x64xf32, #tpu.memory_space<hbm>>) target_semaphore(%arg17 : memref<!tpu.dma_semaphore, #tpu.memory_space<semaphore_mem>>)
    %add3A_658 = arith.constant 640 : i32
    %add3A_659 = arith.addi %mul3A_4, %add3A_658 : i32
    %dma_start3A_660 = arith.constant 1 : i32
    %dma_start3A_661 = arith.constant 0 : i32
    %dma_start3A_662 = arith.constant 0 : i32
    %dma_start3A_663 = tpu.memref_slice %arg11[%dma_start3A_660, %dma_start3A_661, %dma_start3A_662] : memref<4x128x16xi32, #tpu.memory_space<vmem>> -> memref<1x128x16xi32, #tpu.memory_space<vmem>>
    %dma_start3A_664 = tpu.memref_squeeze %dma_start3A_663 : memref<1x128x16xi32, #tpu.memory_space<vmem>> -> memref<128x16xi32, #tpu.memory_space<vmem>>
    %dma_start3A_665 = arith.constant 0 : i32
    %dma_start3A_666 = tpu.memref_slice %arg7[%add3A_659, %dma_start3A_665] : memref<102400x16xi32, #tpu.memory_space<hbm>> -> memref<128x16xi32, #tpu.memory_space<hbm>>
    %dma_start3A_667 = arith.constant 0 : i32
    %dma_start3A_668 = tpu.memref_slice %arg7[%add3A_659, %dma_start3A_667] : memref<102400x16xi32, #tpu.memory_space<hbm>> -> memref<128x16xi32, #tpu.memory_space<hbm>>
    %dma_start3A_669 = arith.constant 0 : i32
    %dma_start3A_670 = arith.constant 0 : i32
    %dma_start3A_671 = tpu.memref_slice %arg11[%dma_start3A_660, %dma_start3A_669, %dma_start3A_670] : memref<4x128x16xi32, #tpu.memory_space<vmem>> -> memref<1x128x16xi32, #tpu.memory_space<vmem>>
    %dma_start3A_672 = tpu.memref_squeeze %dma_start3A_671 : memref<1x128x16xi32, #tpu.memory_space<vmem>> -> memref<128x16xi32, #tpu.memory_space<vmem>>
    tpu.enqueue_dma source(%dma_start3A_672 : memref<128x16xi32, #tpu.memory_space<vmem>>) target(%dma_start3A_668 : memref<128x16xi32, #tpu.memory_space<hbm>>) target_semaphore(%arg17 : memref<!tpu.dma_semaphore, #tpu.memory_space<semaphore_mem>>)
    %dma_wait3A_673 = arith.constant 1 : i32
    %dma_wait3A_674 = arith.constant 0 : i32
    %dma_wait3A_675 = arith.constant 0 : i32
    %dma_wait3A_676 = tpu.memref_slice %arg10[%dma_wait3A_673, %dma_wait3A_674, %dma_wait3A_675] : memref<4x128x64xf32, #tpu.memory_space<vmem>> -> memref<1x128x64xf32, #tpu.memory_space<vmem>>
    %dma_wait3A_677 = tpu.memref_squeeze %dma_wait3A_676 : memref<1x128x64xf32, #tpu.memory_space<vmem>> -> memref<128x64xf32, #tpu.memory_space<vmem>>
    %dma_wait3A_678 = arith.constant 0 : i32
    %dma_wait3A_679 = tpu.memref_slice %arg6[%add3A_644, %dma_wait3A_678] : memref<102400x64xf32, #tpu.memory_space<hbm>> -> memref<128x64xf32, #tpu.memory_space<hbm>>
    %dma_wait3A_680 = arith.constant 0 : i32
    %dma_wait3A_681 = tpu.memref_slice %arg6[%add3A_644, %dma_wait3A_680] : memref<102400x64xf32, #tpu.memory_space<hbm>> -> memref<128x64xf32, #tpu.memory_space<hbm>>
    %dma_wait3A_682 = arith.constant 0 : i32
    %dma_wait3A_683 = arith.constant 0 : i32
    %dma_wait3A_684 = tpu.memref_slice %arg10[%dma_wait3A_673, %dma_wait3A_682, %dma_wait3A_683] : memref<4x128x64xf32, #tpu.memory_space<vmem>> -> memref<1x128x64xf32, #tpu.memory_space<vmem>>
    %dma_wait3A_685 = tpu.memref_squeeze %dma_wait3A_684 : memref<1x128x64xf32, #tpu.memory_space<vmem>> -> memref<128x64xf32, #tpu.memory_space<vmem>>
    tpu.wait_dma2 semaphore(%arg17 : memref<!tpu.dma_semaphore, #tpu.memory_space<semaphore_mem>>) src(%dma_wait3A_685 : memref<128x64xf32, #tpu.memory_space<vmem>>) dst(%dma_wait3A_681 : memref<128x64xf32, #tpu.memory_space<hbm>>)
    %dma_wait3A_686 = arith.constant 1 : i32
    %dma_wait3A_687 = arith.constant 0 : i32
    %dma_wait3A_688 = arith.constant 0 : i32
    %dma_wait3A_689 = tpu.memref_slice %arg11[%dma_wait3A_686, %dma_wait3A_687, %dma_wait3A_688] : memref<4x128x16xi32, #tpu.memory_space<vmem>> -> memref<1x128x16xi32, #tpu.memory_space<vmem>>
    %dma_wait3A_690 = tpu.memref_squeeze %dma_wait3A_689 : memref<1x128x16xi32, #tpu.memory_space<vmem>> -> memref<128x16xi32, #tpu.memory_space<vmem>>
    %dma_wait3A_691 = arith.constant 0 : i32
    %dma_wait3A_692 = tpu.memref_slice %arg7[%add3A_659, %dma_wait3A_691] : memref<102400x16xi32, #tpu.memory_space<hbm>> -> memref<128x16xi32, #tpu.memory_space<hbm>>
    %dma_wait3A_693 = arith.constant 0 : i32
    %dma_wait3A_694 = tpu.memref_slice %arg7[%add3A_659, %dma_wait3A_693] : memref<102400x16xi32, #tpu.memory_space<hbm>> -> memref<128x16xi32, #tpu.memory_space<hbm>>
    %dma_wait3A_695 = arith.constant 0 : i32
    %dma_wait3A_696 = arith.constant 0 : i32
    %dma_wait3A_697 = tpu.memref_slice %arg11[%dma_wait3A_686, %dma_wait3A_695, %dma_wait3A_696] : memref<4x128x16xi32, #tpu.memory_space<vmem>> -> memref<1x128x16xi32, #tpu.memory_space<vmem>>
    %dma_wait3A_698 = tpu.memref_squeeze %dma_wait3A_697 : memref<1x128x16xi32, #tpu.memory_space<vmem>> -> memref<128x16xi32, #tpu.memory_space<vmem>>
    tpu.wait_dma2 semaphore(%arg17 : memref<!tpu.dma_semaphore, #tpu.memory_space<semaphore_mem>>) src(%dma_wait3A_698 : memref<128x16xi32, #tpu.memory_space<vmem>>) dst(%dma_wait3A_694 : memref<128x16xi32, #tpu.memory_space<hbm>>)
    %dma_start3A_699 = arith.constant 9 : i32
    %dma_start3A_700 = arith.constant 1 : i32
    %dma_start3A_701 = arith.constant 0 : i32
    %dma_start3A_702 = arith.constant 0 : i32
    %dma_start3A_703 = tpu.memref_slice %arg10[%dma_start3A_700, %dma_start3A_701, %dma_start3A_702] : memref<4x128x64xf32, #tpu.memory_space<vmem>> -> memref<1x128x64xf32, #tpu.memory_space<vmem>>
    %dma_start3A_704 = tpu.memref_squeeze %dma_start3A_703 : memref<1x128x64xf32, #tpu.memory_space<vmem>> -> memref<128x64xf32, #tpu.memory_space<vmem>>
    %dma_start3A_705 = arith.constant 0 : i32
    %dma_start3A_706 = tpu.memref_slice %arg8[%dma_start3A_699, %dma_start3A_705] : memref<25x128xi32, #tpu.memory_space<vmem>> -> memref<1x128xi32, #tpu.memory_space<vmem>>
    %dma_start3A_707 = tpu.memref_squeeze %dma_start3A_706 : memref<1x128xi32, #tpu.memory_space<vmem>> -> memref<128xi32, #tpu.memory_space<vmem>>
    %dma_start3A_708 = arith.constant 0 : i32
    %dma_start3A_709 = arith.constant 0 : i32
    %dma_start3A_710 = tpu.memref_slice %arg4[%dma_start3A_708, %dma_start3A_709] : memref<100000x64xf32, #tpu.memory_space<hbm>> -> memref<100000x64xf32, #tpu.memory_space<hbm>>
    tpu.enqueue_indirect_dma source(%dma_start3A_710 : memref<100000x64xf32, #tpu.memory_space<hbm>>) target(%dma_start3A_704 : memref<128x64xf32, #tpu.memory_space<vmem>>) offsets(%dma_start3A_707 : memref<128xi32, #tpu.memory_space<vmem>>) semaphore(%arg13 : memref<!tpu.dma_semaphore, #tpu.memory_space<semaphore_mem>>)
    %dma_start3A_711 = arith.constant 9 : i32
    %dma_start3A_712 = arith.constant 1 : i32
    %dma_start3A_713 = arith.constant 0 : i32
    %dma_start3A_714 = arith.constant 0 : i32
    %dma_start3A_715 = tpu.memref_slice %arg11[%dma_start3A_712, %dma_start3A_713, %dma_start3A_714] : memref<4x128x16xi32, #tpu.memory_space<vmem>> -> memref<1x128x16xi32, #tpu.memory_space<vmem>>
    %dma_start3A_716 = tpu.memref_squeeze %dma_start3A_715 : memref<1x128x16xi32, #tpu.memory_space<vmem>> -> memref<128x16xi32, #tpu.memory_space<vmem>>
    %dma_start3A_717 = arith.constant 0 : i32
    %dma_start3A_718 = tpu.memref_slice %arg9[%dma_start3A_711, %dma_start3A_717] : memref<25x128xi32, #tpu.memory_space<vmem>> -> memref<1x128xi32, #tpu.memory_space<vmem>>
    %dma_start3A_719 = tpu.memref_squeeze %dma_start3A_718 : memref<1x128xi32, #tpu.memory_space<vmem>> -> memref<128xi32, #tpu.memory_space<vmem>>
    %dma_start3A_720 = arith.constant 0 : i32
    %dma_start3A_721 = arith.constant 0 : i32
    %dma_start3A_722 = tpu.memref_slice %arg5[%dma_start3A_720, %dma_start3A_721] : memref<1000x16xi32, #tpu.memory_space<hbm>> -> memref<1000x16xi32, #tpu.memory_space<hbm>>
    tpu.enqueue_indirect_dma source(%dma_start3A_722 : memref<1000x16xi32, #tpu.memory_space<hbm>>) target(%dma_start3A_716 : memref<128x16xi32, #tpu.memory_space<vmem>>) offsets(%dma_start3A_719 : memref<128xi32, #tpu.memory_space<vmem>>) semaphore(%arg13 : memref<!tpu.dma_semaphore, #tpu.memory_space<semaphore_mem>>)
    %dma_wait3A_723 = arith.constant 6 : i32
    %dma_wait3A_724 = arith.constant 2 : i32
    %dma_wait3A_725 = arith.constant 0 : i32
    %dma_wait3A_726 = arith.constant 0 : i32
    %dma_wait3A_727 = tpu.memref_slice %arg10[%dma_wait3A_724, %dma_wait3A_725, %dma_wait3A_726] : memref<4x128x64xf32, #tpu.memory_space<vmem>> -> memref<1x128x64xf32, #tpu.memory_space<vmem>>
    %dma_wait3A_728 = tpu.memref_squeeze %dma_wait3A_727 : memref<1x128x64xf32, #tpu.memory_space<vmem>> -> memref<128x64xf32, #tpu.memory_space<vmem>>
    %dma_wait3A_729 = arith.constant 0 : i32
    %dma_wait3A_730 = tpu.memref_slice %arg8[%dma_wait3A_723, %dma_wait3A_729] : memref<25x128xi32, #tpu.memory_space<vmem>> -> memref<1x128xi32, #tpu.memory_space<vmem>>
    %dma_wait3A_731 = tpu.memref_squeeze %dma_wait3A_730 : memref<1x128xi32, #tpu.memory_space<vmem>> -> memref<128xi32, #tpu.memory_space<vmem>>
    %dma_wait3A_732 = arith.constant 0 : i32
    %dma_wait3A_733 = arith.constant 0 : i32
    %dma_wait3A_734 = tpu.memref_slice %arg4[%dma_wait3A_732, %dma_wait3A_733] : memref<100000x64xf32, #tpu.memory_space<hbm>> -> memref<100000x64xf32, #tpu.memory_space<hbm>>
    tpu.wait_indirect_dma semaphore(%arg14 : memref<!tpu.dma_semaphore, #tpu.memory_space<semaphore_mem>>) src(%dma_wait3A_734 : memref<100000x64xf32, #tpu.memory_space<hbm>>) dst(%dma_wait3A_728 : memref<128x64xf32, #tpu.memory_space<vmem>>)
    %dma_wait3A_735 = arith.constant 6 : i32
    %dma_wait3A_736 = arith.constant 2 : i32
    %dma_wait3A_737 = arith.constant 0 : i32
    %dma_wait3A_738 = arith.constant 0 : i32
    %dma_wait3A_739 = tpu.memref_slice %arg11[%dma_wait3A_736, %dma_wait3A_737, %dma_wait3A_738] : memref<4x128x16xi32, #tpu.memory_space<vmem>> -> memref<1x128x16xi32, #tpu.memory_space<vmem>>
    %dma_wait3A_740 = tpu.memref_squeeze %dma_wait3A_739 : memref<1x128x16xi32, #tpu.memory_space<vmem>> -> memref<128x16xi32, #tpu.memory_space<vmem>>
    %dma_wait3A_741 = arith.constant 0 : i32
    %dma_wait3A_742 = tpu.memref_slice %arg9[%dma_wait3A_735, %dma_wait3A_741] : memref<25x128xi32, #tpu.memory_space<vmem>> -> memref<1x128xi32, #tpu.memory_space<vmem>>
    %dma_wait3A_743 = tpu.memref_squeeze %dma_wait3A_742 : memref<1x128xi32, #tpu.memory_space<vmem>> -> memref<128xi32, #tpu.memory_space<vmem>>
    %dma_wait3A_744 = arith.constant 0 : i32
    %dma_wait3A_745 = arith.constant 0 : i32
    %dma_wait3A_746 = tpu.memref_slice %arg5[%dma_wait3A_744, %dma_wait3A_745] : memref<1000x16xi32, #tpu.memory_space<hbm>> -> memref<1000x16xi32, #tpu.memory_space<hbm>>
    tpu.wait_indirect_dma semaphore(%arg14 : memref<!tpu.dma_semaphore, #tpu.memory_space<semaphore_mem>>) src(%dma_wait3A_746 : memref<1000x16xi32, #tpu.memory_space<hbm>>) dst(%dma_wait3A_740 : memref<128x16xi32, #tpu.memory_space<vmem>>)
    %add3A_747 = arith.constant 768 : i32
    %add3A_748 = arith.addi %mul3A_4, %add3A_747 : i32
    %dma_start3A_749 = arith.constant 2 : i32
    %dma_start3A_750 = arith.constant 0 : i32
    %dma_start3A_751 = arith.constant 0 : i32
    %dma_start3A_752 = tpu.memref_slice %arg10[%dma_start3A_749, %dma_start3A_750, %dma_start3A_751] : memref<4x128x64xf32, #tpu.memory_space<vmem>> -> memref<1x128x64xf32, #tpu.memory_space<vmem>>
    %dma_start3A_753 = tpu.memref_squeeze %dma_start3A_752 : memref<1x128x64xf32, #tpu.memory_space<vmem>> -> memref<128x64xf32, #tpu.memory_space<vmem>>
    %dma_start3A_754 = arith.constant 0 : i32
    %dma_start3A_755 = tpu.memref_slice %arg6[%add3A_748, %dma_start3A_754] : memref<102400x64xf32, #tpu.memory_space<hbm>> -> memref<128x64xf32, #tpu.memory_space<hbm>>
    %dma_start3A_756 = arith.constant 0 : i32
    %dma_start3A_757 = tpu.memref_slice %arg6[%add3A_748, %dma_start3A_756] : memref<102400x64xf32, #tpu.memory_space<hbm>> -> memref<128x64xf32, #tpu.memory_space<hbm>>
    %dma_start3A_758 = arith.constant 0 : i32
    %dma_start3A_759 = arith.constant 0 : i32
    %dma_start3A_760 = tpu.memref_slice %arg10[%dma_start3A_749, %dma_start3A_758, %dma_start3A_759] : memref<4x128x64xf32, #tpu.memory_space<vmem>> -> memref<1x128x64xf32, #tpu.memory_space<vmem>>
    %dma_start3A_761 = tpu.memref_squeeze %dma_start3A_760 : memref<1x128x64xf32, #tpu.memory_space<vmem>> -> memref<128x64xf32, #tpu.memory_space<vmem>>
    tpu.enqueue_dma source(%dma_start3A_761 : memref<128x64xf32, #tpu.memory_space<vmem>>) target(%dma_start3A_757 : memref<128x64xf32, #tpu.memory_space<hbm>>) target_semaphore(%arg18 : memref<!tpu.dma_semaphore, #tpu.memory_space<semaphore_mem>>)
    %add3A_762 = arith.constant 768 : i32
    %add3A_763 = arith.addi %mul3A_4, %add3A_762 : i32
    %dma_start3A_764 = arith.constant 2 : i32
    %dma_start3A_765 = arith.constant 0 : i32
    %dma_start3A_766 = arith.constant 0 : i32
    %dma_start3A_767 = tpu.memref_slice %arg11[%dma_start3A_764, %dma_start3A_765, %dma_start3A_766] : memref<4x128x16xi32, #tpu.memory_space<vmem>> -> memref<1x128x16xi32, #tpu.memory_space<vmem>>
    %dma_start3A_768 = tpu.memref_squeeze %dma_start3A_767 : memref<1x128x16xi32, #tpu.memory_space<vmem>> -> memref<128x16xi32, #tpu.memory_space<vmem>>
    %dma_start3A_769 = arith.constant 0 : i32
    %dma_start3A_770 = tpu.memref_slice %arg7[%add3A_763, %dma_start3A_769] : memref<102400x16xi32, #tpu.memory_space<hbm>> -> memref<128x16xi32, #tpu.memory_space<hbm>>
    %dma_start3A_771 = arith.constant 0 : i32
    %dma_start3A_772 = tpu.memref_slice %arg7[%add3A_763, %dma_start3A_771] : memref<102400x16xi32, #tpu.memory_space<hbm>> -> memref<128x16xi32, #tpu.memory_space<hbm>>
    %dma_start3A_773 = arith.constant 0 : i32
    %dma_start3A_774 = arith.constant 0 : i32
    %dma_start3A_775 = tpu.memref_slice %arg11[%dma_start3A_764, %dma_start3A_773, %dma_start3A_774] : memref<4x128x16xi32, #tpu.memory_space<vmem>> -> memref<1x128x16xi32, #tpu.memory_space<vmem>>
    %dma_start3A_776 = tpu.memref_squeeze %dma_start3A_775 : memref<1x128x16xi32, #tpu.memory_space<vmem>> -> memref<128x16xi32, #tpu.memory_space<vmem>>
    tpu.enqueue_dma source(%dma_start3A_776 : memref<128x16xi32, #tpu.memory_space<vmem>>) target(%dma_start3A_772 : memref<128x16xi32, #tpu.memory_space<hbm>>) target_semaphore(%arg18 : memref<!tpu.dma_semaphore, #tpu.memory_space<semaphore_mem>>)
    %dma_wait3A_777 = arith.constant 2 : i32
    %dma_wait3A_778 = arith.constant 0 : i32
    %dma_wait3A_779 = arith.constant 0 : i32
    %dma_wait3A_780 = tpu.memref_slice %arg10[%dma_wait3A_777, %dma_wait3A_778, %dma_wait3A_779] : memref<4x128x64xf32, #tpu.memory_space<vmem>> -> memref<1x128x64xf32, #tpu.memory_space<vmem>>
    %dma_wait3A_781 = tpu.memref_squeeze %dma_wait3A_780 : memref<1x128x64xf32, #tpu.memory_space<vmem>> -> memref<128x64xf32, #tpu.memory_space<vmem>>
    %dma_wait3A_782 = arith.constant 0 : i32
    %dma_wait3A_783 = tpu.memref_slice %arg6[%add3A_748, %dma_wait3A_782] : memref<102400x64xf32, #tpu.memory_space<hbm>> -> memref<128x64xf32, #tpu.memory_space<hbm>>
    %dma_wait3A_784 = arith.constant 0 : i32
    %dma_wait3A_785 = tpu.memref_slice %arg6[%add3A_748, %dma_wait3A_784] : memref<102400x64xf32, #tpu.memory_space<hbm>> -> memref<128x64xf32, #tpu.memory_space<hbm>>
    %dma_wait3A_786 = arith.constant 0 : i32
    %dma_wait3A_787 = arith.constant 0 : i32
    %dma_wait3A_788 = tpu.memref_slice %arg10[%dma_wait3A_777, %dma_wait3A_786, %dma_wait3A_787] : memref<4x128x64xf32, #tpu.memory_space<vmem>> -> memref<1x128x64xf32, #tpu.memory_space<vmem>>
    %dma_wait3A_789 = tpu.memref_squeeze %dma_wait3A_788 : memref<1x128x64xf32, #tpu.memory_space<vmem>> -> memref<128x64xf32, #tpu.memory_space<vmem>>
    tpu.wait_dma2 semaphore(%arg18 : memref<!tpu.dma_semaphore, #tpu.memory_space<semaphore_mem>>) src(%dma_wait3A_789 : memref<128x64xf32, #tpu.memory_space<vmem>>) dst(%dma_wait3A_785 : memref<128x64xf32, #tpu.memory_space<hbm>>)
    %dma_wait3A_790 = arith.constant 2 : i32
    %dma_wait3A_791 = arith.constant 0 : i32
    %dma_wait3A_792 = arith.constant 0 : i32
    %dma_wait3A_793 = tpu.memref_slice %arg11[%dma_wait3A_790, %dma_wait3A_791, %dma_wait3A_792] : memref<4x128x16xi32, #tpu.memory_space<vmem>> -> memref<1x128x16xi32, #tpu.memory_space<vmem>>
    %dma_wait3A_794 = tpu.memref_squeeze %dma_wait3A_793 : memref<1x128x16xi32, #tpu.memory_space<vmem>> -> memref<128x16xi32, #tpu.memory_space<vmem>>
    %dma_wait3A_795 = arith.constant 0 : i32
    %dma_wait3A_796 = tpu.memref_slice %arg7[%add3A_763, %dma_wait3A_795] : memref<102400x16xi32, #tpu.memory_space<hbm>> -> memref<128x16xi32, #tpu.memory_space<hbm>>
    %dma_wait3A_797 = arith.constant 0 : i32
    %dma_wait3A_798 = tpu.memref_slice %arg7[%add3A_763, %dma_wait3A_797] : memref<102400x16xi32, #tpu.memory_space<hbm>> -> memref<128x16xi32, #tpu.memory_space<hbm>>
    %dma_wait3A_799 = arith.constant 0 : i32
    %dma_wait3A_800 = arith.constant 0 : i32
    %dma_wait3A_801 = tpu.memref_slice %arg11[%dma_wait3A_790, %dma_wait3A_799, %dma_wait3A_800] : memref<4x128x16xi32, #tpu.memory_space<vmem>> -> memref<1x128x16xi32, #tpu.memory_space<vmem>>
    %dma_wait3A_802 = tpu.memref_squeeze %dma_wait3A_801 : memref<1x128x16xi32, #tpu.memory_space<vmem>> -> memref<128x16xi32, #tpu.memory_space<vmem>>
    tpu.wait_dma2 semaphore(%arg18 : memref<!tpu.dma_semaphore, #tpu.memory_space<semaphore_mem>>) src(%dma_wait3A_802 : memref<128x16xi32, #tpu.memory_space<vmem>>) dst(%dma_wait3A_798 : memref<128x16xi32, #tpu.memory_space<hbm>>)
    %dma_start3A_803 = arith.constant 10 : i32
    %dma_start3A_804 = arith.constant 2 : i32
    %dma_start3A_805 = arith.constant 0 : i32
    %dma_start3A_806 = arith.constant 0 : i32
    %dma_start3A_807 = tpu.memref_slice %arg10[%dma_start3A_804, %dma_start3A_805, %dma_start3A_806] : memref<4x128x64xf32, #tpu.memory_space<vmem>> -> memref<1x128x64xf32, #tpu.memory_space<vmem>>
    %dma_start3A_808 = tpu.memref_squeeze %dma_start3A_807 : memref<1x128x64xf32, #tpu.memory_space<vmem>> -> memref<128x64xf32, #tpu.memory_space<vmem>>
    %dma_start3A_809 = arith.constant 0 : i32
    %dma_start3A_810 = tpu.memref_slice %arg8[%dma_start3A_803, %dma_start3A_809] : memref<25x128xi32, #tpu.memory_space<vmem>> -> memref<1x128xi32, #tpu.memory_space<vmem>>
    %dma_start3A_811 = tpu.memref_squeeze %dma_start3A_810 : memref<1x128xi32, #tpu.memory_space<vmem>> -> memref<128xi32, #tpu.memory_space<vmem>>
    %dma_start3A_812 = arith.constant 0 : i32
    %dma_start3A_813 = arith.constant 0 : i32
    %dma_start3A_814 = tpu.memref_slice %arg4[%dma_start3A_812, %dma_start3A_813] : memref<100000x64xf32, #tpu.memory_space<hbm>> -> memref<100000x64xf32, #tpu.memory_space<hbm>>
    tpu.enqueue_indirect_dma source(%dma_start3A_814 : memref<100000x64xf32, #tpu.memory_space<hbm>>) target(%dma_start3A_808 : memref<128x64xf32, #tpu.memory_space<vmem>>) offsets(%dma_start3A_811 : memref<128xi32, #tpu.memory_space<vmem>>) semaphore(%arg14 : memref<!tpu.dma_semaphore, #tpu.memory_space<semaphore_mem>>)
    %dma_start3A_815 = arith.constant 10 : i32
    %dma_start3A_816 = arith.constant 2 : i32
    %dma_start3A_817 = arith.constant 0 : i32
    %dma_start3A_818 = arith.constant 0 : i32
    %dma_start3A_819 = tpu.memref_slice %arg11[%dma_start3A_816, %dma_start3A_817, %dma_start3A_818] : memref<4x128x16xi32, #tpu.memory_space<vmem>> -> memref<1x128x16xi32, #tpu.memory_space<vmem>>
    %dma_start3A_820 = tpu.memref_squeeze %dma_start3A_819 : memref<1x128x16xi32, #tpu.memory_space<vmem>> -> memref<128x16xi32, #tpu.memory_space<vmem>>
    %dma_start3A_821 = arith.constant 0 : i32
    %dma_start3A_822 = tpu.memref_slice %arg9[%dma_start3A_815, %dma_start3A_821] : memref<25x128xi32, #tpu.memory_space<vmem>> -> memref<1x128xi32, #tpu.memory_space<vmem>>
    %dma_start3A_823 = tpu.memref_squeeze %dma_start3A_822 : memref<1x128xi32, #tpu.memory_space<vmem>> -> memref<128xi32, #tpu.memory_space<vmem>>
    %dma_start3A_824 = arith.constant 0 : i32
    %dma_start3A_825 = arith.constant 0 : i32
    %dma_start3A_826 = tpu.memref_slice %arg5[%dma_start3A_824, %dma_start3A_825] : memref<1000x16xi32, #tpu.memory_space<hbm>> -> memref<1000x16xi32, #tpu.memory_space<hbm>>
    tpu.enqueue_indirect_dma source(%dma_start3A_826 : memref<1000x16xi32, #tpu.memory_space<hbm>>) target(%dma_start3A_820 : memref<128x16xi32, #tpu.memory_space<vmem>>) offsets(%dma_start3A_823 : memref<128xi32, #tpu.memory_space<vmem>>) semaphore(%arg14 : memref<!tpu.dma_semaphore, #tpu.memory_space<semaphore_mem>>)
    %dma_wait3A_827 = arith.constant 7 : i32
    %dma_wait3A_828 = arith.constant 3 : i32
    %dma_wait3A_829 = arith.constant 0 : i32
    %dma_wait3A_830 = arith.constant 0 : i32
    %dma_wait3A_831 = tpu.memref_slice %arg10[%dma_wait3A_828, %dma_wait3A_829, %dma_wait3A_830] : memref<4x128x64xf32, #tpu.memory_space<vmem>> -> memref<1x128x64xf32, #tpu.memory_space<vmem>>
    %dma_wait3A_832 = tpu.memref_squeeze %dma_wait3A_831 : memref<1x128x64xf32, #tpu.memory_space<vmem>> -> memref<128x64xf32, #tpu.memory_space<vmem>>
    %dma_wait3A_833 = arith.constant 0 : i32
    %dma_wait3A_834 = tpu.memref_slice %arg8[%dma_wait3A_827, %dma_wait3A_833] : memref<25x128xi32, #tpu.memory_space<vmem>> -> memref<1x128xi32, #tpu.memory_space<vmem>>
    %dma_wait3A_835 = tpu.memref_squeeze %dma_wait3A_834 : memref<1x128xi32, #tpu.memory_space<vmem>> -> memref<128xi32, #tpu.memory_space<vmem>>
    %dma_wait3A_836 = arith.constant 0 : i32
    %dma_wait3A_837 = arith.constant 0 : i32
    %dma_wait3A_838 = tpu.memref_slice %arg4[%dma_wait3A_836, %dma_wait3A_837] : memref<100000x64xf32, #tpu.memory_space<hbm>> -> memref<100000x64xf32, #tpu.memory_space<hbm>>
    tpu.wait_indirect_dma semaphore(%arg15 : memref<!tpu.dma_semaphore, #tpu.memory_space<semaphore_mem>>) src(%dma_wait3A_838 : memref<100000x64xf32, #tpu.memory_space<hbm>>) dst(%dma_wait3A_832 : memref<128x64xf32, #tpu.memory_space<vmem>>)
    %dma_wait3A_839 = arith.constant 7 : i32
    %dma_wait3A_840 = arith.constant 3 : i32
    %dma_wait3A_841 = arith.constant 0 : i32
    %dma_wait3A_842 = arith.constant 0 : i32
    %dma_wait3A_843 = tpu.memref_slice %arg11[%dma_wait3A_840, %dma_wait3A_841, %dma_wait3A_842] : memref<4x128x16xi32, #tpu.memory_space<vmem>> -> memref<1x128x16xi32, #tpu.memory_space<vmem>>
    %dma_wait3A_844 = tpu.memref_squeeze %dma_wait3A_843 : memref<1x128x16xi32, #tpu.memory_space<vmem>> -> memref<128x16xi32, #tpu.memory_space<vmem>>
    %dma_wait3A_845 = arith.constant 0 : i32
    %dma_wait3A_846 = tpu.memref_slice %arg9[%dma_wait3A_839, %dma_wait3A_845] : memref<25x128xi32, #tpu.memory_space<vmem>> -> memref<1x128xi32, #tpu.memory_space<vmem>>
    %dma_wait3A_847 = tpu.memref_squeeze %dma_wait3A_846 : memref<1x128xi32, #tpu.memory_space<vmem>> -> memref<128xi32, #tpu.memory_space<vmem>>
    %dma_wait3A_848 = arith.constant 0 : i32
    %dma_wait3A_849 = arith.constant 0 : i32
    %dma_wait3A_850 = tpu.memref_slice %arg5[%dma_wait3A_848, %dma_wait3A_849] : memref<1000x16xi32, #tpu.memory_space<hbm>> -> memref<1000x16xi32, #tpu.memory_space<hbm>>
    tpu.wait_indirect_dma semaphore(%arg15 : memref<!tpu.dma_semaphore, #tpu.memory_space<semaphore_mem>>) src(%dma_wait3A_850 : memref<1000x16xi32, #tpu.memory_space<hbm>>) dst(%dma_wait3A_844 : memref<128x16xi32, #tpu.memory_space<vmem>>)
    %add3A_851 = arith.constant 896 : i32
    %add3A_852 = arith.addi %mul3A_4, %add3A_851 : i32
    %dma_start3A_853 = arith.constant 3 : i32
    %dma_start3A_854 = arith.constant 0 : i32
    %dma_start3A_855 = arith.constant 0 : i32
    %dma_start3A_856 = tpu.memref_slice %arg10[%dma_start3A_853, %dma_start3A_854, %dma_start3A_855] : memref<4x128x64xf32, #tpu.memory_space<vmem>> -> memref<1x128x64xf32, #tpu.memory_space<vmem>>
    %dma_start3A_857 = tpu.memref_squeeze %dma_start3A_856 : memref<1x128x64xf32, #tpu.memory_space<vmem>> -> memref<128x64xf32, #tpu.memory_space<vmem>>
    %dma_start3A_858 = arith.constant 0 : i32
    %dma_start3A_859 = tpu.memref_slice %arg6[%add3A_852, %dma_start3A_858] : memref<102400x64xf32, #tpu.memory_space<hbm>> -> memref<128x64xf32, #tpu.memory_space<hbm>>
    %dma_start3A_860 = arith.constant 0 : i32
    %dma_start3A_861 = tpu.memref_slice %arg6[%add3A_852, %dma_start3A_860] : memref<102400x64xf32, #tpu.memory_space<hbm>> -> memref<128x64xf32, #tpu.memory_space<hbm>>
    %dma_start3A_862 = arith.constant 0 : i32
    %dma_start3A_863 = arith.constant 0 : i32
    %dma_start3A_864 = tpu.memref_slice %arg10[%dma_start3A_853, %dma_start3A_862, %dma_start3A_863] : memref<4x128x64xf32, #tpu.memory_space<vmem>> -> memref<1x128x64xf32, #tpu.memory_space<vmem>>
    %dma_start3A_865 = tpu.memref_squeeze %dma_start3A_864 : memref<1x128x64xf32, #tpu.memory_space<vmem>> -> memref<128x64xf32, #tpu.memory_space<vmem>>
    tpu.enqueue_dma source(%dma_start3A_865 : memref<128x64xf32, #tpu.memory_space<vmem>>) target(%dma_start3A_861 : memref<128x64xf32, #tpu.memory_space<hbm>>) target_semaphore(%arg19 : memref<!tpu.dma_semaphore, #tpu.memory_space<semaphore_mem>>)
    %add3A_866 = arith.constant 896 : i32
    %add3A_867 = arith.addi %mul3A_4, %add3A_866 : i32
    %dma_start3A_868 = arith.constant 3 : i32
    %dma_start3A_869 = arith.constant 0 : i32
    %dma_start3A_870 = arith.constant 0 : i32
    %dma_start3A_871 = tpu.memref_slice %arg11[%dma_start3A_868, %dma_start3A_869, %dma_start3A_870] : memref<4x128x16xi32, #tpu.memory_space<vmem>> -> memref<1x128x16xi32, #tpu.memory_space<vmem>>
    %dma_start3A_872 = tpu.memref_squeeze %dma_start3A_871 : memref<1x128x16xi32, #tpu.memory_space<vmem>> -> memref<128x16xi32, #tpu.memory_space<vmem>>
    %dma_start3A_873 = arith.constant 0 : i32
    %dma_start3A_874 = tpu.memref_slice %arg7[%add3A_867, %dma_start3A_873] : memref<102400x16xi32, #tpu.memory_space<hbm>> -> memref<128x16xi32, #tpu.memory_space<hbm>>
    %dma_start3A_875 = arith.constant 0 : i32
    %dma_start3A_876 = tpu.memref_slice %arg7[%add3A_867, %dma_start3A_875] : memref<102400x16xi32, #tpu.memory_space<hbm>> -> memref<128x16xi32, #tpu.memory_space<hbm>>
    %dma_start3A_877 = arith.constant 0 : i32
    %dma_start3A_878 = arith.constant 0 : i32
    %dma_start3A_879 = tpu.memref_slice %arg11[%dma_start3A_868, %dma_start3A_877, %dma_start3A_878] : memref<4x128x16xi32, #tpu.memory_space<vmem>> -> memref<1x128x16xi32, #tpu.memory_space<vmem>>
    %dma_start3A_880 = tpu.memref_squeeze %dma_start3A_879 : memref<1x128x16xi32, #tpu.memory_space<vmem>> -> memref<128x16xi32, #tpu.memory_space<vmem>>
    tpu.enqueue_dma source(%dma_start3A_880 : memref<128x16xi32, #tpu.memory_space<vmem>>) target(%dma_start3A_876 : memref<128x16xi32, #tpu.memory_space<hbm>>) target_semaphore(%arg19 : memref<!tpu.dma_semaphore, #tpu.memory_space<semaphore_mem>>)
    %dma_wait3A_881 = arith.constant 3 : i32
    %dma_wait3A_882 = arith.constant 0 : i32
    %dma_wait3A_883 = arith.constant 0 : i32
    %dma_wait3A_884 = tpu.memref_slice %arg10[%dma_wait3A_881, %dma_wait3A_882, %dma_wait3A_883] : memref<4x128x64xf32, #tpu.memory_space<vmem>> -> memref<1x128x64xf32, #tpu.memory_space<vmem>>
    %dma_wait3A_885 = tpu.memref_squeeze %dma_wait3A_884 : memref<1x128x64xf32, #tpu.memory_space<vmem>> -> memref<128x64xf32, #tpu.memory_space<vmem>>
    %dma_wait3A_886 = arith.constant 0 : i32
    %dma_wait3A_887 = tpu.memref_slice %arg6[%add3A_852, %dma_wait3A_886] : memref<102400x64xf32, #tpu.memory_space<hbm>> -> memref<128x64xf32, #tpu.memory_space<hbm>>
    %dma_wait3A_888 = arith.constant 0 : i32
    %dma_wait3A_889 = tpu.memref_slice %arg6[%add3A_852, %dma_wait3A_888] : memref<102400x64xf32, #tpu.memory_space<hbm>> -> memref<128x64xf32, #tpu.memory_space<hbm>>
    %dma_wait3A_890 = arith.constant 0 : i32
    %dma_wait3A_891 = arith.constant 0 : i32
    %dma_wait3A_892 = tpu.memref_slice %arg10[%dma_wait3A_881, %dma_wait3A_890, %dma_wait3A_891] : memref<4x128x64xf32, #tpu.memory_space<vmem>> -> memref<1x128x64xf32, #tpu.memory_space<vmem>>
    %dma_wait3A_893 = tpu.memref_squeeze %dma_wait3A_892 : memref<1x128x64xf32, #tpu.memory_space<vmem>> -> memref<128x64xf32, #tpu.memory_space<vmem>>
    tpu.wait_dma2 semaphore(%arg19 : memref<!tpu.dma_semaphore, #tpu.memory_space<semaphore_mem>>) src(%dma_wait3A_893 : memref<128x64xf32, #tpu.memory_space<vmem>>) dst(%dma_wait3A_889 : memref<128x64xf32, #tpu.memory_space<hbm>>)
    %dma_wait3A_894 = arith.constant 3 : i32
    %dma_wait3A_895 = arith.constant 0 : i32
    %dma_wait3A_896 = arith.constant 0 : i32
    %dma_wait3A_897 = tpu.memref_slice %arg11[%dma_wait3A_894, %dma_wait3A_895, %dma_wait3A_896] : memref<4x128x16xi32, #tpu.memory_space<vmem>> -> memref<1x128x16xi32, #tpu.memory_space<vmem>>
    %dma_wait3A_898 = tpu.memref_squeeze %dma_wait3A_897 : memref<1x128x16xi32, #tpu.memory_space<vmem>> -> memref<128x16xi32, #tpu.memory_space<vmem>>
    %dma_wait3A_899 = arith.constant 0 : i32
    %dma_wait3A_900 = tpu.memref_slice %arg7[%add3A_867, %dma_wait3A_899] : memref<102400x16xi32, #tpu.memory_space<hbm>> -> memref<128x16xi32, #tpu.memory_space<hbm>>
    %dma_wait3A_901 = arith.constant 0 : i32
    %dma_wait3A_902 = tpu.memref_slice %arg7[%add3A_867, %dma_wait3A_901] : memref<102400x16xi32, #tpu.memory_space<hbm>> -> memref<128x16xi32, #tpu.memory_space<hbm>>
    %dma_wait3A_903 = arith.constant 0 : i32
    %dma_wait3A_904 = arith.constant 0 : i32
    %dma_wait3A_905 = tpu.memref_slice %arg11[%dma_wait3A_894, %dma_wait3A_903, %dma_wait3A_904] : memref<4x128x16xi32, #tpu.memory_space<vmem>> -> memref<1x128x16xi32, #tpu.memory_space<vmem>>
    %dma_wait3A_906 = tpu.memref_squeeze %dma_wait3A_905 : memref<1x128x16xi32, #tpu.memory_space<vmem>> -> memref<128x16xi32, #tpu.memory_space<vmem>>
    tpu.wait_dma2 semaphore(%arg19 : memref<!tpu.dma_semaphore, #tpu.memory_space<semaphore_mem>>) src(%dma_wait3A_906 : memref<128x16xi32, #tpu.memory_space<vmem>>) dst(%dma_wait3A_902 : memref<128x16xi32, #tpu.memory_space<hbm>>)
    %dma_start3A_907 = arith.constant 11 : i32
    %dma_start3A_908 = arith.constant 3 : i32
    %dma_start3A_909 = arith.constant 0 : i32
    %dma_start3A_910 = arith.constant 0 : i32
    %dma_start3A_911 = tpu.memref_slice %arg10[%dma_start3A_908, %dma_start3A_909, %dma_start3A_910] : memref<4x128x64xf32, #tpu.memory_space<vmem>> -> memref<1x128x64xf32, #tpu.memory_space<vmem>>
    %dma_start3A_912 = tpu.memref_squeeze %dma_start3A_911 : memref<1x128x64xf32, #tpu.memory_space<vmem>> -> memref<128x64xf32, #tpu.memory_space<vmem>>
    %dma_start3A_913 = arith.constant 0 : i32
    %dma_start3A_914 = tpu.memref_slice %arg8[%dma_start3A_907, %dma_start3A_913] : memref<25x128xi32, #tpu.memory_space<vmem>> -> memref<1x128xi32, #tpu.memory_space<vmem>>
    %dma_start3A_915 = tpu.memref_squeeze %dma_start3A_914 : memref<1x128xi32, #tpu.memory_space<vmem>> -> memref<128xi32, #tpu.memory_space<vmem>>
    %dma_start3A_916 = arith.constant 0 : i32
    %dma_start3A_917 = arith.constant 0 : i32
    %dma_start3A_918 = tpu.memref_slice %arg4[%dma_start3A_916, %dma_start3A_917] : memref<100000x64xf32, #tpu.memory_space<hbm>> -> memref<100000x64xf32, #tpu.memory_space<hbm>>
    tpu.enqueue_indirect_dma source(%dma_start3A_918 : memref<100000x64xf32, #tpu.memory_space<hbm>>) target(%dma_start3A_912 : memref<128x64xf32, #tpu.memory_space<vmem>>) offsets(%dma_start3A_915 : memref<128xi32, #tpu.memory_space<vmem>>) semaphore(%arg15 : memref<!tpu.dma_semaphore, #tpu.memory_space<semaphore_mem>>)
    %dma_start3A_919 = arith.constant 11 : i32
    %dma_start3A_920 = arith.constant 3 : i32
    %dma_start3A_921 = arith.constant 0 : i32
    %dma_start3A_922 = arith.constant 0 : i32
    %dma_start3A_923 = tpu.memref_slice %arg11[%dma_start3A_920, %dma_start3A_921, %dma_start3A_922] : memref<4x128x16xi32, #tpu.memory_space<vmem>> -> memref<1x128x16xi32, #tpu.memory_space<vmem>>
    %dma_start3A_924 = tpu.memref_squeeze %dma_start3A_923 : memref<1x128x16xi32, #tpu.memory_space<vmem>> -> memref<128x16xi32, #tpu.memory_space<vmem>>
    %dma_start3A_925 = arith.constant 0 : i32
    %dma_start3A_926 = tpu.memref_slice %arg9[%dma_start3A_919, %dma_start3A_925] : memref<25x128xi32, #tpu.memory_space<vmem>> -> memref<1x128xi32, #tpu.memory_space<vmem>>
    %dma_start3A_927 = tpu.memref_squeeze %dma_start3A_926 : memref<1x128xi32, #tpu.memory_space<vmem>> -> memref<128xi32, #tpu.memory_space<vmem>>
    %dma_start3A_928 = arith.constant 0 : i32
    %dma_start3A_929 = arith.constant 0 : i32
    %dma_start3A_930 = tpu.memref_slice %arg5[%dma_start3A_928, %dma_start3A_929] : memref<1000x16xi32, #tpu.memory_space<hbm>> -> memref<1000x16xi32, #tpu.memory_space<hbm>>
    tpu.enqueue_indirect_dma source(%dma_start3A_930 : memref<1000x16xi32, #tpu.memory_space<hbm>>) target(%dma_start3A_924 : memref<128x16xi32, #tpu.memory_space<vmem>>) offsets(%dma_start3A_927 : memref<128xi32, #tpu.memory_space<vmem>>) semaphore(%arg15 : memref<!tpu.dma_semaphore, #tpu.memory_space<semaphore_mem>>)
    %dma_wait3A_931 = arith.constant 8 : i32
    %dma_wait3A_932 = arith.constant 0 : i32
    %dma_wait3A_933 = arith.constant 0 : i32
    %dma_wait3A_934 = arith.constant 0 : i32
    %dma_wait3A_935 = tpu.memref_slice %arg10[%dma_wait3A_932, %dma_wait3A_933, %dma_wait3A_934] : memref<4x128x64xf32, #tpu.memory_space<vmem>> -> memref<1x128x64xf32, #tpu.memory_space<vmem>>
    %dma_wait3A_936 = tpu.memref_squeeze %dma_wait3A_935 : memref<1x128x64xf32, #tpu.memory_space<vmem>> -> memref<128x64xf32, #tpu.memory_space<vmem>>
    %dma_wait3A_937 = arith.constant 0 : i32
    %dma_wait3A_938 = tpu.memref_slice %arg8[%dma_wait3A_931, %dma_wait3A_937] : memref<25x128xi32, #tpu.memory_space<vmem>> -> memref<1x128xi32, #tpu.memory_space<vmem>>
    %dma_wait3A_939 = tpu.memref_squeeze %dma_wait3A_938 : memref<1x128xi32, #tpu.memory_space<vmem>> -> memref<128xi32, #tpu.memory_space<vmem>>
    %dma_wait3A_940 = arith.constant 0 : i32
    %dma_wait3A_941 = arith.constant 0 : i32
    %dma_wait3A_942 = tpu.memref_slice %arg4[%dma_wait3A_940, %dma_wait3A_941] : memref<100000x64xf32, #tpu.memory_space<hbm>> -> memref<100000x64xf32, #tpu.memory_space<hbm>>
    tpu.wait_indirect_dma semaphore(%arg12 : memref<!tpu.dma_semaphore, #tpu.memory_space<semaphore_mem>>) src(%dma_wait3A_942 : memref<100000x64xf32, #tpu.memory_space<hbm>>) dst(%dma_wait3A_936 : memref<128x64xf32, #tpu.memory_space<vmem>>)
    %dma_wait3A_943 = arith.constant 8 : i32
    %dma_wait3A_944 = arith.constant 0 : i32
    %dma_wait3A_945 = arith.constant 0 : i32
    %dma_wait3A_946 = arith.constant 0 : i32
    %dma_wait3A_947 = tpu.memref_slice %arg11[%dma_wait3A_944, %dma_wait3A_945, %dma_wait3A_946] : memref<4x128x16xi32, #tpu.memory_space<vmem>> -> memref<1x128x16xi32, #tpu.memory_space<vmem>>
    %dma_wait3A_948 = tpu.memref_squeeze %dma_wait3A_947 : memref<1x128x16xi32, #tpu.memory_space<vmem>> -> memref<128x16xi32, #tpu.memory_space<vmem>>
    %dma_wait3A_949 = arith.constant 0 : i32
    %dma_wait3A_950 = tpu.memref_slice %arg9[%dma_wait3A_943, %dma_wait3A_949] : memref<25x128xi32, #tpu.memory_space<vmem>> -> memref<1x128xi32, #tpu.memory_space<vmem>>
    %dma_wait3A_951 = tpu.memref_squeeze %dma_wait3A_950 : memref<1x128xi32, #tpu.memory_space<vmem>> -> memref<128xi32, #tpu.memory_space<vmem>>
    %dma_wait3A_952 = arith.constant 0 : i32
    %dma_wait3A_953 = arith.constant 0 : i32
    %dma_wait3A_954 = tpu.memref_slice %arg5[%dma_wait3A_952, %dma_wait3A_953] : memref<1000x16xi32, #tpu.memory_space<hbm>> -> memref<1000x16xi32, #tpu.memory_space<hbm>>
    tpu.wait_indirect_dma semaphore(%arg12 : memref<!tpu.dma_semaphore, #tpu.memory_space<semaphore_mem>>) src(%dma_wait3A_954 : memref<1000x16xi32, #tpu.memory_space<hbm>>) dst(%dma_wait3A_948 : memref<128x16xi32, #tpu.memory_space<vmem>>)
    %add3A_955 = arith.constant 1024 : i32
    %add3A_956 = arith.addi %mul3A_4, %add3A_955 : i32
    %dma_start3A_957 = arith.constant 0 : i32
    %dma_start3A_958 = arith.constant 0 : i32
    %dma_start3A_959 = arith.constant 0 : i32
    %dma_start3A_960 = tpu.memref_slice %arg10[%dma_start3A_957, %dma_start3A_958, %dma_start3A_959] : memref<4x128x64xf32, #tpu.memory_space<vmem>> -> memref<1x128x64xf32, #tpu.memory_space<vmem>>
    %dma_start3A_961 = tpu.memref_squeeze %dma_start3A_960 : memref<1x128x64xf32, #tpu.memory_space<vmem>> -> memref<128x64xf32, #tpu.memory_space<vmem>>
    %dma_start3A_962 = arith.constant 0 : i32
    %dma_start3A_963 = tpu.memref_slice %arg6[%add3A_956, %dma_start3A_962] : memref<102400x64xf32, #tpu.memory_space<hbm>> -> memref<128x64xf32, #tpu.memory_space<hbm>>
    %dma_start3A_964 = arith.constant 0 : i32
    %dma_start3A_965 = tpu.memref_slice %arg6[%add3A_956, %dma_start3A_964] : memref<102400x64xf32, #tpu.memory_space<hbm>> -> memref<128x64xf32, #tpu.memory_space<hbm>>
    %dma_start3A_966 = arith.constant 0 : i32
    %dma_start3A_967 = arith.constant 0 : i32
    %dma_start3A_968 = tpu.memref_slice %arg10[%dma_start3A_957, %dma_start3A_966, %dma_start3A_967] : memref<4x128x64xf32, #tpu.memory_space<vmem>> -> memref<1x128x64xf32, #tpu.memory_space<vmem>>
    %dma_start3A_969 = tpu.memref_squeeze %dma_start3A_968 : memref<1x128x64xf32, #tpu.memory_space<vmem>> -> memref<128x64xf32, #tpu.memory_space<vmem>>
    tpu.enqueue_dma source(%dma_start3A_969 : memref<128x64xf32, #tpu.memory_space<vmem>>) target(%dma_start3A_965 : memref<128x64xf32, #tpu.memory_space<hbm>>) target_semaphore(%arg16 : memref<!tpu.dma_semaphore, #tpu.memory_space<semaphore_mem>>)
    %add3A_970 = arith.constant 1024 : i32
    %add3A_971 = arith.addi %mul3A_4, %add3A_970 : i32
    %dma_start3A_972 = arith.constant 0 : i32
    %dma_start3A_973 = arith.constant 0 : i32
    %dma_start3A_974 = arith.constant 0 : i32
    %dma_start3A_975 = tpu.memref_slice %arg11[%dma_start3A_972, %dma_start3A_973, %dma_start3A_974] : memref<4x128x16xi32, #tpu.memory_space<vmem>> -> memref<1x128x16xi32, #tpu.memory_space<vmem>>
    %dma_start3A_976 = tpu.memref_squeeze %dma_start3A_975 : memref<1x128x16xi32, #tpu.memory_space<vmem>> -> memref<128x16xi32, #tpu.memory_space<vmem>>
    %dma_start3A_977 = arith.constant 0 : i32
    %dma_start3A_978 = tpu.memref_slice %arg7[%add3A_971, %dma_start3A_977] : memref<102400x16xi32, #tpu.memory_space<hbm>> -> memref<128x16xi32, #tpu.memory_space<hbm>>
    %dma_start3A_979 = arith.constant 0 : i32
    %dma_start3A_980 = tpu.memref_slice %arg7[%add3A_971, %dma_start3A_979] : memref<102400x16xi32, #tpu.memory_space<hbm>> -> memref<128x16xi32, #tpu.memory_space<hbm>>
    %dma_start3A_981 = arith.constant 0 : i32
    %dma_start3A_982 = arith.constant 0 : i32
    %dma_start3A_983 = tpu.memref_slice %arg11[%dma_start3A_972, %dma_start3A_981, %dma_start3A_982] : memref<4x128x16xi32, #tpu.memory_space<vmem>> -> memref<1x128x16xi32, #tpu.memory_space<vmem>>
    %dma_start3A_984 = tpu.memref_squeeze %dma_start3A_983 : memref<1x128x16xi32, #tpu.memory_space<vmem>> -> memref<128x16xi32, #tpu.memory_space<vmem>>
    tpu.enqueue_dma source(%dma_start3A_984 : memref<128x16xi32, #tpu.memory_space<vmem>>) target(%dma_start3A_980 : memref<128x16xi32, #tpu.memory_space<hbm>>) target_semaphore(%arg16 : memref<!tpu.dma_semaphore, #tpu.memory_space<semaphore_mem>>)
    %dma_wait3A_985 = arith.constant 0 : i32
    %dma_wait3A_986 = arith.constant 0 : i32
    %dma_wait3A_987 = arith.constant 0 : i32
    %dma_wait3A_988 = tpu.memref_slice %arg10[%dma_wait3A_985, %dma_wait3A_986, %dma_wait3A_987] : memref<4x128x64xf32, #tpu.memory_space<vmem>> -> memref<1x128x64xf32, #tpu.memory_space<vmem>>
    %dma_wait3A_989 = tpu.memref_squeeze %dma_wait3A_988 : memref<1x128x64xf32, #tpu.memory_space<vmem>> -> memref<128x64xf32, #tpu.memory_space<vmem>>
    %dma_wait3A_990 = arith.constant 0 : i32
    %dma_wait3A_991 = tpu.memref_slice %arg6[%add3A_956, %dma_wait3A_990] : memref<102400x64xf32, #tpu.memory_space<hbm>> -> memref<128x64xf32, #tpu.memory_space<hbm>>
    %dma_wait3A_992 = arith.constant 0 : i32
    %dma_wait3A_993 = tpu.memref_slice %arg6[%add3A_956, %dma_wait3A_992] : memref<102400x64xf32, #tpu.memory_space<hbm>> -> memref<128x64xf32, #tpu.memory_space<hbm>>
    %dma_wait3A_994 = arith.constant 0 : i32
    %dma_wait3A_995 = arith.constant 0 : i32
    %dma_wait3A_996 = tpu.memref_slice %arg10[%dma_wait3A_985, %dma_wait3A_994, %dma_wait3A_995] : memref<4x128x64xf32, #tpu.memory_space<vmem>> -> memref<1x128x64xf32, #tpu.memory_space<vmem>>
    %dma_wait3A_997 = tpu.memref_squeeze %dma_wait3A_996 : memref<1x128x64xf32, #tpu.memory_space<vmem>> -> memref<128x64xf32, #tpu.memory_space<vmem>>
    tpu.wait_dma2 semaphore(%arg16 : memref<!tpu.dma_semaphore, #tpu.memory_space<semaphore_mem>>) src(%dma_wait3A_997 : memref<128x64xf32, #tpu.memory_space<vmem>>) dst(%dma_wait3A_993 : memref<128x64xf32, #tpu.memory_space<hbm>>)
    %dma_wait3A_998 = arith.constant 0 : i32
    %dma_wait3A_999 = arith.constant 0 : i32
    %dma_wait3A_1000 = arith.constant 0 : i32
    %dma_wait3A_1001 = tpu.memref_slice %arg11[%dma_wait3A_998, %dma_wait3A_999, %dma_wait3A_1000] : memref<4x128x16xi32, #tpu.memory_space<vmem>> -> memref<1x128x16xi32, #tpu.memory_space<vmem>>
    %dma_wait3A_1002 = tpu.memref_squeeze %dma_wait3A_1001 : memref<1x128x16xi32, #tpu.memory_space<vmem>> -> memref<128x16xi32, #tpu.memory_space<vmem>>
    %dma_wait3A_1003 = arith.constant 0 : i32
    %dma_wait3A_1004 = tpu.memref_slice %arg7[%add3A_971, %dma_wait3A_1003] : memref<102400x16xi32, #tpu.memory_space<hbm>> -> memref<128x16xi32, #tpu.memory_space<hbm>>
    %dma_wait3A_1005 = arith.constant 0 : i32
    %dma_wait3A_1006 = tpu.memref_slice %arg7[%add3A_971, %dma_wait3A_1005] : memref<102400x16xi32, #tpu.memory_space<hbm>> -> memref<128x16xi32, #tpu.memory_space<hbm>>
    %dma_wait3A_1007 = arith.constant 0 : i32
    %dma_wait3A_1008 = arith.constant 0 : i32
    %dma_wait3A_1009 = tpu.memref_slice %arg11[%dma_wait3A_998, %dma_wait3A_1007, %dma_wait3A_1008] : memref<4x128x16xi32, #tpu.memory_space<vmem>> -> memref<1x128x16xi32, #tpu.memory_space<vmem>>
    %dma_wait3A_1010 = tpu.memref_squeeze %dma_wait3A_1009 : memref<1x128x16xi32, #tpu.memory_space<vmem>> -> memref<128x16xi32, #tpu.memory_space<vmem>>
    tpu.wait_dma2 semaphore(%arg16 : memref<!tpu.dma_semaphore, #tpu.memory_space<semaphore_mem>>) src(%dma_wait3A_1010 : memref<128x16xi32, #tpu.memory_space<vmem>>) dst(%dma_wait3A_1006 : memref<128x16xi32, #tpu.memory_space<hbm>>)
    %dma_start3A_1011 = arith.constant 12 : i32
    %dma_start3A_1012 = arith.constant 0 : i32
    %dma_start3A_1013 = arith.constant 0 : i32
    %dma_start3A_1014 = arith.constant 0 : i32
    %dma_start3A_1015 = tpu.memref_slice %arg10[%dma_start3A_1012, %dma_start3A_1013, %dma_start3A_1014] : memref<4x128x64xf32, #tpu.memory_space<vmem>> -> memref<1x128x64xf32, #tpu.memory_space<vmem>>
    %dma_start3A_1016 = tpu.memref_squeeze %dma_start3A_1015 : memref<1x128x64xf32, #tpu.memory_space<vmem>> -> memref<128x64xf32, #tpu.memory_space<vmem>>
    %dma_start3A_1017 = arith.constant 0 : i32
    %dma_start3A_1018 = tpu.memref_slice %arg8[%dma_start3A_1011, %dma_start3A_1017] : memref<25x128xi32, #tpu.memory_space<vmem>> -> memref<1x128xi32, #tpu.memory_space<vmem>>
    %dma_start3A_1019 = tpu.memref_squeeze %dma_start3A_1018 : memref<1x128xi32, #tpu.memory_space<vmem>> -> memref<128xi32, #tpu.memory_space<vmem>>
    %dma_start3A_1020 = arith.constant 0 : i32
    %dma_start3A_1021 = arith.constant 0 : i32
    %dma_start3A_1022 = tpu.memref_slice %arg4[%dma_start3A_1020, %dma_start3A_1021] : memref<100000x64xf32, #tpu.memory_space<hbm>> -> memref<100000x64xf32, #tpu.memory_space<hbm>>
    tpu.enqueue_indirect_dma source(%dma_start3A_1022 : memref<100000x64xf32, #tpu.memory_space<hbm>>) target(%dma_start3A_1016 : memref<128x64xf32, #tpu.memory_space<vmem>>) offsets(%dma_start3A_1019 : memref<128xi32, #tpu.memory_space<vmem>>) semaphore(%arg12 : memref<!tpu.dma_semaphore, #tpu.memory_space<semaphore_mem>>)
    %dma_start3A_1023 = arith.constant 12 : i32
    %dma_start3A_1024 = arith.constant 0 : i32
    %dma_start3A_1025 = arith.constant 0 : i32
    %dma_start3A_1026 = arith.constant 0 : i32
    %dma_start3A_1027 = tpu.memref_slice %arg11[%dma_start3A_1024, %dma_start3A_1025, %dma_start3A_1026] : memref<4x128x16xi32, #tpu.memory_space<vmem>> -> memref<1x128x16xi32, #tpu.memory_space<vmem>>
    %dma_start3A_1028 = tpu.memref_squeeze %dma_start3A_1027 : memref<1x128x16xi32, #tpu.memory_space<vmem>> -> memref<128x16xi32, #tpu.memory_space<vmem>>
    %dma_start3A_1029 = arith.constant 0 : i32
    %dma_start3A_1030 = tpu.memref_slice %arg9[%dma_start3A_1023, %dma_start3A_1029] : memref<25x128xi32, #tpu.memory_space<vmem>> -> memref<1x128xi32, #tpu.memory_space<vmem>>
    %dma_start3A_1031 = tpu.memref_squeeze %dma_start3A_1030 : memref<1x128xi32, #tpu.memory_space<vmem>> -> memref<128xi32, #tpu.memory_space<vmem>>
    %dma_start3A_1032 = arith.constant 0 : i32
    %dma_start3A_1033 = arith.constant 0 : i32
    %dma_start3A_1034 = tpu.memref_slice %arg5[%dma_start3A_1032, %dma_start3A_1033] : memref<1000x16xi32, #tpu.memory_space<hbm>> -> memref<1000x16xi32, #tpu.memory_space<hbm>>
    tpu.enqueue_indirect_dma source(%dma_start3A_1034 : memref<1000x16xi32, #tpu.memory_space<hbm>>) target(%dma_start3A_1028 : memref<128x16xi32, #tpu.memory_space<vmem>>) offsets(%dma_start3A_1031 : memref<128xi32, #tpu.memory_space<vmem>>) semaphore(%arg12 : memref<!tpu.dma_semaphore, #tpu.memory_space<semaphore_mem>>)
    %dma_wait3A_1035 = arith.constant 9 : i32
    %dma_wait3A_1036 = arith.constant 1 : i32
    %dma_wait3A_1037 = arith.constant 0 : i32
    %dma_wait3A_1038 = arith.constant 0 : i32
    %dma_wait3A_1039 = tpu.memref_slice %arg10[%dma_wait3A_1036, %dma_wait3A_1037, %dma_wait3A_1038] : memref<4x128x64xf32, #tpu.memory_space<vmem>> -> memref<1x128x64xf32, #tpu.memory_space<vmem>>
    %dma_wait3A_1040 = tpu.memref_squeeze %dma_wait3A_1039 : memref<1x128x64xf32, #tpu.memory_space<vmem>> -> memref<128x64xf32, #tpu.memory_space<vmem>>
    %dma_wait3A_1041 = arith.constant 0 : i32
    %dma_wait3A_1042 = tpu.memref_slice %arg8[%dma_wait3A_1035, %dma_wait3A_1041] : memref<25x128xi32, #tpu.memory_space<vmem>> -> memref<1x128xi32, #tpu.memory_space<vmem>>
    %dma_wait3A_1043 = tpu.memref_squeeze %dma_wait3A_1042 : memref<1x128xi32, #tpu.memory_space<vmem>> -> memref<128xi32, #tpu.memory_space<vmem>>
    %dma_wait3A_1044 = arith.constant 0 : i32
    %dma_wait3A_1045 = arith.constant 0 : i32
    %dma_wait3A_1046 = tpu.memref_slice %arg4[%dma_wait3A_1044, %dma_wait3A_1045] : memref<100000x64xf32, #tpu.memory_space<hbm>> -> memref<100000x64xf32, #tpu.memory_space<hbm>>
    tpu.wait_indirect_dma semaphore(%arg13 : memref<!tpu.dma_semaphore, #tpu.memory_space<semaphore_mem>>) src(%dma_wait3A_1046 : memref<100000x64xf32, #tpu.memory_space<hbm>>) dst(%dma_wait3A_1040 : memref<128x64xf32, #tpu.memory_space<vmem>>)
    %dma_wait3A_1047 = arith.constant 9 : i32
    %dma_wait3A_1048 = arith.constant 1 : i32
    %dma_wait3A_1049 = arith.constant 0 : i32
    %dma_wait3A_1050 = arith.constant 0 : i32
    %dma_wait3A_1051 = tpu.memref_slice %arg11[%dma_wait3A_1048, %dma_wait3A_1049, %dma_wait3A_1050] : memref<4x128x16xi32, #tpu.memory_space<vmem>> -> memref<1x128x16xi32, #tpu.memory_space<vmem>>
    %dma_wait3A_1052 = tpu.memref_squeeze %dma_wait3A_1051 : memref<1x128x16xi32, #tpu.memory_space<vmem>> -> memref<128x16xi32, #tpu.memory_space<vmem>>
    %dma_wait3A_1053 = arith.constant 0 : i32
    %dma_wait3A_1054 = tpu.memref_slice %arg9[%dma_wait3A_1047, %dma_wait3A_1053] : memref<25x128xi32, #tpu.memory_space<vmem>> -> memref<1x128xi32, #tpu.memory_space<vmem>>
    %dma_wait3A_1055 = tpu.memref_squeeze %dma_wait3A_1054 : memref<1x128xi32, #tpu.memory_space<vmem>> -> memref<128xi32, #tpu.memory_space<vmem>>
    %dma_wait3A_1056 = arith.constant 0 : i32
    %dma_wait3A_1057 = arith.constant 0 : i32
    %dma_wait3A_1058 = tpu.memref_slice %arg5[%dma_wait3A_1056, %dma_wait3A_1057] : memref<1000x16xi32, #tpu.memory_space<hbm>> -> memref<1000x16xi32, #tpu.memory_space<hbm>>
    tpu.wait_indirect_dma semaphore(%arg13 : memref<!tpu.dma_semaphore, #tpu.memory_space<semaphore_mem>>) src(%dma_wait3A_1058 : memref<1000x16xi32, #tpu.memory_space<hbm>>) dst(%dma_wait3A_1052 : memref<128x16xi32, #tpu.memory_space<vmem>>)
    %add3A_1059 = arith.constant 1152 : i32
    %add3A_1060 = arith.addi %mul3A_4, %add3A_1059 : i32
    %dma_start3A_1061 = arith.constant 1 : i32
    %dma_start3A_1062 = arith.constant 0 : i32
    %dma_start3A_1063 = arith.constant 0 : i32
    %dma_start3A_1064 = tpu.memref_slice %arg10[%dma_start3A_1061, %dma_start3A_1062, %dma_start3A_1063] : memref<4x128x64xf32, #tpu.memory_space<vmem>> -> memref<1x128x64xf32, #tpu.memory_space<vmem>>
    %dma_start3A_1065 = tpu.memref_squeeze %dma_start3A_1064 : memref<1x128x64xf32, #tpu.memory_space<vmem>> -> memref<128x64xf32, #tpu.memory_space<vmem>>
    %dma_start3A_1066 = arith.constant 0 : i32
    %dma_start3A_1067 = tpu.memref_slice %arg6[%add3A_1060, %dma_start3A_1066] : memref<102400x64xf32, #tpu.memory_space<hbm>> -> memref<128x64xf32, #tpu.memory_space<hbm>>
    %dma_start3A_1068 = arith.constant 0 : i32
    %dma_start3A_1069 = tpu.memref_slice %arg6[%add3A_1060, %dma_start3A_1068] : memref<102400x64xf32, #tpu.memory_space<hbm>> -> memref<128x64xf32, #tpu.memory_space<hbm>>
    %dma_start3A_1070 = arith.constant 0 : i32
    %dma_start3A_1071 = arith.constant 0 : i32
    %dma_start3A_1072 = tpu.memref_slice %arg10[%dma_start3A_1061, %dma_start3A_1070, %dma_start3A_1071] : memref<4x128x64xf32, #tpu.memory_space<vmem>> -> memref<1x128x64xf32, #tpu.memory_space<vmem>>
    %dma_start3A_1073 = tpu.memref_squeeze %dma_start3A_1072 : memref<1x128x64xf32, #tpu.memory_space<vmem>> -> memref<128x64xf32, #tpu.memory_space<vmem>>
    tpu.enqueue_dma source(%dma_start3A_1073 : memref<128x64xf32, #tpu.memory_space<vmem>>) target(%dma_start3A_1069 : memref<128x64xf32, #tpu.memory_space<hbm>>) target_semaphore(%arg17 : memref<!tpu.dma_semaphore, #tpu.memory_space<semaphore_mem>>)
    %add3A_1074 = arith.constant 1152 : i32
    %add3A_1075 = arith.addi %mul3A_4, %add3A_1074 : i32
    %dma_start3A_1076 = arith.constant 1 : i32
    %dma_start3A_1077 = arith.constant 0 : i32
    %dma_start3A_1078 = arith.constant 0 : i32
    %dma_start3A_1079 = tpu.memref_slice %arg11[%dma_start3A_1076, %dma_start3A_1077, %dma_start3A_1078] : memref<4x128x16xi32, #tpu.memory_space<vmem>> -> memref<1x128x16xi32, #tpu.memory_space<vmem>>
    %dma_start3A_1080 = tpu.memref_squeeze %dma_start3A_1079 : memref<1x128x16xi32, #tpu.memory_space<vmem>> -> memref<128x16xi32, #tpu.memory_space<vmem>>
    %dma_start3A_1081 = arith.constant 0 : i32
    %dma_start3A_1082 = tpu.memref_slice %arg7[%add3A_1075, %dma_start3A_1081] : memref<102400x16xi32, #tpu.memory_space<hbm>> -> memref<128x16xi32, #tpu.memory_space<hbm>>
    %dma_start3A_1083 = arith.constant 0 : i32
    %dma_start3A_1084 = tpu.memref_slice %arg7[%add3A_1075, %dma_start3A_1083] : memref<102400x16xi32, #tpu.memory_space<hbm>> -> memref<128x16xi32, #tpu.memory_space<hbm>>
    %dma_start3A_1085 = arith.constant 0 : i32
    %dma_start3A_1086 = arith.constant 0 : i32
    %dma_start3A_1087 = tpu.memref_slice %arg11[%dma_start3A_1076, %dma_start3A_1085, %dma_start3A_1086] : memref<4x128x16xi32, #tpu.memory_space<vmem>> -> memref<1x128x16xi32, #tpu.memory_space<vmem>>
    %dma_start3A_1088 = tpu.memref_squeeze %dma_start3A_1087 : memref<1x128x16xi32, #tpu.memory_space<vmem>> -> memref<128x16xi32, #tpu.memory_space<vmem>>
    tpu.enqueue_dma source(%dma_start3A_1088 : memref<128x16xi32, #tpu.memory_space<vmem>>) target(%dma_start3A_1084 : memref<128x16xi32, #tpu.memory_space<hbm>>) target_semaphore(%arg17 : memref<!tpu.dma_semaphore, #tpu.memory_space<semaphore_mem>>)
    %dma_wait3A_1089 = arith.constant 1 : i32
    %dma_wait3A_1090 = arith.constant 0 : i32
    %dma_wait3A_1091 = arith.constant 0 : i32
    %dma_wait3A_1092 = tpu.memref_slice %arg10[%dma_wait3A_1089, %dma_wait3A_1090, %dma_wait3A_1091] : memref<4x128x64xf32, #tpu.memory_space<vmem>> -> memref<1x128x64xf32, #tpu.memory_space<vmem>>
    %dma_wait3A_1093 = tpu.memref_squeeze %dma_wait3A_1092 : memref<1x128x64xf32, #tpu.memory_space<vmem>> -> memref<128x64xf32, #tpu.memory_space<vmem>>
    %dma_wait3A_1094 = arith.constant 0 : i32
    %dma_wait3A_1095 = tpu.memref_slice %arg6[%add3A_1060, %dma_wait3A_1094] : memref<102400x64xf32, #tpu.memory_space<hbm>> -> memref<128x64xf32, #tpu.memory_space<hbm>>
    %dma_wait3A_1096 = arith.constant 0 : i32
    %dma_wait3A_1097 = tpu.memref_slice %arg6[%add3A_1060, %dma_wait3A_1096] : memref<102400x64xf32, #tpu.memory_space<hbm>> -> memref<128x64xf32, #tpu.memory_space<hbm>>
    %dma_wait3A_1098 = arith.constant 0 : i32
    %dma_wait3A_1099 = arith.constant 0 : i32
    %dma_wait3A_1100 = tpu.memref_slice %arg10[%dma_wait3A_1089, %dma_wait3A_1098, %dma_wait3A_1099] : memref<4x128x64xf32, #tpu.memory_space<vmem>> -> memref<1x128x64xf32, #tpu.memory_space<vmem>>
    %dma_wait3A_1101 = tpu.memref_squeeze %dma_wait3A_1100 : memref<1x128x64xf32, #tpu.memory_space<vmem>> -> memref<128x64xf32, #tpu.memory_space<vmem>>
    tpu.wait_dma2 semaphore(%arg17 : memref<!tpu.dma_semaphore, #tpu.memory_space<semaphore_mem>>) src(%dma_wait3A_1101 : memref<128x64xf32, #tpu.memory_space<vmem>>) dst(%dma_wait3A_1097 : memref<128x64xf32, #tpu.memory_space<hbm>>)
    %dma_wait3A_1102 = arith.constant 1 : i32
    %dma_wait3A_1103 = arith.constant 0 : i32
    %dma_wait3A_1104 = arith.constant 0 : i32
    %dma_wait3A_1105 = tpu.memref_slice %arg11[%dma_wait3A_1102, %dma_wait3A_1103, %dma_wait3A_1104] : memref<4x128x16xi32, #tpu.memory_space<vmem>> -> memref<1x128x16xi32, #tpu.memory_space<vmem>>
    %dma_wait3A_1106 = tpu.memref_squeeze %dma_wait3A_1105 : memref<1x128x16xi32, #tpu.memory_space<vmem>> -> memref<128x16xi32, #tpu.memory_space<vmem>>
    %dma_wait3A_1107 = arith.constant 0 : i32
    %dma_wait3A_1108 = tpu.memref_slice %arg7[%add3A_1075, %dma_wait3A_1107] : memref<102400x16xi32, #tpu.memory_space<hbm>> -> memref<128x16xi32, #tpu.memory_space<hbm>>
    %dma_wait3A_1109 = arith.constant 0 : i32
    %dma_wait3A_1110 = tpu.memref_slice %arg7[%add3A_1075, %dma_wait3A_1109] : memref<102400x16xi32, #tpu.memory_space<hbm>> -> memref<128x16xi32, #tpu.memory_space<hbm>>
    %dma_wait3A_1111 = arith.constant 0 : i32
    %dma_wait3A_1112 = arith.constant 0 : i32
    %dma_wait3A_1113 = tpu.memref_slice %arg11[%dma_wait3A_1102, %dma_wait3A_1111, %dma_wait3A_1112] : memref<4x128x16xi32, #tpu.memory_space<vmem>> -> memref<1x128x16xi32, #tpu.memory_space<vmem>>
    %dma_wait3A_1114 = tpu.memref_squeeze %dma_wait3A_1113 : memref<1x128x16xi32, #tpu.memory_space<vmem>> -> memref<128x16xi32, #tpu.memory_space<vmem>>
    tpu.wait_dma2 semaphore(%arg17 : memref<!tpu.dma_semaphore, #tpu.memory_space<semaphore_mem>>) src(%dma_wait3A_1114 : memref<128x16xi32, #tpu.memory_space<vmem>>) dst(%dma_wait3A_1110 : memref<128x16xi32, #tpu.memory_space<hbm>>)
    %dma_start3A_1115 = arith.constant 13 : i32
    %dma_start3A_1116 = arith.constant 1 : i32
    %dma_start3A_1117 = arith.constant 0 : i32
    %dma_start3A_1118 = arith.constant 0 : i32
    %dma_start3A_1119 = tpu.memref_slice %arg10[%dma_start3A_1116, %dma_start3A_1117, %dma_start3A_1118] : memref<4x128x64xf32, #tpu.memory_space<vmem>> -> memref<1x128x64xf32, #tpu.memory_space<vmem>>
    %dma_start3A_1120 = tpu.memref_squeeze %dma_start3A_1119 : memref<1x128x64xf32, #tpu.memory_space<vmem>> -> memref<128x64xf32, #tpu.memory_space<vmem>>
    %dma_start3A_1121 = arith.constant 0 : i32
    %dma_start3A_1122 = tpu.memref_slice %arg8[%dma_start3A_1115, %dma_start3A_1121] : memref<25x128xi32, #tpu.memory_space<vmem>> -> memref<1x128xi32, #tpu.memory_space<vmem>>
    %dma_start3A_1123 = tpu.memref_squeeze %dma_start3A_1122 : memref<1x128xi32, #tpu.memory_space<vmem>> -> memref<128xi32, #tpu.memory_space<vmem>>
    %dma_start3A_1124 = arith.constant 0 : i32
    %dma_start3A_1125 = arith.constant 0 : i32
    %dma_start3A_1126 = tpu.memref_slice %arg4[%dma_start3A_1124, %dma_start3A_1125] : memref<100000x64xf32, #tpu.memory_space<hbm>> -> memref<100000x64xf32, #tpu.memory_space<hbm>>
    tpu.enqueue_indirect_dma source(%dma_start3A_1126 : memref<100000x64xf32, #tpu.memory_space<hbm>>) target(%dma_start3A_1120 : memref<128x64xf32, #tpu.memory_space<vmem>>) offsets(%dma_start3A_1123 : memref<128xi32, #tpu.memory_space<vmem>>) semaphore(%arg13 : memref<!tpu.dma_semaphore, #tpu.memory_space<semaphore_mem>>)
    %dma_start3A_1127 = arith.constant 13 : i32
    %dma_start3A_1128 = arith.constant 1 : i32
    %dma_start3A_1129 = arith.constant 0 : i32
    %dma_start3A_1130 = arith.constant 0 : i32
    %dma_start3A_1131 = tpu.memref_slice %arg11[%dma_start3A_1128, %dma_start3A_1129, %dma_start3A_1130] : memref<4x128x16xi32, #tpu.memory_space<vmem>> -> memref<1x128x16xi32, #tpu.memory_space<vmem>>
    %dma_start3A_1132 = tpu.memref_squeeze %dma_start3A_1131 : memref<1x128x16xi32, #tpu.memory_space<vmem>> -> memref<128x16xi32, #tpu.memory_space<vmem>>
    %dma_start3A_1133 = arith.constant 0 : i32
    %dma_start3A_1134 = tpu.memref_slice %arg9[%dma_start3A_1127, %dma_start3A_1133] : memref<25x128xi32, #tpu.memory_space<vmem>> -> memref<1x128xi32, #tpu.memory_space<vmem>>
    %dma_start3A_1135 = tpu.memref_squeeze %dma_start3A_1134 : memref<1x128xi32, #tpu.memory_space<vmem>> -> memref<128xi32, #tpu.memory_space<vmem>>
    %dma_start3A_1136 = arith.constant 0 : i32
    %dma_start3A_1137 = arith.constant 0 : i32
    %dma_start3A_1138 = tpu.memref_slice %arg5[%dma_start3A_1136, %dma_start3A_1137] : memref<1000x16xi32, #tpu.memory_space<hbm>> -> memref<1000x16xi32, #tpu.memory_space<hbm>>
    tpu.enqueue_indirect_dma source(%dma_start3A_1138 : memref<1000x16xi32, #tpu.memory_space<hbm>>) target(%dma_start3A_1132 : memref<128x16xi32, #tpu.memory_space<vmem>>) offsets(%dma_start3A_1135 : memref<128xi32, #tpu.memory_space<vmem>>) semaphore(%arg13 : memref<!tpu.dma_semaphore, #tpu.memory_space<semaphore_mem>>)
    %dma_wait3A_1139 = arith.constant 10 : i32
    %dma_wait3A_1140 = arith.constant 2 : i32
    %dma_wait3A_1141 = arith.constant 0 : i32
    %dma_wait3A_1142 = arith.constant 0 : i32
    %dma_wait3A_1143 = tpu.memref_slice %arg10[%dma_wait3A_1140, %dma_wait3A_1141, %dma_wait3A_1142] : memref<4x128x64xf32, #tpu.memory_space<vmem>> -> memref<1x128x64xf32, #tpu.memory_space<vmem>>
    %dma_wait3A_1144 = tpu.memref_squeeze %dma_wait3A_1143 : memref<1x128x64xf32, #tpu.memory_space<vmem>> -> memref<128x64xf32, #tpu.memory_space<vmem>>
    %dma_wait3A_1145 = arith.constant 0 : i32
    %dma_wait3A_1146 = tpu.memref_slice %arg8[%dma_wait3A_1139, %dma_wait3A_1145] : memref<25x128xi32, #tpu.memory_space<vmem>> -> memref<1x128xi32, #tpu.memory_space<vmem>>
    %dma_wait3A_1147 = tpu.memref_squeeze %dma_wait3A_1146 : memref<1x128xi32, #tpu.memory_space<vmem>> -> memref<128xi32, #tpu.memory_space<vmem>>
    %dma_wait3A_1148 = arith.constant 0 : i32
    %dma_wait3A_1149 = arith.constant 0 : i32
    %dma_wait3A_1150 = tpu.memref_slice %arg4[%dma_wait3A_1148, %dma_wait3A_1149] : memref<100000x64xf32, #tpu.memory_space<hbm>> -> memref<100000x64xf32, #tpu.memory_space<hbm>>
    tpu.wait_indirect_dma semaphore(%arg14 : memref<!tpu.dma_semaphore, #tpu.memory_space<semaphore_mem>>) src(%dma_wait3A_1150 : memref<100000x64xf32, #tpu.memory_space<hbm>>) dst(%dma_wait3A_1144 : memref<128x64xf32, #tpu.memory_space<vmem>>)
    %dma_wait3A_1151 = arith.constant 10 : i32
    %dma_wait3A_1152 = arith.constant 2 : i32
    %dma_wait3A_1153 = arith.constant 0 : i32
    %dma_wait3A_1154 = arith.constant 0 : i32
    %dma_wait3A_1155 = tpu.memref_slice %arg11[%dma_wait3A_1152, %dma_wait3A_1153, %dma_wait3A_1154] : memref<4x128x16xi32, #tpu.memory_space<vmem>> -> memref<1x128x16xi32, #tpu.memory_space<vmem>>
    %dma_wait3A_1156 = tpu.memref_squeeze %dma_wait3A_1155 : memref<1x128x16xi32, #tpu.memory_space<vmem>> -> memref<128x16xi32, #tpu.memory_space<vmem>>
    %dma_wait3A_1157 = arith.constant 0 : i32
    %dma_wait3A_1158 = tpu.memref_slice %arg9[%dma_wait3A_1151, %dma_wait3A_1157] : memref<25x128xi32, #tpu.memory_space<vmem>> -> memref<1x128xi32, #tpu.memory_space<vmem>>
    %dma_wait3A_1159 = tpu.memref_squeeze %dma_wait3A_1158 : memref<1x128xi32, #tpu.memory_space<vmem>> -> memref<128xi32, #tpu.memory_space<vmem>>
    %dma_wait3A_1160 = arith.constant 0 : i32
    %dma_wait3A_1161 = arith.constant 0 : i32
    %dma_wait3A_1162 = tpu.memref_slice %arg5[%dma_wait3A_1160, %dma_wait3A_1161] : memref<1000x16xi32, #tpu.memory_space<hbm>> -> memref<1000x16xi32, #tpu.memory_space<hbm>>
    tpu.wait_indirect_dma semaphore(%arg14 : memref<!tpu.dma_semaphore, #tpu.memory_space<semaphore_mem>>) src(%dma_wait3A_1162 : memref<1000x16xi32, #tpu.memory_space<hbm>>) dst(%dma_wait3A_1156 : memref<128x16xi32, #tpu.memory_space<vmem>>)
    %add3A_1163 = arith.constant 1280 : i32
    %add3A_1164 = arith.addi %mul3A_4, %add3A_1163 : i32
    %dma_start3A_1165 = arith.constant 2 : i32
    %dma_start3A_1166 = arith.constant 0 : i32
    %dma_start3A_1167 = arith.constant 0 : i32
    %dma_start3A_1168 = tpu.memref_slice %arg10[%dma_start3A_1165, %dma_start3A_1166, %dma_start3A_1167] : memref<4x128x64xf32, #tpu.memory_space<vmem>> -> memref<1x128x64xf32, #tpu.memory_space<vmem>>
    %dma_start3A_1169 = tpu.memref_squeeze %dma_start3A_1168 : memref<1x128x64xf32, #tpu.memory_space<vmem>> -> memref<128x64xf32, #tpu.memory_space<vmem>>
    %dma_start3A_1170 = arith.constant 0 : i32
    %dma_start3A_1171 = tpu.memref_slice %arg6[%add3A_1164, %dma_start3A_1170] : memref<102400x64xf32, #tpu.memory_space<hbm>> -> memref<128x64xf32, #tpu.memory_space<hbm>>
    %dma_start3A_1172 = arith.constant 0 : i32
    %dma_start3A_1173 = tpu.memref_slice %arg6[%add3A_1164, %dma_start3A_1172] : memref<102400x64xf32, #tpu.memory_space<hbm>> -> memref<128x64xf32, #tpu.memory_space<hbm>>
    %dma_start3A_1174 = arith.constant 0 : i32
    %dma_start3A_1175 = arith.constant 0 : i32
    %dma_start3A_1176 = tpu.memref_slice %arg10[%dma_start3A_1165, %dma_start3A_1174, %dma_start3A_1175] : memref<4x128x64xf32, #tpu.memory_space<vmem>> -> memref<1x128x64xf32, #tpu.memory_space<vmem>>
    %dma_start3A_1177 = tpu.memref_squeeze %dma_start3A_1176 : memref<1x128x64xf32, #tpu.memory_space<vmem>> -> memref<128x64xf32, #tpu.memory_space<vmem>>
    tpu.enqueue_dma source(%dma_start3A_1177 : memref<128x64xf32, #tpu.memory_space<vmem>>) target(%dma_start3A_1173 : memref<128x64xf32, #tpu.memory_space<hbm>>) target_semaphore(%arg18 : memref<!tpu.dma_semaphore, #tpu.memory_space<semaphore_mem>>)
    %add3A_1178 = arith.constant 1280 : i32
    %add3A_1179 = arith.addi %mul3A_4, %add3A_1178 : i32
    %dma_start3A_1180 = arith.constant 2 : i32
    %dma_start3A_1181 = arith.constant 0 : i32
    %dma_start3A_1182 = arith.constant 0 : i32
    %dma_start3A_1183 = tpu.memref_slice %arg11[%dma_start3A_1180, %dma_start3A_1181, %dma_start3A_1182] : memref<4x128x16xi32, #tpu.memory_space<vmem>> -> memref<1x128x16xi32, #tpu.memory_space<vmem>>
    %dma_start3A_1184 = tpu.memref_squeeze %dma_start3A_1183 : memref<1x128x16xi32, #tpu.memory_space<vmem>> -> memref<128x16xi32, #tpu.memory_space<vmem>>
    %dma_start3A_1185 = arith.constant 0 : i32
    %dma_start3A_1186 = tpu.memref_slice %arg7[%add3A_1179, %dma_start3A_1185] : memref<102400x16xi32, #tpu.memory_space<hbm>> -> memref<128x16xi32, #tpu.memory_space<hbm>>
    %dma_start3A_1187 = arith.constant 0 : i32
    %dma_start3A_1188 = tpu.memref_slice %arg7[%add3A_1179, %dma_start3A_1187] : memref<102400x16xi32, #tpu.memory_space<hbm>> -> memref<128x16xi32, #tpu.memory_space<hbm>>
    %dma_start3A_1189 = arith.constant 0 : i32
    %dma_start3A_1190 = arith.constant 0 : i32
    %dma_start3A_1191 = tpu.memref_slice %arg11[%dma_start3A_1180, %dma_start3A_1189, %dma_start3A_1190] : memref<4x128x16xi32, #tpu.memory_space<vmem>> -> memref<1x128x16xi32, #tpu.memory_space<vmem>>
    %dma_start3A_1192 = tpu.memref_squeeze %dma_start3A_1191 : memref<1x128x16xi32, #tpu.memory_space<vmem>> -> memref<128x16xi32, #tpu.memory_space<vmem>>
    tpu.enqueue_dma source(%dma_start3A_1192 : memref<128x16xi32, #tpu.memory_space<vmem>>) target(%dma_start3A_1188 : memref<128x16xi32, #tpu.memory_space<hbm>>) target_semaphore(%arg18 : memref<!tpu.dma_semaphore, #tpu.memory_space<semaphore_mem>>)
    %dma_wait3A_1193 = arith.constant 2 : i32
    %dma_wait3A_1194 = arith.constant 0 : i32
    %dma_wait3A_1195 = arith.constant 0 : i32
    %dma_wait3A_1196 = tpu.memref_slice %arg10[%dma_wait3A_1193, %dma_wait3A_1194, %dma_wait3A_1195] : memref<4x128x64xf32, #tpu.memory_space<vmem>> -> memref<1x128x64xf32, #tpu.memory_space<vmem>>
    %dma_wait3A_1197 = tpu.memref_squeeze %dma_wait3A_1196 : memref<1x128x64xf32, #tpu.memory_space<vmem>> -> memref<128x64xf32, #tpu.memory_space<vmem>>
    %dma_wait3A_1198 = arith.constant 0 : i32
    %dma_wait3A_1199 = tpu.memref_slice %arg6[%add3A_1164, %dma_wait3A_1198] : memref<102400x64xf32, #tpu.memory_space<hbm>> -> memref<128x64xf32, #tpu.memory_space<hbm>>
    %dma_wait3A_1200 = arith.constant 0 : i32
    %dma_wait3A_1201 = tpu.memref_slice %arg6[%add3A_1164, %dma_wait3A_1200] : memref<102400x64xf32, #tpu.memory_space<hbm>> -> memref<128x64xf32, #tpu.memory_space<hbm>>
    %dma_wait3A_1202 = arith.constant 0 : i32
    %dma_wait3A_1203 = arith.constant 0 : i32
    %dma_wait3A_1204 = tpu.memref_slice %arg10[%dma_wait3A_1193, %dma_wait3A_1202, %dma_wait3A_1203] : memref<4x128x64xf32, #tpu.memory_space<vmem>> -> memref<1x128x64xf32, #tpu.memory_space<vmem>>
    %dma_wait3A_1205 = tpu.memref_squeeze %dma_wait3A_1204 : memref<1x128x64xf32, #tpu.memory_space<vmem>> -> memref<128x64xf32, #tpu.memory_space<vmem>>
    tpu.wait_dma2 semaphore(%arg18 : memref<!tpu.dma_semaphore, #tpu.memory_space<semaphore_mem>>) src(%dma_wait3A_1205 : memref<128x64xf32, #tpu.memory_space<vmem>>) dst(%dma_wait3A_1201 : memref<128x64xf32, #tpu.memory_space<hbm>>)
    %dma_wait3A_1206 = arith.constant 2 : i32
    %dma_wait3A_1207 = arith.constant 0 : i32
    %dma_wait3A_1208 = arith.constant 0 : i32
    %dma_wait3A_1209 = tpu.memref_slice %arg11[%dma_wait3A_1206, %dma_wait3A_1207, %dma_wait3A_1208] : memref<4x128x16xi32, #tpu.memory_space<vmem>> -> memref<1x128x16xi32, #tpu.memory_space<vmem>>
    %dma_wait3A_1210 = tpu.memref_squeeze %dma_wait3A_1209 : memref<1x128x16xi32, #tpu.memory_space<vmem>> -> memref<128x16xi32, #tpu.memory_space<vmem>>
    %dma_wait3A_1211 = arith.constant 0 : i32
    %dma_wait3A_1212 = tpu.memref_slice %arg7[%add3A_1179, %dma_wait3A_1211] : memref<102400x16xi32, #tpu.memory_space<hbm>> -> memref<128x16xi32, #tpu.memory_space<hbm>>
    %dma_wait3A_1213 = arith.constant 0 : i32
    %dma_wait3A_1214 = tpu.memref_slice %arg7[%add3A_1179, %dma_wait3A_1213] : memref<102400x16xi32, #tpu.memory_space<hbm>> -> memref<128x16xi32, #tpu.memory_space<hbm>>
    %dma_wait3A_1215 = arith.constant 0 : i32
    %dma_wait3A_1216 = arith.constant 0 : i32
    %dma_wait3A_1217 = tpu.memref_slice %arg11[%dma_wait3A_1206, %dma_wait3A_1215, %dma_wait3A_1216] : memref<4x128x16xi32, #tpu.memory_space<vmem>> -> memref<1x128x16xi32, #tpu.memory_space<vmem>>
    %dma_wait3A_1218 = tpu.memref_squeeze %dma_wait3A_1217 : memref<1x128x16xi32, #tpu.memory_space<vmem>> -> memref<128x16xi32, #tpu.memory_space<vmem>>
    tpu.wait_dma2 semaphore(%arg18 : memref<!tpu.dma_semaphore, #tpu.memory_space<semaphore_mem>>) src(%dma_wait3A_1218 : memref<128x16xi32, #tpu.memory_space<vmem>>) dst(%dma_wait3A_1214 : memref<128x16xi32, #tpu.memory_space<hbm>>)
    %dma_start3A_1219 = arith.constant 14 : i32
    %dma_start3A_1220 = arith.constant 2 : i32
    %dma_start3A_1221 = arith.constant 0 : i32
    %dma_start3A_1222 = arith.constant 0 : i32
    %dma_start3A_1223 = tpu.memref_slice %arg10[%dma_start3A_1220, %dma_start3A_1221, %dma_start3A_1222] : memref<4x128x64xf32, #tpu.memory_space<vmem>> -> memref<1x128x64xf32, #tpu.memory_space<vmem>>
    %dma_start3A_1224 = tpu.memref_squeeze %dma_start3A_1223 : memref<1x128x64xf32, #tpu.memory_space<vmem>> -> memref<128x64xf32, #tpu.memory_space<vmem>>
    %dma_start3A_1225 = arith.constant 0 : i32
    %dma_start3A_1226 = tpu.memref_slice %arg8[%dma_start3A_1219, %dma_start3A_1225] : memref<25x128xi32, #tpu.memory_space<vmem>> -> memref<1x128xi32, #tpu.memory_space<vmem>>
    %dma_start3A_1227 = tpu.memref_squeeze %dma_start3A_1226 : memref<1x128xi32, #tpu.memory_space<vmem>> -> memref<128xi32, #tpu.memory_space<vmem>>
    %dma_start3A_1228 = arith.constant 0 : i32
    %dma_start3A_1229 = arith.constant 0 : i32
    %dma_start3A_1230 = tpu.memref_slice %arg4[%dma_start3A_1228, %dma_start3A_1229] : memref<100000x64xf32, #tpu.memory_space<hbm>> -> memref<100000x64xf32, #tpu.memory_space<hbm>>
    tpu.enqueue_indirect_dma source(%dma_start3A_1230 : memref<100000x64xf32, #tpu.memory_space<hbm>>) target(%dma_start3A_1224 : memref<128x64xf32, #tpu.memory_space<vmem>>) offsets(%dma_start3A_1227 : memref<128xi32, #tpu.memory_space<vmem>>) semaphore(%arg14 : memref<!tpu.dma_semaphore, #tpu.memory_space<semaphore_mem>>)
    %dma_start3A_1231 = arith.constant 14 : i32
    %dma_start3A_1232 = arith.constant 2 : i32
    %dma_start3A_1233 = arith.constant 0 : i32
    %dma_start3A_1234 = arith.constant 0 : i32
    %dma_start3A_1235 = tpu.memref_slice %arg11[%dma_start3A_1232, %dma_start3A_1233, %dma_start3A_1234] : memref<4x128x16xi32, #tpu.memory_space<vmem>> -> memref<1x128x16xi32, #tpu.memory_space<vmem>>
    %dma_start3A_1236 = tpu.memref_squeeze %dma_start3A_1235 : memref<1x128x16xi32, #tpu.memory_space<vmem>> -> memref<128x16xi32, #tpu.memory_space<vmem>>
    %dma_start3A_1237 = arith.constant 0 : i32
    %dma_start3A_1238 = tpu.memref_slice %arg9[%dma_start3A_1231, %dma_start3A_1237] : memref<25x128xi32, #tpu.memory_space<vmem>> -> memref<1x128xi32, #tpu.memory_space<vmem>>
    %dma_start3A_1239 = tpu.memref_squeeze %dma_start3A_1238 : memref<1x128xi32, #tpu.memory_space<vmem>> -> memref<128xi32, #tpu.memory_space<vmem>>
    %dma_start3A_1240 = arith.constant 0 : i32
    %dma_start3A_1241 = arith.constant 0 : i32
    %dma_start3A_1242 = tpu.memref_slice %arg5[%dma_start3A_1240, %dma_start3A_1241] : memref<1000x16xi32, #tpu.memory_space<hbm>> -> memref<1000x16xi32, #tpu.memory_space<hbm>>
    tpu.enqueue_indirect_dma source(%dma_start3A_1242 : memref<1000x16xi32, #tpu.memory_space<hbm>>) target(%dma_start3A_1236 : memref<128x16xi32, #tpu.memory_space<vmem>>) offsets(%dma_start3A_1239 : memref<128xi32, #tpu.memory_space<vmem>>) semaphore(%arg14 : memref<!tpu.dma_semaphore, #tpu.memory_space<semaphore_mem>>)
    %dma_wait3A_1243 = arith.constant 11 : i32
    %dma_wait3A_1244 = arith.constant 3 : i32
    %dma_wait3A_1245 = arith.constant 0 : i32
    %dma_wait3A_1246 = arith.constant 0 : i32
    %dma_wait3A_1247 = tpu.memref_slice %arg10[%dma_wait3A_1244, %dma_wait3A_1245, %dma_wait3A_1246] : memref<4x128x64xf32, #tpu.memory_space<vmem>> -> memref<1x128x64xf32, #tpu.memory_space<vmem>>
    %dma_wait3A_1248 = tpu.memref_squeeze %dma_wait3A_1247 : memref<1x128x64xf32, #tpu.memory_space<vmem>> -> memref<128x64xf32, #tpu.memory_space<vmem>>
    %dma_wait3A_1249 = arith.constant 0 : i32
    %dma_wait3A_1250 = tpu.memref_slice %arg8[%dma_wait3A_1243, %dma_wait3A_1249] : memref<25x128xi32, #tpu.memory_space<vmem>> -> memref<1x128xi32, #tpu.memory_space<vmem>>
    %dma_wait3A_1251 = tpu.memref_squeeze %dma_wait3A_1250 : memref<1x128xi32, #tpu.memory_space<vmem>> -> memref<128xi32, #tpu.memory_space<vmem>>
    %dma_wait3A_1252 = arith.constant 0 : i32
    %dma_wait3A_1253 = arith.constant 0 : i32
    %dma_wait3A_1254 = tpu.memref_slice %arg4[%dma_wait3A_1252, %dma_wait3A_1253] : memref<100000x64xf32, #tpu.memory_space<hbm>> -> memref<100000x64xf32, #tpu.memory_space<hbm>>
    tpu.wait_indirect_dma semaphore(%arg15 : memref<!tpu.dma_semaphore, #tpu.memory_space<semaphore_mem>>) src(%dma_wait3A_1254 : memref<100000x64xf32, #tpu.memory_space<hbm>>) dst(%dma_wait3A_1248 : memref<128x64xf32, #tpu.memory_space<vmem>>)
    %dma_wait3A_1255 = arith.constant 11 : i32
    %dma_wait3A_1256 = arith.constant 3 : i32
    %dma_wait3A_1257 = arith.constant 0 : i32
    %dma_wait3A_1258 = arith.constant 0 : i32
    %dma_wait3A_1259 = tpu.memref_slice %arg11[%dma_wait3A_1256, %dma_wait3A_1257, %dma_wait3A_1258] : memref<4x128x16xi32, #tpu.memory_space<vmem>> -> memref<1x128x16xi32, #tpu.memory_space<vmem>>
    %dma_wait3A_1260 = tpu.memref_squeeze %dma_wait3A_1259 : memref<1x128x16xi32, #tpu.memory_space<vmem>> -> memref<128x16xi32, #tpu.memory_space<vmem>>
    %dma_wait3A_1261 = arith.constant 0 : i32
    %dma_wait3A_1262 = tpu.memref_slice %arg9[%dma_wait3A_1255, %dma_wait3A_1261] : memref<25x128xi32, #tpu.memory_space<vmem>> -> memref<1x128xi32, #tpu.memory_space<vmem>>
    %dma_wait3A_1263 = tpu.memref_squeeze %dma_wait3A_1262 : memref<1x128xi32, #tpu.memory_space<vmem>> -> memref<128xi32, #tpu.memory_space<vmem>>
    %dma_wait3A_1264 = arith.constant 0 : i32
    %dma_wait3A_1265 = arith.constant 0 : i32
    %dma_wait3A_1266 = tpu.memref_slice %arg5[%dma_wait3A_1264, %dma_wait3A_1265] : memref<1000x16xi32, #tpu.memory_space<hbm>> -> memref<1000x16xi32, #tpu.memory_space<hbm>>
    tpu.wait_indirect_dma semaphore(%arg15 : memref<!tpu.dma_semaphore, #tpu.memory_space<semaphore_mem>>) src(%dma_wait3A_1266 : memref<1000x16xi32, #tpu.memory_space<hbm>>) dst(%dma_wait3A_1260 : memref<128x16xi32, #tpu.memory_space<vmem>>)
    %add3A_1267 = arith.constant 1408 : i32
    %add3A_1268 = arith.addi %mul3A_4, %add3A_1267 : i32
    %dma_start3A_1269 = arith.constant 3 : i32
    %dma_start3A_1270 = arith.constant 0 : i32
    %dma_start3A_1271 = arith.constant 0 : i32
    %dma_start3A_1272 = tpu.memref_slice %arg10[%dma_start3A_1269, %dma_start3A_1270, %dma_start3A_1271] : memref<4x128x64xf32, #tpu.memory_space<vmem>> -> memref<1x128x64xf32, #tpu.memory_space<vmem>>
    %dma_start3A_1273 = tpu.memref_squeeze %dma_start3A_1272 : memref<1x128x64xf32, #tpu.memory_space<vmem>> -> memref<128x64xf32, #tpu.memory_space<vmem>>
    %dma_start3A_1274 = arith.constant 0 : i32
    %dma_start3A_1275 = tpu.memref_slice %arg6[%add3A_1268, %dma_start3A_1274] : memref<102400x64xf32, #tpu.memory_space<hbm>> -> memref<128x64xf32, #tpu.memory_space<hbm>>
    %dma_start3A_1276 = arith.constant 0 : i32
    %dma_start3A_1277 = tpu.memref_slice %arg6[%add3A_1268, %dma_start3A_1276] : memref<102400x64xf32, #tpu.memory_space<hbm>> -> memref<128x64xf32, #tpu.memory_space<hbm>>
    %dma_start3A_1278 = arith.constant 0 : i32
    %dma_start3A_1279 = arith.constant 0 : i32
    %dma_start3A_1280 = tpu.memref_slice %arg10[%dma_start3A_1269, %dma_start3A_1278, %dma_start3A_1279] : memref<4x128x64xf32, #tpu.memory_space<vmem>> -> memref<1x128x64xf32, #tpu.memory_space<vmem>>
    %dma_start3A_1281 = tpu.memref_squeeze %dma_start3A_1280 : memref<1x128x64xf32, #tpu.memory_space<vmem>> -> memref<128x64xf32, #tpu.memory_space<vmem>>
    tpu.enqueue_dma source(%dma_start3A_1281 : memref<128x64xf32, #tpu.memory_space<vmem>>) target(%dma_start3A_1277 : memref<128x64xf32, #tpu.memory_space<hbm>>) target_semaphore(%arg19 : memref<!tpu.dma_semaphore, #tpu.memory_space<semaphore_mem>>)
    %add3A_1282 = arith.constant 1408 : i32
    %add3A_1283 = arith.addi %mul3A_4, %add3A_1282 : i32
    %dma_start3A_1284 = arith.constant 3 : i32
    %dma_start3A_1285 = arith.constant 0 : i32
    %dma_start3A_1286 = arith.constant 0 : i32
    %dma_start3A_1287 = tpu.memref_slice %arg11[%dma_start3A_1284, %dma_start3A_1285, %dma_start3A_1286] : memref<4x128x16xi32, #tpu.memory_space<vmem>> -> memref<1x128x16xi32, #tpu.memory_space<vmem>>
    %dma_start3A_1288 = tpu.memref_squeeze %dma_start3A_1287 : memref<1x128x16xi32, #tpu.memory_space<vmem>> -> memref<128x16xi32, #tpu.memory_space<vmem>>
    %dma_start3A_1289 = arith.constant 0 : i32
    %dma_start3A_1290 = tpu.memref_slice %arg7[%add3A_1283, %dma_start3A_1289] : memref<102400x16xi32, #tpu.memory_space<hbm>> -> memref<128x16xi32, #tpu.memory_space<hbm>>
    %dma_start3A_1291 = arith.constant 0 : i32
    %dma_start3A_1292 = tpu.memref_slice %arg7[%add3A_1283, %dma_start3A_1291] : memref<102400x16xi32, #tpu.memory_space<hbm>> -> memref<128x16xi32, #tpu.memory_space<hbm>>
    %dma_start3A_1293 = arith.constant 0 : i32
    %dma_start3A_1294 = arith.constant 0 : i32
    %dma_start3A_1295 = tpu.memref_slice %arg11[%dma_start3A_1284, %dma_start3A_1293, %dma_start3A_1294] : memref<4x128x16xi32, #tpu.memory_space<vmem>> -> memref<1x128x16xi32, #tpu.memory_space<vmem>>
    %dma_start3A_1296 = tpu.memref_squeeze %dma_start3A_1295 : memref<1x128x16xi32, #tpu.memory_space<vmem>> -> memref<128x16xi32, #tpu.memory_space<vmem>>
    tpu.enqueue_dma source(%dma_start3A_1296 : memref<128x16xi32, #tpu.memory_space<vmem>>) target(%dma_start3A_1292 : memref<128x16xi32, #tpu.memory_space<hbm>>) target_semaphore(%arg19 : memref<!tpu.dma_semaphore, #tpu.memory_space<semaphore_mem>>)
    %dma_wait3A_1297 = arith.constant 3 : i32
    %dma_wait3A_1298 = arith.constant 0 : i32
    %dma_wait3A_1299 = arith.constant 0 : i32
    %dma_wait3A_1300 = tpu.memref_slice %arg10[%dma_wait3A_1297, %dma_wait3A_1298, %dma_wait3A_1299] : memref<4x128x64xf32, #tpu.memory_space<vmem>> -> memref<1x128x64xf32, #tpu.memory_space<vmem>>
    %dma_wait3A_1301 = tpu.memref_squeeze %dma_wait3A_1300 : memref<1x128x64xf32, #tpu.memory_space<vmem>> -> memref<128x64xf32, #tpu.memory_space<vmem>>
    %dma_wait3A_1302 = arith.constant 0 : i32
    %dma_wait3A_1303 = tpu.memref_slice %arg6[%add3A_1268, %dma_wait3A_1302] : memref<102400x64xf32, #tpu.memory_space<hbm>> -> memref<128x64xf32, #tpu.memory_space<hbm>>
    %dma_wait3A_1304 = arith.constant 0 : i32
    %dma_wait3A_1305 = tpu.memref_slice %arg6[%add3A_1268, %dma_wait3A_1304] : memref<102400x64xf32, #tpu.memory_space<hbm>> -> memref<128x64xf32, #tpu.memory_space<hbm>>
    %dma_wait3A_1306 = arith.constant 0 : i32
    %dma_wait3A_1307 = arith.constant 0 : i32
    %dma_wait3A_1308 = tpu.memref_slice %arg10[%dma_wait3A_1297, %dma_wait3A_1306, %dma_wait3A_1307] : memref<4x128x64xf32, #tpu.memory_space<vmem>> -> memref<1x128x64xf32, #tpu.memory_space<vmem>>
    %dma_wait3A_1309 = tpu.memref_squeeze %dma_wait3A_1308 : memref<1x128x64xf32, #tpu.memory_space<vmem>> -> memref<128x64xf32, #tpu.memory_space<vmem>>
    tpu.wait_dma2 semaphore(%arg19 : memref<!tpu.dma_semaphore, #tpu.memory_space<semaphore_mem>>) src(%dma_wait3A_1309 : memref<128x64xf32, #tpu.memory_space<vmem>>) dst(%dma_wait3A_1305 : memref<128x64xf32, #tpu.memory_space<hbm>>)
    %dma_wait3A_1310 = arith.constant 3 : i32
    %dma_wait3A_1311 = arith.constant 0 : i32
    %dma_wait3A_1312 = arith.constant 0 : i32
    %dma_wait3A_1313 = tpu.memref_slice %arg11[%dma_wait3A_1310, %dma_wait3A_1311, %dma_wait3A_1312] : memref<4x128x16xi32, #tpu.memory_space<vmem>> -> memref<1x128x16xi32, #tpu.memory_space<vmem>>
    %dma_wait3A_1314 = tpu.memref_squeeze %dma_wait3A_1313 : memref<1x128x16xi32, #tpu.memory_space<vmem>> -> memref<128x16xi32, #tpu.memory_space<vmem>>
    %dma_wait3A_1315 = arith.constant 0 : i32
    %dma_wait3A_1316 = tpu.memref_slice %arg7[%add3A_1283, %dma_wait3A_1315] : memref<102400x16xi32, #tpu.memory_space<hbm>> -> memref<128x16xi32, #tpu.memory_space<hbm>>
    %dma_wait3A_1317 = arith.constant 0 : i32
    %dma_wait3A_1318 = tpu.memref_slice %arg7[%add3A_1283, %dma_wait3A_1317] : memref<102400x16xi32, #tpu.memory_space<hbm>> -> memref<128x16xi32, #tpu.memory_space<hbm>>
    %dma_wait3A_1319 = arith.constant 0 : i32
    %dma_wait3A_1320 = arith.constant 0 : i32
    %dma_wait3A_1321 = tpu.memref_slice %arg11[%dma_wait3A_1310, %dma_wait3A_1319, %dma_wait3A_1320] : memref<4x128x16xi32, #tpu.memory_space<vmem>> -> memref<1x128x16xi32, #tpu.memory_space<vmem>>
    %dma_wait3A_1322 = tpu.memref_squeeze %dma_wait3A_1321 : memref<1x128x16xi32, #tpu.memory_space<vmem>> -> memref<128x16xi32, #tpu.memory_space<vmem>>
    tpu.wait_dma2 semaphore(%arg19 : memref<!tpu.dma_semaphore, #tpu.memory_space<semaphore_mem>>) src(%dma_wait3A_1322 : memref<128x16xi32, #tpu.memory_space<vmem>>) dst(%dma_wait3A_1318 : memref<128x16xi32, #tpu.memory_space<hbm>>)
    %dma_start3A_1323 = arith.constant 15 : i32
    %dma_start3A_1324 = arith.constant 3 : i32
    %dma_start3A_1325 = arith.constant 0 : i32
    %dma_start3A_1326 = arith.constant 0 : i32
    %dma_start3A_1327 = tpu.memref_slice %arg10[%dma_start3A_1324, %dma_start3A_1325, %dma_start3A_1326] : memref<4x128x64xf32, #tpu.memory_space<vmem>> -> memref<1x128x64xf32, #tpu.memory_space<vmem>>
    %dma_start3A_1328 = tpu.memref_squeeze %dma_start3A_1327 : memref<1x128x64xf32, #tpu.memory_space<vmem>> -> memref<128x64xf32, #tpu.memory_space<vmem>>
    %dma_start3A_1329 = arith.constant 0 : i32
    %dma_start3A_1330 = tpu.memref_slice %arg8[%dma_start3A_1323, %dma_start3A_1329] : memref<25x128xi32, #tpu.memory_space<vmem>> -> memref<1x128xi32, #tpu.memory_space<vmem>>
    %dma_start3A_1331 = tpu.memref_squeeze %dma_start3A_1330 : memref<1x128xi32, #tpu.memory_space<vmem>> -> memref<128xi32, #tpu.memory_space<vmem>>
    %dma_start3A_1332 = arith.constant 0 : i32
    %dma_start3A_1333 = arith.constant 0 : i32
    %dma_start3A_1334 = tpu.memref_slice %arg4[%dma_start3A_1332, %dma_start3A_1333] : memref<100000x64xf32, #tpu.memory_space<hbm>> -> memref<100000x64xf32, #tpu.memory_space<hbm>>
    tpu.enqueue_indirect_dma source(%dma_start3A_1334 : memref<100000x64xf32, #tpu.memory_space<hbm>>) target(%dma_start3A_1328 : memref<128x64xf32, #tpu.memory_space<vmem>>) offsets(%dma_start3A_1331 : memref<128xi32, #tpu.memory_space<vmem>>) semaphore(%arg15 : memref<!tpu.dma_semaphore, #tpu.memory_space<semaphore_mem>>)
    %dma_start3A_1335 = arith.constant 15 : i32
    %dma_start3A_1336 = arith.constant 3 : i32
    %dma_start3A_1337 = arith.constant 0 : i32
    %dma_start3A_1338 = arith.constant 0 : i32
    %dma_start3A_1339 = tpu.memref_slice %arg11[%dma_start3A_1336, %dma_start3A_1337, %dma_start3A_1338] : memref<4x128x16xi32, #tpu.memory_space<vmem>> -> memref<1x128x16xi32, #tpu.memory_space<vmem>>
    %dma_start3A_1340 = tpu.memref_squeeze %dma_start3A_1339 : memref<1x128x16xi32, #tpu.memory_space<vmem>> -> memref<128x16xi32, #tpu.memory_space<vmem>>
    %dma_start3A_1341 = arith.constant 0 : i32
    %dma_start3A_1342 = tpu.memref_slice %arg9[%dma_start3A_1335, %dma_start3A_1341] : memref<25x128xi32, #tpu.memory_space<vmem>> -> memref<1x128xi32, #tpu.memory_space<vmem>>
    %dma_start3A_1343 = tpu.memref_squeeze %dma_start3A_1342 : memref<1x128xi32, #tpu.memory_space<vmem>> -> memref<128xi32, #tpu.memory_space<vmem>>
    %dma_start3A_1344 = arith.constant 0 : i32
    %dma_start3A_1345 = arith.constant 0 : i32
    %dma_start3A_1346 = tpu.memref_slice %arg5[%dma_start3A_1344, %dma_start3A_1345] : memref<1000x16xi32, #tpu.memory_space<hbm>> -> memref<1000x16xi32, #tpu.memory_space<hbm>>
    tpu.enqueue_indirect_dma source(%dma_start3A_1346 : memref<1000x16xi32, #tpu.memory_space<hbm>>) target(%dma_start3A_1340 : memref<128x16xi32, #tpu.memory_space<vmem>>) offsets(%dma_start3A_1343 : memref<128xi32, #tpu.memory_space<vmem>>) semaphore(%arg15 : memref<!tpu.dma_semaphore, #tpu.memory_space<semaphore_mem>>)
    %dma_wait3A_1347 = arith.constant 12 : i32
    %dma_wait3A_1348 = arith.constant 0 : i32
    %dma_wait3A_1349 = arith.constant 0 : i32
    %dma_wait3A_1350 = arith.constant 0 : i32
    %dma_wait3A_1351 = tpu.memref_slice %arg10[%dma_wait3A_1348, %dma_wait3A_1349, %dma_wait3A_1350] : memref<4x128x64xf32, #tpu.memory_space<vmem>> -> memref<1x128x64xf32, #tpu.memory_space<vmem>>
    %dma_wait3A_1352 = tpu.memref_squeeze %dma_wait3A_1351 : memref<1x128x64xf32, #tpu.memory_space<vmem>> -> memref<128x64xf32, #tpu.memory_space<vmem>>
    %dma_wait3A_1353 = arith.constant 0 : i32
    %dma_wait3A_1354 = tpu.memref_slice %arg8[%dma_wait3A_1347, %dma_wait3A_1353] : memref<25x128xi32, #tpu.memory_space<vmem>> -> memref<1x128xi32, #tpu.memory_space<vmem>>
    %dma_wait3A_1355 = tpu.memref_squeeze %dma_wait3A_1354 : memref<1x128xi32, #tpu.memory_space<vmem>> -> memref<128xi32, #tpu.memory_space<vmem>>
    %dma_wait3A_1356 = arith.constant 0 : i32
    %dma_wait3A_1357 = arith.constant 0 : i32
    %dma_wait3A_1358 = tpu.memref_slice %arg4[%dma_wait3A_1356, %dma_wait3A_1357] : memref<100000x64xf32, #tpu.memory_space<hbm>> -> memref<100000x64xf32, #tpu.memory_space<hbm>>
    tpu.wait_indirect_dma semaphore(%arg12 : memref<!tpu.dma_semaphore, #tpu.memory_space<semaphore_mem>>) src(%dma_wait3A_1358 : memref<100000x64xf32, #tpu.memory_space<hbm>>) dst(%dma_wait3A_1352 : memref<128x64xf32, #tpu.memory_space<vmem>>)
    %dma_wait3A_1359 = arith.constant 12 : i32
    %dma_wait3A_1360 = arith.constant 0 : i32
    %dma_wait3A_1361 = arith.constant 0 : i32
    %dma_wait3A_1362 = arith.constant 0 : i32
    %dma_wait3A_1363 = tpu.memref_slice %arg11[%dma_wait3A_1360, %dma_wait3A_1361, %dma_wait3A_1362] : memref<4x128x16xi32, #tpu.memory_space<vmem>> -> memref<1x128x16xi32, #tpu.memory_space<vmem>>
    %dma_wait3A_1364 = tpu.memref_squeeze %dma_wait3A_1363 : memref<1x128x16xi32, #tpu.memory_space<vmem>> -> memref<128x16xi32, #tpu.memory_space<vmem>>
    %dma_wait3A_1365 = arith.constant 0 : i32
    %dma_wait3A_1366 = tpu.memref_slice %arg9[%dma_wait3A_1359, %dma_wait3A_1365] : memref<25x128xi32, #tpu.memory_space<vmem>> -> memref<1x128xi32, #tpu.memory_space<vmem>>
    %dma_wait3A_1367 = tpu.memref_squeeze %dma_wait3A_1366 : memref<1x128xi32, #tpu.memory_space<vmem>> -> memref<128xi32, #tpu.memory_space<vmem>>
    %dma_wait3A_1368 = arith.constant 0 : i32
    %dma_wait3A_1369 = arith.constant 0 : i32
    %dma_wait3A_1370 = tpu.memref_slice %arg5[%dma_wait3A_1368, %dma_wait3A_1369] : memref<1000x16xi32, #tpu.memory_space<hbm>> -> memref<1000x16xi32, #tpu.memory_space<hbm>>
    tpu.wait_indirect_dma semaphore(%arg12 : memref<!tpu.dma_semaphore, #tpu.memory_space<semaphore_mem>>) src(%dma_wait3A_1370 : memref<1000x16xi32, #tpu.memory_space<hbm>>) dst(%dma_wait3A_1364 : memref<128x16xi32, #tpu.memory_space<vmem>>)
    %add3A_1371 = arith.constant 1536 : i32
    %add3A_1372 = arith.addi %mul3A_4, %add3A_1371 : i32
    %dma_start3A_1373 = arith.constant 0 : i32
    %dma_start3A_1374 = arith.constant 0 : i32
    %dma_start3A_1375 = arith.constant 0 : i32
    %dma_start3A_1376 = tpu.memref_slice %arg10[%dma_start3A_1373, %dma_start3A_1374, %dma_start3A_1375] : memref<4x128x64xf32, #tpu.memory_space<vmem>> -> memref<1x128x64xf32, #tpu.memory_space<vmem>>
    %dma_start3A_1377 = tpu.memref_squeeze %dma_start3A_1376 : memref<1x128x64xf32, #tpu.memory_space<vmem>> -> memref<128x64xf32, #tpu.memory_space<vmem>>
    %dma_start3A_1378 = arith.constant 0 : i32
    %dma_start3A_1379 = tpu.memref_slice %arg6[%add3A_1372, %dma_start3A_1378] : memref<102400x64xf32, #tpu.memory_space<hbm>> -> memref<128x64xf32, #tpu.memory_space<hbm>>
    %dma_start3A_1380 = arith.constant 0 : i32
    %dma_start3A_1381 = tpu.memref_slice %arg6[%add3A_1372, %dma_start3A_1380] : memref<102400x64xf32, #tpu.memory_space<hbm>> -> memref<128x64xf32, #tpu.memory_space<hbm>>
    %dma_start3A_1382 = arith.constant 0 : i32
    %dma_start3A_1383 = arith.constant 0 : i32
    %dma_start3A_1384 = tpu.memref_slice %arg10[%dma_start3A_1373, %dma_start3A_1382, %dma_start3A_1383] : memref<4x128x64xf32, #tpu.memory_space<vmem>> -> memref<1x128x64xf32, #tpu.memory_space<vmem>>
    %dma_start3A_1385 = tpu.memref_squeeze %dma_start3A_1384 : memref<1x128x64xf32, #tpu.memory_space<vmem>> -> memref<128x64xf32, #tpu.memory_space<vmem>>
    tpu.enqueue_dma source(%dma_start3A_1385 : memref<128x64xf32, #tpu.memory_space<vmem>>) target(%dma_start3A_1381 : memref<128x64xf32, #tpu.memory_space<hbm>>) target_semaphore(%arg16 : memref<!tpu.dma_semaphore, #tpu.memory_space<semaphore_mem>>)
    %add3A_1386 = arith.constant 1536 : i32
    %add3A_1387 = arith.addi %mul3A_4, %add3A_1386 : i32
    %dma_start3A_1388 = arith.constant 0 : i32
    %dma_start3A_1389 = arith.constant 0 : i32
    %dma_start3A_1390 = arith.constant 0 : i32
    %dma_start3A_1391 = tpu.memref_slice %arg11[%dma_start3A_1388, %dma_start3A_1389, %dma_start3A_1390] : memref<4x128x16xi32, #tpu.memory_space<vmem>> -> memref<1x128x16xi32, #tpu.memory_space<vmem>>
    %dma_start3A_1392 = tpu.memref_squeeze %dma_start3A_1391 : memref<1x128x16xi32, #tpu.memory_space<vmem>> -> memref<128x16xi32, #tpu.memory_space<vmem>>
    %dma_start3A_1393 = arith.constant 0 : i32
    %dma_start3A_1394 = tpu.memref_slice %arg7[%add3A_1387, %dma_start3A_1393] : memref<102400x16xi32, #tpu.memory_space<hbm>> -> memref<128x16xi32, #tpu.memory_space<hbm>>
    %dma_start3A_1395 = arith.constant 0 : i32
    %dma_start3A_1396 = tpu.memref_slice %arg7[%add3A_1387, %dma_start3A_1395] : memref<102400x16xi32, #tpu.memory_space<hbm>> -> memref<128x16xi32, #tpu.memory_space<hbm>>
    %dma_start3A_1397 = arith.constant 0 : i32
    %dma_start3A_1398 = arith.constant 0 : i32
    %dma_start3A_1399 = tpu.memref_slice %arg11[%dma_start3A_1388, %dma_start3A_1397, %dma_start3A_1398] : memref<4x128x16xi32, #tpu.memory_space<vmem>> -> memref<1x128x16xi32, #tpu.memory_space<vmem>>
    %dma_start3A_1400 = tpu.memref_squeeze %dma_start3A_1399 : memref<1x128x16xi32, #tpu.memory_space<vmem>> -> memref<128x16xi32, #tpu.memory_space<vmem>>
    tpu.enqueue_dma source(%dma_start3A_1400 : memref<128x16xi32, #tpu.memory_space<vmem>>) target(%dma_start3A_1396 : memref<128x16xi32, #tpu.memory_space<hbm>>) target_semaphore(%arg16 : memref<!tpu.dma_semaphore, #tpu.memory_space<semaphore_mem>>)
    %dma_wait3A_1401 = arith.constant 0 : i32
    %dma_wait3A_1402 = arith.constant 0 : i32
    %dma_wait3A_1403 = arith.constant 0 : i32
    %dma_wait3A_1404 = tpu.memref_slice %arg10[%dma_wait3A_1401, %dma_wait3A_1402, %dma_wait3A_1403] : memref<4x128x64xf32, #tpu.memory_space<vmem>> -> memref<1x128x64xf32, #tpu.memory_space<vmem>>
    %dma_wait3A_1405 = tpu.memref_squeeze %dma_wait3A_1404 : memref<1x128x64xf32, #tpu.memory_space<vmem>> -> memref<128x64xf32, #tpu.memory_space<vmem>>
    %dma_wait3A_1406 = arith.constant 0 : i32
    %dma_wait3A_1407 = tpu.memref_slice %arg6[%add3A_1372, %dma_wait3A_1406] : memref<102400x64xf32, #tpu.memory_space<hbm>> -> memref<128x64xf32, #tpu.memory_space<hbm>>
    %dma_wait3A_1408 = arith.constant 0 : i32
    %dma_wait3A_1409 = tpu.memref_slice %arg6[%add3A_1372, %dma_wait3A_1408] : memref<102400x64xf32, #tpu.memory_space<hbm>> -> memref<128x64xf32, #tpu.memory_space<hbm>>
    %dma_wait3A_1410 = arith.constant 0 : i32
    %dma_wait3A_1411 = arith.constant 0 : i32
    %dma_wait3A_1412 = tpu.memref_slice %arg10[%dma_wait3A_1401, %dma_wait3A_1410, %dma_wait3A_1411] : memref<4x128x64xf32, #tpu.memory_space<vmem>> -> memref<1x128x64xf32, #tpu.memory_space<vmem>>
    %dma_wait3A_1413 = tpu.memref_squeeze %dma_wait3A_1412 : memref<1x128x64xf32, #tpu.memory_space<vmem>> -> memref<128x64xf32, #tpu.memory_space<vmem>>
    tpu.wait_dma2 semaphore(%arg16 : memref<!tpu.dma_semaphore, #tpu.memory_space<semaphore_mem>>) src(%dma_wait3A_1413 : memref<128x64xf32, #tpu.memory_space<vmem>>) dst(%dma_wait3A_1409 : memref<128x64xf32, #tpu.memory_space<hbm>>)
    %dma_wait3A_1414 = arith.constant 0 : i32
    %dma_wait3A_1415 = arith.constant 0 : i32
    %dma_wait3A_1416 = arith.constant 0 : i32
    %dma_wait3A_1417 = tpu.memref_slice %arg11[%dma_wait3A_1414, %dma_wait3A_1415, %dma_wait3A_1416] : memref<4x128x16xi32, #tpu.memory_space<vmem>> -> memref<1x128x16xi32, #tpu.memory_space<vmem>>
    %dma_wait3A_1418 = tpu.memref_squeeze %dma_wait3A_1417 : memref<1x128x16xi32, #tpu.memory_space<vmem>> -> memref<128x16xi32, #tpu.memory_space<vmem>>
    %dma_wait3A_1419 = arith.constant 0 : i32
    %dma_wait3A_1420 = tpu.memref_slice %arg7[%add3A_1387, %dma_wait3A_1419] : memref<102400x16xi32, #tpu.memory_space<hbm>> -> memref<128x16xi32, #tpu.memory_space<hbm>>
    %dma_wait3A_1421 = arith.constant 0 : i32
    %dma_wait3A_1422 = tpu.memref_slice %arg7[%add3A_1387, %dma_wait3A_1421] : memref<102400x16xi32, #tpu.memory_space<hbm>> -> memref<128x16xi32, #tpu.memory_space<hbm>>
    %dma_wait3A_1423 = arith.constant 0 : i32
    %dma_wait3A_1424 = arith.constant 0 : i32
    %dma_wait3A_1425 = tpu.memref_slice %arg11[%dma_wait3A_1414, %dma_wait3A_1423, %dma_wait3A_1424] : memref<4x128x16xi32, #tpu.memory_space<vmem>> -> memref<1x128x16xi32, #tpu.memory_space<vmem>>
    %dma_wait3A_1426 = tpu.memref_squeeze %dma_wait3A_1425 : memref<1x128x16xi32, #tpu.memory_space<vmem>> -> memref<128x16xi32, #tpu.memory_space<vmem>>
    tpu.wait_dma2 semaphore(%arg16 : memref<!tpu.dma_semaphore, #tpu.memory_space<semaphore_mem>>) src(%dma_wait3A_1426 : memref<128x16xi32, #tpu.memory_space<vmem>>) dst(%dma_wait3A_1422 : memref<128x16xi32, #tpu.memory_space<hbm>>)
    %dma_start3A_1427 = arith.constant 16 : i32
    %dma_start3A_1428 = arith.constant 0 : i32
    %dma_start3A_1429 = arith.constant 0 : i32
    %dma_start3A_1430 = arith.constant 0 : i32
    %dma_start3A_1431 = tpu.memref_slice %arg10[%dma_start3A_1428, %dma_start3A_1429, %dma_start3A_1430] : memref<4x128x64xf32, #tpu.memory_space<vmem>> -> memref<1x128x64xf32, #tpu.memory_space<vmem>>
    %dma_start3A_1432 = tpu.memref_squeeze %dma_start3A_1431 : memref<1x128x64xf32, #tpu.memory_space<vmem>> -> memref<128x64xf32, #tpu.memory_space<vmem>>
    %dma_start3A_1433 = arith.constant 0 : i32
    %dma_start3A_1434 = tpu.memref_slice %arg8[%dma_start3A_1427, %dma_start3A_1433] : memref<25x128xi32, #tpu.memory_space<vmem>> -> memref<1x128xi32, #tpu.memory_space<vmem>>
    %dma_start3A_1435 = tpu.memref_squeeze %dma_start3A_1434 : memref<1x128xi32, #tpu.memory_space<vmem>> -> memref<128xi32, #tpu.memory_space<vmem>>
    %dma_start3A_1436 = arith.constant 0 : i32
    %dma_start3A_1437 = arith.constant 0 : i32
    %dma_start3A_1438 = tpu.memref_slice %arg4[%dma_start3A_1436, %dma_start3A_1437] : memref<100000x64xf32, #tpu.memory_space<hbm>> -> memref<100000x64xf32, #tpu.memory_space<hbm>>
    tpu.enqueue_indirect_dma source(%dma_start3A_1438 : memref<100000x64xf32, #tpu.memory_space<hbm>>) target(%dma_start3A_1432 : memref<128x64xf32, #tpu.memory_space<vmem>>) offsets(%dma_start3A_1435 : memref<128xi32, #tpu.memory_space<vmem>>) semaphore(%arg12 : memref<!tpu.dma_semaphore, #tpu.memory_space<semaphore_mem>>)
    %dma_start3A_1439 = arith.constant 16 : i32
    %dma_start3A_1440 = arith.constant 0 : i32
    %dma_start3A_1441 = arith.constant 0 : i32
    %dma_start3A_1442 = arith.constant 0 : i32
    %dma_start3A_1443 = tpu.memref_slice %arg11[%dma_start3A_1440, %dma_start3A_1441, %dma_start3A_1442] : memref<4x128x16xi32, #tpu.memory_space<vmem>> -> memref<1x128x16xi32, #tpu.memory_space<vmem>>
    %dma_start3A_1444 = tpu.memref_squeeze %dma_start3A_1443 : memref<1x128x16xi32, #tpu.memory_space<vmem>> -> memref<128x16xi32, #tpu.memory_space<vmem>>
    %dma_start3A_1445 = arith.constant 0 : i32
    %dma_start3A_1446 = tpu.memref_slice %arg9[%dma_start3A_1439, %dma_start3A_1445] : memref<25x128xi32, #tpu.memory_space<vmem>> -> memref<1x128xi32, #tpu.memory_space<vmem>>
    %dma_start3A_1447 = tpu.memref_squeeze %dma_start3A_1446 : memref<1x128xi32, #tpu.memory_space<vmem>> -> memref<128xi32, #tpu.memory_space<vmem>>
    %dma_start3A_1448 = arith.constant 0 : i32
    %dma_start3A_1449 = arith.constant 0 : i32
    %dma_start3A_1450 = tpu.memref_slice %arg5[%dma_start3A_1448, %dma_start3A_1449] : memref<1000x16xi32, #tpu.memory_space<hbm>> -> memref<1000x16xi32, #tpu.memory_space<hbm>>
    tpu.enqueue_indirect_dma source(%dma_start3A_1450 : memref<1000x16xi32, #tpu.memory_space<hbm>>) target(%dma_start3A_1444 : memref<128x16xi32, #tpu.memory_space<vmem>>) offsets(%dma_start3A_1447 : memref<128xi32, #tpu.memory_space<vmem>>) semaphore(%arg12 : memref<!tpu.dma_semaphore, #tpu.memory_space<semaphore_mem>>)
    %dma_wait3A_1451 = arith.constant 13 : i32
    %dma_wait3A_1452 = arith.constant 1 : i32
    %dma_wait3A_1453 = arith.constant 0 : i32
    %dma_wait3A_1454 = arith.constant 0 : i32
    %dma_wait3A_1455 = tpu.memref_slice %arg10[%dma_wait3A_1452, %dma_wait3A_1453, %dma_wait3A_1454] : memref<4x128x64xf32, #tpu.memory_space<vmem>> -> memref<1x128x64xf32, #tpu.memory_space<vmem>>
    %dma_wait3A_1456 = tpu.memref_squeeze %dma_wait3A_1455 : memref<1x128x64xf32, #tpu.memory_space<vmem>> -> memref<128x64xf32, #tpu.memory_space<vmem>>
    %dma_wait3A_1457 = arith.constant 0 : i32
    %dma_wait3A_1458 = tpu.memref_slice %arg8[%dma_wait3A_1451, %dma_wait3A_1457] : memref<25x128xi32, #tpu.memory_space<vmem>> -> memref<1x128xi32, #tpu.memory_space<vmem>>
    %dma_wait3A_1459 = tpu.memref_squeeze %dma_wait3A_1458 : memref<1x128xi32, #tpu.memory_space<vmem>> -> memref<128xi32, #tpu.memory_space<vmem>>
    %dma_wait3A_1460 = arith.constant 0 : i32
    %dma_wait3A_1461 = arith.constant 0 : i32
    %dma_wait3A_1462 = tpu.memref_slice %arg4[%dma_wait3A_1460, %dma_wait3A_1461] : memref<100000x64xf32, #tpu.memory_space<hbm>> -> memref<100000x64xf32, #tpu.memory_space<hbm>>
    tpu.wait_indirect_dma semaphore(%arg13 : memref<!tpu.dma_semaphore, #tpu.memory_space<semaphore_mem>>) src(%dma_wait3A_1462 : memref<100000x64xf32, #tpu.memory_space<hbm>>) dst(%dma_wait3A_1456 : memref<128x64xf32, #tpu.memory_space<vmem>>)
    %dma_wait3A_1463 = arith.constant 13 : i32
    %dma_wait3A_1464 = arith.constant 1 : i32
    %dma_wait3A_1465 = arith.constant 0 : i32
    %dma_wait3A_1466 = arith.constant 0 : i32
    %dma_wait3A_1467 = tpu.memref_slice %arg11[%dma_wait3A_1464, %dma_wait3A_1465, %dma_wait3A_1466] : memref<4x128x16xi32, #tpu.memory_space<vmem>> -> memref<1x128x16xi32, #tpu.memory_space<vmem>>
    %dma_wait3A_1468 = tpu.memref_squeeze %dma_wait3A_1467 : memref<1x128x16xi32, #tpu.memory_space<vmem>> -> memref<128x16xi32, #tpu.memory_space<vmem>>
    %dma_wait3A_1469 = arith.constant 0 : i32
    %dma_wait3A_1470 = tpu.memref_slice %arg9[%dma_wait3A_1463, %dma_wait3A_1469] : memref<25x128xi32, #tpu.memory_space<vmem>> -> memref<1x128xi32, #tpu.memory_space<vmem>>
    %dma_wait3A_1471 = tpu.memref_squeeze %dma_wait3A_1470 : memref<1x128xi32, #tpu.memory_space<vmem>> -> memref<128xi32, #tpu.memory_space<vmem>>
    %dma_wait3A_1472 = arith.constant 0 : i32
    %dma_wait3A_1473 = arith.constant 0 : i32
    %dma_wait3A_1474 = tpu.memref_slice %arg5[%dma_wait3A_1472, %dma_wait3A_1473] : memref<1000x16xi32, #tpu.memory_space<hbm>> -> memref<1000x16xi32, #tpu.memory_space<hbm>>
    tpu.wait_indirect_dma semaphore(%arg13 : memref<!tpu.dma_semaphore, #tpu.memory_space<semaphore_mem>>) src(%dma_wait3A_1474 : memref<1000x16xi32, #tpu.memory_space<hbm>>) dst(%dma_wait3A_1468 : memref<128x16xi32, #tpu.memory_space<vmem>>)
    %add3A_1475 = arith.constant 1664 : i32
    %add3A_1476 = arith.addi %mul3A_4, %add3A_1475 : i32
    %dma_start3A_1477 = arith.constant 1 : i32
    %dma_start3A_1478 = arith.constant 0 : i32
    %dma_start3A_1479 = arith.constant 0 : i32
    %dma_start3A_1480 = tpu.memref_slice %arg10[%dma_start3A_1477, %dma_start3A_1478, %dma_start3A_1479] : memref<4x128x64xf32, #tpu.memory_space<vmem>> -> memref<1x128x64xf32, #tpu.memory_space<vmem>>
    %dma_start3A_1481 = tpu.memref_squeeze %dma_start3A_1480 : memref<1x128x64xf32, #tpu.memory_space<vmem>> -> memref<128x64xf32, #tpu.memory_space<vmem>>
    %dma_start3A_1482 = arith.constant 0 : i32
    %dma_start3A_1483 = tpu.memref_slice %arg6[%add3A_1476, %dma_start3A_1482] : memref<102400x64xf32, #tpu.memory_space<hbm>> -> memref<128x64xf32, #tpu.memory_space<hbm>>
    %dma_start3A_1484 = arith.constant 0 : i32
    %dma_start3A_1485 = tpu.memref_slice %arg6[%add3A_1476, %dma_start3A_1484] : memref<102400x64xf32, #tpu.memory_space<hbm>> -> memref<128x64xf32, #tpu.memory_space<hbm>>
    %dma_start3A_1486 = arith.constant 0 : i32
    %dma_start3A_1487 = arith.constant 0 : i32
    %dma_start3A_1488 = tpu.memref_slice %arg10[%dma_start3A_1477, %dma_start3A_1486, %dma_start3A_1487] : memref<4x128x64xf32, #tpu.memory_space<vmem>> -> memref<1x128x64xf32, #tpu.memory_space<vmem>>
    %dma_start3A_1489 = tpu.memref_squeeze %dma_start3A_1488 : memref<1x128x64xf32, #tpu.memory_space<vmem>> -> memref<128x64xf32, #tpu.memory_space<vmem>>
    tpu.enqueue_dma source(%dma_start3A_1489 : memref<128x64xf32, #tpu.memory_space<vmem>>) target(%dma_start3A_1485 : memref<128x64xf32, #tpu.memory_space<hbm>>) target_semaphore(%arg17 : memref<!tpu.dma_semaphore, #tpu.memory_space<semaphore_mem>>)
    %add3A_1490 = arith.constant 1664 : i32
    %add3A_1491 = arith.addi %mul3A_4, %add3A_1490 : i32
    %dma_start3A_1492 = arith.constant 1 : i32
    %dma_start3A_1493 = arith.constant 0 : i32
    %dma_start3A_1494 = arith.constant 0 : i32
    %dma_start3A_1495 = tpu.memref_slice %arg11[%dma_start3A_1492, %dma_start3A_1493, %dma_start3A_1494] : memref<4x128x16xi32, #tpu.memory_space<vmem>> -> memref<1x128x16xi32, #tpu.memory_space<vmem>>
    %dma_start3A_1496 = tpu.memref_squeeze %dma_start3A_1495 : memref<1x128x16xi32, #tpu.memory_space<vmem>> -> memref<128x16xi32, #tpu.memory_space<vmem>>
    %dma_start3A_1497 = arith.constant 0 : i32
    %dma_start3A_1498 = tpu.memref_slice %arg7[%add3A_1491, %dma_start3A_1497] : memref<102400x16xi32, #tpu.memory_space<hbm>> -> memref<128x16xi32, #tpu.memory_space<hbm>>
    %dma_start3A_1499 = arith.constant 0 : i32
    %dma_start3A_1500 = tpu.memref_slice %arg7[%add3A_1491, %dma_start3A_1499] : memref<102400x16xi32, #tpu.memory_space<hbm>> -> memref<128x16xi32, #tpu.memory_space<hbm>>
    %dma_start3A_1501 = arith.constant 0 : i32
    %dma_start3A_1502 = arith.constant 0 : i32
    %dma_start3A_1503 = tpu.memref_slice %arg11[%dma_start3A_1492, %dma_start3A_1501, %dma_start3A_1502] : memref<4x128x16xi32, #tpu.memory_space<vmem>> -> memref<1x128x16xi32, #tpu.memory_space<vmem>>
    %dma_start3A_1504 = tpu.memref_squeeze %dma_start3A_1503 : memref<1x128x16xi32, #tpu.memory_space<vmem>> -> memref<128x16xi32, #tpu.memory_space<vmem>>
    tpu.enqueue_dma source(%dma_start3A_1504 : memref<128x16xi32, #tpu.memory_space<vmem>>) target(%dma_start3A_1500 : memref<128x16xi32, #tpu.memory_space<hbm>>) target_semaphore(%arg17 : memref<!tpu.dma_semaphore, #tpu.memory_space<semaphore_mem>>)
    %dma_wait3A_1505 = arith.constant 1 : i32
    %dma_wait3A_1506 = arith.constant 0 : i32
    %dma_wait3A_1507 = arith.constant 0 : i32
    %dma_wait3A_1508 = tpu.memref_slice %arg10[%dma_wait3A_1505, %dma_wait3A_1506, %dma_wait3A_1507] : memref<4x128x64xf32, #tpu.memory_space<vmem>> -> memref<1x128x64xf32, #tpu.memory_space<vmem>>
    %dma_wait3A_1509 = tpu.memref_squeeze %dma_wait3A_1508 : memref<1x128x64xf32, #tpu.memory_space<vmem>> -> memref<128x64xf32, #tpu.memory_space<vmem>>
    %dma_wait3A_1510 = arith.constant 0 : i32
    %dma_wait3A_1511 = tpu.memref_slice %arg6[%add3A_1476, %dma_wait3A_1510] : memref<102400x64xf32, #tpu.memory_space<hbm>> -> memref<128x64xf32, #tpu.memory_space<hbm>>
    %dma_wait3A_1512 = arith.constant 0 : i32
    %dma_wait3A_1513 = tpu.memref_slice %arg6[%add3A_1476, %dma_wait3A_1512] : memref<102400x64xf32, #tpu.memory_space<hbm>> -> memref<128x64xf32, #tpu.memory_space<hbm>>
    %dma_wait3A_1514 = arith.constant 0 : i32
    %dma_wait3A_1515 = arith.constant 0 : i32
    %dma_wait3A_1516 = tpu.memref_slice %arg10[%dma_wait3A_1505, %dma_wait3A_1514, %dma_wait3A_1515] : memref<4x128x64xf32, #tpu.memory_space<vmem>> -> memref<1x128x64xf32, #tpu.memory_space<vmem>>
    %dma_wait3A_1517 = tpu.memref_squeeze %dma_wait3A_1516 : memref<1x128x64xf32, #tpu.memory_space<vmem>> -> memref<128x64xf32, #tpu.memory_space<vmem>>
    tpu.wait_dma2 semaphore(%arg17 : memref<!tpu.dma_semaphore, #tpu.memory_space<semaphore_mem>>) src(%dma_wait3A_1517 : memref<128x64xf32, #tpu.memory_space<vmem>>) dst(%dma_wait3A_1513 : memref<128x64xf32, #tpu.memory_space<hbm>>)
    %dma_wait3A_1518 = arith.constant 1 : i32
    %dma_wait3A_1519 = arith.constant 0 : i32
    %dma_wait3A_1520 = arith.constant 0 : i32
    %dma_wait3A_1521 = tpu.memref_slice %arg11[%dma_wait3A_1518, %dma_wait3A_1519, %dma_wait3A_1520] : memref<4x128x16xi32, #tpu.memory_space<vmem>> -> memref<1x128x16xi32, #tpu.memory_space<vmem>>
    %dma_wait3A_1522 = tpu.memref_squeeze %dma_wait3A_1521 : memref<1x128x16xi32, #tpu.memory_space<vmem>> -> memref<128x16xi32, #tpu.memory_space<vmem>>
    %dma_wait3A_1523 = arith.constant 0 : i32
    %dma_wait3A_1524 = tpu.memref_slice %arg7[%add3A_1491, %dma_wait3A_1523] : memref<102400x16xi32, #tpu.memory_space<hbm>> -> memref<128x16xi32, #tpu.memory_space<hbm>>
    %dma_wait3A_1525 = arith.constant 0 : i32
    %dma_wait3A_1526 = tpu.memref_slice %arg7[%add3A_1491, %dma_wait3A_1525] : memref<102400x16xi32, #tpu.memory_space<hbm>> -> memref<128x16xi32, #tpu.memory_space<hbm>>
    %dma_wait3A_1527 = arith.constant 0 : i32
    %dma_wait3A_1528 = arith.constant 0 : i32
    %dma_wait3A_1529 = tpu.memref_slice %arg11[%dma_wait3A_1518, %dma_wait3A_1527, %dma_wait3A_1528] : memref<4x128x16xi32, #tpu.memory_space<vmem>> -> memref<1x128x16xi32, #tpu.memory_space<vmem>>
    %dma_wait3A_1530 = tpu.memref_squeeze %dma_wait3A_1529 : memref<1x128x16xi32, #tpu.memory_space<vmem>> -> memref<128x16xi32, #tpu.memory_space<vmem>>
    tpu.wait_dma2 semaphore(%arg17 : memref<!tpu.dma_semaphore, #tpu.memory_space<semaphore_mem>>) src(%dma_wait3A_1530 : memref<128x16xi32, #tpu.memory_space<vmem>>) dst(%dma_wait3A_1526 : memref<128x16xi32, #tpu.memory_space<hbm>>)
    %dma_start3A_1531 = arith.constant 17 : i32
    %dma_start3A_1532 = arith.constant 1 : i32
    %dma_start3A_1533 = arith.constant 0 : i32
    %dma_start3A_1534 = arith.constant 0 : i32
    %dma_start3A_1535 = tpu.memref_slice %arg10[%dma_start3A_1532, %dma_start3A_1533, %dma_start3A_1534] : memref<4x128x64xf32, #tpu.memory_space<vmem>> -> memref<1x128x64xf32, #tpu.memory_space<vmem>>
    %dma_start3A_1536 = tpu.memref_squeeze %dma_start3A_1535 : memref<1x128x64xf32, #tpu.memory_space<vmem>> -> memref<128x64xf32, #tpu.memory_space<vmem>>
    %dma_start3A_1537 = arith.constant 0 : i32
    %dma_start3A_1538 = tpu.memref_slice %arg8[%dma_start3A_1531, %dma_start3A_1537] : memref<25x128xi32, #tpu.memory_space<vmem>> -> memref<1x128xi32, #tpu.memory_space<vmem>>
    %dma_start3A_1539 = tpu.memref_squeeze %dma_start3A_1538 : memref<1x128xi32, #tpu.memory_space<vmem>> -> memref<128xi32, #tpu.memory_space<vmem>>
    %dma_start3A_1540 = arith.constant 0 : i32
    %dma_start3A_1541 = arith.constant 0 : i32
    %dma_start3A_1542 = tpu.memref_slice %arg4[%dma_start3A_1540, %dma_start3A_1541] : memref<100000x64xf32, #tpu.memory_space<hbm>> -> memref<100000x64xf32, #tpu.memory_space<hbm>>
    tpu.enqueue_indirect_dma source(%dma_start3A_1542 : memref<100000x64xf32, #tpu.memory_space<hbm>>) target(%dma_start3A_1536 : memref<128x64xf32, #tpu.memory_space<vmem>>) offsets(%dma_start3A_1539 : memref<128xi32, #tpu.memory_space<vmem>>) semaphore(%arg13 : memref<!tpu.dma_semaphore, #tpu.memory_space<semaphore_mem>>)
    %dma_start3A_1543 = arith.constant 17 : i32
    %dma_start3A_1544 = arith.constant 1 : i32
    %dma_start3A_1545 = arith.constant 0 : i32
    %dma_start3A_1546 = arith.constant 0 : i32
    %dma_start3A_1547 = tpu.memref_slice %arg11[%dma_start3A_1544, %dma_start3A_1545, %dma_start3A_1546] : memref<4x128x16xi32, #tpu.memory_space<vmem>> -> memref<1x128x16xi32, #tpu.memory_space<vmem>>
    %dma_start3A_1548 = tpu.memref_squeeze %dma_start3A_1547 : memref<1x128x16xi32, #tpu.memory_space<vmem>> -> memref<128x16xi32, #tpu.memory_space<vmem>>
    %dma_start3A_1549 = arith.constant 0 : i32
    %dma_start3A_1550 = tpu.memref_slice %arg9[%dma_start3A_1543, %dma_start3A_1549] : memref<25x128xi32, #tpu.memory_space<vmem>> -> memref<1x128xi32, #tpu.memory_space<vmem>>
    %dma_start3A_1551 = tpu.memref_squeeze %dma_start3A_1550 : memref<1x128xi32, #tpu.memory_space<vmem>> -> memref<128xi32, #tpu.memory_space<vmem>>
    %dma_start3A_1552 = arith.constant 0 : i32
    %dma_start3A_1553 = arith.constant 0 : i32
    %dma_start3A_1554 = tpu.memref_slice %arg5[%dma_start3A_1552, %dma_start3A_1553] : memref<1000x16xi32, #tpu.memory_space<hbm>> -> memref<1000x16xi32, #tpu.memory_space<hbm>>
    tpu.enqueue_indirect_dma source(%dma_start3A_1554 : memref<1000x16xi32, #tpu.memory_space<hbm>>) target(%dma_start3A_1548 : memref<128x16xi32, #tpu.memory_space<vmem>>) offsets(%dma_start3A_1551 : memref<128xi32, #tpu.memory_space<vmem>>) semaphore(%arg13 : memref<!tpu.dma_semaphore, #tpu.memory_space<semaphore_mem>>)
    %dma_wait3A_1555 = arith.constant 14 : i32
    %dma_wait3A_1556 = arith.constant 2 : i32
    %dma_wait3A_1557 = arith.constant 0 : i32
    %dma_wait3A_1558 = arith.constant 0 : i32
    %dma_wait3A_1559 = tpu.memref_slice %arg10[%dma_wait3A_1556, %dma_wait3A_1557, %dma_wait3A_1558] : memref<4x128x64xf32, #tpu.memory_space<vmem>> -> memref<1x128x64xf32, #tpu.memory_space<vmem>>
    %dma_wait3A_1560 = tpu.memref_squeeze %dma_wait3A_1559 : memref<1x128x64xf32, #tpu.memory_space<vmem>> -> memref<128x64xf32, #tpu.memory_space<vmem>>
    %dma_wait3A_1561 = arith.constant 0 : i32
    %dma_wait3A_1562 = tpu.memref_slice %arg8[%dma_wait3A_1555, %dma_wait3A_1561] : memref<25x128xi32, #tpu.memory_space<vmem>> -> memref<1x128xi32, #tpu.memory_space<vmem>>
    %dma_wait3A_1563 = tpu.memref_squeeze %dma_wait3A_1562 : memref<1x128xi32, #tpu.memory_space<vmem>> -> memref<128xi32, #tpu.memory_space<vmem>>
    %dma_wait3A_1564 = arith.constant 0 : i32
    %dma_wait3A_1565 = arith.constant 0 : i32
    %dma_wait3A_1566 = tpu.memref_slice %arg4[%dma_wait3A_1564, %dma_wait3A_1565] : memref<100000x64xf32, #tpu.memory_space<hbm>> -> memref<100000x64xf32, #tpu.memory_space<hbm>>
    tpu.wait_indirect_dma semaphore(%arg14 : memref<!tpu.dma_semaphore, #tpu.memory_space<semaphore_mem>>) src(%dma_wait3A_1566 : memref<100000x64xf32, #tpu.memory_space<hbm>>) dst(%dma_wait3A_1560 : memref<128x64xf32, #tpu.memory_space<vmem>>)
    %dma_wait3A_1567 = arith.constant 14 : i32
    %dma_wait3A_1568 = arith.constant 2 : i32
    %dma_wait3A_1569 = arith.constant 0 : i32
    %dma_wait3A_1570 = arith.constant 0 : i32
    %dma_wait3A_1571 = tpu.memref_slice %arg11[%dma_wait3A_1568, %dma_wait3A_1569, %dma_wait3A_1570] : memref<4x128x16xi32, #tpu.memory_space<vmem>> -> memref<1x128x16xi32, #tpu.memory_space<vmem>>
    %dma_wait3A_1572 = tpu.memref_squeeze %dma_wait3A_1571 : memref<1x128x16xi32, #tpu.memory_space<vmem>> -> memref<128x16xi32, #tpu.memory_space<vmem>>
    %dma_wait3A_1573 = arith.constant 0 : i32
    %dma_wait3A_1574 = tpu.memref_slice %arg9[%dma_wait3A_1567, %dma_wait3A_1573] : memref<25x128xi32, #tpu.memory_space<vmem>> -> memref<1x128xi32, #tpu.memory_space<vmem>>
    %dma_wait3A_1575 = tpu.memref_squeeze %dma_wait3A_1574 : memref<1x128xi32, #tpu.memory_space<vmem>> -> memref<128xi32, #tpu.memory_space<vmem>>
    %dma_wait3A_1576 = arith.constant 0 : i32
    %dma_wait3A_1577 = arith.constant 0 : i32
    %dma_wait3A_1578 = tpu.memref_slice %arg5[%dma_wait3A_1576, %dma_wait3A_1577] : memref<1000x16xi32, #tpu.memory_space<hbm>> -> memref<1000x16xi32, #tpu.memory_space<hbm>>
    tpu.wait_indirect_dma semaphore(%arg14 : memref<!tpu.dma_semaphore, #tpu.memory_space<semaphore_mem>>) src(%dma_wait3A_1578 : memref<1000x16xi32, #tpu.memory_space<hbm>>) dst(%dma_wait3A_1572 : memref<128x16xi32, #tpu.memory_space<vmem>>)
    %add3A_1579 = arith.constant 1792 : i32
    %add3A_1580 = arith.addi %mul3A_4, %add3A_1579 : i32
    %dma_start3A_1581 = arith.constant 2 : i32
    %dma_start3A_1582 = arith.constant 0 : i32
    %dma_start3A_1583 = arith.constant 0 : i32
    %dma_start3A_1584 = tpu.memref_slice %arg10[%dma_start3A_1581, %dma_start3A_1582, %dma_start3A_1583] : memref<4x128x64xf32, #tpu.memory_space<vmem>> -> memref<1x128x64xf32, #tpu.memory_space<vmem>>
    %dma_start3A_1585 = tpu.memref_squeeze %dma_start3A_1584 : memref<1x128x64xf32, #tpu.memory_space<vmem>> -> memref<128x64xf32, #tpu.memory_space<vmem>>
    %dma_start3A_1586 = arith.constant 0 : i32
    %dma_start3A_1587 = tpu.memref_slice %arg6[%add3A_1580, %dma_start3A_1586] : memref<102400x64xf32, #tpu.memory_space<hbm>> -> memref<128x64xf32, #tpu.memory_space<hbm>>
    %dma_start3A_1588 = arith.constant 0 : i32
    %dma_start3A_1589 = tpu.memref_slice %arg6[%add3A_1580, %dma_start3A_1588] : memref<102400x64xf32, #tpu.memory_space<hbm>> -> memref<128x64xf32, #tpu.memory_space<hbm>>
    %dma_start3A_1590 = arith.constant 0 : i32
    %dma_start3A_1591 = arith.constant 0 : i32
    %dma_start3A_1592 = tpu.memref_slice %arg10[%dma_start3A_1581, %dma_start3A_1590, %dma_start3A_1591] : memref<4x128x64xf32, #tpu.memory_space<vmem>> -> memref<1x128x64xf32, #tpu.memory_space<vmem>>
    %dma_start3A_1593 = tpu.memref_squeeze %dma_start3A_1592 : memref<1x128x64xf32, #tpu.memory_space<vmem>> -> memref<128x64xf32, #tpu.memory_space<vmem>>
    tpu.enqueue_dma source(%dma_start3A_1593 : memref<128x64xf32, #tpu.memory_space<vmem>>) target(%dma_start3A_1589 : memref<128x64xf32, #tpu.memory_space<hbm>>) target_semaphore(%arg18 : memref<!tpu.dma_semaphore, #tpu.memory_space<semaphore_mem>>)
    %add3A_1594 = arith.constant 1792 : i32
    %add3A_1595 = arith.addi %mul3A_4, %add3A_1594 : i32
    %dma_start3A_1596 = arith.constant 2 : i32
    %dma_start3A_1597 = arith.constant 0 : i32
    %dma_start3A_1598 = arith.constant 0 : i32
    %dma_start3A_1599 = tpu.memref_slice %arg11[%dma_start3A_1596, %dma_start3A_1597, %dma_start3A_1598] : memref<4x128x16xi32, #tpu.memory_space<vmem>> -> memref<1x128x16xi32, #tpu.memory_space<vmem>>
    %dma_start3A_1600 = tpu.memref_squeeze %dma_start3A_1599 : memref<1x128x16xi32, #tpu.memory_space<vmem>> -> memref<128x16xi32, #tpu.memory_space<vmem>>
    %dma_start3A_1601 = arith.constant 0 : i32
    %dma_start3A_1602 = tpu.memref_slice %arg7[%add3A_1595, %dma_start3A_1601] : memref<102400x16xi32, #tpu.memory_space<hbm>> -> memref<128x16xi32, #tpu.memory_space<hbm>>
    %dma_start3A_1603 = arith.constant 0 : i32
    %dma_start3A_1604 = tpu.memref_slice %arg7[%add3A_1595, %dma_start3A_1603] : memref<102400x16xi32, #tpu.memory_space<hbm>> -> memref<128x16xi32, #tpu.memory_space<hbm>>
    %dma_start3A_1605 = arith.constant 0 : i32
    %dma_start3A_1606 = arith.constant 0 : i32
    %dma_start3A_1607 = tpu.memref_slice %arg11[%dma_start3A_1596, %dma_start3A_1605, %dma_start3A_1606] : memref<4x128x16xi32, #tpu.memory_space<vmem>> -> memref<1x128x16xi32, #tpu.memory_space<vmem>>
    %dma_start3A_1608 = tpu.memref_squeeze %dma_start3A_1607 : memref<1x128x16xi32, #tpu.memory_space<vmem>> -> memref<128x16xi32, #tpu.memory_space<vmem>>
    tpu.enqueue_dma source(%dma_start3A_1608 : memref<128x16xi32, #tpu.memory_space<vmem>>) target(%dma_start3A_1604 : memref<128x16xi32, #tpu.memory_space<hbm>>) target_semaphore(%arg18 : memref<!tpu.dma_semaphore, #tpu.memory_space<semaphore_mem>>)
    %dma_wait3A_1609 = arith.constant 2 : i32
    %dma_wait3A_1610 = arith.constant 0 : i32
    %dma_wait3A_1611 = arith.constant 0 : i32
    %dma_wait3A_1612 = tpu.memref_slice %arg10[%dma_wait3A_1609, %dma_wait3A_1610, %dma_wait3A_1611] : memref<4x128x64xf32, #tpu.memory_space<vmem>> -> memref<1x128x64xf32, #tpu.memory_space<vmem>>
    %dma_wait3A_1613 = tpu.memref_squeeze %dma_wait3A_1612 : memref<1x128x64xf32, #tpu.memory_space<vmem>> -> memref<128x64xf32, #tpu.memory_space<vmem>>
    %dma_wait3A_1614 = arith.constant 0 : i32
    %dma_wait3A_1615 = tpu.memref_slice %arg6[%add3A_1580, %dma_wait3A_1614] : memref<102400x64xf32, #tpu.memory_space<hbm>> -> memref<128x64xf32, #tpu.memory_space<hbm>>
    %dma_wait3A_1616 = arith.constant 0 : i32
    %dma_wait3A_1617 = tpu.memref_slice %arg6[%add3A_1580, %dma_wait3A_1616] : memref<102400x64xf32, #tpu.memory_space<hbm>> -> memref<128x64xf32, #tpu.memory_space<hbm>>
    %dma_wait3A_1618 = arith.constant 0 : i32
    %dma_wait3A_1619 = arith.constant 0 : i32
    %dma_wait3A_1620 = tpu.memref_slice %arg10[%dma_wait3A_1609, %dma_wait3A_1618, %dma_wait3A_1619] : memref<4x128x64xf32, #tpu.memory_space<vmem>> -> memref<1x128x64xf32, #tpu.memory_space<vmem>>
    %dma_wait3A_1621 = tpu.memref_squeeze %dma_wait3A_1620 : memref<1x128x64xf32, #tpu.memory_space<vmem>> -> memref<128x64xf32, #tpu.memory_space<vmem>>
    tpu.wait_dma2 semaphore(%arg18 : memref<!tpu.dma_semaphore, #tpu.memory_space<semaphore_mem>>) src(%dma_wait3A_1621 : memref<128x64xf32, #tpu.memory_space<vmem>>) dst(%dma_wait3A_1617 : memref<128x64xf32, #tpu.memory_space<hbm>>)
    %dma_wait3A_1622 = arith.constant 2 : i32
    %dma_wait3A_1623 = arith.constant 0 : i32
    %dma_wait3A_1624 = arith.constant 0 : i32
    %dma_wait3A_1625 = tpu.memref_slice %arg11[%dma_wait3A_1622, %dma_wait3A_1623, %dma_wait3A_1624] : memref<4x128x16xi32, #tpu.memory_space<vmem>> -> memref<1x128x16xi32, #tpu.memory_space<vmem>>
    %dma_wait3A_1626 = tpu.memref_squeeze %dma_wait3A_1625 : memref<1x128x16xi32, #tpu.memory_space<vmem>> -> memref<128x16xi32, #tpu.memory_space<vmem>>
    %dma_wait3A_1627 = arith.constant 0 : i32
    %dma_wait3A_1628 = tpu.memref_slice %arg7[%add3A_1595, %dma_wait3A_1627] : memref<102400x16xi32, #tpu.memory_space<hbm>> -> memref<128x16xi32, #tpu.memory_space<hbm>>
    %dma_wait3A_1629 = arith.constant 0 : i32
    %dma_wait3A_1630 = tpu.memref_slice %arg7[%add3A_1595, %dma_wait3A_1629] : memref<102400x16xi32, #tpu.memory_space<hbm>> -> memref<128x16xi32, #tpu.memory_space<hbm>>
    %dma_wait3A_1631 = arith.constant 0 : i32
    %dma_wait3A_1632 = arith.constant 0 : i32
    %dma_wait3A_1633 = tpu.memref_slice %arg11[%dma_wait3A_1622, %dma_wait3A_1631, %dma_wait3A_1632] : memref<4x128x16xi32, #tpu.memory_space<vmem>> -> memref<1x128x16xi32, #tpu.memory_space<vmem>>
    %dma_wait3A_1634 = tpu.memref_squeeze %dma_wait3A_1633 : memref<1x128x16xi32, #tpu.memory_space<vmem>> -> memref<128x16xi32, #tpu.memory_space<vmem>>
    tpu.wait_dma2 semaphore(%arg18 : memref<!tpu.dma_semaphore, #tpu.memory_space<semaphore_mem>>) src(%dma_wait3A_1634 : memref<128x16xi32, #tpu.memory_space<vmem>>) dst(%dma_wait3A_1630 : memref<128x16xi32, #tpu.memory_space<hbm>>)
    %dma_start3A_1635 = arith.constant 18 : i32
    %dma_start3A_1636 = arith.constant 2 : i32
    %dma_start3A_1637 = arith.constant 0 : i32
    %dma_start3A_1638 = arith.constant 0 : i32
    %dma_start3A_1639 = tpu.memref_slice %arg10[%dma_start3A_1636, %dma_start3A_1637, %dma_start3A_1638] : memref<4x128x64xf32, #tpu.memory_space<vmem>> -> memref<1x128x64xf32, #tpu.memory_space<vmem>>
    %dma_start3A_1640 = tpu.memref_squeeze %dma_start3A_1639 : memref<1x128x64xf32, #tpu.memory_space<vmem>> -> memref<128x64xf32, #tpu.memory_space<vmem>>
    %dma_start3A_1641 = arith.constant 0 : i32
    %dma_start3A_1642 = tpu.memref_slice %arg8[%dma_start3A_1635, %dma_start3A_1641] : memref<25x128xi32, #tpu.memory_space<vmem>> -> memref<1x128xi32, #tpu.memory_space<vmem>>
    %dma_start3A_1643 = tpu.memref_squeeze %dma_start3A_1642 : memref<1x128xi32, #tpu.memory_space<vmem>> -> memref<128xi32, #tpu.memory_space<vmem>>
    %dma_start3A_1644 = arith.constant 0 : i32
    %dma_start3A_1645 = arith.constant 0 : i32
    %dma_start3A_1646 = tpu.memref_slice %arg4[%dma_start3A_1644, %dma_start3A_1645] : memref<100000x64xf32, #tpu.memory_space<hbm>> -> memref<100000x64xf32, #tpu.memory_space<hbm>>
    tpu.enqueue_indirect_dma source(%dma_start3A_1646 : memref<100000x64xf32, #tpu.memory_space<hbm>>) target(%dma_start3A_1640 : memref<128x64xf32, #tpu.memory_space<vmem>>) offsets(%dma_start3A_1643 : memref<128xi32, #tpu.memory_space<vmem>>) semaphore(%arg14 : memref<!tpu.dma_semaphore, #tpu.memory_space<semaphore_mem>>)
    %dma_start3A_1647 = arith.constant 18 : i32
    %dma_start3A_1648 = arith.constant 2 : i32
    %dma_start3A_1649 = arith.constant 0 : i32
    %dma_start3A_1650 = arith.constant 0 : i32
    %dma_start3A_1651 = tpu.memref_slice %arg11[%dma_start3A_1648, %dma_start3A_1649, %dma_start3A_1650] : memref<4x128x16xi32, #tpu.memory_space<vmem>> -> memref<1x128x16xi32, #tpu.memory_space<vmem>>
    %dma_start3A_1652 = tpu.memref_squeeze %dma_start3A_1651 : memref<1x128x16xi32, #tpu.memory_space<vmem>> -> memref<128x16xi32, #tpu.memory_space<vmem>>
    %dma_start3A_1653 = arith.constant 0 : i32
    %dma_start3A_1654 = tpu.memref_slice %arg9[%dma_start3A_1647, %dma_start3A_1653] : memref<25x128xi32, #tpu.memory_space<vmem>> -> memref<1x128xi32, #tpu.memory_space<vmem>>
    %dma_start3A_1655 = tpu.memref_squeeze %dma_start3A_1654 : memref<1x128xi32, #tpu.memory_space<vmem>> -> memref<128xi32, #tpu.memory_space<vmem>>
    %dma_start3A_1656 = arith.constant 0 : i32
    %dma_start3A_1657 = arith.constant 0 : i32
    %dma_start3A_1658 = tpu.memref_slice %arg5[%dma_start3A_1656, %dma_start3A_1657] : memref<1000x16xi32, #tpu.memory_space<hbm>> -> memref<1000x16xi32, #tpu.memory_space<hbm>>
    tpu.enqueue_indirect_dma source(%dma_start3A_1658 : memref<1000x16xi32, #tpu.memory_space<hbm>>) target(%dma_start3A_1652 : memref<128x16xi32, #tpu.memory_space<vmem>>) offsets(%dma_start3A_1655 : memref<128xi32, #tpu.memory_space<vmem>>) semaphore(%arg14 : memref<!tpu.dma_semaphore, #tpu.memory_space<semaphore_mem>>)
    %dma_wait3A_1659 = arith.constant 15 : i32
    %dma_wait3A_1660 = arith.constant 3 : i32
    %dma_wait3A_1661 = arith.constant 0 : i32
    %dma_wait3A_1662 = arith.constant 0 : i32
    %dma_wait3A_1663 = tpu.memref_slice %arg10[%dma_wait3A_1660, %dma_wait3A_1661, %dma_wait3A_1662] : memref<4x128x64xf32, #tpu.memory_space<vmem>> -> memref<1x128x64xf32, #tpu.memory_space<vmem>>
    %dma_wait3A_1664 = tpu.memref_squeeze %dma_wait3A_1663 : memref<1x128x64xf32, #tpu.memory_space<vmem>> -> memref<128x64xf32, #tpu.memory_space<vmem>>
    %dma_wait3A_1665 = arith.constant 0 : i32
    %dma_wait3A_1666 = tpu.memref_slice %arg8[%dma_wait3A_1659, %dma_wait3A_1665] : memref<25x128xi32, #tpu.memory_space<vmem>> -> memref<1x128xi32, #tpu.memory_space<vmem>>
    %dma_wait3A_1667 = tpu.memref_squeeze %dma_wait3A_1666 : memref<1x128xi32, #tpu.memory_space<vmem>> -> memref<128xi32, #tpu.memory_space<vmem>>
    %dma_wait3A_1668 = arith.constant 0 : i32
    %dma_wait3A_1669 = arith.constant 0 : i32
    %dma_wait3A_1670 = tpu.memref_slice %arg4[%dma_wait3A_1668, %dma_wait3A_1669] : memref<100000x64xf32, #tpu.memory_space<hbm>> -> memref<100000x64xf32, #tpu.memory_space<hbm>>
    tpu.wait_indirect_dma semaphore(%arg15 : memref<!tpu.dma_semaphore, #tpu.memory_space<semaphore_mem>>) src(%dma_wait3A_1670 : memref<100000x64xf32, #tpu.memory_space<hbm>>) dst(%dma_wait3A_1664 : memref<128x64xf32, #tpu.memory_space<vmem>>)
    %dma_wait3A_1671 = arith.constant 15 : i32
    %dma_wait3A_1672 = arith.constant 3 : i32
    %dma_wait3A_1673 = arith.constant 0 : i32
    %dma_wait3A_1674 = arith.constant 0 : i32
    %dma_wait3A_1675 = tpu.memref_slice %arg11[%dma_wait3A_1672, %dma_wait3A_1673, %dma_wait3A_1674] : memref<4x128x16xi32, #tpu.memory_space<vmem>> -> memref<1x128x16xi32, #tpu.memory_space<vmem>>
    %dma_wait3A_1676 = tpu.memref_squeeze %dma_wait3A_1675 : memref<1x128x16xi32, #tpu.memory_space<vmem>> -> memref<128x16xi32, #tpu.memory_space<vmem>>
    %dma_wait3A_1677 = arith.constant 0 : i32
    %dma_wait3A_1678 = tpu.memref_slice %arg9[%dma_wait3A_1671, %dma_wait3A_1677] : memref<25x128xi32, #tpu.memory_space<vmem>> -> memref<1x128xi32, #tpu.memory_space<vmem>>
    %dma_wait3A_1679 = tpu.memref_squeeze %dma_wait3A_1678 : memref<1x128xi32, #tpu.memory_space<vmem>> -> memref<128xi32, #tpu.memory_space<vmem>>
    %dma_wait3A_1680 = arith.constant 0 : i32
    %dma_wait3A_1681 = arith.constant 0 : i32
    %dma_wait3A_1682 = tpu.memref_slice %arg5[%dma_wait3A_1680, %dma_wait3A_1681] : memref<1000x16xi32, #tpu.memory_space<hbm>> -> memref<1000x16xi32, #tpu.memory_space<hbm>>
    tpu.wait_indirect_dma semaphore(%arg15 : memref<!tpu.dma_semaphore, #tpu.memory_space<semaphore_mem>>) src(%dma_wait3A_1682 : memref<1000x16xi32, #tpu.memory_space<hbm>>) dst(%dma_wait3A_1676 : memref<128x16xi32, #tpu.memory_space<vmem>>)
    %add3A_1683 = arith.constant 1920 : i32
    %add3A_1684 = arith.addi %mul3A_4, %add3A_1683 : i32
    %dma_start3A_1685 = arith.constant 3 : i32
    %dma_start3A_1686 = arith.constant 0 : i32
    %dma_start3A_1687 = arith.constant 0 : i32
    %dma_start3A_1688 = tpu.memref_slice %arg10[%dma_start3A_1685, %dma_start3A_1686, %dma_start3A_1687] : memref<4x128x64xf32, #tpu.memory_space<vmem>> -> memref<1x128x64xf32, #tpu.memory_space<vmem>>
    %dma_start3A_1689 = tpu.memref_squeeze %dma_start3A_1688 : memref<1x128x64xf32, #tpu.memory_space<vmem>> -> memref<128x64xf32, #tpu.memory_space<vmem>>
    %dma_start3A_1690 = arith.constant 0 : i32
    %dma_start3A_1691 = tpu.memref_slice %arg6[%add3A_1684, %dma_start3A_1690] : memref<102400x64xf32, #tpu.memory_space<hbm>> -> memref<128x64xf32, #tpu.memory_space<hbm>>
    %dma_start3A_1692 = arith.constant 0 : i32
    %dma_start3A_1693 = tpu.memref_slice %arg6[%add3A_1684, %dma_start3A_1692] : memref<102400x64xf32, #tpu.memory_space<hbm>> -> memref<128x64xf32, #tpu.memory_space<hbm>>
    %dma_start3A_1694 = arith.constant 0 : i32
    %dma_start3A_1695 = arith.constant 0 : i32
    %dma_start3A_1696 = tpu.memref_slice %arg10[%dma_start3A_1685, %dma_start3A_1694, %dma_start3A_1695] : memref<4x128x64xf32, #tpu.memory_space<vmem>> -> memref<1x128x64xf32, #tpu.memory_space<vmem>>
    %dma_start3A_1697 = tpu.memref_squeeze %dma_start3A_1696 : memref<1x128x64xf32, #tpu.memory_space<vmem>> -> memref<128x64xf32, #tpu.memory_space<vmem>>
    tpu.enqueue_dma source(%dma_start3A_1697 : memref<128x64xf32, #tpu.memory_space<vmem>>) target(%dma_start3A_1693 : memref<128x64xf32, #tpu.memory_space<hbm>>) target_semaphore(%arg19 : memref<!tpu.dma_semaphore, #tpu.memory_space<semaphore_mem>>)
    %add3A_1698 = arith.constant 1920 : i32
    %add3A_1699 = arith.addi %mul3A_4, %add3A_1698 : i32
    %dma_start3A_1700 = arith.constant 3 : i32
    %dma_start3A_1701 = arith.constant 0 : i32
    %dma_start3A_1702 = arith.constant 0 : i32
    %dma_start3A_1703 = tpu.memref_slice %arg11[%dma_start3A_1700, %dma_start3A_1701, %dma_start3A_1702] : memref<4x128x16xi32, #tpu.memory_space<vmem>> -> memref<1x128x16xi32, #tpu.memory_space<vmem>>
    %dma_start3A_1704 = tpu.memref_squeeze %dma_start3A_1703 : memref<1x128x16xi32, #tpu.memory_space<vmem>> -> memref<128x16xi32, #tpu.memory_space<vmem>>
    %dma_start3A_1705 = arith.constant 0 : i32
    %dma_start3A_1706 = tpu.memref_slice %arg7[%add3A_1699, %dma_start3A_1705] : memref<102400x16xi32, #tpu.memory_space<hbm>> -> memref<128x16xi32, #tpu.memory_space<hbm>>
    %dma_start3A_1707 = arith.constant 0 : i32
    %dma_start3A_1708 = tpu.memref_slice %arg7[%add3A_1699, %dma_start3A_1707] : memref<102400x16xi32, #tpu.memory_space<hbm>> -> memref<128x16xi32, #tpu.memory_space<hbm>>
    %dma_start3A_1709 = arith.constant 0 : i32
    %dma_start3A_1710 = arith.constant 0 : i32
    %dma_start3A_1711 = tpu.memref_slice %arg11[%dma_start3A_1700, %dma_start3A_1709, %dma_start3A_1710] : memref<4x128x16xi32, #tpu.memory_space<vmem>> -> memref<1x128x16xi32, #tpu.memory_space<vmem>>
    %dma_start3A_1712 = tpu.memref_squeeze %dma_start3A_1711 : memref<1x128x16xi32, #tpu.memory_space<vmem>> -> memref<128x16xi32, #tpu.memory_space<vmem>>
    tpu.enqueue_dma source(%dma_start3A_1712 : memref<128x16xi32, #tpu.memory_space<vmem>>) target(%dma_start3A_1708 : memref<128x16xi32, #tpu.memory_space<hbm>>) target_semaphore(%arg19 : memref<!tpu.dma_semaphore, #tpu.memory_space<semaphore_mem>>)
    %dma_wait3A_1713 = arith.constant 3 : i32
    %dma_wait3A_1714 = arith.constant 0 : i32
    %dma_wait3A_1715 = arith.constant 0 : i32
    %dma_wait3A_1716 = tpu.memref_slice %arg10[%dma_wait3A_1713, %dma_wait3A_1714, %dma_wait3A_1715] : memref<4x128x64xf32, #tpu.memory_space<vmem>> -> memref<1x128x64xf32, #tpu.memory_space<vmem>>
    %dma_wait3A_1717 = tpu.memref_squeeze %dma_wait3A_1716 : memref<1x128x64xf32, #tpu.memory_space<vmem>> -> memref<128x64xf32, #tpu.memory_space<vmem>>
    %dma_wait3A_1718 = arith.constant 0 : i32
    %dma_wait3A_1719 = tpu.memref_slice %arg6[%add3A_1684, %dma_wait3A_1718] : memref<102400x64xf32, #tpu.memory_space<hbm>> -> memref<128x64xf32, #tpu.memory_space<hbm>>
    %dma_wait3A_1720 = arith.constant 0 : i32
    %dma_wait3A_1721 = tpu.memref_slice %arg6[%add3A_1684, %dma_wait3A_1720] : memref<102400x64xf32, #tpu.memory_space<hbm>> -> memref<128x64xf32, #tpu.memory_space<hbm>>
    %dma_wait3A_1722 = arith.constant 0 : i32
    %dma_wait3A_1723 = arith.constant 0 : i32
    %dma_wait3A_1724 = tpu.memref_slice %arg10[%dma_wait3A_1713, %dma_wait3A_1722, %dma_wait3A_1723] : memref<4x128x64xf32, #tpu.memory_space<vmem>> -> memref<1x128x64xf32, #tpu.memory_space<vmem>>
    %dma_wait3A_1725 = tpu.memref_squeeze %dma_wait3A_1724 : memref<1x128x64xf32, #tpu.memory_space<vmem>> -> memref<128x64xf32, #tpu.memory_space<vmem>>
    tpu.wait_dma2 semaphore(%arg19 : memref<!tpu.dma_semaphore, #tpu.memory_space<semaphore_mem>>) src(%dma_wait3A_1725 : memref<128x64xf32, #tpu.memory_space<vmem>>) dst(%dma_wait3A_1721 : memref<128x64xf32, #tpu.memory_space<hbm>>)
    %dma_wait3A_1726 = arith.constant 3 : i32
    %dma_wait3A_1727 = arith.constant 0 : i32
    %dma_wait3A_1728 = arith.constant 0 : i32
    %dma_wait3A_1729 = tpu.memref_slice %arg11[%dma_wait3A_1726, %dma_wait3A_1727, %dma_wait3A_1728] : memref<4x128x16xi32, #tpu.memory_space<vmem>> -> memref<1x128x16xi32, #tpu.memory_space<vmem>>
    %dma_wait3A_1730 = tpu.memref_squeeze %dma_wait3A_1729 : memref<1x128x16xi32, #tpu.memory_space<vmem>> -> memref<128x16xi32, #tpu.memory_space<vmem>>
    %dma_wait3A_1731 = arith.constant 0 : i32
    %dma_wait3A_1732 = tpu.memref_slice %arg7[%add3A_1699, %dma_wait3A_1731] : memref<102400x16xi32, #tpu.memory_space<hbm>> -> memref<128x16xi32, #tpu.memory_space<hbm>>
    %dma_wait3A_1733 = arith.constant 0 : i32
    %dma_wait3A_1734 = tpu.memref_slice %arg7[%add3A_1699, %dma_wait3A_1733] : memref<102400x16xi32, #tpu.memory_space<hbm>> -> memref<128x16xi32, #tpu.memory_space<hbm>>
    %dma_wait3A_1735 = arith.constant 0 : i32
    %dma_wait3A_1736 = arith.constant 0 : i32
    %dma_wait3A_1737 = tpu.memref_slice %arg11[%dma_wait3A_1726, %dma_wait3A_1735, %dma_wait3A_1736] : memref<4x128x16xi32, #tpu.memory_space<vmem>> -> memref<1x128x16xi32, #tpu.memory_space<vmem>>
    %dma_wait3A_1738 = tpu.memref_squeeze %dma_wait3A_1737 : memref<1x128x16xi32, #tpu.memory_space<vmem>> -> memref<128x16xi32, #tpu.memory_space<vmem>>
    tpu.wait_dma2 semaphore(%arg19 : memref<!tpu.dma_semaphore, #tpu.memory_space<semaphore_mem>>) src(%dma_wait3A_1738 : memref<128x16xi32, #tpu.memory_space<vmem>>) dst(%dma_wait3A_1734 : memref<128x16xi32, #tpu.memory_space<hbm>>)
    %dma_start3A_1739 = arith.constant 19 : i32
    %dma_start3A_1740 = arith.constant 3 : i32
    %dma_start3A_1741 = arith.constant 0 : i32
    %dma_start3A_1742 = arith.constant 0 : i32
    %dma_start3A_1743 = tpu.memref_slice %arg10[%dma_start3A_1740, %dma_start3A_1741, %dma_start3A_1742] : memref<4x128x64xf32, #tpu.memory_space<vmem>> -> memref<1x128x64xf32, #tpu.memory_space<vmem>>
    %dma_start3A_1744 = tpu.memref_squeeze %dma_start3A_1743 : memref<1x128x64xf32, #tpu.memory_space<vmem>> -> memref<128x64xf32, #tpu.memory_space<vmem>>
    %dma_start3A_1745 = arith.constant 0 : i32
    %dma_start3A_1746 = tpu.memref_slice %arg8[%dma_start3A_1739, %dma_start3A_1745] : memref<25x128xi32, #tpu.memory_space<vmem>> -> memref<1x128xi32, #tpu.memory_space<vmem>>
    %dma_start3A_1747 = tpu.memref_squeeze %dma_start3A_1746 : memref<1x128xi32, #tpu.memory_space<vmem>> -> memref<128xi32, #tpu.memory_space<vmem>>
    %dma_start3A_1748 = arith.constant 0 : i32
    %dma_start3A_1749 = arith.constant 0 : i32
    %dma_start3A_1750 = tpu.memref_slice %arg4[%dma_start3A_1748, %dma_start3A_1749] : memref<100000x64xf32, #tpu.memory_space<hbm>> -> memref<100000x64xf32, #tpu.memory_space<hbm>>
    tpu.enqueue_indirect_dma source(%dma_start3A_1750 : memref<100000x64xf32, #tpu.memory_space<hbm>>) target(%dma_start3A_1744 : memref<128x64xf32, #tpu.memory_space<vmem>>) offsets(%dma_start3A_1747 : memref<128xi32, #tpu.memory_space<vmem>>) semaphore(%arg15 : memref<!tpu.dma_semaphore, #tpu.memory_space<semaphore_mem>>)
    %dma_start3A_1751 = arith.constant 19 : i32
    %dma_start3A_1752 = arith.constant 3 : i32
    %dma_start3A_1753 = arith.constant 0 : i32
    %dma_start3A_1754 = arith.constant 0 : i32
    %dma_start3A_1755 = tpu.memref_slice %arg11[%dma_start3A_1752, %dma_start3A_1753, %dma_start3A_1754] : memref<4x128x16xi32, #tpu.memory_space<vmem>> -> memref<1x128x16xi32, #tpu.memory_space<vmem>>
    %dma_start3A_1756 = tpu.memref_squeeze %dma_start3A_1755 : memref<1x128x16xi32, #tpu.memory_space<vmem>> -> memref<128x16xi32, #tpu.memory_space<vmem>>
    %dma_start3A_1757 = arith.constant 0 : i32
    %dma_start3A_1758 = tpu.memref_slice %arg9[%dma_start3A_1751, %dma_start3A_1757] : memref<25x128xi32, #tpu.memory_space<vmem>> -> memref<1x128xi32, #tpu.memory_space<vmem>>
    %dma_start3A_1759 = tpu.memref_squeeze %dma_start3A_1758 : memref<1x128xi32, #tpu.memory_space<vmem>> -> memref<128xi32, #tpu.memory_space<vmem>>
    %dma_start3A_1760 = arith.constant 0 : i32
    %dma_start3A_1761 = arith.constant 0 : i32
    %dma_start3A_1762 = tpu.memref_slice %arg5[%dma_start3A_1760, %dma_start3A_1761] : memref<1000x16xi32, #tpu.memory_space<hbm>> -> memref<1000x16xi32, #tpu.memory_space<hbm>>
    tpu.enqueue_indirect_dma source(%dma_start3A_1762 : memref<1000x16xi32, #tpu.memory_space<hbm>>) target(%dma_start3A_1756 : memref<128x16xi32, #tpu.memory_space<vmem>>) offsets(%dma_start3A_1759 : memref<128xi32, #tpu.memory_space<vmem>>) semaphore(%arg15 : memref<!tpu.dma_semaphore, #tpu.memory_space<semaphore_mem>>)
    %dma_wait3A_1763 = arith.constant 16 : i32
    %dma_wait3A_1764 = arith.constant 0 : i32
    %dma_wait3A_1765 = arith.constant 0 : i32
    %dma_wait3A_1766 = arith.constant 0 : i32
    %dma_wait3A_1767 = tpu.memref_slice %arg10[%dma_wait3A_1764, %dma_wait3A_1765, %dma_wait3A_1766] : memref<4x128x64xf32, #tpu.memory_space<vmem>> -> memref<1x128x64xf32, #tpu.memory_space<vmem>>
    %dma_wait3A_1768 = tpu.memref_squeeze %dma_wait3A_1767 : memref<1x128x64xf32, #tpu.memory_space<vmem>> -> memref<128x64xf32, #tpu.memory_space<vmem>>
    %dma_wait3A_1769 = arith.constant 0 : i32
    %dma_wait3A_1770 = tpu.memref_slice %arg8[%dma_wait3A_1763, %dma_wait3A_1769] : memref<25x128xi32, #tpu.memory_space<vmem>> -> memref<1x128xi32, #tpu.memory_space<vmem>>
    %dma_wait3A_1771 = tpu.memref_squeeze %dma_wait3A_1770 : memref<1x128xi32, #tpu.memory_space<vmem>> -> memref<128xi32, #tpu.memory_space<vmem>>
    %dma_wait3A_1772 = arith.constant 0 : i32
    %dma_wait3A_1773 = arith.constant 0 : i32
    %dma_wait3A_1774 = tpu.memref_slice %arg4[%dma_wait3A_1772, %dma_wait3A_1773] : memref<100000x64xf32, #tpu.memory_space<hbm>> -> memref<100000x64xf32, #tpu.memory_space<hbm>>
    tpu.wait_indirect_dma semaphore(%arg12 : memref<!tpu.dma_semaphore, #tpu.memory_space<semaphore_mem>>) src(%dma_wait3A_1774 : memref<100000x64xf32, #tpu.memory_space<hbm>>) dst(%dma_wait3A_1768 : memref<128x64xf32, #tpu.memory_space<vmem>>)
    %dma_wait3A_1775 = arith.constant 16 : i32
    %dma_wait3A_1776 = arith.constant 0 : i32
    %dma_wait3A_1777 = arith.constant 0 : i32
    %dma_wait3A_1778 = arith.constant 0 : i32
    %dma_wait3A_1779 = tpu.memref_slice %arg11[%dma_wait3A_1776, %dma_wait3A_1777, %dma_wait3A_1778] : memref<4x128x16xi32, #tpu.memory_space<vmem>> -> memref<1x128x16xi32, #tpu.memory_space<vmem>>
    %dma_wait3A_1780 = tpu.memref_squeeze %dma_wait3A_1779 : memref<1x128x16xi32, #tpu.memory_space<vmem>> -> memref<128x16xi32, #tpu.memory_space<vmem>>
    %dma_wait3A_1781 = arith.constant 0 : i32
    %dma_wait3A_1782 = tpu.memref_slice %arg9[%dma_wait3A_1775, %dma_wait3A_1781] : memref<25x128xi32, #tpu.memory_space<vmem>> -> memref<1x128xi32, #tpu.memory_space<vmem>>
    %dma_wait3A_1783 = tpu.memref_squeeze %dma_wait3A_1782 : memref<1x128xi32, #tpu.memory_space<vmem>> -> memref<128xi32, #tpu.memory_space<vmem>>
    %dma_wait3A_1784 = arith.constant 0 : i32
    %dma_wait3A_1785 = arith.constant 0 : i32
    %dma_wait3A_1786 = tpu.memref_slice %arg5[%dma_wait3A_1784, %dma_wait3A_1785] : memref<1000x16xi32, #tpu.memory_space<hbm>> -> memref<1000x16xi32, #tpu.memory_space<hbm>>
    tpu.wait_indirect_dma semaphore(%arg12 : memref<!tpu.dma_semaphore, #tpu.memory_space<semaphore_mem>>) src(%dma_wait3A_1786 : memref<1000x16xi32, #tpu.memory_space<hbm>>) dst(%dma_wait3A_1780 : memref<128x16xi32, #tpu.memory_space<vmem>>)
    %add3A_1787 = arith.constant 2048 : i32
    %add3A_1788 = arith.addi %mul3A_4, %add3A_1787 : i32
    %dma_start3A_1789 = arith.constant 0 : i32
    %dma_start3A_1790 = arith.constant 0 : i32
    %dma_start3A_1791 = arith.constant 0 : i32
    %dma_start3A_1792 = tpu.memref_slice %arg10[%dma_start3A_1789, %dma_start3A_1790, %dma_start3A_1791] : memref<4x128x64xf32, #tpu.memory_space<vmem>> -> memref<1x128x64xf32, #tpu.memory_space<vmem>>
    %dma_start3A_1793 = tpu.memref_squeeze %dma_start3A_1792 : memref<1x128x64xf32, #tpu.memory_space<vmem>> -> memref<128x64xf32, #tpu.memory_space<vmem>>
    %dma_start3A_1794 = arith.constant 0 : i32
    %dma_start3A_1795 = tpu.memref_slice %arg6[%add3A_1788, %dma_start3A_1794] : memref<102400x64xf32, #tpu.memory_space<hbm>> -> memref<128x64xf32, #tpu.memory_space<hbm>>
    %dma_start3A_1796 = arith.constant 0 : i32
    %dma_start3A_1797 = tpu.memref_slice %arg6[%add3A_1788, %dma_start3A_1796] : memref<102400x64xf32, #tpu.memory_space<hbm>> -> memref<128x64xf32, #tpu.memory_space<hbm>>
    %dma_start3A_1798 = arith.constant 0 : i32
    %dma_start3A_1799 = arith.constant 0 : i32
    %dma_start3A_1800 = tpu.memref_slice %arg10[%dma_start3A_1789, %dma_start3A_1798, %dma_start3A_1799] : memref<4x128x64xf32, #tpu.memory_space<vmem>> -> memref<1x128x64xf32, #tpu.memory_space<vmem>>
    %dma_start3A_1801 = tpu.memref_squeeze %dma_start3A_1800 : memref<1x128x64xf32, #tpu.memory_space<vmem>> -> memref<128x64xf32, #tpu.memory_space<vmem>>
    tpu.enqueue_dma source(%dma_start3A_1801 : memref<128x64xf32, #tpu.memory_space<vmem>>) target(%dma_start3A_1797 : memref<128x64xf32, #tpu.memory_space<hbm>>) target_semaphore(%arg16 : memref<!tpu.dma_semaphore, #tpu.memory_space<semaphore_mem>>)
    %add3A_1802 = arith.constant 2048 : i32
    %add3A_1803 = arith.addi %mul3A_4, %add3A_1802 : i32
    %dma_start3A_1804 = arith.constant 0 : i32
    %dma_start3A_1805 = arith.constant 0 : i32
    %dma_start3A_1806 = arith.constant 0 : i32
    %dma_start3A_1807 = tpu.memref_slice %arg11[%dma_start3A_1804, %dma_start3A_1805, %dma_start3A_1806] : memref<4x128x16xi32, #tpu.memory_space<vmem>> -> memref<1x128x16xi32, #tpu.memory_space<vmem>>
    %dma_start3A_1808 = tpu.memref_squeeze %dma_start3A_1807 : memref<1x128x16xi32, #tpu.memory_space<vmem>> -> memref<128x16xi32, #tpu.memory_space<vmem>>
    %dma_start3A_1809 = arith.constant 0 : i32
    %dma_start3A_1810 = tpu.memref_slice %arg7[%add3A_1803, %dma_start3A_1809] : memref<102400x16xi32, #tpu.memory_space<hbm>> -> memref<128x16xi32, #tpu.memory_space<hbm>>
    %dma_start3A_1811 = arith.constant 0 : i32
    %dma_start3A_1812 = tpu.memref_slice %arg7[%add3A_1803, %dma_start3A_1811] : memref<102400x16xi32, #tpu.memory_space<hbm>> -> memref<128x16xi32, #tpu.memory_space<hbm>>
    %dma_start3A_1813 = arith.constant 0 : i32
    %dma_start3A_1814 = arith.constant 0 : i32
    %dma_start3A_1815 = tpu.memref_slice %arg11[%dma_start3A_1804, %dma_start3A_1813, %dma_start3A_1814] : memref<4x128x16xi32, #tpu.memory_space<vmem>> -> memref<1x128x16xi32, #tpu.memory_space<vmem>>
    %dma_start3A_1816 = tpu.memref_squeeze %dma_start3A_1815 : memref<1x128x16xi32, #tpu.memory_space<vmem>> -> memref<128x16xi32, #tpu.memory_space<vmem>>
    tpu.enqueue_dma source(%dma_start3A_1816 : memref<128x16xi32, #tpu.memory_space<vmem>>) target(%dma_start3A_1812 : memref<128x16xi32, #tpu.memory_space<hbm>>) target_semaphore(%arg16 : memref<!tpu.dma_semaphore, #tpu.memory_space<semaphore_mem>>)
    %dma_wait3A_1817 = arith.constant 0 : i32
    %dma_wait3A_1818 = arith.constant 0 : i32
    %dma_wait3A_1819 = arith.constant 0 : i32
    %dma_wait3A_1820 = tpu.memref_slice %arg10[%dma_wait3A_1817, %dma_wait3A_1818, %dma_wait3A_1819] : memref<4x128x64xf32, #tpu.memory_space<vmem>> -> memref<1x128x64xf32, #tpu.memory_space<vmem>>
    %dma_wait3A_1821 = tpu.memref_squeeze %dma_wait3A_1820 : memref<1x128x64xf32, #tpu.memory_space<vmem>> -> memref<128x64xf32, #tpu.memory_space<vmem>>
    %dma_wait3A_1822 = arith.constant 0 : i32
    %dma_wait3A_1823 = tpu.memref_slice %arg6[%add3A_1788, %dma_wait3A_1822] : memref<102400x64xf32, #tpu.memory_space<hbm>> -> memref<128x64xf32, #tpu.memory_space<hbm>>
    %dma_wait3A_1824 = arith.constant 0 : i32
    %dma_wait3A_1825 = tpu.memref_slice %arg6[%add3A_1788, %dma_wait3A_1824] : memref<102400x64xf32, #tpu.memory_space<hbm>> -> memref<128x64xf32, #tpu.memory_space<hbm>>
    %dma_wait3A_1826 = arith.constant 0 : i32
    %dma_wait3A_1827 = arith.constant 0 : i32
    %dma_wait3A_1828 = tpu.memref_slice %arg10[%dma_wait3A_1817, %dma_wait3A_1826, %dma_wait3A_1827] : memref<4x128x64xf32, #tpu.memory_space<vmem>> -> memref<1x128x64xf32, #tpu.memory_space<vmem>>
    %dma_wait3A_1829 = tpu.memref_squeeze %dma_wait3A_1828 : memref<1x128x64xf32, #tpu.memory_space<vmem>> -> memref<128x64xf32, #tpu.memory_space<vmem>>
    tpu.wait_dma2 semaphore(%arg16 : memref<!tpu.dma_semaphore, #tpu.memory_space<semaphore_mem>>) src(%dma_wait3A_1829 : memref<128x64xf32, #tpu.memory_space<vmem>>) dst(%dma_wait3A_1825 : memref<128x64xf32, #tpu.memory_space<hbm>>)
    %dma_wait3A_1830 = arith.constant 0 : i32
    %dma_wait3A_1831 = arith.constant 0 : i32
    %dma_wait3A_1832 = arith.constant 0 : i32
    %dma_wait3A_1833 = tpu.memref_slice %arg11[%dma_wait3A_1830, %dma_wait3A_1831, %dma_wait3A_1832] : memref<4x128x16xi32, #tpu.memory_space<vmem>> -> memref<1x128x16xi32, #tpu.memory_space<vmem>>
    %dma_wait3A_1834 = tpu.memref_squeeze %dma_wait3A_1833 : memref<1x128x16xi32, #tpu.memory_space<vmem>> -> memref<128x16xi32, #tpu.memory_space<vmem>>
    %dma_wait3A_1835 = arith.constant 0 : i32
    %dma_wait3A_1836 = tpu.memref_slice %arg7[%add3A_1803, %dma_wait3A_1835] : memref<102400x16xi32, #tpu.memory_space<hbm>> -> memref<128x16xi32, #tpu.memory_space<hbm>>
    %dma_wait3A_1837 = arith.constant 0 : i32
    %dma_wait3A_1838 = tpu.memref_slice %arg7[%add3A_1803, %dma_wait3A_1837] : memref<102400x16xi32, #tpu.memory_space<hbm>> -> memref<128x16xi32, #tpu.memory_space<hbm>>
    %dma_wait3A_1839 = arith.constant 0 : i32
    %dma_wait3A_1840 = arith.constant 0 : i32
    %dma_wait3A_1841 = tpu.memref_slice %arg11[%dma_wait3A_1830, %dma_wait3A_1839, %dma_wait3A_1840] : memref<4x128x16xi32, #tpu.memory_space<vmem>> -> memref<1x128x16xi32, #tpu.memory_space<vmem>>
    %dma_wait3A_1842 = tpu.memref_squeeze %dma_wait3A_1841 : memref<1x128x16xi32, #tpu.memory_space<vmem>> -> memref<128x16xi32, #tpu.memory_space<vmem>>
    tpu.wait_dma2 semaphore(%arg16 : memref<!tpu.dma_semaphore, #tpu.memory_space<semaphore_mem>>) src(%dma_wait3A_1842 : memref<128x16xi32, #tpu.memory_space<vmem>>) dst(%dma_wait3A_1838 : memref<128x16xi32, #tpu.memory_space<hbm>>)
    %dma_start3A_1843 = arith.constant 20 : i32
    %dma_start3A_1844 = arith.constant 0 : i32
    %dma_start3A_1845 = arith.constant 0 : i32
    %dma_start3A_1846 = arith.constant 0 : i32
    %dma_start3A_1847 = tpu.memref_slice %arg10[%dma_start3A_1844, %dma_start3A_1845, %dma_start3A_1846] : memref<4x128x64xf32, #tpu.memory_space<vmem>> -> memref<1x128x64xf32, #tpu.memory_space<vmem>>
    %dma_start3A_1848 = tpu.memref_squeeze %dma_start3A_1847 : memref<1x128x64xf32, #tpu.memory_space<vmem>> -> memref<128x64xf32, #tpu.memory_space<vmem>>
    %dma_start3A_1849 = arith.constant 0 : i32
    %dma_start3A_1850 = tpu.memref_slice %arg8[%dma_start3A_1843, %dma_start3A_1849] : memref<25x128xi32, #tpu.memory_space<vmem>> -> memref<1x128xi32, #tpu.memory_space<vmem>>
    %dma_start3A_1851 = tpu.memref_squeeze %dma_start3A_1850 : memref<1x128xi32, #tpu.memory_space<vmem>> -> memref<128xi32, #tpu.memory_space<vmem>>
    %dma_start3A_1852 = arith.constant 0 : i32
    %dma_start3A_1853 = arith.constant 0 : i32
    %dma_start3A_1854 = tpu.memref_slice %arg4[%dma_start3A_1852, %dma_start3A_1853] : memref<100000x64xf32, #tpu.memory_space<hbm>> -> memref<100000x64xf32, #tpu.memory_space<hbm>>
    tpu.enqueue_indirect_dma source(%dma_start3A_1854 : memref<100000x64xf32, #tpu.memory_space<hbm>>) target(%dma_start3A_1848 : memref<128x64xf32, #tpu.memory_space<vmem>>) offsets(%dma_start3A_1851 : memref<128xi32, #tpu.memory_space<vmem>>) semaphore(%arg12 : memref<!tpu.dma_semaphore, #tpu.memory_space<semaphore_mem>>)
    %dma_start3A_1855 = arith.constant 20 : i32
    %dma_start3A_1856 = arith.constant 0 : i32
    %dma_start3A_1857 = arith.constant 0 : i32
    %dma_start3A_1858 = arith.constant 0 : i32
    %dma_start3A_1859 = tpu.memref_slice %arg11[%dma_start3A_1856, %dma_start3A_1857, %dma_start3A_1858] : memref<4x128x16xi32, #tpu.memory_space<vmem>> -> memref<1x128x16xi32, #tpu.memory_space<vmem>>
    %dma_start3A_1860 = tpu.memref_squeeze %dma_start3A_1859 : memref<1x128x16xi32, #tpu.memory_space<vmem>> -> memref<128x16xi32, #tpu.memory_space<vmem>>
    %dma_start3A_1861 = arith.constant 0 : i32
    %dma_start3A_1862 = tpu.memref_slice %arg9[%dma_start3A_1855, %dma_start3A_1861] : memref<25x128xi32, #tpu.memory_space<vmem>> -> memref<1x128xi32, #tpu.memory_space<vmem>>
    %dma_start3A_1863 = tpu.memref_squeeze %dma_start3A_1862 : memref<1x128xi32, #tpu.memory_space<vmem>> -> memref<128xi32, #tpu.memory_space<vmem>>
    %dma_start3A_1864 = arith.constant 0 : i32
    %dma_start3A_1865 = arith.constant 0 : i32
    %dma_start3A_1866 = tpu.memref_slice %arg5[%dma_start3A_1864, %dma_start3A_1865] : memref<1000x16xi32, #tpu.memory_space<hbm>> -> memref<1000x16xi32, #tpu.memory_space<hbm>>
    tpu.enqueue_indirect_dma source(%dma_start3A_1866 : memref<1000x16xi32, #tpu.memory_space<hbm>>) target(%dma_start3A_1860 : memref<128x16xi32, #tpu.memory_space<vmem>>) offsets(%dma_start3A_1863 : memref<128xi32, #tpu.memory_space<vmem>>) semaphore(%arg12 : memref<!tpu.dma_semaphore, #tpu.memory_space<semaphore_mem>>)
    %dma_wait3A_1867 = arith.constant 17 : i32
    %dma_wait3A_1868 = arith.constant 1 : i32
    %dma_wait3A_1869 = arith.constant 0 : i32
    %dma_wait3A_1870 = arith.constant 0 : i32
    %dma_wait3A_1871 = tpu.memref_slice %arg10[%dma_wait3A_1868, %dma_wait3A_1869, %dma_wait3A_1870] : memref<4x128x64xf32, #tpu.memory_space<vmem>> -> memref<1x128x64xf32, #tpu.memory_space<vmem>>
    %dma_wait3A_1872 = tpu.memref_squeeze %dma_wait3A_1871 : memref<1x128x64xf32, #tpu.memory_space<vmem>> -> memref<128x64xf32, #tpu.memory_space<vmem>>
    %dma_wait3A_1873 = arith.constant 0 : i32
    %dma_wait3A_1874 = tpu.memref_slice %arg8[%dma_wait3A_1867, %dma_wait3A_1873] : memref<25x128xi32, #tpu.memory_space<vmem>> -> memref<1x128xi32, #tpu.memory_space<vmem>>
    %dma_wait3A_1875 = tpu.memref_squeeze %dma_wait3A_1874 : memref<1x128xi32, #tpu.memory_space<vmem>> -> memref<128xi32, #tpu.memory_space<vmem>>
    %dma_wait3A_1876 = arith.constant 0 : i32
    %dma_wait3A_1877 = arith.constant 0 : i32
    %dma_wait3A_1878 = tpu.memref_slice %arg4[%dma_wait3A_1876, %dma_wait3A_1877] : memref<100000x64xf32, #tpu.memory_space<hbm>> -> memref<100000x64xf32, #tpu.memory_space<hbm>>
    tpu.wait_indirect_dma semaphore(%arg13 : memref<!tpu.dma_semaphore, #tpu.memory_space<semaphore_mem>>) src(%dma_wait3A_1878 : memref<100000x64xf32, #tpu.memory_space<hbm>>) dst(%dma_wait3A_1872 : memref<128x64xf32, #tpu.memory_space<vmem>>)
    %dma_wait3A_1879 = arith.constant 17 : i32
    %dma_wait3A_1880 = arith.constant 1 : i32
    %dma_wait3A_1881 = arith.constant 0 : i32
    %dma_wait3A_1882 = arith.constant 0 : i32
    %dma_wait3A_1883 = tpu.memref_slice %arg11[%dma_wait3A_1880, %dma_wait3A_1881, %dma_wait3A_1882] : memref<4x128x16xi32, #tpu.memory_space<vmem>> -> memref<1x128x16xi32, #tpu.memory_space<vmem>>
    %dma_wait3A_1884 = tpu.memref_squeeze %dma_wait3A_1883 : memref<1x128x16xi32, #tpu.memory_space<vmem>> -> memref<128x16xi32, #tpu.memory_space<vmem>>
    %dma_wait3A_1885 = arith.constant 0 : i32
    %dma_wait3A_1886 = tpu.memref_slice %arg9[%dma_wait3A_1879, %dma_wait3A_1885] : memref<25x128xi32, #tpu.memory_space<vmem>> -> memref<1x128xi32, #tpu.memory_space<vmem>>
    %dma_wait3A_1887 = tpu.memref_squeeze %dma_wait3A_1886 : memref<1x128xi32, #tpu.memory_space<vmem>> -> memref<128xi32, #tpu.memory_space<vmem>>
    %dma_wait3A_1888 = arith.constant 0 : i32
    %dma_wait3A_1889 = arith.constant 0 : i32
    %dma_wait3A_1890 = tpu.memref_slice %arg5[%dma_wait3A_1888, %dma_wait3A_1889] : memref<1000x16xi32, #tpu.memory_space<hbm>> -> memref<1000x16xi32, #tpu.memory_space<hbm>>
    tpu.wait_indirect_dma semaphore(%arg13 : memref<!tpu.dma_semaphore, #tpu.memory_space<semaphore_mem>>) src(%dma_wait3A_1890 : memref<1000x16xi32, #tpu.memory_space<hbm>>) dst(%dma_wait3A_1884 : memref<128x16xi32, #tpu.memory_space<vmem>>)
    %add3A_1891 = arith.constant 2176 : i32
    %add3A_1892 = arith.addi %mul3A_4, %add3A_1891 : i32
    %dma_start3A_1893 = arith.constant 1 : i32
    %dma_start3A_1894 = arith.constant 0 : i32
    %dma_start3A_1895 = arith.constant 0 : i32
    %dma_start3A_1896 = tpu.memref_slice %arg10[%dma_start3A_1893, %dma_start3A_1894, %dma_start3A_1895] : memref<4x128x64xf32, #tpu.memory_space<vmem>> -> memref<1x128x64xf32, #tpu.memory_space<vmem>>
    %dma_start3A_1897 = tpu.memref_squeeze %dma_start3A_1896 : memref<1x128x64xf32, #tpu.memory_space<vmem>> -> memref<128x64xf32, #tpu.memory_space<vmem>>
    %dma_start3A_1898 = arith.constant 0 : i32
    %dma_start3A_1899 = tpu.memref_slice %arg6[%add3A_1892, %dma_start3A_1898] : memref<102400x64xf32, #tpu.memory_space<hbm>> -> memref<128x64xf32, #tpu.memory_space<hbm>>
    %dma_start3A_1900 = arith.constant 0 : i32
    %dma_start3A_1901 = tpu.memref_slice %arg6[%add3A_1892, %dma_start3A_1900] : memref<102400x64xf32, #tpu.memory_space<hbm>> -> memref<128x64xf32, #tpu.memory_space<hbm>>
    %dma_start3A_1902 = arith.constant 0 : i32
    %dma_start3A_1903 = arith.constant 0 : i32
    %dma_start3A_1904 = tpu.memref_slice %arg10[%dma_start3A_1893, %dma_start3A_1902, %dma_start3A_1903] : memref<4x128x64xf32, #tpu.memory_space<vmem>> -> memref<1x128x64xf32, #tpu.memory_space<vmem>>
    %dma_start3A_1905 = tpu.memref_squeeze %dma_start3A_1904 : memref<1x128x64xf32, #tpu.memory_space<vmem>> -> memref<128x64xf32, #tpu.memory_space<vmem>>
    tpu.enqueue_dma source(%dma_start3A_1905 : memref<128x64xf32, #tpu.memory_space<vmem>>) target(%dma_start3A_1901 : memref<128x64xf32, #tpu.memory_space<hbm>>) target_semaphore(%arg17 : memref<!tpu.dma_semaphore, #tpu.memory_space<semaphore_mem>>)
    %add3A_1906 = arith.constant 2176 : i32
    %add3A_1907 = arith.addi %mul3A_4, %add3A_1906 : i32
    %dma_start3A_1908 = arith.constant 1 : i32
    %dma_start3A_1909 = arith.constant 0 : i32
    %dma_start3A_1910 = arith.constant 0 : i32
    %dma_start3A_1911 = tpu.memref_slice %arg11[%dma_start3A_1908, %dma_start3A_1909, %dma_start3A_1910] : memref<4x128x16xi32, #tpu.memory_space<vmem>> -> memref<1x128x16xi32, #tpu.memory_space<vmem>>
    %dma_start3A_1912 = tpu.memref_squeeze %dma_start3A_1911 : memref<1x128x16xi32, #tpu.memory_space<vmem>> -> memref<128x16xi32, #tpu.memory_space<vmem>>
    %dma_start3A_1913 = arith.constant 0 : i32
    %dma_start3A_1914 = tpu.memref_slice %arg7[%add3A_1907, %dma_start3A_1913] : memref<102400x16xi32, #tpu.memory_space<hbm>> -> memref<128x16xi32, #tpu.memory_space<hbm>>
    %dma_start3A_1915 = arith.constant 0 : i32
    %dma_start3A_1916 = tpu.memref_slice %arg7[%add3A_1907, %dma_start3A_1915] : memref<102400x16xi32, #tpu.memory_space<hbm>> -> memref<128x16xi32, #tpu.memory_space<hbm>>
    %dma_start3A_1917 = arith.constant 0 : i32
    %dma_start3A_1918 = arith.constant 0 : i32
    %dma_start3A_1919 = tpu.memref_slice %arg11[%dma_start3A_1908, %dma_start3A_1917, %dma_start3A_1918] : memref<4x128x16xi32, #tpu.memory_space<vmem>> -> memref<1x128x16xi32, #tpu.memory_space<vmem>>
    %dma_start3A_1920 = tpu.memref_squeeze %dma_start3A_1919 : memref<1x128x16xi32, #tpu.memory_space<vmem>> -> memref<128x16xi32, #tpu.memory_space<vmem>>
    tpu.enqueue_dma source(%dma_start3A_1920 : memref<128x16xi32, #tpu.memory_space<vmem>>) target(%dma_start3A_1916 : memref<128x16xi32, #tpu.memory_space<hbm>>) target_semaphore(%arg17 : memref<!tpu.dma_semaphore, #tpu.memory_space<semaphore_mem>>)
    %dma_wait3A_1921 = arith.constant 1 : i32
    %dma_wait3A_1922 = arith.constant 0 : i32
    %dma_wait3A_1923 = arith.constant 0 : i32
    %dma_wait3A_1924 = tpu.memref_slice %arg10[%dma_wait3A_1921, %dma_wait3A_1922, %dma_wait3A_1923] : memref<4x128x64xf32, #tpu.memory_space<vmem>> -> memref<1x128x64xf32, #tpu.memory_space<vmem>>
    %dma_wait3A_1925 = tpu.memref_squeeze %dma_wait3A_1924 : memref<1x128x64xf32, #tpu.memory_space<vmem>> -> memref<128x64xf32, #tpu.memory_space<vmem>>
    %dma_wait3A_1926 = arith.constant 0 : i32
    %dma_wait3A_1927 = tpu.memref_slice %arg6[%add3A_1892, %dma_wait3A_1926] : memref<102400x64xf32, #tpu.memory_space<hbm>> -> memref<128x64xf32, #tpu.memory_space<hbm>>
    %dma_wait3A_1928 = arith.constant 0 : i32
    %dma_wait3A_1929 = tpu.memref_slice %arg6[%add3A_1892, %dma_wait3A_1928] : memref<102400x64xf32, #tpu.memory_space<hbm>> -> memref<128x64xf32, #tpu.memory_space<hbm>>
    %dma_wait3A_1930 = arith.constant 0 : i32
    %dma_wait3A_1931 = arith.constant 0 : i32
    %dma_wait3A_1932 = tpu.memref_slice %arg10[%dma_wait3A_1921, %dma_wait3A_1930, %dma_wait3A_1931] : memref<4x128x64xf32, #tpu.memory_space<vmem>> -> memref<1x128x64xf32, #tpu.memory_space<vmem>>
    %dma_wait3A_1933 = tpu.memref_squeeze %dma_wait3A_1932 : memref<1x128x64xf32, #tpu.memory_space<vmem>> -> memref<128x64xf32, #tpu.memory_space<vmem>>
    tpu.wait_dma2 semaphore(%arg17 : memref<!tpu.dma_semaphore, #tpu.memory_space<semaphore_mem>>) src(%dma_wait3A_1933 : memref<128x64xf32, #tpu.memory_space<vmem>>) dst(%dma_wait3A_1929 : memref<128x64xf32, #tpu.memory_space<hbm>>)
    %dma_wait3A_1934 = arith.constant 1 : i32
    %dma_wait3A_1935 = arith.constant 0 : i32
    %dma_wait3A_1936 = arith.constant 0 : i32
    %dma_wait3A_1937 = tpu.memref_slice %arg11[%dma_wait3A_1934, %dma_wait3A_1935, %dma_wait3A_1936] : memref<4x128x16xi32, #tpu.memory_space<vmem>> -> memref<1x128x16xi32, #tpu.memory_space<vmem>>
    %dma_wait3A_1938 = tpu.memref_squeeze %dma_wait3A_1937 : memref<1x128x16xi32, #tpu.memory_space<vmem>> -> memref<128x16xi32, #tpu.memory_space<vmem>>
    %dma_wait3A_1939 = arith.constant 0 : i32
    %dma_wait3A_1940 = tpu.memref_slice %arg7[%add3A_1907, %dma_wait3A_1939] : memref<102400x16xi32, #tpu.memory_space<hbm>> -> memref<128x16xi32, #tpu.memory_space<hbm>>
    %dma_wait3A_1941 = arith.constant 0 : i32
    %dma_wait3A_1942 = tpu.memref_slice %arg7[%add3A_1907, %dma_wait3A_1941] : memref<102400x16xi32, #tpu.memory_space<hbm>> -> memref<128x16xi32, #tpu.memory_space<hbm>>
    %dma_wait3A_1943 = arith.constant 0 : i32
    %dma_wait3A_1944 = arith.constant 0 : i32
    %dma_wait3A_1945 = tpu.memref_slice %arg11[%dma_wait3A_1934, %dma_wait3A_1943, %dma_wait3A_1944] : memref<4x128x16xi32, #tpu.memory_space<vmem>> -> memref<1x128x16xi32, #tpu.memory_space<vmem>>
    %dma_wait3A_1946 = tpu.memref_squeeze %dma_wait3A_1945 : memref<1x128x16xi32, #tpu.memory_space<vmem>> -> memref<128x16xi32, #tpu.memory_space<vmem>>
    tpu.wait_dma2 semaphore(%arg17 : memref<!tpu.dma_semaphore, #tpu.memory_space<semaphore_mem>>) src(%dma_wait3A_1946 : memref<128x16xi32, #tpu.memory_space<vmem>>) dst(%dma_wait3A_1942 : memref<128x16xi32, #tpu.memory_space<hbm>>)
    %dma_start3A_1947 = arith.constant 21 : i32
    %dma_start3A_1948 = arith.constant 1 : i32
    %dma_start3A_1949 = arith.constant 0 : i32
    %dma_start3A_1950 = arith.constant 0 : i32
    %dma_start3A_1951 = tpu.memref_slice %arg10[%dma_start3A_1948, %dma_start3A_1949, %dma_start3A_1950] : memref<4x128x64xf32, #tpu.memory_space<vmem>> -> memref<1x128x64xf32, #tpu.memory_space<vmem>>
    %dma_start3A_1952 = tpu.memref_squeeze %dma_start3A_1951 : memref<1x128x64xf32, #tpu.memory_space<vmem>> -> memref<128x64xf32, #tpu.memory_space<vmem>>
    %dma_start3A_1953 = arith.constant 0 : i32
    %dma_start3A_1954 = tpu.memref_slice %arg8[%dma_start3A_1947, %dma_start3A_1953] : memref<25x128xi32, #tpu.memory_space<vmem>> -> memref<1x128xi32, #tpu.memory_space<vmem>>
    %dma_start3A_1955 = tpu.memref_squeeze %dma_start3A_1954 : memref<1x128xi32, #tpu.memory_space<vmem>> -> memref<128xi32, #tpu.memory_space<vmem>>
    %dma_start3A_1956 = arith.constant 0 : i32
    %dma_start3A_1957 = arith.constant 0 : i32
    %dma_start3A_1958 = tpu.memref_slice %arg4[%dma_start3A_1956, %dma_start3A_1957] : memref<100000x64xf32, #tpu.memory_space<hbm>> -> memref<100000x64xf32, #tpu.memory_space<hbm>>
    tpu.enqueue_indirect_dma source(%dma_start3A_1958 : memref<100000x64xf32, #tpu.memory_space<hbm>>) target(%dma_start3A_1952 : memref<128x64xf32, #tpu.memory_space<vmem>>) offsets(%dma_start3A_1955 : memref<128xi32, #tpu.memory_space<vmem>>) semaphore(%arg13 : memref<!tpu.dma_semaphore, #tpu.memory_space<semaphore_mem>>)
    %dma_start3A_1959 = arith.constant 21 : i32
    %dma_start3A_1960 = arith.constant 1 : i32
    %dma_start3A_1961 = arith.constant 0 : i32
    %dma_start3A_1962 = arith.constant 0 : i32
    %dma_start3A_1963 = tpu.memref_slice %arg11[%dma_start3A_1960, %dma_start3A_1961, %dma_start3A_1962] : memref<4x128x16xi32, #tpu.memory_space<vmem>> -> memref<1x128x16xi32, #tpu.memory_space<vmem>>
    %dma_start3A_1964 = tpu.memref_squeeze %dma_start3A_1963 : memref<1x128x16xi32, #tpu.memory_space<vmem>> -> memref<128x16xi32, #tpu.memory_space<vmem>>
    %dma_start3A_1965 = arith.constant 0 : i32
    %dma_start3A_1966 = tpu.memref_slice %arg9[%dma_start3A_1959, %dma_start3A_1965] : memref<25x128xi32, #tpu.memory_space<vmem>> -> memref<1x128xi32, #tpu.memory_space<vmem>>
    %dma_start3A_1967 = tpu.memref_squeeze %dma_start3A_1966 : memref<1x128xi32, #tpu.memory_space<vmem>> -> memref<128xi32, #tpu.memory_space<vmem>>
    %dma_start3A_1968 = arith.constant 0 : i32
    %dma_start3A_1969 = arith.constant 0 : i32
    %dma_start3A_1970 = tpu.memref_slice %arg5[%dma_start3A_1968, %dma_start3A_1969] : memref<1000x16xi32, #tpu.memory_space<hbm>> -> memref<1000x16xi32, #tpu.memory_space<hbm>>
    tpu.enqueue_indirect_dma source(%dma_start3A_1970 : memref<1000x16xi32, #tpu.memory_space<hbm>>) target(%dma_start3A_1964 : memref<128x16xi32, #tpu.memory_space<vmem>>) offsets(%dma_start3A_1967 : memref<128xi32, #tpu.memory_space<vmem>>) semaphore(%arg13 : memref<!tpu.dma_semaphore, #tpu.memory_space<semaphore_mem>>)
    %dma_wait3A_1971 = arith.constant 18 : i32
    %dma_wait3A_1972 = arith.constant 2 : i32
    %dma_wait3A_1973 = arith.constant 0 : i32
    %dma_wait3A_1974 = arith.constant 0 : i32
    %dma_wait3A_1975 = tpu.memref_slice %arg10[%dma_wait3A_1972, %dma_wait3A_1973, %dma_wait3A_1974] : memref<4x128x64xf32, #tpu.memory_space<vmem>> -> memref<1x128x64xf32, #tpu.memory_space<vmem>>
    %dma_wait3A_1976 = tpu.memref_squeeze %dma_wait3A_1975 : memref<1x128x64xf32, #tpu.memory_space<vmem>> -> memref<128x64xf32, #tpu.memory_space<vmem>>
    %dma_wait3A_1977 = arith.constant 0 : i32
    %dma_wait3A_1978 = tpu.memref_slice %arg8[%dma_wait3A_1971, %dma_wait3A_1977] : memref<25x128xi32, #tpu.memory_space<vmem>> -> memref<1x128xi32, #tpu.memory_space<vmem>>
    %dma_wait3A_1979 = tpu.memref_squeeze %dma_wait3A_1978 : memref<1x128xi32, #tpu.memory_space<vmem>> -> memref<128xi32, #tpu.memory_space<vmem>>
    %dma_wait3A_1980 = arith.constant 0 : i32
    %dma_wait3A_1981 = arith.constant 0 : i32
    %dma_wait3A_1982 = tpu.memref_slice %arg4[%dma_wait3A_1980, %dma_wait3A_1981] : memref<100000x64xf32, #tpu.memory_space<hbm>> -> memref<100000x64xf32, #tpu.memory_space<hbm>>
    tpu.wait_indirect_dma semaphore(%arg14 : memref<!tpu.dma_semaphore, #tpu.memory_space<semaphore_mem>>) src(%dma_wait3A_1982 : memref<100000x64xf32, #tpu.memory_space<hbm>>) dst(%dma_wait3A_1976 : memref<128x64xf32, #tpu.memory_space<vmem>>)
    %dma_wait3A_1983 = arith.constant 18 : i32
    %dma_wait3A_1984 = arith.constant 2 : i32
    %dma_wait3A_1985 = arith.constant 0 : i32
    %dma_wait3A_1986 = arith.constant 0 : i32
    %dma_wait3A_1987 = tpu.memref_slice %arg11[%dma_wait3A_1984, %dma_wait3A_1985, %dma_wait3A_1986] : memref<4x128x16xi32, #tpu.memory_space<vmem>> -> memref<1x128x16xi32, #tpu.memory_space<vmem>>
    %dma_wait3A_1988 = tpu.memref_squeeze %dma_wait3A_1987 : memref<1x128x16xi32, #tpu.memory_space<vmem>> -> memref<128x16xi32, #tpu.memory_space<vmem>>
    %dma_wait3A_1989 = arith.constant 0 : i32
    %dma_wait3A_1990 = tpu.memref_slice %arg9[%dma_wait3A_1983, %dma_wait3A_1989] : memref<25x128xi32, #tpu.memory_space<vmem>> -> memref<1x128xi32, #tpu.memory_space<vmem>>
    %dma_wait3A_1991 = tpu.memref_squeeze %dma_wait3A_1990 : memref<1x128xi32, #tpu.memory_space<vmem>> -> memref<128xi32, #tpu.memory_space<vmem>>
    %dma_wait3A_1992 = arith.constant 0 : i32
    %dma_wait3A_1993 = arith.constant 0 : i32
    %dma_wait3A_1994 = tpu.memref_slice %arg5[%dma_wait3A_1992, %dma_wait3A_1993] : memref<1000x16xi32, #tpu.memory_space<hbm>> -> memref<1000x16xi32, #tpu.memory_space<hbm>>
    tpu.wait_indirect_dma semaphore(%arg14 : memref<!tpu.dma_semaphore, #tpu.memory_space<semaphore_mem>>) src(%dma_wait3A_1994 : memref<1000x16xi32, #tpu.memory_space<hbm>>) dst(%dma_wait3A_1988 : memref<128x16xi32, #tpu.memory_space<vmem>>)
    %add3A_1995 = arith.constant 2304 : i32
    %add3A_1996 = arith.addi %mul3A_4, %add3A_1995 : i32
    %dma_start3A_1997 = arith.constant 2 : i32
    %dma_start3A_1998 = arith.constant 0 : i32
    %dma_start3A_1999 = arith.constant 0 : i32
    %dma_start3A_2000 = tpu.memref_slice %arg10[%dma_start3A_1997, %dma_start3A_1998, %dma_start3A_1999] : memref<4x128x64xf32, #tpu.memory_space<vmem>> -> memref<1x128x64xf32, #tpu.memory_space<vmem>>
    %dma_start3A_2001 = tpu.memref_squeeze %dma_start3A_2000 : memref<1x128x64xf32, #tpu.memory_space<vmem>> -> memref<128x64xf32, #tpu.memory_space<vmem>>
    %dma_start3A_2002 = arith.constant 0 : i32
    %dma_start3A_2003 = tpu.memref_slice %arg6[%add3A_1996, %dma_start3A_2002] : memref<102400x64xf32, #tpu.memory_space<hbm>> -> memref<128x64xf32, #tpu.memory_space<hbm>>
    %dma_start3A_2004 = arith.constant 0 : i32
    %dma_start3A_2005 = tpu.memref_slice %arg6[%add3A_1996, %dma_start3A_2004] : memref<102400x64xf32, #tpu.memory_space<hbm>> -> memref<128x64xf32, #tpu.memory_space<hbm>>
    %dma_start3A_2006 = arith.constant 0 : i32
    %dma_start3A_2007 = arith.constant 0 : i32
    %dma_start3A_2008 = tpu.memref_slice %arg10[%dma_start3A_1997, %dma_start3A_2006, %dma_start3A_2007] : memref<4x128x64xf32, #tpu.memory_space<vmem>> -> memref<1x128x64xf32, #tpu.memory_space<vmem>>
    %dma_start3A_2009 = tpu.memref_squeeze %dma_start3A_2008 : memref<1x128x64xf32, #tpu.memory_space<vmem>> -> memref<128x64xf32, #tpu.memory_space<vmem>>
    tpu.enqueue_dma source(%dma_start3A_2009 : memref<128x64xf32, #tpu.memory_space<vmem>>) target(%dma_start3A_2005 : memref<128x64xf32, #tpu.memory_space<hbm>>) target_semaphore(%arg18 : memref<!tpu.dma_semaphore, #tpu.memory_space<semaphore_mem>>)
    %add3A_2010 = arith.constant 2304 : i32
    %add3A_2011 = arith.addi %mul3A_4, %add3A_2010 : i32
    %dma_start3A_2012 = arith.constant 2 : i32
    %dma_start3A_2013 = arith.constant 0 : i32
    %dma_start3A_2014 = arith.constant 0 : i32
    %dma_start3A_2015 = tpu.memref_slice %arg11[%dma_start3A_2012, %dma_start3A_2013, %dma_start3A_2014] : memref<4x128x16xi32, #tpu.memory_space<vmem>> -> memref<1x128x16xi32, #tpu.memory_space<vmem>>
    %dma_start3A_2016 = tpu.memref_squeeze %dma_start3A_2015 : memref<1x128x16xi32, #tpu.memory_space<vmem>> -> memref<128x16xi32, #tpu.memory_space<vmem>>
    %dma_start3A_2017 = arith.constant 0 : i32
    %dma_start3A_2018 = tpu.memref_slice %arg7[%add3A_2011, %dma_start3A_2017] : memref<102400x16xi32, #tpu.memory_space<hbm>> -> memref<128x16xi32, #tpu.memory_space<hbm>>
    %dma_start3A_2019 = arith.constant 0 : i32
    %dma_start3A_2020 = tpu.memref_slice %arg7[%add3A_2011, %dma_start3A_2019] : memref<102400x16xi32, #tpu.memory_space<hbm>> -> memref<128x16xi32, #tpu.memory_space<hbm>>
    %dma_start3A_2021 = arith.constant 0 : i32
    %dma_start3A_2022 = arith.constant 0 : i32
    %dma_start3A_2023 = tpu.memref_slice %arg11[%dma_start3A_2012, %dma_start3A_2021, %dma_start3A_2022] : memref<4x128x16xi32, #tpu.memory_space<vmem>> -> memref<1x128x16xi32, #tpu.memory_space<vmem>>
    %dma_start3A_2024 = tpu.memref_squeeze %dma_start3A_2023 : memref<1x128x16xi32, #tpu.memory_space<vmem>> -> memref<128x16xi32, #tpu.memory_space<vmem>>
    tpu.enqueue_dma source(%dma_start3A_2024 : memref<128x16xi32, #tpu.memory_space<vmem>>) target(%dma_start3A_2020 : memref<128x16xi32, #tpu.memory_space<hbm>>) target_semaphore(%arg18 : memref<!tpu.dma_semaphore, #tpu.memory_space<semaphore_mem>>)
    %dma_wait3A_2025 = arith.constant 2 : i32
    %dma_wait3A_2026 = arith.constant 0 : i32
    %dma_wait3A_2027 = arith.constant 0 : i32
    %dma_wait3A_2028 = tpu.memref_slice %arg10[%dma_wait3A_2025, %dma_wait3A_2026, %dma_wait3A_2027] : memref<4x128x64xf32, #tpu.memory_space<vmem>> -> memref<1x128x64xf32, #tpu.memory_space<vmem>>
    %dma_wait3A_2029 = tpu.memref_squeeze %dma_wait3A_2028 : memref<1x128x64xf32, #tpu.memory_space<vmem>> -> memref<128x64xf32, #tpu.memory_space<vmem>>
    %dma_wait3A_2030 = arith.constant 0 : i32
    %dma_wait3A_2031 = tpu.memref_slice %arg6[%add3A_1996, %dma_wait3A_2030] : memref<102400x64xf32, #tpu.memory_space<hbm>> -> memref<128x64xf32, #tpu.memory_space<hbm>>
    %dma_wait3A_2032 = arith.constant 0 : i32
    %dma_wait3A_2033 = tpu.memref_slice %arg6[%add3A_1996, %dma_wait3A_2032] : memref<102400x64xf32, #tpu.memory_space<hbm>> -> memref<128x64xf32, #tpu.memory_space<hbm>>
    %dma_wait3A_2034 = arith.constant 0 : i32
    %dma_wait3A_2035 = arith.constant 0 : i32
    %dma_wait3A_2036 = tpu.memref_slice %arg10[%dma_wait3A_2025, %dma_wait3A_2034, %dma_wait3A_2035] : memref<4x128x64xf32, #tpu.memory_space<vmem>> -> memref<1x128x64xf32, #tpu.memory_space<vmem>>
    %dma_wait3A_2037 = tpu.memref_squeeze %dma_wait3A_2036 : memref<1x128x64xf32, #tpu.memory_space<vmem>> -> memref<128x64xf32, #tpu.memory_space<vmem>>
    tpu.wait_dma2 semaphore(%arg18 : memref<!tpu.dma_semaphore, #tpu.memory_space<semaphore_mem>>) src(%dma_wait3A_2037 : memref<128x64xf32, #tpu.memory_space<vmem>>) dst(%dma_wait3A_2033 : memref<128x64xf32, #tpu.memory_space<hbm>>)
    %dma_wait3A_2038 = arith.constant 2 : i32
    %dma_wait3A_2039 = arith.constant 0 : i32
    %dma_wait3A_2040 = arith.constant 0 : i32
    %dma_wait3A_2041 = tpu.memref_slice %arg11[%dma_wait3A_2038, %dma_wait3A_2039, %dma_wait3A_2040] : memref<4x128x16xi32, #tpu.memory_space<vmem>> -> memref<1x128x16xi32, #tpu.memory_space<vmem>>
    %dma_wait3A_2042 = tpu.memref_squeeze %dma_wait3A_2041 : memref<1x128x16xi32, #tpu.memory_space<vmem>> -> memref<128x16xi32, #tpu.memory_space<vmem>>
    %dma_wait3A_2043 = arith.constant 0 : i32
    %dma_wait3A_2044 = tpu.memref_slice %arg7[%add3A_2011, %dma_wait3A_2043] : memref<102400x16xi32, #tpu.memory_space<hbm>> -> memref<128x16xi32, #tpu.memory_space<hbm>>
    %dma_wait3A_2045 = arith.constant 0 : i32
    %dma_wait3A_2046 = tpu.memref_slice %arg7[%add3A_2011, %dma_wait3A_2045] : memref<102400x16xi32, #tpu.memory_space<hbm>> -> memref<128x16xi32, #tpu.memory_space<hbm>>
    %dma_wait3A_2047 = arith.constant 0 : i32
    %dma_wait3A_2048 = arith.constant 0 : i32
    %dma_wait3A_2049 = tpu.memref_slice %arg11[%dma_wait3A_2038, %dma_wait3A_2047, %dma_wait3A_2048] : memref<4x128x16xi32, #tpu.memory_space<vmem>> -> memref<1x128x16xi32, #tpu.memory_space<vmem>>
    %dma_wait3A_2050 = tpu.memref_squeeze %dma_wait3A_2049 : memref<1x128x16xi32, #tpu.memory_space<vmem>> -> memref<128x16xi32, #tpu.memory_space<vmem>>
    tpu.wait_dma2 semaphore(%arg18 : memref<!tpu.dma_semaphore, #tpu.memory_space<semaphore_mem>>) src(%dma_wait3A_2050 : memref<128x16xi32, #tpu.memory_space<vmem>>) dst(%dma_wait3A_2046 : memref<128x16xi32, #tpu.memory_space<hbm>>)
    %dma_start3A_2051 = arith.constant 22 : i32
    %dma_start3A_2052 = arith.constant 2 : i32
    %dma_start3A_2053 = arith.constant 0 : i32
    %dma_start3A_2054 = arith.constant 0 : i32
    %dma_start3A_2055 = tpu.memref_slice %arg10[%dma_start3A_2052, %dma_start3A_2053, %dma_start3A_2054] : memref<4x128x64xf32, #tpu.memory_space<vmem>> -> memref<1x128x64xf32, #tpu.memory_space<vmem>>
    %dma_start3A_2056 = tpu.memref_squeeze %dma_start3A_2055 : memref<1x128x64xf32, #tpu.memory_space<vmem>> -> memref<128x64xf32, #tpu.memory_space<vmem>>
    %dma_start3A_2057 = arith.constant 0 : i32
    %dma_start3A_2058 = tpu.memref_slice %arg8[%dma_start3A_2051, %dma_start3A_2057] : memref<25x128xi32, #tpu.memory_space<vmem>> -> memref<1x128xi32, #tpu.memory_space<vmem>>
    %dma_start3A_2059 = tpu.memref_squeeze %dma_start3A_2058 : memref<1x128xi32, #tpu.memory_space<vmem>> -> memref<128xi32, #tpu.memory_space<vmem>>
    %dma_start3A_2060 = arith.constant 0 : i32
    %dma_start3A_2061 = arith.constant 0 : i32
    %dma_start3A_2062 = tpu.memref_slice %arg4[%dma_start3A_2060, %dma_start3A_2061] : memref<100000x64xf32, #tpu.memory_space<hbm>> -> memref<100000x64xf32, #tpu.memory_space<hbm>>
    tpu.enqueue_indirect_dma source(%dma_start3A_2062 : memref<100000x64xf32, #tpu.memory_space<hbm>>) target(%dma_start3A_2056 : memref<128x64xf32, #tpu.memory_space<vmem>>) offsets(%dma_start3A_2059 : memref<128xi32, #tpu.memory_space<vmem>>) semaphore(%arg14 : memref<!tpu.dma_semaphore, #tpu.memory_space<semaphore_mem>>)
    %dma_start3A_2063 = arith.constant 22 : i32
    %dma_start3A_2064 = arith.constant 2 : i32
    %dma_start3A_2065 = arith.constant 0 : i32
    %dma_start3A_2066 = arith.constant 0 : i32
    %dma_start3A_2067 = tpu.memref_slice %arg11[%dma_start3A_2064, %dma_start3A_2065, %dma_start3A_2066] : memref<4x128x16xi32, #tpu.memory_space<vmem>> -> memref<1x128x16xi32, #tpu.memory_space<vmem>>
    %dma_start3A_2068 = tpu.memref_squeeze %dma_start3A_2067 : memref<1x128x16xi32, #tpu.memory_space<vmem>> -> memref<128x16xi32, #tpu.memory_space<vmem>>
    %dma_start3A_2069 = arith.constant 0 : i32
    %dma_start3A_2070 = tpu.memref_slice %arg9[%dma_start3A_2063, %dma_start3A_2069] : memref<25x128xi32, #tpu.memory_space<vmem>> -> memref<1x128xi32, #tpu.memory_space<vmem>>
    %dma_start3A_2071 = tpu.memref_squeeze %dma_start3A_2070 : memref<1x128xi32, #tpu.memory_space<vmem>> -> memref<128xi32, #tpu.memory_space<vmem>>
    %dma_start3A_2072 = arith.constant 0 : i32
    %dma_start3A_2073 = arith.constant 0 : i32
    %dma_start3A_2074 = tpu.memref_slice %arg5[%dma_start3A_2072, %dma_start3A_2073] : memref<1000x16xi32, #tpu.memory_space<hbm>> -> memref<1000x16xi32, #tpu.memory_space<hbm>>
    tpu.enqueue_indirect_dma source(%dma_start3A_2074 : memref<1000x16xi32, #tpu.memory_space<hbm>>) target(%dma_start3A_2068 : memref<128x16xi32, #tpu.memory_space<vmem>>) offsets(%dma_start3A_2071 : memref<128xi32, #tpu.memory_space<vmem>>) semaphore(%arg14 : memref<!tpu.dma_semaphore, #tpu.memory_space<semaphore_mem>>)
    %dma_wait3A_2075 = arith.constant 19 : i32
    %dma_wait3A_2076 = arith.constant 3 : i32
    %dma_wait3A_2077 = arith.constant 0 : i32
    %dma_wait3A_2078 = arith.constant 0 : i32
    %dma_wait3A_2079 = tpu.memref_slice %arg10[%dma_wait3A_2076, %dma_wait3A_2077, %dma_wait3A_2078] : memref<4x128x64xf32, #tpu.memory_space<vmem>> -> memref<1x128x64xf32, #tpu.memory_space<vmem>>
    %dma_wait3A_2080 = tpu.memref_squeeze %dma_wait3A_2079 : memref<1x128x64xf32, #tpu.memory_space<vmem>> -> memref<128x64xf32, #tpu.memory_space<vmem>>
    %dma_wait3A_2081 = arith.constant 0 : i32
    %dma_wait3A_2082 = tpu.memref_slice %arg8[%dma_wait3A_2075, %dma_wait3A_2081] : memref<25x128xi32, #tpu.memory_space<vmem>> -> memref<1x128xi32, #tpu.memory_space<vmem>>
    %dma_wait3A_2083 = tpu.memref_squeeze %dma_wait3A_2082 : memref<1x128xi32, #tpu.memory_space<vmem>> -> memref<128xi32, #tpu.memory_space<vmem>>
    %dma_wait3A_2084 = arith.constant 0 : i32
    %dma_wait3A_2085 = arith.constant 0 : i32
    %dma_wait3A_2086 = tpu.memref_slice %arg4[%dma_wait3A_2084, %dma_wait3A_2085] : memref<100000x64xf32, #tpu.memory_space<hbm>> -> memref<100000x64xf32, #tpu.memory_space<hbm>>
    tpu.wait_indirect_dma semaphore(%arg15 : memref<!tpu.dma_semaphore, #tpu.memory_space<semaphore_mem>>) src(%dma_wait3A_2086 : memref<100000x64xf32, #tpu.memory_space<hbm>>) dst(%dma_wait3A_2080 : memref<128x64xf32, #tpu.memory_space<vmem>>)
    %dma_wait3A_2087 = arith.constant 19 : i32
    %dma_wait3A_2088 = arith.constant 3 : i32
    %dma_wait3A_2089 = arith.constant 0 : i32
    %dma_wait3A_2090 = arith.constant 0 : i32
    %dma_wait3A_2091 = tpu.memref_slice %arg11[%dma_wait3A_2088, %dma_wait3A_2089, %dma_wait3A_2090] : memref<4x128x16xi32, #tpu.memory_space<vmem>> -> memref<1x128x16xi32, #tpu.memory_space<vmem>>
    %dma_wait3A_2092 = tpu.memref_squeeze %dma_wait3A_2091 : memref<1x128x16xi32, #tpu.memory_space<vmem>> -> memref<128x16xi32, #tpu.memory_space<vmem>>
    %dma_wait3A_2093 = arith.constant 0 : i32
    %dma_wait3A_2094 = tpu.memref_slice %arg9[%dma_wait3A_2087, %dma_wait3A_2093] : memref<25x128xi32, #tpu.memory_space<vmem>> -> memref<1x128xi32, #tpu.memory_space<vmem>>
    %dma_wait3A_2095 = tpu.memref_squeeze %dma_wait3A_2094 : memref<1x128xi32, #tpu.memory_space<vmem>> -> memref<128xi32, #tpu.memory_space<vmem>>
    %dma_wait3A_2096 = arith.constant 0 : i32
    %dma_wait3A_2097 = arith.constant 0 : i32
    %dma_wait3A_2098 = tpu.memref_slice %arg5[%dma_wait3A_2096, %dma_wait3A_2097] : memref<1000x16xi32, #tpu.memory_space<hbm>> -> memref<1000x16xi32, #tpu.memory_space<hbm>>
    tpu.wait_indirect_dma semaphore(%arg15 : memref<!tpu.dma_semaphore, #tpu.memory_space<semaphore_mem>>) src(%dma_wait3A_2098 : memref<1000x16xi32, #tpu.memory_space<hbm>>) dst(%dma_wait3A_2092 : memref<128x16xi32, #tpu.memory_space<vmem>>)
    %add3A_2099 = arith.constant 2432 : i32
    %add3A_2100 = arith.addi %mul3A_4, %add3A_2099 : i32
    %dma_start3A_2101 = arith.constant 3 : i32
    %dma_start3A_2102 = arith.constant 0 : i32
    %dma_start3A_2103 = arith.constant 0 : i32
    %dma_start3A_2104 = tpu.memref_slice %arg10[%dma_start3A_2101, %dma_start3A_2102, %dma_start3A_2103] : memref<4x128x64xf32, #tpu.memory_space<vmem>> -> memref<1x128x64xf32, #tpu.memory_space<vmem>>
    %dma_start3A_2105 = tpu.memref_squeeze %dma_start3A_2104 : memref<1x128x64xf32, #tpu.memory_space<vmem>> -> memref<128x64xf32, #tpu.memory_space<vmem>>
    %dma_start3A_2106 = arith.constant 0 : i32
    %dma_start3A_2107 = tpu.memref_slice %arg6[%add3A_2100, %dma_start3A_2106] : memref<102400x64xf32, #tpu.memory_space<hbm>> -> memref<128x64xf32, #tpu.memory_space<hbm>>
    %dma_start3A_2108 = arith.constant 0 : i32
    %dma_start3A_2109 = tpu.memref_slice %arg6[%add3A_2100, %dma_start3A_2108] : memref<102400x64xf32, #tpu.memory_space<hbm>> -> memref<128x64xf32, #tpu.memory_space<hbm>>
    %dma_start3A_2110 = arith.constant 0 : i32
    %dma_start3A_2111 = arith.constant 0 : i32
    %dma_start3A_2112 = tpu.memref_slice %arg10[%dma_start3A_2101, %dma_start3A_2110, %dma_start3A_2111] : memref<4x128x64xf32, #tpu.memory_space<vmem>> -> memref<1x128x64xf32, #tpu.memory_space<vmem>>
    %dma_start3A_2113 = tpu.memref_squeeze %dma_start3A_2112 : memref<1x128x64xf32, #tpu.memory_space<vmem>> -> memref<128x64xf32, #tpu.memory_space<vmem>>
    tpu.enqueue_dma source(%dma_start3A_2113 : memref<128x64xf32, #tpu.memory_space<vmem>>) target(%dma_start3A_2109 : memref<128x64xf32, #tpu.memory_space<hbm>>) target_semaphore(%arg19 : memref<!tpu.dma_semaphore, #tpu.memory_space<semaphore_mem>>)
    %add3A_2114 = arith.constant 2432 : i32
    %add3A_2115 = arith.addi %mul3A_4, %add3A_2114 : i32
    %dma_start3A_2116 = arith.constant 3 : i32
    %dma_start3A_2117 = arith.constant 0 : i32
    %dma_start3A_2118 = arith.constant 0 : i32
    %dma_start3A_2119 = tpu.memref_slice %arg11[%dma_start3A_2116, %dma_start3A_2117, %dma_start3A_2118] : memref<4x128x16xi32, #tpu.memory_space<vmem>> -> memref<1x128x16xi32, #tpu.memory_space<vmem>>
    %dma_start3A_2120 = tpu.memref_squeeze %dma_start3A_2119 : memref<1x128x16xi32, #tpu.memory_space<vmem>> -> memref<128x16xi32, #tpu.memory_space<vmem>>
    %dma_start3A_2121 = arith.constant 0 : i32
    %dma_start3A_2122 = tpu.memref_slice %arg7[%add3A_2115, %dma_start3A_2121] : memref<102400x16xi32, #tpu.memory_space<hbm>> -> memref<128x16xi32, #tpu.memory_space<hbm>>
    %dma_start3A_2123 = arith.constant 0 : i32
    %dma_start3A_2124 = tpu.memref_slice %arg7[%add3A_2115, %dma_start3A_2123] : memref<102400x16xi32, #tpu.memory_space<hbm>> -> memref<128x16xi32, #tpu.memory_space<hbm>>
    %dma_start3A_2125 = arith.constant 0 : i32
    %dma_start3A_2126 = arith.constant 0 : i32
    %dma_start3A_2127 = tpu.memref_slice %arg11[%dma_start3A_2116, %dma_start3A_2125, %dma_start3A_2126] : memref<4x128x16xi32, #tpu.memory_space<vmem>> -> memref<1x128x16xi32, #tpu.memory_space<vmem>>
    %dma_start3A_2128 = tpu.memref_squeeze %dma_start3A_2127 : memref<1x128x16xi32, #tpu.memory_space<vmem>> -> memref<128x16xi32, #tpu.memory_space<vmem>>
    tpu.enqueue_dma source(%dma_start3A_2128 : memref<128x16xi32, #tpu.memory_space<vmem>>) target(%dma_start3A_2124 : memref<128x16xi32, #tpu.memory_space<hbm>>) target_semaphore(%arg19 : memref<!tpu.dma_semaphore, #tpu.memory_space<semaphore_mem>>)
    %dma_wait3A_2129 = arith.constant 3 : i32
    %dma_wait3A_2130 = arith.constant 0 : i32
    %dma_wait3A_2131 = arith.constant 0 : i32
    %dma_wait3A_2132 = tpu.memref_slice %arg10[%dma_wait3A_2129, %dma_wait3A_2130, %dma_wait3A_2131] : memref<4x128x64xf32, #tpu.memory_space<vmem>> -> memref<1x128x64xf32, #tpu.memory_space<vmem>>
    %dma_wait3A_2133 = tpu.memref_squeeze %dma_wait3A_2132 : memref<1x128x64xf32, #tpu.memory_space<vmem>> -> memref<128x64xf32, #tpu.memory_space<vmem>>
    %dma_wait3A_2134 = arith.constant 0 : i32
    %dma_wait3A_2135 = tpu.memref_slice %arg6[%add3A_2100, %dma_wait3A_2134] : memref<102400x64xf32, #tpu.memory_space<hbm>> -> memref<128x64xf32, #tpu.memory_space<hbm>>
    %dma_wait3A_2136 = arith.constant 0 : i32
    %dma_wait3A_2137 = tpu.memref_slice %arg6[%add3A_2100, %dma_wait3A_2136] : memref<102400x64xf32, #tpu.memory_space<hbm>> -> memref<128x64xf32, #tpu.memory_space<hbm>>
    %dma_wait3A_2138 = arith.constant 0 : i32
    %dma_wait3A_2139 = arith.constant 0 : i32
    %dma_wait3A_2140 = tpu.memref_slice %arg10[%dma_wait3A_2129, %dma_wait3A_2138, %dma_wait3A_2139] : memref<4x128x64xf32, #tpu.memory_space<vmem>> -> memref<1x128x64xf32, #tpu.memory_space<vmem>>
    %dma_wait3A_2141 = tpu.memref_squeeze %dma_wait3A_2140 : memref<1x128x64xf32, #tpu.memory_space<vmem>> -> memref<128x64xf32, #tpu.memory_space<vmem>>
    tpu.wait_dma2 semaphore(%arg19 : memref<!tpu.dma_semaphore, #tpu.memory_space<semaphore_mem>>) src(%dma_wait3A_2141 : memref<128x64xf32, #tpu.memory_space<vmem>>) dst(%dma_wait3A_2137 : memref<128x64xf32, #tpu.memory_space<hbm>>)
    %dma_wait3A_2142 = arith.constant 3 : i32
    %dma_wait3A_2143 = arith.constant 0 : i32
    %dma_wait3A_2144 = arith.constant 0 : i32
    %dma_wait3A_2145 = tpu.memref_slice %arg11[%dma_wait3A_2142, %dma_wait3A_2143, %dma_wait3A_2144] : memref<4x128x16xi32, #tpu.memory_space<vmem>> -> memref<1x128x16xi32, #tpu.memory_space<vmem>>
    %dma_wait3A_2146 = tpu.memref_squeeze %dma_wait3A_2145 : memref<1x128x16xi32, #tpu.memory_space<vmem>> -> memref<128x16xi32, #tpu.memory_space<vmem>>
    %dma_wait3A_2147 = arith.constant 0 : i32
    %dma_wait3A_2148 = tpu.memref_slice %arg7[%add3A_2115, %dma_wait3A_2147] : memref<102400x16xi32, #tpu.memory_space<hbm>> -> memref<128x16xi32, #tpu.memory_space<hbm>>
    %dma_wait3A_2149 = arith.constant 0 : i32
    %dma_wait3A_2150 = tpu.memref_slice %arg7[%add3A_2115, %dma_wait3A_2149] : memref<102400x16xi32, #tpu.memory_space<hbm>> -> memref<128x16xi32, #tpu.memory_space<hbm>>
    %dma_wait3A_2151 = arith.constant 0 : i32
    %dma_wait3A_2152 = arith.constant 0 : i32
    %dma_wait3A_2153 = tpu.memref_slice %arg11[%dma_wait3A_2142, %dma_wait3A_2151, %dma_wait3A_2152] : memref<4x128x16xi32, #tpu.memory_space<vmem>> -> memref<1x128x16xi32, #tpu.memory_space<vmem>>
    %dma_wait3A_2154 = tpu.memref_squeeze %dma_wait3A_2153 : memref<1x128x16xi32, #tpu.memory_space<vmem>> -> memref<128x16xi32, #tpu.memory_space<vmem>>
    tpu.wait_dma2 semaphore(%arg19 : memref<!tpu.dma_semaphore, #tpu.memory_space<semaphore_mem>>) src(%dma_wait3A_2154 : memref<128x16xi32, #tpu.memory_space<vmem>>) dst(%dma_wait3A_2150 : memref<128x16xi32, #tpu.memory_space<hbm>>)
    %dma_start3A_2155 = arith.constant 23 : i32
    %dma_start3A_2156 = arith.constant 3 : i32
    %dma_start3A_2157 = arith.constant 0 : i32
    %dma_start3A_2158 = arith.constant 0 : i32
    %dma_start3A_2159 = tpu.memref_slice %arg10[%dma_start3A_2156, %dma_start3A_2157, %dma_start3A_2158] : memref<4x128x64xf32, #tpu.memory_space<vmem>> -> memref<1x128x64xf32, #tpu.memory_space<vmem>>
    %dma_start3A_2160 = tpu.memref_squeeze %dma_start3A_2159 : memref<1x128x64xf32, #tpu.memory_space<vmem>> -> memref<128x64xf32, #tpu.memory_space<vmem>>
    %dma_start3A_2161 = arith.constant 0 : i32
    %dma_start3A_2162 = tpu.memref_slice %arg8[%dma_start3A_2155, %dma_start3A_2161] : memref<25x128xi32, #tpu.memory_space<vmem>> -> memref<1x128xi32, #tpu.memory_space<vmem>>
    %dma_start3A_2163 = tpu.memref_squeeze %dma_start3A_2162 : memref<1x128xi32, #tpu.memory_space<vmem>> -> memref<128xi32, #tpu.memory_space<vmem>>
    %dma_start3A_2164 = arith.constant 0 : i32
    %dma_start3A_2165 = arith.constant 0 : i32
    %dma_start3A_2166 = tpu.memref_slice %arg4[%dma_start3A_2164, %dma_start3A_2165] : memref<100000x64xf32, #tpu.memory_space<hbm>> -> memref<100000x64xf32, #tpu.memory_space<hbm>>
    tpu.enqueue_indirect_dma source(%dma_start3A_2166 : memref<100000x64xf32, #tpu.memory_space<hbm>>) target(%dma_start3A_2160 : memref<128x64xf32, #tpu.memory_space<vmem>>) offsets(%dma_start3A_2163 : memref<128xi32, #tpu.memory_space<vmem>>) semaphore(%arg15 : memref<!tpu.dma_semaphore, #tpu.memory_space<semaphore_mem>>)
    %dma_start3A_2167 = arith.constant 23 : i32
    %dma_start3A_2168 = arith.constant 3 : i32
    %dma_start3A_2169 = arith.constant 0 : i32
    %dma_start3A_2170 = arith.constant 0 : i32
    %dma_start3A_2171 = tpu.memref_slice %arg11[%dma_start3A_2168, %dma_start3A_2169, %dma_start3A_2170] : memref<4x128x16xi32, #tpu.memory_space<vmem>> -> memref<1x128x16xi32, #tpu.memory_space<vmem>>
    %dma_start3A_2172 = tpu.memref_squeeze %dma_start3A_2171 : memref<1x128x16xi32, #tpu.memory_space<vmem>> -> memref<128x16xi32, #tpu.memory_space<vmem>>
    %dma_start3A_2173 = arith.constant 0 : i32
    %dma_start3A_2174 = tpu.memref_slice %arg9[%dma_start3A_2167, %dma_start3A_2173] : memref<25x128xi32, #tpu.memory_space<vmem>> -> memref<1x128xi32, #tpu.memory_space<vmem>>
    %dma_start3A_2175 = tpu.memref_squeeze %dma_start3A_2174 : memref<1x128xi32, #tpu.memory_space<vmem>> -> memref<128xi32, #tpu.memory_space<vmem>>
    %dma_start3A_2176 = arith.constant 0 : i32
    %dma_start3A_2177 = arith.constant 0 : i32
    %dma_start3A_2178 = tpu.memref_slice %arg5[%dma_start3A_2176, %dma_start3A_2177] : memref<1000x16xi32, #tpu.memory_space<hbm>> -> memref<1000x16xi32, #tpu.memory_space<hbm>>
    tpu.enqueue_indirect_dma source(%dma_start3A_2178 : memref<1000x16xi32, #tpu.memory_space<hbm>>) target(%dma_start3A_2172 : memref<128x16xi32, #tpu.memory_space<vmem>>) offsets(%dma_start3A_2175 : memref<128xi32, #tpu.memory_space<vmem>>) semaphore(%arg15 : memref<!tpu.dma_semaphore, #tpu.memory_space<semaphore_mem>>)
    %dma_wait3A_2179 = arith.constant 20 : i32
    %dma_wait3A_2180 = arith.constant 0 : i32
    %dma_wait3A_2181 = arith.constant 0 : i32
    %dma_wait3A_2182 = arith.constant 0 : i32
    %dma_wait3A_2183 = tpu.memref_slice %arg10[%dma_wait3A_2180, %dma_wait3A_2181, %dma_wait3A_2182] : memref<4x128x64xf32, #tpu.memory_space<vmem>> -> memref<1x128x64xf32, #tpu.memory_space<vmem>>
    %dma_wait3A_2184 = tpu.memref_squeeze %dma_wait3A_2183 : memref<1x128x64xf32, #tpu.memory_space<vmem>> -> memref<128x64xf32, #tpu.memory_space<vmem>>
    %dma_wait3A_2185 = arith.constant 0 : i32
    %dma_wait3A_2186 = tpu.memref_slice %arg8[%dma_wait3A_2179, %dma_wait3A_2185] : memref<25x128xi32, #tpu.memory_space<vmem>> -> memref<1x128xi32, #tpu.memory_space<vmem>>
    %dma_wait3A_2187 = tpu.memref_squeeze %dma_wait3A_2186 : memref<1x128xi32, #tpu.memory_space<vmem>> -> memref<128xi32, #tpu.memory_space<vmem>>
    %dma_wait3A_2188 = arith.constant 0 : i32
    %dma_wait3A_2189 = arith.constant 0 : i32
    %dma_wait3A_2190 = tpu.memref_slice %arg4[%dma_wait3A_2188, %dma_wait3A_2189] : memref<100000x64xf32, #tpu.memory_space<hbm>> -> memref<100000x64xf32, #tpu.memory_space<hbm>>
    tpu.wait_indirect_dma semaphore(%arg12 : memref<!tpu.dma_semaphore, #tpu.memory_space<semaphore_mem>>) src(%dma_wait3A_2190 : memref<100000x64xf32, #tpu.memory_space<hbm>>) dst(%dma_wait3A_2184 : memref<128x64xf32, #tpu.memory_space<vmem>>)
    %dma_wait3A_2191 = arith.constant 20 : i32
    %dma_wait3A_2192 = arith.constant 0 : i32
    %dma_wait3A_2193 = arith.constant 0 : i32
    %dma_wait3A_2194 = arith.constant 0 : i32
    %dma_wait3A_2195 = tpu.memref_slice %arg11[%dma_wait3A_2192, %dma_wait3A_2193, %dma_wait3A_2194] : memref<4x128x16xi32, #tpu.memory_space<vmem>> -> memref<1x128x16xi32, #tpu.memory_space<vmem>>
    %dma_wait3A_2196 = tpu.memref_squeeze %dma_wait3A_2195 : memref<1x128x16xi32, #tpu.memory_space<vmem>> -> memref<128x16xi32, #tpu.memory_space<vmem>>
    %dma_wait3A_2197 = arith.constant 0 : i32
    %dma_wait3A_2198 = tpu.memref_slice %arg9[%dma_wait3A_2191, %dma_wait3A_2197] : memref<25x128xi32, #tpu.memory_space<vmem>> -> memref<1x128xi32, #tpu.memory_space<vmem>>
    %dma_wait3A_2199 = tpu.memref_squeeze %dma_wait3A_2198 : memref<1x128xi32, #tpu.memory_space<vmem>> -> memref<128xi32, #tpu.memory_space<vmem>>
    %dma_wait3A_2200 = arith.constant 0 : i32
    %dma_wait3A_2201 = arith.constant 0 : i32
    %dma_wait3A_2202 = tpu.memref_slice %arg5[%dma_wait3A_2200, %dma_wait3A_2201] : memref<1000x16xi32, #tpu.memory_space<hbm>> -> memref<1000x16xi32, #tpu.memory_space<hbm>>
    tpu.wait_indirect_dma semaphore(%arg12 : memref<!tpu.dma_semaphore, #tpu.memory_space<semaphore_mem>>) src(%dma_wait3A_2202 : memref<1000x16xi32, #tpu.memory_space<hbm>>) dst(%dma_wait3A_2196 : memref<128x16xi32, #tpu.memory_space<vmem>>)
    %add3A_2203 = arith.constant 2560 : i32
    %add3A_2204 = arith.addi %mul3A_4, %add3A_2203 : i32
    %dma_start3A_2205 = arith.constant 0 : i32
    %dma_start3A_2206 = arith.constant 0 : i32
    %dma_start3A_2207 = arith.constant 0 : i32
    %dma_start3A_2208 = tpu.memref_slice %arg10[%dma_start3A_2205, %dma_start3A_2206, %dma_start3A_2207] : memref<4x128x64xf32, #tpu.memory_space<vmem>> -> memref<1x128x64xf32, #tpu.memory_space<vmem>>
    %dma_start3A_2209 = tpu.memref_squeeze %dma_start3A_2208 : memref<1x128x64xf32, #tpu.memory_space<vmem>> -> memref<128x64xf32, #tpu.memory_space<vmem>>
    %dma_start3A_2210 = arith.constant 0 : i32
    %dma_start3A_2211 = tpu.memref_slice %arg6[%add3A_2204, %dma_start3A_2210] : memref<102400x64xf32, #tpu.memory_space<hbm>> -> memref<128x64xf32, #tpu.memory_space<hbm>>
    %dma_start3A_2212 = arith.constant 0 : i32
    %dma_start3A_2213 = tpu.memref_slice %arg6[%add3A_2204, %dma_start3A_2212] : memref<102400x64xf32, #tpu.memory_space<hbm>> -> memref<128x64xf32, #tpu.memory_space<hbm>>
    %dma_start3A_2214 = arith.constant 0 : i32
    %dma_start3A_2215 = arith.constant 0 : i32
    %dma_start3A_2216 = tpu.memref_slice %arg10[%dma_start3A_2205, %dma_start3A_2214, %dma_start3A_2215] : memref<4x128x64xf32, #tpu.memory_space<vmem>> -> memref<1x128x64xf32, #tpu.memory_space<vmem>>
    %dma_start3A_2217 = tpu.memref_squeeze %dma_start3A_2216 : memref<1x128x64xf32, #tpu.memory_space<vmem>> -> memref<128x64xf32, #tpu.memory_space<vmem>>
    tpu.enqueue_dma source(%dma_start3A_2217 : memref<128x64xf32, #tpu.memory_space<vmem>>) target(%dma_start3A_2213 : memref<128x64xf32, #tpu.memory_space<hbm>>) target_semaphore(%arg16 : memref<!tpu.dma_semaphore, #tpu.memory_space<semaphore_mem>>)
    %add3A_2218 = arith.constant 2560 : i32
    %add3A_2219 = arith.addi %mul3A_4, %add3A_2218 : i32
    %dma_start3A_2220 = arith.constant 0 : i32
    %dma_start3A_2221 = arith.constant 0 : i32
    %dma_start3A_2222 = arith.constant 0 : i32
    %dma_start3A_2223 = tpu.memref_slice %arg11[%dma_start3A_2220, %dma_start3A_2221, %dma_start3A_2222] : memref<4x128x16xi32, #tpu.memory_space<vmem>> -> memref<1x128x16xi32, #tpu.memory_space<vmem>>
    %dma_start3A_2224 = tpu.memref_squeeze %dma_start3A_2223 : memref<1x128x16xi32, #tpu.memory_space<vmem>> -> memref<128x16xi32, #tpu.memory_space<vmem>>
    %dma_start3A_2225 = arith.constant 0 : i32
    %dma_start3A_2226 = tpu.memref_slice %arg7[%add3A_2219, %dma_start3A_2225] : memref<102400x16xi32, #tpu.memory_space<hbm>> -> memref<128x16xi32, #tpu.memory_space<hbm>>
    %dma_start3A_2227 = arith.constant 0 : i32
    %dma_start3A_2228 = tpu.memref_slice %arg7[%add3A_2219, %dma_start3A_2227] : memref<102400x16xi32, #tpu.memory_space<hbm>> -> memref<128x16xi32, #tpu.memory_space<hbm>>
    %dma_start3A_2229 = arith.constant 0 : i32
    %dma_start3A_2230 = arith.constant 0 : i32
    %dma_start3A_2231 = tpu.memref_slice %arg11[%dma_start3A_2220, %dma_start3A_2229, %dma_start3A_2230] : memref<4x128x16xi32, #tpu.memory_space<vmem>> -> memref<1x128x16xi32, #tpu.memory_space<vmem>>
    %dma_start3A_2232 = tpu.memref_squeeze %dma_start3A_2231 : memref<1x128x16xi32, #tpu.memory_space<vmem>> -> memref<128x16xi32, #tpu.memory_space<vmem>>
    tpu.enqueue_dma source(%dma_start3A_2232 : memref<128x16xi32, #tpu.memory_space<vmem>>) target(%dma_start3A_2228 : memref<128x16xi32, #tpu.memory_space<hbm>>) target_semaphore(%arg16 : memref<!tpu.dma_semaphore, #tpu.memory_space<semaphore_mem>>)
    %dma_wait3A_2233 = arith.constant 0 : i32
    %dma_wait3A_2234 = arith.constant 0 : i32
    %dma_wait3A_2235 = arith.constant 0 : i32
    %dma_wait3A_2236 = tpu.memref_slice %arg10[%dma_wait3A_2233, %dma_wait3A_2234, %dma_wait3A_2235] : memref<4x128x64xf32, #tpu.memory_space<vmem>> -> memref<1x128x64xf32, #tpu.memory_space<vmem>>
    %dma_wait3A_2237 = tpu.memref_squeeze %dma_wait3A_2236 : memref<1x128x64xf32, #tpu.memory_space<vmem>> -> memref<128x64xf32, #tpu.memory_space<vmem>>
    %dma_wait3A_2238 = arith.constant 0 : i32
    %dma_wait3A_2239 = tpu.memref_slice %arg6[%add3A_2204, %dma_wait3A_2238] : memref<102400x64xf32, #tpu.memory_space<hbm>> -> memref<128x64xf32, #tpu.memory_space<hbm>>
    %dma_wait3A_2240 = arith.constant 0 : i32
    %dma_wait3A_2241 = tpu.memref_slice %arg6[%add3A_2204, %dma_wait3A_2240] : memref<102400x64xf32, #tpu.memory_space<hbm>> -> memref<128x64xf32, #tpu.memory_space<hbm>>
    %dma_wait3A_2242 = arith.constant 0 : i32
    %dma_wait3A_2243 = arith.constant 0 : i32
    %dma_wait3A_2244 = tpu.memref_slice %arg10[%dma_wait3A_2233, %dma_wait3A_2242, %dma_wait3A_2243] : memref<4x128x64xf32, #tpu.memory_space<vmem>> -> memref<1x128x64xf32, #tpu.memory_space<vmem>>
    %dma_wait3A_2245 = tpu.memref_squeeze %dma_wait3A_2244 : memref<1x128x64xf32, #tpu.memory_space<vmem>> -> memref<128x64xf32, #tpu.memory_space<vmem>>
    tpu.wait_dma2 semaphore(%arg16 : memref<!tpu.dma_semaphore, #tpu.memory_space<semaphore_mem>>) src(%dma_wait3A_2245 : memref<128x64xf32, #tpu.memory_space<vmem>>) dst(%dma_wait3A_2241 : memref<128x64xf32, #tpu.memory_space<hbm>>)
    %dma_wait3A_2246 = arith.constant 0 : i32
    %dma_wait3A_2247 = arith.constant 0 : i32
    %dma_wait3A_2248 = arith.constant 0 : i32
    %dma_wait3A_2249 = tpu.memref_slice %arg11[%dma_wait3A_2246, %dma_wait3A_2247, %dma_wait3A_2248] : memref<4x128x16xi32, #tpu.memory_space<vmem>> -> memref<1x128x16xi32, #tpu.memory_space<vmem>>
    %dma_wait3A_2250 = tpu.memref_squeeze %dma_wait3A_2249 : memref<1x128x16xi32, #tpu.memory_space<vmem>> -> memref<128x16xi32, #tpu.memory_space<vmem>>
    %dma_wait3A_2251 = arith.constant 0 : i32
    %dma_wait3A_2252 = tpu.memref_slice %arg7[%add3A_2219, %dma_wait3A_2251] : memref<102400x16xi32, #tpu.memory_space<hbm>> -> memref<128x16xi32, #tpu.memory_space<hbm>>
    %dma_wait3A_2253 = arith.constant 0 : i32
    %dma_wait3A_2254 = tpu.memref_slice %arg7[%add3A_2219, %dma_wait3A_2253] : memref<102400x16xi32, #tpu.memory_space<hbm>> -> memref<128x16xi32, #tpu.memory_space<hbm>>
    %dma_wait3A_2255 = arith.constant 0 : i32
    %dma_wait3A_2256 = arith.constant 0 : i32
    %dma_wait3A_2257 = tpu.memref_slice %arg11[%dma_wait3A_2246, %dma_wait3A_2255, %dma_wait3A_2256] : memref<4x128x16xi32, #tpu.memory_space<vmem>> -> memref<1x128x16xi32, #tpu.memory_space<vmem>>
    %dma_wait3A_2258 = tpu.memref_squeeze %dma_wait3A_2257 : memref<1x128x16xi32, #tpu.memory_space<vmem>> -> memref<128x16xi32, #tpu.memory_space<vmem>>
    tpu.wait_dma2 semaphore(%arg16 : memref<!tpu.dma_semaphore, #tpu.memory_space<semaphore_mem>>) src(%dma_wait3A_2258 : memref<128x16xi32, #tpu.memory_space<vmem>>) dst(%dma_wait3A_2254 : memref<128x16xi32, #tpu.memory_space<hbm>>)
    %dma_start3A_2259 = arith.constant 24 : i32
    %dma_start3A_2260 = arith.constant 0 : i32
    %dma_start3A_2261 = arith.constant 0 : i32
    %dma_start3A_2262 = arith.constant 0 : i32
    %dma_start3A_2263 = tpu.memref_slice %arg10[%dma_start3A_2260, %dma_start3A_2261, %dma_start3A_2262] : memref<4x128x64xf32, #tpu.memory_space<vmem>> -> memref<1x128x64xf32, #tpu.memory_space<vmem>>
    %dma_start3A_2264 = tpu.memref_squeeze %dma_start3A_2263 : memref<1x128x64xf32, #tpu.memory_space<vmem>> -> memref<128x64xf32, #tpu.memory_space<vmem>>
    %dma_start3A_2265 = arith.constant 0 : i32
    %dma_start3A_2266 = tpu.memref_slice %arg8[%dma_start3A_2259, %dma_start3A_2265] : memref<25x128xi32, #tpu.memory_space<vmem>> -> memref<1x128xi32, #tpu.memory_space<vmem>>
    %dma_start3A_2267 = tpu.memref_squeeze %dma_start3A_2266 : memref<1x128xi32, #tpu.memory_space<vmem>> -> memref<128xi32, #tpu.memory_space<vmem>>
    %dma_start3A_2268 = arith.constant 0 : i32
    %dma_start3A_2269 = arith.constant 0 : i32
    %dma_start3A_2270 = tpu.memref_slice %arg4[%dma_start3A_2268, %dma_start3A_2269] : memref<100000x64xf32, #tpu.memory_space<hbm>> -> memref<100000x64xf32, #tpu.memory_space<hbm>>
    tpu.enqueue_indirect_dma source(%dma_start3A_2270 : memref<100000x64xf32, #tpu.memory_space<hbm>>) target(%dma_start3A_2264 : memref<128x64xf32, #tpu.memory_space<vmem>>) offsets(%dma_start3A_2267 : memref<128xi32, #tpu.memory_space<vmem>>) semaphore(%arg12 : memref<!tpu.dma_semaphore, #tpu.memory_space<semaphore_mem>>)
    %dma_start3A_2271 = arith.constant 24 : i32
    %dma_start3A_2272 = arith.constant 0 : i32
    %dma_start3A_2273 = arith.constant 0 : i32
    %dma_start3A_2274 = arith.constant 0 : i32
    %dma_start3A_2275 = tpu.memref_slice %arg11[%dma_start3A_2272, %dma_start3A_2273, %dma_start3A_2274] : memref<4x128x16xi32, #tpu.memory_space<vmem>> -> memref<1x128x16xi32, #tpu.memory_space<vmem>>
    %dma_start3A_2276 = tpu.memref_squeeze %dma_start3A_2275 : memref<1x128x16xi32, #tpu.memory_space<vmem>> -> memref<128x16xi32, #tpu.memory_space<vmem>>
    %dma_start3A_2277 = arith.constant 0 : i32
    %dma_start3A_2278 = tpu.memref_slice %arg9[%dma_start3A_2271, %dma_start3A_2277] : memref<25x128xi32, #tpu.memory_space<vmem>> -> memref<1x128xi32, #tpu.memory_space<vmem>>
    %dma_start3A_2279 = tpu.memref_squeeze %dma_start3A_2278 : memref<1x128xi32, #tpu.memory_space<vmem>> -> memref<128xi32, #tpu.memory_space<vmem>>
    %dma_start3A_2280 = arith.constant 0 : i32
    %dma_start3A_2281 = arith.constant 0 : i32
    %dma_start3A_2282 = tpu.memref_slice %arg5[%dma_start3A_2280, %dma_start3A_2281] : memref<1000x16xi32, #tpu.memory_space<hbm>> -> memref<1000x16xi32, #tpu.memory_space<hbm>>
    tpu.enqueue_indirect_dma source(%dma_start3A_2282 : memref<1000x16xi32, #tpu.memory_space<hbm>>) target(%dma_start3A_2276 : memref<128x16xi32, #tpu.memory_space<vmem>>) offsets(%dma_start3A_2279 : memref<128xi32, #tpu.memory_space<vmem>>) semaphore(%arg12 : memref<!tpu.dma_semaphore, #tpu.memory_space<semaphore_mem>>)
    %dma_wait3A_2283 = arith.constant 21 : i32
    %dma_wait3A_2284 = arith.constant 1 : i32
    %dma_wait3A_2285 = arith.constant 0 : i32
    %dma_wait3A_2286 = arith.constant 0 : i32
    %dma_wait3A_2287 = tpu.memref_slice %arg10[%dma_wait3A_2284, %dma_wait3A_2285, %dma_wait3A_2286] : memref<4x128x64xf32, #tpu.memory_space<vmem>> -> memref<1x128x64xf32, #tpu.memory_space<vmem>>
    %dma_wait3A_2288 = tpu.memref_squeeze %dma_wait3A_2287 : memref<1x128x64xf32, #tpu.memory_space<vmem>> -> memref<128x64xf32, #tpu.memory_space<vmem>>
    %dma_wait3A_2289 = arith.constant 0 : i32
    %dma_wait3A_2290 = tpu.memref_slice %arg8[%dma_wait3A_2283, %dma_wait3A_2289] : memref<25x128xi32, #tpu.memory_space<vmem>> -> memref<1x128xi32, #tpu.memory_space<vmem>>
    %dma_wait3A_2291 = tpu.memref_squeeze %dma_wait3A_2290 : memref<1x128xi32, #tpu.memory_space<vmem>> -> memref<128xi32, #tpu.memory_space<vmem>>
    %dma_wait3A_2292 = arith.constant 0 : i32
    %dma_wait3A_2293 = arith.constant 0 : i32
    %dma_wait3A_2294 = tpu.memref_slice %arg4[%dma_wait3A_2292, %dma_wait3A_2293] : memref<100000x64xf32, #tpu.memory_space<hbm>> -> memref<100000x64xf32, #tpu.memory_space<hbm>>
    tpu.wait_indirect_dma semaphore(%arg13 : memref<!tpu.dma_semaphore, #tpu.memory_space<semaphore_mem>>) src(%dma_wait3A_2294 : memref<100000x64xf32, #tpu.memory_space<hbm>>) dst(%dma_wait3A_2288 : memref<128x64xf32, #tpu.memory_space<vmem>>)
    %dma_wait3A_2295 = arith.constant 21 : i32
    %dma_wait3A_2296 = arith.constant 1 : i32
    %dma_wait3A_2297 = arith.constant 0 : i32
    %dma_wait3A_2298 = arith.constant 0 : i32
    %dma_wait3A_2299 = tpu.memref_slice %arg11[%dma_wait3A_2296, %dma_wait3A_2297, %dma_wait3A_2298] : memref<4x128x16xi32, #tpu.memory_space<vmem>> -> memref<1x128x16xi32, #tpu.memory_space<vmem>>
    %dma_wait3A_2300 = tpu.memref_squeeze %dma_wait3A_2299 : memref<1x128x16xi32, #tpu.memory_space<vmem>> -> memref<128x16xi32, #tpu.memory_space<vmem>>
    %dma_wait3A_2301 = arith.constant 0 : i32
    %dma_wait3A_2302 = tpu.memref_slice %arg9[%dma_wait3A_2295, %dma_wait3A_2301] : memref<25x128xi32, #tpu.memory_space<vmem>> -> memref<1x128xi32, #tpu.memory_space<vmem>>
    %dma_wait3A_2303 = tpu.memref_squeeze %dma_wait3A_2302 : memref<1x128xi32, #tpu.memory_space<vmem>> -> memref<128xi32, #tpu.memory_space<vmem>>
    %dma_wait3A_2304 = arith.constant 0 : i32
    %dma_wait3A_2305 = arith.constant 0 : i32
    %dma_wait3A_2306 = tpu.memref_slice %arg5[%dma_wait3A_2304, %dma_wait3A_2305] : memref<1000x16xi32, #tpu.memory_space<hbm>> -> memref<1000x16xi32, #tpu.memory_space<hbm>>
    tpu.wait_indirect_dma semaphore(%arg13 : memref<!tpu.dma_semaphore, #tpu.memory_space<semaphore_mem>>) src(%dma_wait3A_2306 : memref<1000x16xi32, #tpu.memory_space<hbm>>) dst(%dma_wait3A_2300 : memref<128x16xi32, #tpu.memory_space<vmem>>)
    %add3A_2307 = arith.constant 2688 : i32
    %add3A_2308 = arith.addi %mul3A_4, %add3A_2307 : i32
    %dma_start3A_2309 = arith.constant 1 : i32
    %dma_start3A_2310 = arith.constant 0 : i32
    %dma_start3A_2311 = arith.constant 0 : i32
    %dma_start3A_2312 = tpu.memref_slice %arg10[%dma_start3A_2309, %dma_start3A_2310, %dma_start3A_2311] : memref<4x128x64xf32, #tpu.memory_space<vmem>> -> memref<1x128x64xf32, #tpu.memory_space<vmem>>
    %dma_start3A_2313 = tpu.memref_squeeze %dma_start3A_2312 : memref<1x128x64xf32, #tpu.memory_space<vmem>> -> memref<128x64xf32, #tpu.memory_space<vmem>>
    %dma_start3A_2314 = arith.constant 0 : i32
    %dma_start3A_2315 = tpu.memref_slice %arg6[%add3A_2308, %dma_start3A_2314] : memref<102400x64xf32, #tpu.memory_space<hbm>> -> memref<128x64xf32, #tpu.memory_space<hbm>>
    %dma_start3A_2316 = arith.constant 0 : i32
    %dma_start3A_2317 = tpu.memref_slice %arg6[%add3A_2308, %dma_start3A_2316] : memref<102400x64xf32, #tpu.memory_space<hbm>> -> memref<128x64xf32, #tpu.memory_space<hbm>>
    %dma_start3A_2318 = arith.constant 0 : i32
    %dma_start3A_2319 = arith.constant 0 : i32
    %dma_start3A_2320 = tpu.memref_slice %arg10[%dma_start3A_2309, %dma_start3A_2318, %dma_start3A_2319] : memref<4x128x64xf32, #tpu.memory_space<vmem>> -> memref<1x128x64xf32, #tpu.memory_space<vmem>>
    %dma_start3A_2321 = tpu.memref_squeeze %dma_start3A_2320 : memref<1x128x64xf32, #tpu.memory_space<vmem>> -> memref<128x64xf32, #tpu.memory_space<vmem>>
    tpu.enqueue_dma source(%dma_start3A_2321 : memref<128x64xf32, #tpu.memory_space<vmem>>) target(%dma_start3A_2317 : memref<128x64xf32, #tpu.memory_space<hbm>>) target_semaphore(%arg17 : memref<!tpu.dma_semaphore, #tpu.memory_space<semaphore_mem>>)
    %add3A_2322 = arith.constant 2688 : i32
    %add3A_2323 = arith.addi %mul3A_4, %add3A_2322 : i32
    %dma_start3A_2324 = arith.constant 1 : i32
    %dma_start3A_2325 = arith.constant 0 : i32
    %dma_start3A_2326 = arith.constant 0 : i32
    %dma_start3A_2327 = tpu.memref_slice %arg11[%dma_start3A_2324, %dma_start3A_2325, %dma_start3A_2326] : memref<4x128x16xi32, #tpu.memory_space<vmem>> -> memref<1x128x16xi32, #tpu.memory_space<vmem>>
    %dma_start3A_2328 = tpu.memref_squeeze %dma_start3A_2327 : memref<1x128x16xi32, #tpu.memory_space<vmem>> -> memref<128x16xi32, #tpu.memory_space<vmem>>
    %dma_start3A_2329 = arith.constant 0 : i32
    %dma_start3A_2330 = tpu.memref_slice %arg7[%add3A_2323, %dma_start3A_2329] : memref<102400x16xi32, #tpu.memory_space<hbm>> -> memref<128x16xi32, #tpu.memory_space<hbm>>
    %dma_start3A_2331 = arith.constant 0 : i32
    %dma_start3A_2332 = tpu.memref_slice %arg7[%add3A_2323, %dma_start3A_2331] : memref<102400x16xi32, #tpu.memory_space<hbm>> -> memref<128x16xi32, #tpu.memory_space<hbm>>
    %dma_start3A_2333 = arith.constant 0 : i32
    %dma_start3A_2334 = arith.constant 0 : i32
    %dma_start3A_2335 = tpu.memref_slice %arg11[%dma_start3A_2324, %dma_start3A_2333, %dma_start3A_2334] : memref<4x128x16xi32, #tpu.memory_space<vmem>> -> memref<1x128x16xi32, #tpu.memory_space<vmem>>
    %dma_start3A_2336 = tpu.memref_squeeze %dma_start3A_2335 : memref<1x128x16xi32, #tpu.memory_space<vmem>> -> memref<128x16xi32, #tpu.memory_space<vmem>>
    tpu.enqueue_dma source(%dma_start3A_2336 : memref<128x16xi32, #tpu.memory_space<vmem>>) target(%dma_start3A_2332 : memref<128x16xi32, #tpu.memory_space<hbm>>) target_semaphore(%arg17 : memref<!tpu.dma_semaphore, #tpu.memory_space<semaphore_mem>>)
    %dma_wait3A_2337 = arith.constant 22 : i32
    %dma_wait3A_2338 = arith.constant 2 : i32
    %dma_wait3A_2339 = arith.constant 0 : i32
    %dma_wait3A_2340 = arith.constant 0 : i32
    %dma_wait3A_2341 = tpu.memref_slice %arg10[%dma_wait3A_2338, %dma_wait3A_2339, %dma_wait3A_2340] : memref<4x128x64xf32, #tpu.memory_space<vmem>> -> memref<1x128x64xf32, #tpu.memory_space<vmem>>
    %dma_wait3A_2342 = tpu.memref_squeeze %dma_wait3A_2341 : memref<1x128x64xf32, #tpu.memory_space<vmem>> -> memref<128x64xf32, #tpu.memory_space<vmem>>
    %dma_wait3A_2343 = arith.constant 0 : i32
    %dma_wait3A_2344 = tpu.memref_slice %arg8[%dma_wait3A_2337, %dma_wait3A_2343] : memref<25x128xi32, #tpu.memory_space<vmem>> -> memref<1x128xi32, #tpu.memory_space<vmem>>
    %dma_wait3A_2345 = tpu.memref_squeeze %dma_wait3A_2344 : memref<1x128xi32, #tpu.memory_space<vmem>> -> memref<128xi32, #tpu.memory_space<vmem>>
    %dma_wait3A_2346 = arith.constant 0 : i32
    %dma_wait3A_2347 = arith.constant 0 : i32
    %dma_wait3A_2348 = tpu.memref_slice %arg4[%dma_wait3A_2346, %dma_wait3A_2347] : memref<100000x64xf32, #tpu.memory_space<hbm>> -> memref<100000x64xf32, #tpu.memory_space<hbm>>
    tpu.wait_indirect_dma semaphore(%arg14 : memref<!tpu.dma_semaphore, #tpu.memory_space<semaphore_mem>>) src(%dma_wait3A_2348 : memref<100000x64xf32, #tpu.memory_space<hbm>>) dst(%dma_wait3A_2342 : memref<128x64xf32, #tpu.memory_space<vmem>>)
    %dma_wait3A_2349 = arith.constant 22 : i32
    %dma_wait3A_2350 = arith.constant 2 : i32
    %dma_wait3A_2351 = arith.constant 0 : i32
    %dma_wait3A_2352 = arith.constant 0 : i32
    %dma_wait3A_2353 = tpu.memref_slice %arg11[%dma_wait3A_2350, %dma_wait3A_2351, %dma_wait3A_2352] : memref<4x128x16xi32, #tpu.memory_space<vmem>> -> memref<1x128x16xi32, #tpu.memory_space<vmem>>
    %dma_wait3A_2354 = tpu.memref_squeeze %dma_wait3A_2353 : memref<1x128x16xi32, #tpu.memory_space<vmem>> -> memref<128x16xi32, #tpu.memory_space<vmem>>
    %dma_wait3A_2355 = arith.constant 0 : i32
    %dma_wait3A_2356 = tpu.memref_slice %arg9[%dma_wait3A_2349, %dma_wait3A_2355] : memref<25x128xi32, #tpu.memory_space<vmem>> -> memref<1x128xi32, #tpu.memory_space<vmem>>
    %dma_wait3A_2357 = tpu.memref_squeeze %dma_wait3A_2356 : memref<1x128xi32, #tpu.memory_space<vmem>> -> memref<128xi32, #tpu.memory_space<vmem>>
    %dma_wait3A_2358 = arith.constant 0 : i32
    %dma_wait3A_2359 = arith.constant 0 : i32
    %dma_wait3A_2360 = tpu.memref_slice %arg5[%dma_wait3A_2358, %dma_wait3A_2359] : memref<1000x16xi32, #tpu.memory_space<hbm>> -> memref<1000x16xi32, #tpu.memory_space<hbm>>
    tpu.wait_indirect_dma semaphore(%arg14 : memref<!tpu.dma_semaphore, #tpu.memory_space<semaphore_mem>>) src(%dma_wait3A_2360 : memref<1000x16xi32, #tpu.memory_space<hbm>>) dst(%dma_wait3A_2354 : memref<128x16xi32, #tpu.memory_space<vmem>>)
    %add3A_2361 = arith.constant 2816 : i32
    %add3A_2362 = arith.addi %mul3A_4, %add3A_2361 : i32
    %dma_start3A_2363 = arith.constant 2 : i32
    %dma_start3A_2364 = arith.constant 0 : i32
    %dma_start3A_2365 = arith.constant 0 : i32
    %dma_start3A_2366 = tpu.memref_slice %arg10[%dma_start3A_2363, %dma_start3A_2364, %dma_start3A_2365] : memref<4x128x64xf32, #tpu.memory_space<vmem>> -> memref<1x128x64xf32, #tpu.memory_space<vmem>>
    %dma_start3A_2367 = tpu.memref_squeeze %dma_start3A_2366 : memref<1x128x64xf32, #tpu.memory_space<vmem>> -> memref<128x64xf32, #tpu.memory_space<vmem>>
    %dma_start3A_2368 = arith.constant 0 : i32
    %dma_start3A_2369 = tpu.memref_slice %arg6[%add3A_2362, %dma_start3A_2368] : memref<102400x64xf32, #tpu.memory_space<hbm>> -> memref<128x64xf32, #tpu.memory_space<hbm>>
    %dma_start3A_2370 = arith.constant 0 : i32
    %dma_start3A_2371 = tpu.memref_slice %arg6[%add3A_2362, %dma_start3A_2370] : memref<102400x64xf32, #tpu.memory_space<hbm>> -> memref<128x64xf32, #tpu.memory_space<hbm>>
    %dma_start3A_2372 = arith.constant 0 : i32
    %dma_start3A_2373 = arith.constant 0 : i32
    %dma_start3A_2374 = tpu.memref_slice %arg10[%dma_start3A_2363, %dma_start3A_2372, %dma_start3A_2373] : memref<4x128x64xf32, #tpu.memory_space<vmem>> -> memref<1x128x64xf32, #tpu.memory_space<vmem>>
    %dma_start3A_2375 = tpu.memref_squeeze %dma_start3A_2374 : memref<1x128x64xf32, #tpu.memory_space<vmem>> -> memref<128x64xf32, #tpu.memory_space<vmem>>
    tpu.enqueue_dma source(%dma_start3A_2375 : memref<128x64xf32, #tpu.memory_space<vmem>>) target(%dma_start3A_2371 : memref<128x64xf32, #tpu.memory_space<hbm>>) target_semaphore(%arg18 : memref<!tpu.dma_semaphore, #tpu.memory_space<semaphore_mem>>)
    %add3A_2376 = arith.constant 2816 : i32
    %add3A_2377 = arith.addi %mul3A_4, %add3A_2376 : i32
    %dma_start3A_2378 = arith.constant 2 : i32
    %dma_start3A_2379 = arith.constant 0 : i32
    %dma_start3A_2380 = arith.constant 0 : i32
    %dma_start3A_2381 = tpu.memref_slice %arg11[%dma_start3A_2378, %dma_start3A_2379, %dma_start3A_2380] : memref<4x128x16xi32, #tpu.memory_space<vmem>> -> memref<1x128x16xi32, #tpu.memory_space<vmem>>
    %dma_start3A_2382 = tpu.memref_squeeze %dma_start3A_2381 : memref<1x128x16xi32, #tpu.memory_space<vmem>> -> memref<128x16xi32, #tpu.memory_space<vmem>>
    %dma_start3A_2383 = arith.constant 0 : i32
    %dma_start3A_2384 = tpu.memref_slice %arg7[%add3A_2377, %dma_start3A_2383] : memref<102400x16xi32, #tpu.memory_space<hbm>> -> memref<128x16xi32, #tpu.memory_space<hbm>>
    %dma_start3A_2385 = arith.constant 0 : i32
    %dma_start3A_2386 = tpu.memref_slice %arg7[%add3A_2377, %dma_start3A_2385] : memref<102400x16xi32, #tpu.memory_space<hbm>> -> memref<128x16xi32, #tpu.memory_space<hbm>>
    %dma_start3A_2387 = arith.constant 0 : i32
    %dma_start3A_2388 = arith.constant 0 : i32
    %dma_start3A_2389 = tpu.memref_slice %arg11[%dma_start3A_2378, %dma_start3A_2387, %dma_start3A_2388] : memref<4x128x16xi32, #tpu.memory_space<vmem>> -> memref<1x128x16xi32, #tpu.memory_space<vmem>>
    %dma_start3A_2390 = tpu.memref_squeeze %dma_start3A_2389 : memref<1x128x16xi32, #tpu.memory_space<vmem>> -> memref<128x16xi32, #tpu.memory_space<vmem>>
    tpu.enqueue_dma source(%dma_start3A_2390 : memref<128x16xi32, #tpu.memory_space<vmem>>) target(%dma_start3A_2386 : memref<128x16xi32, #tpu.memory_space<hbm>>) target_semaphore(%arg18 : memref<!tpu.dma_semaphore, #tpu.memory_space<semaphore_mem>>)
    %dma_wait3A_2391 = arith.constant 23 : i32
    %dma_wait3A_2392 = arith.constant 3 : i32
    %dma_wait3A_2393 = arith.constant 0 : i32
    %dma_wait3A_2394 = arith.constant 0 : i32
    %dma_wait3A_2395 = tpu.memref_slice %arg10[%dma_wait3A_2392, %dma_wait3A_2393, %dma_wait3A_2394] : memref<4x128x64xf32, #tpu.memory_space<vmem>> -> memref<1x128x64xf32, #tpu.memory_space<vmem>>
    %dma_wait3A_2396 = tpu.memref_squeeze %dma_wait3A_2395 : memref<1x128x64xf32, #tpu.memory_space<vmem>> -> memref<128x64xf32, #tpu.memory_space<vmem>>
    %dma_wait3A_2397 = arith.constant 0 : i32
    %dma_wait3A_2398 = tpu.memref_slice %arg8[%dma_wait3A_2391, %dma_wait3A_2397] : memref<25x128xi32, #tpu.memory_space<vmem>> -> memref<1x128xi32, #tpu.memory_space<vmem>>
    %dma_wait3A_2399 = tpu.memref_squeeze %dma_wait3A_2398 : memref<1x128xi32, #tpu.memory_space<vmem>> -> memref<128xi32, #tpu.memory_space<vmem>>
    %dma_wait3A_2400 = arith.constant 0 : i32
    %dma_wait3A_2401 = arith.constant 0 : i32
    %dma_wait3A_2402 = tpu.memref_slice %arg4[%dma_wait3A_2400, %dma_wait3A_2401] : memref<100000x64xf32, #tpu.memory_space<hbm>> -> memref<100000x64xf32, #tpu.memory_space<hbm>>
    tpu.wait_indirect_dma semaphore(%arg15 : memref<!tpu.dma_semaphore, #tpu.memory_space<semaphore_mem>>) src(%dma_wait3A_2402 : memref<100000x64xf32, #tpu.memory_space<hbm>>) dst(%dma_wait3A_2396 : memref<128x64xf32, #tpu.memory_space<vmem>>)
    %dma_wait3A_2403 = arith.constant 23 : i32
    %dma_wait3A_2404 = arith.constant 3 : i32
    %dma_wait3A_2405 = arith.constant 0 : i32
    %dma_wait3A_2406 = arith.constant 0 : i32
    %dma_wait3A_2407 = tpu.memref_slice %arg11[%dma_wait3A_2404, %dma_wait3A_2405, %dma_wait3A_2406] : memref<4x128x16xi32, #tpu.memory_space<vmem>> -> memref<1x128x16xi32, #tpu.memory_space<vmem>>
    %dma_wait3A_2408 = tpu.memref_squeeze %dma_wait3A_2407 : memref<1x128x16xi32, #tpu.memory_space<vmem>> -> memref<128x16xi32, #tpu.memory_space<vmem>>
    %dma_wait3A_2409 = arith.constant 0 : i32
    %dma_wait3A_2410 = tpu.memref_slice %arg9[%dma_wait3A_2403, %dma_wait3A_2409] : memref<25x128xi32, #tpu.memory_space<vmem>> -> memref<1x128xi32, #tpu.memory_space<vmem>>
    %dma_wait3A_2411 = tpu.memref_squeeze %dma_wait3A_2410 : memref<1x128xi32, #tpu.memory_space<vmem>> -> memref<128xi32, #tpu.memory_space<vmem>>
    %dma_wait3A_2412 = arith.constant 0 : i32
    %dma_wait3A_2413 = arith.constant 0 : i32
    %dma_wait3A_2414 = tpu.memref_slice %arg5[%dma_wait3A_2412, %dma_wait3A_2413] : memref<1000x16xi32, #tpu.memory_space<hbm>> -> memref<1000x16xi32, #tpu.memory_space<hbm>>
    tpu.wait_indirect_dma semaphore(%arg15 : memref<!tpu.dma_semaphore, #tpu.memory_space<semaphore_mem>>) src(%dma_wait3A_2414 : memref<1000x16xi32, #tpu.memory_space<hbm>>) dst(%dma_wait3A_2408 : memref<128x16xi32, #tpu.memory_space<vmem>>)
    %add3A_2415 = arith.constant 2944 : i32
    %add3A_2416 = arith.addi %mul3A_4, %add3A_2415 : i32
    %dma_start3A_2417 = arith.constant 3 : i32
    %dma_start3A_2418 = arith.constant 0 : i32
    %dma_start3A_2419 = arith.constant 0 : i32
    %dma_start3A_2420 = tpu.memref_slice %arg10[%dma_start3A_2417, %dma_start3A_2418, %dma_start3A_2419] : memref<4x128x64xf32, #tpu.memory_space<vmem>> -> memref<1x128x64xf32, #tpu.memory_space<vmem>>
    %dma_start3A_2421 = tpu.memref_squeeze %dma_start3A_2420 : memref<1x128x64xf32, #tpu.memory_space<vmem>> -> memref<128x64xf32, #tpu.memory_space<vmem>>
    %dma_start3A_2422 = arith.constant 0 : i32
    %dma_start3A_2423 = tpu.memref_slice %arg6[%add3A_2416, %dma_start3A_2422] : memref<102400x64xf32, #tpu.memory_space<hbm>> -> memref<128x64xf32, #tpu.memory_space<hbm>>
    %dma_start3A_2424 = arith.constant 0 : i32
    %dma_start3A_2425 = tpu.memref_slice %arg6[%add3A_2416, %dma_start3A_2424] : memref<102400x64xf32, #tpu.memory_space<hbm>> -> memref<128x64xf32, #tpu.memory_space<hbm>>
    %dma_start3A_2426 = arith.constant 0 : i32
    %dma_start3A_2427 = arith.constant 0 : i32
    %dma_start3A_2428 = tpu.memref_slice %arg10[%dma_start3A_2417, %dma_start3A_2426, %dma_start3A_2427] : memref<4x128x64xf32, #tpu.memory_space<vmem>> -> memref<1x128x64xf32, #tpu.memory_space<vmem>>
    %dma_start3A_2429 = tpu.memref_squeeze %dma_start3A_2428 : memref<1x128x64xf32, #tpu.memory_space<vmem>> -> memref<128x64xf32, #tpu.memory_space<vmem>>
    tpu.enqueue_dma source(%dma_start3A_2429 : memref<128x64xf32, #tpu.memory_space<vmem>>) target(%dma_start3A_2425 : memref<128x64xf32, #tpu.memory_space<hbm>>) target_semaphore(%arg19 : memref<!tpu.dma_semaphore, #tpu.memory_space<semaphore_mem>>)
    %add3A_2430 = arith.constant 2944 : i32
    %add3A_2431 = arith.addi %mul3A_4, %add3A_2430 : i32
    %dma_start3A_2432 = arith.constant 3 : i32
    %dma_start3A_2433 = arith.constant 0 : i32
    %dma_start3A_2434 = arith.constant 0 : i32
    %dma_start3A_2435 = tpu.memref_slice %arg11[%dma_start3A_2432, %dma_start3A_2433, %dma_start3A_2434] : memref<4x128x16xi32, #tpu.memory_space<vmem>> -> memref<1x128x16xi32, #tpu.memory_space<vmem>>
    %dma_start3A_2436 = tpu.memref_squeeze %dma_start3A_2435 : memref<1x128x16xi32, #tpu.memory_space<vmem>> -> memref<128x16xi32, #tpu.memory_space<vmem>>
    %dma_start3A_2437 = arith.constant 0 : i32
    %dma_start3A_2438 = tpu.memref_slice %arg7[%add3A_2431, %dma_start3A_2437] : memref<102400x16xi32, #tpu.memory_space<hbm>> -> memref<128x16xi32, #tpu.memory_space<hbm>>
    %dma_start3A_2439 = arith.constant 0 : i32
    %dma_start3A_2440 = tpu.memref_slice %arg7[%add3A_2431, %dma_start3A_2439] : memref<102400x16xi32, #tpu.memory_space<hbm>> -> memref<128x16xi32, #tpu.memory_space<hbm>>
    %dma_start3A_2441 = arith.constant 0 : i32
    %dma_start3A_2442 = arith.constant 0 : i32
    %dma_start3A_2443 = tpu.memref_slice %arg11[%dma_start3A_2432, %dma_start3A_2441, %dma_start3A_2442] : memref<4x128x16xi32, #tpu.memory_space<vmem>> -> memref<1x128x16xi32, #tpu.memory_space<vmem>>
    %dma_start3A_2444 = tpu.memref_squeeze %dma_start3A_2443 : memref<1x128x16xi32, #tpu.memory_space<vmem>> -> memref<128x16xi32, #tpu.memory_space<vmem>>
    tpu.enqueue_dma source(%dma_start3A_2444 : memref<128x16xi32, #tpu.memory_space<vmem>>) target(%dma_start3A_2440 : memref<128x16xi32, #tpu.memory_space<hbm>>) target_semaphore(%arg19 : memref<!tpu.dma_semaphore, #tpu.memory_space<semaphore_mem>>)
    %dma_wait3A_2445 = arith.constant 24 : i32
    %dma_wait3A_2446 = arith.constant 0 : i32
    %dma_wait3A_2447 = arith.constant 0 : i32
    %dma_wait3A_2448 = arith.constant 0 : i32
    %dma_wait3A_2449 = tpu.memref_slice %arg10[%dma_wait3A_2446, %dma_wait3A_2447, %dma_wait3A_2448] : memref<4x128x64xf32, #tpu.memory_space<vmem>> -> memref<1x128x64xf32, #tpu.memory_space<vmem>>
    %dma_wait3A_2450 = tpu.memref_squeeze %dma_wait3A_2449 : memref<1x128x64xf32, #tpu.memory_space<vmem>> -> memref<128x64xf32, #tpu.memory_space<vmem>>
    %dma_wait3A_2451 = arith.constant 0 : i32
    %dma_wait3A_2452 = tpu.memref_slice %arg8[%dma_wait3A_2445, %dma_wait3A_2451] : memref<25x128xi32, #tpu.memory_space<vmem>> -> memref<1x128xi32, #tpu.memory_space<vmem>>
    %dma_wait3A_2453 = tpu.memref_squeeze %dma_wait3A_2452 : memref<1x128xi32, #tpu.memory_space<vmem>> -> memref<128xi32, #tpu.memory_space<vmem>>
    %dma_wait3A_2454 = arith.constant 0 : i32
    %dma_wait3A_2455 = arith.constant 0 : i32
    %dma_wait3A_2456 = tpu.memref_slice %arg4[%dma_wait3A_2454, %dma_wait3A_2455] : memref<100000x64xf32, #tpu.memory_space<hbm>> -> memref<100000x64xf32, #tpu.memory_space<hbm>>
    tpu.wait_indirect_dma semaphore(%arg12 : memref<!tpu.dma_semaphore, #tpu.memory_space<semaphore_mem>>) src(%dma_wait3A_2456 : memref<100000x64xf32, #tpu.memory_space<hbm>>) dst(%dma_wait3A_2450 : memref<128x64xf32, #tpu.memory_space<vmem>>)
    %dma_wait3A_2457 = arith.constant 24 : i32
    %dma_wait3A_2458 = arith.constant 0 : i32
    %dma_wait3A_2459 = arith.constant 0 : i32
    %dma_wait3A_2460 = arith.constant 0 : i32
    %dma_wait3A_2461 = tpu.memref_slice %arg11[%dma_wait3A_2458, %dma_wait3A_2459, %dma_wait3A_2460] : memref<4x128x16xi32, #tpu.memory_space<vmem>> -> memref<1x128x16xi32, #tpu.memory_space<vmem>>
    %dma_wait3A_2462 = tpu.memref_squeeze %dma_wait3A_2461 : memref<1x128x16xi32, #tpu.memory_space<vmem>> -> memref<128x16xi32, #tpu.memory_space<vmem>>
    %dma_wait3A_2463 = arith.constant 0 : i32
    %dma_wait3A_2464 = tpu.memref_slice %arg9[%dma_wait3A_2457, %dma_wait3A_2463] : memref<25x128xi32, #tpu.memory_space<vmem>> -> memref<1x128xi32, #tpu.memory_space<vmem>>
    %dma_wait3A_2465 = tpu.memref_squeeze %dma_wait3A_2464 : memref<1x128xi32, #tpu.memory_space<vmem>> -> memref<128xi32, #tpu.memory_space<vmem>>
    %dma_wait3A_2466 = arith.constant 0 : i32
    %dma_wait3A_2467 = arith.constant 0 : i32
    %dma_wait3A_2468 = tpu.memref_slice %arg5[%dma_wait3A_2466, %dma_wait3A_2467] : memref<1000x16xi32, #tpu.memory_space<hbm>> -> memref<1000x16xi32, #tpu.memory_space<hbm>>
    tpu.wait_indirect_dma semaphore(%arg12 : memref<!tpu.dma_semaphore, #tpu.memory_space<semaphore_mem>>) src(%dma_wait3A_2468 : memref<1000x16xi32, #tpu.memory_space<hbm>>) dst(%dma_wait3A_2462 : memref<128x16xi32, #tpu.memory_space<vmem>>)
    %add3A_2469 = arith.constant 3072 : i32
    %add3A_2470 = arith.addi %mul3A_4, %add3A_2469 : i32
    %dma_start3A_2471 = arith.constant 0 : i32
    %dma_start3A_2472 = arith.constant 0 : i32
    %dma_start3A_2473 = arith.constant 0 : i32
    %dma_start3A_2474 = tpu.memref_slice %arg10[%dma_start3A_2471, %dma_start3A_2472, %dma_start3A_2473] : memref<4x128x64xf32, #tpu.memory_space<vmem>> -> memref<1x128x64xf32, #tpu.memory_space<vmem>>
    %dma_start3A_2475 = tpu.memref_squeeze %dma_start3A_2474 : memref<1x128x64xf32, #tpu.memory_space<vmem>> -> memref<128x64xf32, #tpu.memory_space<vmem>>
    %dma_start3A_2476 = arith.constant 0 : i32
    %dma_start3A_2477 = tpu.memref_slice %arg6[%add3A_2470, %dma_start3A_2476] : memref<102400x64xf32, #tpu.memory_space<hbm>> -> memref<128x64xf32, #tpu.memory_space<hbm>>
    %dma_start3A_2478 = arith.constant 0 : i32
    %dma_start3A_2479 = tpu.memref_slice %arg6[%add3A_2470, %dma_start3A_2478] : memref<102400x64xf32, #tpu.memory_space<hbm>> -> memref<128x64xf32, #tpu.memory_space<hbm>>
    %dma_start3A_2480 = arith.constant 0 : i32
    %dma_start3A_2481 = arith.constant 0 : i32
    %dma_start3A_2482 = tpu.memref_slice %arg10[%dma_start3A_2471, %dma_start3A_2480, %dma_start3A_2481] : memref<4x128x64xf32, #tpu.memory_space<vmem>> -> memref<1x128x64xf32, #tpu.memory_space<vmem>>
    %dma_start3A_2483 = tpu.memref_squeeze %dma_start3A_2482 : memref<1x128x64xf32, #tpu.memory_space<vmem>> -> memref<128x64xf32, #tpu.memory_space<vmem>>
    tpu.enqueue_dma source(%dma_start3A_2483 : memref<128x64xf32, #tpu.memory_space<vmem>>) target(%dma_start3A_2479 : memref<128x64xf32, #tpu.memory_space<hbm>>) target_semaphore(%arg16 : memref<!tpu.dma_semaphore, #tpu.memory_space<semaphore_mem>>)
    %add3A_2484 = arith.constant 3072 : i32
    %add3A_2485 = arith.addi %mul3A_4, %add3A_2484 : i32
    %dma_start3A_2486 = arith.constant 0 : i32
    %dma_start3A_2487 = arith.constant 0 : i32
    %dma_start3A_2488 = arith.constant 0 : i32
    %dma_start3A_2489 = tpu.memref_slice %arg11[%dma_start3A_2486, %dma_start3A_2487, %dma_start3A_2488] : memref<4x128x16xi32, #tpu.memory_space<vmem>> -> memref<1x128x16xi32, #tpu.memory_space<vmem>>
    %dma_start3A_2490 = tpu.memref_squeeze %dma_start3A_2489 : memref<1x128x16xi32, #tpu.memory_space<vmem>> -> memref<128x16xi32, #tpu.memory_space<vmem>>
    %dma_start3A_2491 = arith.constant 0 : i32
    %dma_start3A_2492 = tpu.memref_slice %arg7[%add3A_2485, %dma_start3A_2491] : memref<102400x16xi32, #tpu.memory_space<hbm>> -> memref<128x16xi32, #tpu.memory_space<hbm>>
    %dma_start3A_2493 = arith.constant 0 : i32
    %dma_start3A_2494 = tpu.memref_slice %arg7[%add3A_2485, %dma_start3A_2493] : memref<102400x16xi32, #tpu.memory_space<hbm>> -> memref<128x16xi32, #tpu.memory_space<hbm>>
    %dma_start3A_2495 = arith.constant 0 : i32
    %dma_start3A_2496 = arith.constant 0 : i32
    %dma_start3A_2497 = tpu.memref_slice %arg11[%dma_start3A_2486, %dma_start3A_2495, %dma_start3A_2496] : memref<4x128x16xi32, #tpu.memory_space<vmem>> -> memref<1x128x16xi32, #tpu.memory_space<vmem>>
    %dma_start3A_2498 = tpu.memref_squeeze %dma_start3A_2497 : memref<1x128x16xi32, #tpu.memory_space<vmem>> -> memref<128x16xi32, #tpu.memory_space<vmem>>
    tpu.enqueue_dma source(%dma_start3A_2498 : memref<128x16xi32, #tpu.memory_space<vmem>>) target(%dma_start3A_2494 : memref<128x16xi32, #tpu.memory_space<hbm>>) target_semaphore(%arg16 : memref<!tpu.dma_semaphore, #tpu.memory_space<semaphore_mem>>)
    %dma_wait3A_2499 = arith.constant 0 : i32
    %dma_wait3A_2500 = arith.constant 0 : i32
    %dma_wait3A_2501 = arith.constant 0 : i32
    %dma_wait3A_2502 = tpu.memref_slice %arg10[%dma_wait3A_2499, %dma_wait3A_2500, %dma_wait3A_2501] : memref<4x128x64xf32, #tpu.memory_space<vmem>> -> memref<1x128x64xf32, #tpu.memory_space<vmem>>
    %dma_wait3A_2503 = tpu.memref_squeeze %dma_wait3A_2502 : memref<1x128x64xf32, #tpu.memory_space<vmem>> -> memref<128x64xf32, #tpu.memory_space<vmem>>
    %dma_wait3A_2504 = arith.constant 0 : i32
    %dma_wait3A_2505 = tpu.memref_slice %arg6[%add3A_2470, %dma_wait3A_2504] : memref<102400x64xf32, #tpu.memory_space<hbm>> -> memref<128x64xf32, #tpu.memory_space<hbm>>
    %dma_wait3A_2506 = arith.constant 0 : i32
    %dma_wait3A_2507 = tpu.memref_slice %arg6[%add3A_2470, %dma_wait3A_2506] : memref<102400x64xf32, #tpu.memory_space<hbm>> -> memref<128x64xf32, #tpu.memory_space<hbm>>
    %dma_wait3A_2508 = arith.constant 0 : i32
    %dma_wait3A_2509 = arith.constant 0 : i32
    %dma_wait3A_2510 = tpu.memref_slice %arg10[%dma_wait3A_2499, %dma_wait3A_2508, %dma_wait3A_2509] : memref<4x128x64xf32, #tpu.memory_space<vmem>> -> memref<1x128x64xf32, #tpu.memory_space<vmem>>
    %dma_wait3A_2511 = tpu.memref_squeeze %dma_wait3A_2510 : memref<1x128x64xf32, #tpu.memory_space<vmem>> -> memref<128x64xf32, #tpu.memory_space<vmem>>
    tpu.wait_dma2 semaphore(%arg16 : memref<!tpu.dma_semaphore, #tpu.memory_space<semaphore_mem>>) src(%dma_wait3A_2511 : memref<128x64xf32, #tpu.memory_space<vmem>>) dst(%dma_wait3A_2507 : memref<128x64xf32, #tpu.memory_space<hbm>>)
    %dma_wait3A_2512 = arith.constant 0 : i32
    %dma_wait3A_2513 = arith.constant 0 : i32
    %dma_wait3A_2514 = arith.constant 0 : i32
    %dma_wait3A_2515 = tpu.memref_slice %arg11[%dma_wait3A_2512, %dma_wait3A_2513, %dma_wait3A_2514] : memref<4x128x16xi32, #tpu.memory_space<vmem>> -> memref<1x128x16xi32, #tpu.memory_space<vmem>>
    %dma_wait3A_2516 = tpu.memref_squeeze %dma_wait3A_2515 : memref<1x128x16xi32, #tpu.memory_space<vmem>> -> memref<128x16xi32, #tpu.memory_space<vmem>>
    %dma_wait3A_2517 = arith.constant 0 : i32
    %dma_wait3A_2518 = tpu.memref_slice %arg7[%add3A_2485, %dma_wait3A_2517] : memref<102400x16xi32, #tpu.memory_space<hbm>> -> memref<128x16xi32, #tpu.memory_space<hbm>>
    %dma_wait3A_2519 = arith.constant 0 : i32
    %dma_wait3A_2520 = tpu.memref_slice %arg7[%add3A_2485, %dma_wait3A_2519] : memref<102400x16xi32, #tpu.memory_space<hbm>> -> memref<128x16xi32, #tpu.memory_space<hbm>>
    %dma_wait3A_2521 = arith.constant 0 : i32
    %dma_wait3A_2522 = arith.constant 0 : i32
    %dma_wait3A_2523 = tpu.memref_slice %arg11[%dma_wait3A_2512, %dma_wait3A_2521, %dma_wait3A_2522] : memref<4x128x16xi32, #tpu.memory_space<vmem>> -> memref<1x128x16xi32, #tpu.memory_space<vmem>>
    %dma_wait3A_2524 = tpu.memref_squeeze %dma_wait3A_2523 : memref<1x128x16xi32, #tpu.memory_space<vmem>> -> memref<128x16xi32, #tpu.memory_space<vmem>>
    tpu.wait_dma2 semaphore(%arg16 : memref<!tpu.dma_semaphore, #tpu.memory_space<semaphore_mem>>) src(%dma_wait3A_2524 : memref<128x16xi32, #tpu.memory_space<vmem>>) dst(%dma_wait3A_2520 : memref<128x16xi32, #tpu.memory_space<hbm>>)
    %dma_wait3A_2525 = arith.constant 1 : i32
    %dma_wait3A_2526 = arith.constant 0 : i32
    %dma_wait3A_2527 = arith.constant 0 : i32
    %dma_wait3A_2528 = tpu.memref_slice %arg10[%dma_wait3A_2525, %dma_wait3A_2526, %dma_wait3A_2527] : memref<4x128x64xf32, #tpu.memory_space<vmem>> -> memref<1x128x64xf32, #tpu.memory_space<vmem>>
    %dma_wait3A_2529 = tpu.memref_squeeze %dma_wait3A_2528 : memref<1x128x64xf32, #tpu.memory_space<vmem>> -> memref<128x64xf32, #tpu.memory_space<vmem>>
    %dma_wait3A_2530 = arith.constant 0 : i32
    %dma_wait3A_2531 = tpu.memref_slice %arg6[%add3A_2308, %dma_wait3A_2530] : memref<102400x64xf32, #tpu.memory_space<hbm>> -> memref<128x64xf32, #tpu.memory_space<hbm>>
    %dma_wait3A_2532 = arith.constant 0 : i32
    %dma_wait3A_2533 = tpu.memref_slice %arg6[%add3A_2308, %dma_wait3A_2532] : memref<102400x64xf32, #tpu.memory_space<hbm>> -> memref<128x64xf32, #tpu.memory_space<hbm>>
    %dma_wait3A_2534 = arith.constant 0 : i32
    %dma_wait3A_2535 = arith.constant 0 : i32
    %dma_wait3A_2536 = tpu.memref_slice %arg10[%dma_wait3A_2525, %dma_wait3A_2534, %dma_wait3A_2535] : memref<4x128x64xf32, #tpu.memory_space<vmem>> -> memref<1x128x64xf32, #tpu.memory_space<vmem>>
    %dma_wait3A_2537 = tpu.memref_squeeze %dma_wait3A_2536 : memref<1x128x64xf32, #tpu.memory_space<vmem>> -> memref<128x64xf32, #tpu.memory_space<vmem>>
    tpu.wait_dma2 semaphore(%arg17 : memref<!tpu.dma_semaphore, #tpu.memory_space<semaphore_mem>>) src(%dma_wait3A_2537 : memref<128x64xf32, #tpu.memory_space<vmem>>) dst(%dma_wait3A_2533 : memref<128x64xf32, #tpu.memory_space<hbm>>)
    %dma_wait3A_2538 = arith.constant 1 : i32
    %dma_wait3A_2539 = arith.constant 0 : i32
    %dma_wait3A_2540 = arith.constant 0 : i32
    %dma_wait3A_2541 = tpu.memref_slice %arg11[%dma_wait3A_2538, %dma_wait3A_2539, %dma_wait3A_2540] : memref<4x128x16xi32, #tpu.memory_space<vmem>> -> memref<1x128x16xi32, #tpu.memory_space<vmem>>
    %dma_wait3A_2542 = tpu.memref_squeeze %dma_wait3A_2541 : memref<1x128x16xi32, #tpu.memory_space<vmem>> -> memref<128x16xi32, #tpu.memory_space<vmem>>
    %dma_wait3A_2543 = arith.constant 0 : i32
    %dma_wait3A_2544 = tpu.memref_slice %arg7[%add3A_2323, %dma_wait3A_2543] : memref<102400x16xi32, #tpu.memory_space<hbm>> -> memref<128x16xi32, #tpu.memory_space<hbm>>
    %dma_wait3A_2545 = arith.constant 0 : i32
    %dma_wait3A_2546 = tpu.memref_slice %arg7[%add3A_2323, %dma_wait3A_2545] : memref<102400x16xi32, #tpu.memory_space<hbm>> -> memref<128x16xi32, #tpu.memory_space<hbm>>
    %dma_wait3A_2547 = arith.constant 0 : i32
    %dma_wait3A_2548 = arith.constant 0 : i32
    %dma_wait3A_2549 = tpu.memref_slice %arg11[%dma_wait3A_2538, %dma_wait3A_2547, %dma_wait3A_2548] : memref<4x128x16xi32, #tpu.memory_space<vmem>> -> memref<1x128x16xi32, #tpu.memory_space<vmem>>
    %dma_wait3A_2550 = tpu.memref_squeeze %dma_wait3A_2549 : memref<1x128x16xi32, #tpu.memory_space<vmem>> -> memref<128x16xi32, #tpu.memory_space<vmem>>
    tpu.wait_dma2 semaphore(%arg17 : memref<!tpu.dma_semaphore, #tpu.memory_space<semaphore_mem>>) src(%dma_wait3A_2550 : memref<128x16xi32, #tpu.memory_space<vmem>>) dst(%dma_wait3A_2546 : memref<128x16xi32, #tpu.memory_space<hbm>>)
    %dma_wait3A_2551 = arith.constant 2 : i32
    %dma_wait3A_2552 = arith.constant 0 : i32
    %dma_wait3A_2553 = arith.constant 0 : i32
    %dma_wait3A_2554 = tpu.memref_slice %arg10[%dma_wait3A_2551, %dma_wait3A_2552, %dma_wait3A_2553] : memref<4x128x64xf32, #tpu.memory_space<vmem>> -> memref<1x128x64xf32, #tpu.memory_space<vmem>>
    %dma_wait3A_2555 = tpu.memref_squeeze %dma_wait3A_2554 : memref<1x128x64xf32, #tpu.memory_space<vmem>> -> memref<128x64xf32, #tpu.memory_space<vmem>>
    %dma_wait3A_2556 = arith.constant 0 : i32
    %dma_wait3A_2557 = tpu.memref_slice %arg6[%add3A_2362, %dma_wait3A_2556] : memref<102400x64xf32, #tpu.memory_space<hbm>> -> memref<128x64xf32, #tpu.memory_space<hbm>>
    %dma_wait3A_2558 = arith.constant 0 : i32
    %dma_wait3A_2559 = tpu.memref_slice %arg6[%add3A_2362, %dma_wait3A_2558] : memref<102400x64xf32, #tpu.memory_space<hbm>> -> memref<128x64xf32, #tpu.memory_space<hbm>>
    %dma_wait3A_2560 = arith.constant 0 : i32
    %dma_wait3A_2561 = arith.constant 0 : i32
    %dma_wait3A_2562 = tpu.memref_slice %arg10[%dma_wait3A_2551, %dma_wait3A_2560, %dma_wait3A_2561] : memref<4x128x64xf32, #tpu.memory_space<vmem>> -> memref<1x128x64xf32, #tpu.memory_space<vmem>>
    %dma_wait3A_2563 = tpu.memref_squeeze %dma_wait3A_2562 : memref<1x128x64xf32, #tpu.memory_space<vmem>> -> memref<128x64xf32, #tpu.memory_space<vmem>>
    tpu.wait_dma2 semaphore(%arg18 : memref<!tpu.dma_semaphore, #tpu.memory_space<semaphore_mem>>) src(%dma_wait3A_2563 : memref<128x64xf32, #tpu.memory_space<vmem>>) dst(%dma_wait3A_2559 : memref<128x64xf32, #tpu.memory_space<hbm>>)
    %dma_wait3A_2564 = arith.constant 2 : i32
    %dma_wait3A_2565 = arith.constant 0 : i32
    %dma_wait3A_2566 = arith.constant 0 : i32
    %dma_wait3A_2567 = tpu.memref_slice %arg11[%dma_wait3A_2564, %dma_wait3A_2565, %dma_wait3A_2566] : memref<4x128x16xi32, #tpu.memory_space<vmem>> -> memref<1x128x16xi32, #tpu.memory_space<vmem>>
    %dma_wait3A_2568 = tpu.memref_squeeze %dma_wait3A_2567 : memref<1x128x16xi32, #tpu.memory_space<vmem>> -> memref<128x16xi32, #tpu.memory_space<vmem>>
    %dma_wait3A_2569 = arith.constant 0 : i32
    %dma_wait3A_2570 = tpu.memref_slice %arg7[%add3A_2377, %dma_wait3A_2569] : memref<102400x16xi32, #tpu.memory_space<hbm>> -> memref<128x16xi32, #tpu.memory_space<hbm>>
    %dma_wait3A_2571 = arith.constant 0 : i32
    %dma_wait3A_2572 = tpu.memref_slice %arg7[%add3A_2377, %dma_wait3A_2571] : memref<102400x16xi32, #tpu.memory_space<hbm>> -> memref<128x16xi32, #tpu.memory_space<hbm>>
    %dma_wait3A_2573 = arith.constant 0 : i32
    %dma_wait3A_2574 = arith.constant 0 : i32
    %dma_wait3A_2575 = tpu.memref_slice %arg11[%dma_wait3A_2564, %dma_wait3A_2573, %dma_wait3A_2574] : memref<4x128x16xi32, #tpu.memory_space<vmem>> -> memref<1x128x16xi32, #tpu.memory_space<vmem>>
    %dma_wait3A_2576 = tpu.memref_squeeze %dma_wait3A_2575 : memref<1x128x16xi32, #tpu.memory_space<vmem>> -> memref<128x16xi32, #tpu.memory_space<vmem>>
    tpu.wait_dma2 semaphore(%arg18 : memref<!tpu.dma_semaphore, #tpu.memory_space<semaphore_mem>>) src(%dma_wait3A_2576 : memref<128x16xi32, #tpu.memory_space<vmem>>) dst(%dma_wait3A_2572 : memref<128x16xi32, #tpu.memory_space<hbm>>)
    %dma_wait3A_2577 = arith.constant 3 : i32
    %dma_wait3A_2578 = arith.constant 0 : i32
    %dma_wait3A_2579 = arith.constant 0 : i32
    %dma_wait3A_2580 = tpu.memref_slice %arg10[%dma_wait3A_2577, %dma_wait3A_2578, %dma_wait3A_2579] : memref<4x128x64xf32, #tpu.memory_space<vmem>> -> memref<1x128x64xf32, #tpu.memory_space<vmem>>
    %dma_wait3A_2581 = tpu.memref_squeeze %dma_wait3A_2580 : memref<1x128x64xf32, #tpu.memory_space<vmem>> -> memref<128x64xf32, #tpu.memory_space<vmem>>
    %dma_wait3A_2582 = arith.constant 0 : i32
    %dma_wait3A_2583 = tpu.memref_slice %arg6[%add3A_2416, %dma_wait3A_2582] : memref<102400x64xf32, #tpu.memory_space<hbm>> -> memref<128x64xf32, #tpu.memory_space<hbm>>
    %dma_wait3A_2584 = arith.constant 0 : i32
    %dma_wait3A_2585 = tpu.memref_slice %arg6[%add3A_2416, %dma_wait3A_2584] : memref<102400x64xf32, #tpu.memory_space<hbm>> -> memref<128x64xf32, #tpu.memory_space<hbm>>
    %dma_wait3A_2586 = arith.constant 0 : i32
    %dma_wait3A_2587 = arith.constant 0 : i32
    %dma_wait3A_2588 = tpu.memref_slice %arg10[%dma_wait3A_2577, %dma_wait3A_2586, %dma_wait3A_2587] : memref<4x128x64xf32, #tpu.memory_space<vmem>> -> memref<1x128x64xf32, #tpu.memory_space<vmem>>
    %dma_wait3A_2589 = tpu.memref_squeeze %dma_wait3A_2588 : memref<1x128x64xf32, #tpu.memory_space<vmem>> -> memref<128x64xf32, #tpu.memory_space<vmem>>
    tpu.wait_dma2 semaphore(%arg19 : memref<!tpu.dma_semaphore, #tpu.memory_space<semaphore_mem>>) src(%dma_wait3A_2589 : memref<128x64xf32, #tpu.memory_space<vmem>>) dst(%dma_wait3A_2585 : memref<128x64xf32, #tpu.memory_space<hbm>>)
    %dma_wait3A_2590 = arith.constant 3 : i32
    %dma_wait3A_2591 = arith.constant 0 : i32
    %dma_wait3A_2592 = arith.constant 0 : i32
    %dma_wait3A_2593 = tpu.memref_slice %arg11[%dma_wait3A_2590, %dma_wait3A_2591, %dma_wait3A_2592] : memref<4x128x16xi32, #tpu.memory_space<vmem>> -> memref<1x128x16xi32, #tpu.memory_space<vmem>>
    %dma_wait3A_2594 = tpu.memref_squeeze %dma_wait3A_2593 : memref<1x128x16xi32, #tpu.memory_space<vmem>> -> memref<128x16xi32, #tpu.memory_space<vmem>>
    %dma_wait3A_2595 = arith.constant 0 : i32
    %dma_wait3A_2596 = tpu.memref_slice %arg7[%add3A_2431, %dma_wait3A_2595] : memref<102400x16xi32, #tpu.memory_space<hbm>> -> memref<128x16xi32, #tpu.memory_space<hbm>>
    %dma_wait3A_2597 = arith.constant 0 : i32
    %dma_wait3A_2598 = tpu.memref_slice %arg7[%add3A_2431, %dma_wait3A_2597] : memref<102400x16xi32, #tpu.memory_space<hbm>> -> memref<128x16xi32, #tpu.memory_space<hbm>>
    %dma_wait3A_2599 = arith.constant 0 : i32
    %dma_wait3A_2600 = arith.constant 0 : i32
    %dma_wait3A_2601 = tpu.memref_slice %arg11[%dma_wait3A_2590, %dma_wait3A_2599, %dma_wait3A_2600] : memref<4x128x16xi32, #tpu.memory_space<vmem>> -> memref<1x128x16xi32, #tpu.memory_space<vmem>>
    %dma_wait3A_2602 = tpu.memref_squeeze %dma_wait3A_2601 : memref<1x128x16xi32, #tpu.memory_space<vmem>> -> memref<128x16xi32, #tpu.memory_space<vmem>>
    tpu.wait_dma2 semaphore(%arg19 : memref<!tpu.dma_semaphore, #tpu.memory_space<semaphore_mem>>) src(%dma_wait3A_2602 : memref<128x16xi32, #tpu.memory_space<vmem>>) dst(%dma_wait3A_2598 : memref<128x16xi32, #tpu.memory_space<hbm>>)
    return
  }
}

module attributes {stable_mosaic.version = 14 : i64} {
  func.func @_tc_body(%arg0: i32, %arg1: memref<512x64xf32, #tpu.memory_space<vmem>>, %arg2: memref<512x16xf32, #tpu.memory_space<vmem>>, %arg3: memref<512x16xi32, #tpu.memory_space<vmem>>, %arg4: memref<16x64xf32, #tpu.memory_space<vmem>>, %arg5: memref<1x64xf32, #tpu.memory_space<vmem>>, %arg6: memref<64x64xf32, #tpu.memory_space<vmem>>, %arg7: memref<1x64xf32, #tpu.memory_space<vmem>>, %arg8: memref<32x32xf32, #tpu.memory_space<vmem>>, %arg9: memref<64x128xf32, #tpu.memory_space<vmem>>, %arg10: memref<64x128xf32, #tpu.memory_space<vmem>>, %arg11: memref<32x128xf32, #tpu.memory_space<vmem>>, %arg12: memref<512x128xf32, #tpu.memory_space<vmem>>) attributes {dimension_semantics = [#tpu.dimension_semantics<arbitrary>], iteration_bounds = array<i64: 196>, scalar_prefetch = 0 : i64, scratch_operands = 0 : i64, tpu.core_type = #tpu.core_type<tc>, window_params = [{transform_indices = @transform_0, window_bounds = array<i64: 512, 64>}, {transform_indices = @transform_1, window_bounds = array<i64: 512, 16>}, {transform_indices = @transform_2, window_bounds = array<i64: 512, 16>}, {pipeline_mode = #tpu.pipeline_mode<synchronous>, transform_indices = @transform_3, window_bounds = array<i64: 16, 64>}, {pipeline_mode = #tpu.pipeline_mode<synchronous>, transform_indices = @transform_4, window_bounds = array<i64: 1, 64>}, {pipeline_mode = #tpu.pipeline_mode<synchronous>, transform_indices = @transform_5, window_bounds = array<i64: 64, 64>}, {pipeline_mode = #tpu.pipeline_mode<synchronous>, transform_indices = @transform_6, window_bounds = array<i64: 1, 64>}, {pipeline_mode = #tpu.pipeline_mode<synchronous>, transform_indices = @transform_7, window_bounds = array<i64: 32, 32>}, {pipeline_mode = #tpu.pipeline_mode<synchronous>, transform_indices = @transform_8, window_bounds = array<i64: 64, 128>}, {pipeline_mode = #tpu.pipeline_mode<synchronous>, transform_indices = @transform_9, window_bounds = array<i64: 64, 128>}, {pipeline_mode = #tpu.pipeline_mode<synchronous>, transform_indices = @transform_10, window_bounds = array<i64: 32, 128>}, {transform_indices = @transform_11, window_bounds = array<i64: 512, 128>}]} {
    %get3A = arith.constant 0 : index
    %get3A_0 = arith.constant 0 : index
    %get3A_1 = vector.load %arg2[%get3A, %get3A_0] : memref<512x16xf32, #tpu.memory_space<vmem>>, vector<512x16xf32>
    %get3A_2 = arith.constant 0 : index
    %get3A_3 = arith.constant 0 : index
    %get3A_4 = vector.load %arg4[%get3A_2, %get3A_3] : memref<16x64xf32, #tpu.memory_space<vmem>>, vector<16x64xf32>
    %dot_general3A = arith.constant dense<0.000000e+00> : vector<512x64xf32>
    %dot_general3A_5 = tpu.matmul %get3A_1, %get3A_4, %dot_general3A {dimension_numbers = #tpu.dot_dimension_numbers<[1], [0], [0], [1], [0, 0, 1, 1], [], []>, transpose_lhs_hint = false} : vector<512x16xf32>, vector<16x64xf32>, vector<512x64xf32> -> vector<512x64xf32>
    %get3A_6 = arith.constant 0 : index
    %get3A_7 = arith.constant 0 : index
    %get3A_8 = vector.load %arg5[%get3A_6, %get3A_7] : memref<1x64xf32, #tpu.memory_space<vmem>>, vector<1x64xf32>
    %add3A = vector.broadcast %get3A_8 : vector<1x64xf32> to vector<512x64xf32>
    %add3A_9 = arith.addf %dot_general3A_5, %add3A : vector<512x64xf32>
    %logistic3A = arith.negf %add3A_9 : vector<512x64xf32>
    %logistic3A_10 = math.exp %logistic3A : vector<512x64xf32>
    %logistic3A_11 = arith.constant 1.000000e+00 : f32
    %logistic3A_12 = vector.broadcast %logistic3A_11 : f32 to vector<512x64xf32>
    %logistic3A_13 = arith.addf %logistic3A_12, %logistic3A_10 : vector<512x64xf32>
    %logistic3A_14 = arith.divf %logistic3A_12, %logistic3A_13 : vector<512x64xf32>
    %mul3A = arith.mulf %add3A_9, %logistic3A_14 : vector<512x64xf32>
    %get3A_15 = arith.constant 0 : index
    %get3A_16 = arith.constant 0 : index
    %get3A_17 = vector.load %arg6[%get3A_15, %get3A_16] : memref<64x64xf32, #tpu.memory_space<vmem>>, vector<64x64xf32>
    %dot_general3A_18 = arith.constant dense<0.000000e+00> : vector<512x64xf32>
    %dot_general3A_19 = tpu.matmul %mul3A, %get3A_17, %dot_general3A_18 {dimension_numbers = #tpu.dot_dimension_numbers<[1], [0], [0], [1], [0, 0, 1, 1], [], []>, transpose_lhs_hint = false} : vector<512x64xf32>, vector<64x64xf32>, vector<512x64xf32> -> vector<512x64xf32>
    %get3A_20 = arith.constant 0 : index
    %get3A_21 = arith.constant 0 : index
    %get3A_22 = vector.load %arg7[%get3A_20, %get3A_21] : memref<1x64xf32, #tpu.memory_space<vmem>>, vector<1x64xf32>
    %add3A_23 = vector.broadcast %get3A_22 : vector<1x64xf32> to vector<512x64xf32>
    %add3A_24 = arith.addf %dot_general3A_19, %add3A_23 : vector<512x64xf32>
    %get3A_25 = arith.constant 0 : index
    %get3A_26 = arith.constant 0 : index
    %get3A_27 = vector.load %arg3[%get3A_25, %get3A_26] : memref<512x16xi32, #tpu.memory_space<vmem>>, vector<512x1xi32>
    %iota3A = tpu.iota {dimensions = array<i32: 1>} : vector<512x32xi32>
    %eq3A = vector.broadcast %get3A_27 : vector<512x1xi32> to vector<512x32xi32>
    %eq3A_28 = arith.cmpi eq, %eq3A, %iota3A : vector<512x32xi32>
    %convert_element_type3A = arith.extui %eq3A_28 : vector<512x32xi1> to vector<512x32xi32>
    %convert_element_type3A_29 = arith.sitofp %convert_element_type3A : vector<512x32xi32> to vector<512x32xf32>
    %get3A_30 = arith.constant 0 : index
    %get3A_31 = arith.constant 0 : index
    %get3A_32 = vector.load %arg8[%get3A_30, %get3A_31] : memref<32x32xf32, #tpu.memory_space<vmem>>, vector<32x32xf32>
    %dot_general3A_33 = arith.constant dense<0.000000e+00> : vector<512x32xf32>
    %dot_general3A_34 = tpu.matmul %convert_element_type3A_29, %get3A_32, %dot_general3A_33 {dimension_numbers = #tpu.dot_dimension_numbers<[1], [0], [0], [1], [0, 0, 1, 1], [], []>, transpose_lhs_hint = false} : vector<512x32xf32>, vector<32x32xf32>, vector<512x32xf32> -> vector<512x32xf32>
    %get3A_35 = arith.constant 0 : index
    %get3A_36 = arith.constant 0 : index
    %get3A_37 = vector.load %arg1[%get3A_35, %get3A_36] : memref<512x64xf32, #tpu.memory_space<vmem>>, vector<512x64xf32>
    %get3A_38 = arith.constant 0 : index
    %get3A_39 = arith.constant 0 : index
    %get3A_40 = vector.load %arg9[%get3A_38, %get3A_39] : memref<64x128xf32, #tpu.memory_space<vmem>>, vector<64x128xf32>
    %dot_general3A_41 = arith.constant dense<0.000000e+00> : vector<512x128xf32>
    %dot_general3A_42 = tpu.matmul %get3A_37, %get3A_40, %dot_general3A_41 {dimension_numbers = #tpu.dot_dimension_numbers<[1], [0], [0], [1], [0, 0, 1, 1], [], []>, transpose_lhs_hint = false} : vector<512x64xf32>, vector<64x128xf32>, vector<512x128xf32> -> vector<512x128xf32>
    %get3A_43 = arith.constant 0 : index
    %get3A_44 = arith.constant 0 : index
    %get3A_45 = vector.load %arg10[%get3A_43, %get3A_44] : memref<64x128xf32, #tpu.memory_space<vmem>>, vector<64x128xf32>
    %dot_general3A_46 = arith.constant dense<0.000000e+00> : vector<512x128xf32>
    %dot_general3A_47 = tpu.matmul %add3A_24, %get3A_45, %dot_general3A_46 {dimension_numbers = #tpu.dot_dimension_numbers<[1], [0], [0], [1], [0, 0, 1, 1], [], []>, transpose_lhs_hint = false} : vector<512x64xf32>, vector<64x128xf32>, vector<512x128xf32> -> vector<512x128xf32>
    %add3A_48 = arith.addf %dot_general3A_42, %dot_general3A_47 : vector<512x128xf32>
    %get3A_49 = arith.constant 0 : index
    %get3A_50 = arith.constant 0 : index
    %get3A_51 = vector.load %arg11[%get3A_49, %get3A_50] : memref<32x128xf32, #tpu.memory_space<vmem>>, vector<32x128xf32>
    %dot_general3A_52 = arith.constant dense<0.000000e+00> : vector<512x128xf32>
    %dot_general3A_53 = tpu.matmul %dot_general3A_34, %get3A_51, %dot_general3A_52 {dimension_numbers = #tpu.dot_dimension_numbers<[1], [0], [0], [1], [0, 0, 1, 1], [], []>, transpose_lhs_hint = false} : vector<512x32xf32>, vector<32x128xf32>, vector<512x128xf32> -> vector<512x128xf32>
    %add3A_54 = arith.addf %add3A_48, %dot_general3A_53 : vector<512x128xf32>
    %logistic3A_55 = arith.negf %add3A_54 : vector<512x128xf32>
    %logistic3A_56 = math.exp %logistic3A_55 : vector<512x128xf32>
    %logistic3A_57 = arith.constant 1.000000e+00 : f32
    %logistic3A_58 = vector.broadcast %logistic3A_57 : f32 to vector<512x128xf32>
    %logistic3A_59 = arith.addf %logistic3A_58, %logistic3A_56 : vector<512x128xf32>
    %logistic3A_60 = arith.divf %logistic3A_58, %logistic3A_59 : vector<512x128xf32>
    %mul3A_61 = arith.mulf %add3A_54, %logistic3A_60 : vector<512x128xf32>
    %swap3A = arith.constant 0 : index
    %swap3A_62 = arith.constant 0 : index
    %swap3A_63 = vector.load %arg12[%swap3A, %swap3A_62] : memref<512x128xf32, #tpu.memory_space<vmem>>, vector<512x128xf32>
    tpu.vector_store %arg12[%swap3A, %swap3A_62], %mul3A_61 {strides = array<i32>} : memref<512x128xf32, #tpu.memory_space<vmem>>, vector<512x128xf32>,
    return
  }
  func.func @transform_0(%arg0: i32) -> (i32, i32) {
    %c0_i32 = arith.constant 0 : i32
    %c0_i32_0 = arith.constant 0 : i32
    return %arg0, %c0_i32 : i32, i32
  }
  func.func @transform_1(%arg0: i32) -> (i32, i32) {
    %c0_i32 = arith.constant 0 : i32
    %c0_i32_0 = arith.constant 0 : i32
    return %arg0, %c0_i32 : i32, i32
  }
  func.func @transform_2(%arg0: i32) -> (i32, i32) {
    %c0_i32 = arith.constant 0 : i32
    %c0_i32_0 = arith.constant 0 : i32
    return %arg0, %c0_i32 : i32, i32
  }
  func.func @transform_3(%arg0: i32) -> (i32, i32) {
    %c0_i32 = arith.constant 0 : i32
    %c0_i32_0 = arith.constant 0 : i32
    %c0_i32_1 = arith.constant 0 : i32
    return %c0_i32, %c0_i32_0 : i32, i32
  }
  func.func @transform_4(%arg0: i32) -> (i32, i32) {
    %c0_i32 = arith.constant 0 : i32
    %c0_i32_0 = arith.constant 0 : i32
    %c0_i32_1 = arith.constant 0 : i32
    return %c0_i32, %c0_i32_0 : i32, i32
  }
  func.func @transform_5(%arg0: i32) -> (i32, i32) {
    %c0_i32 = arith.constant 0 : i32
    %c0_i32_0 = arith.constant 0 : i32
    %c0_i32_1 = arith.constant 0 : i32
    return %c0_i32, %c0_i32_0 : i32, i32
  }
  func.func @transform_6(%arg0: i32) -> (i32, i32) {
    %c0_i32 = arith.constant 0 : i32
    %c0_i32_0 = arith.constant 0 : i32
    %c0_i32_1 = arith.constant 0 : i32
    return %c0_i32, %c0_i32_0 : i32, i32
  }
  func.func @transform_7(%arg0: i32) -> (i32, i32) {
    %c0_i32 = arith.constant 0 : i32
    %c0_i32_0 = arith.constant 0 : i32
    %c0_i32_1 = arith.constant 0 : i32
    return %c0_i32, %c0_i32_0 : i32, i32
  }
  func.func @transform_8(%arg0: i32) -> (i32, i32) {
    %c0_i32 = arith.constant 0 : i32
    %c0_i32_0 = arith.constant 0 : i32
    %c0_i32_1 = arith.constant 0 : i32
    return %c0_i32, %c0_i32_0 : i32, i32
  }
  func.func @transform_9(%arg0: i32) -> (i32, i32) {
    %c0_i32 = arith.constant 0 : i32
    %c0_i32_0 = arith.constant 0 : i32
    %c0_i32_1 = arith.constant 0 : i32
    return %c0_i32, %c0_i32_0 : i32, i32
  }
  func.func @transform_10(%arg0: i32) -> (i32, i32) {
    %c0_i32 = arith.constant 0 : i32
    %c0_i32_0 = arith.constant 0 : i32
    %c0_i32_1 = arith.constant 0 : i32
    return %c0_i32, %c0_i32_0 : i32, i32
  }
  func.func @transform_11(%arg0: i32) -> (i32, i32) {
    %c0_i32 = arith.constant 0 : i32
    %c0_i32_0 = arith.constant 0 : i32
    return %arg0, %c0_i32 : i32, i32
  }
}

</mosaic_0001>

<sc_bundles>
// kernel: kernel.4.cloned.1.call-start
scs
__scs_entry_jumppad:
0x0: {  	(pc) =	sbr.rel $0x88, $3  }
0x1: {  	(tag) =	ssettag $0x0;
	lr =	simm.s32 $0x1  }
0x2: {  	[smem:$0x3F96] =	sst lr;
	_ =	strace $0xD0000000  }
0x3: {  	_ = 	snop  }
0x4: {  	_ = 	snop  }
0x5: {  	_ = 	snop  }
0x6: {  	_ = 	snop  }
0x7: {  	_ = 	snop  }
__scs_overlays_trampoline_lowered:
0x8: {  	[smem:$0x3FA5] =	sst s0  }
0x9: {  	[smem:$0x3FA6] =	sst s1  }
0xa: {  	[smem:$0x3FA7] =	sst s2  }
0xb: {  	[smem:$0x3FA8] =	sst s3  }
0xc: {  	[smem:$0x3FA9] =	sst s4  }
0xd: {  	[smem:$0x3FAA] =	sst s5  }
0xe: {  	[smem:$0x3FAB] =	sst s6  }
0xf: {  	[smem:$0x3FAC] =	sst s7  }
0x10: {  	[smem:$0x3FAD] =	sst s8  }
0x11: {  	[smem:$0x3FAE] =	sst s9;
	s0 =	simm.s32 @!p0 $0x0  }
0x12: {  	s1 =	sld [smem:$0x3F94];
	s0 =	simm.s32 @p0 $0x1  }
0x13: {  	[smem:$0x3FAF] =	sst s0;
	s0 =	simm.s32 @!p1 $0x0  }
0x14: {  	s2 =	sld [smem:$0x3F93];
	s0 =	simm.s32 @p1 $0x1  }
0x15: {  	[smem:$0x3FB0] =	sst s0;
	s0 =	simm.s32 @!p2 $0x0  }
0x16: {  	s3 =	sld [smem:$0x3FDB];
	s0 =	simm.s32 @p2 $0x1  }
0x17: {  	s4 =	simm.s32 $0x1BF5;
	[smem:$0x3FB2] =	sst s0  }
0x18: {  	s0 =	sld [smem:$0x3F95];
	_ =	swait.ge [sflag:s4], $0x0  }
0x19: {  	s7 =	sld [smem:$0x3F96]  }
0x1a: {  	s8 =	sadd.s32 $0xFFFFE003, lr  }
0x1b: {  	s9 =	sadd.s32 $0xFFFFFEF7, lr;
	s5 =	simm.s32 $0xFFFFFFFF;
	p2 =	slt.u32 s8, $0xFFFFF086  }
0x1c: {  	p1 =	slt.u32 s9, $0xF7A;
	s5 =	simm.s32 @!p2 $0x0  }
0x1d: {  	s5 =	simm.s32 @p1 $0x1;
	p0 =	seq.s32 s7, s2  }
0x1e: {  	s7 =	smul.u32 @!p0 $0xF7A, s2;
	p2 =	seq.s32 @!p0 s5, $0x0  }
0x1f: {  	s9 =	smul.u32 $0xF7A, s1;
	s8 =	simm.s32 @!p0 $0x1BF5;
	p2 =	por !p2, p0  }
0x20: {  	[sflag:s8] =	ssyncset.s32 @!p0 $0xFFFFF086;
	s6 =	sadd.s32 @!p0 s3, s7;
	s7 =	simm.s32 @!p0 $0x108  }
0x21: {  	s3 =	sadd.s32 s3, s9;
	s6 =	sadd.s32 @!p0 $0x88, s6;
	s7 =	simm.s32 @p2 $0x1082  }
0x22: {  	[simem:s7], [sflag:s8] =	dma.local @!p0 [hbm:s6], $0xF7A  }
0x23: {  	s9 =	sor.u32 $0xD0000000, s2;
	s6 =	simm.s32 $0x108;
	_ =	swait.ge @!p0 [sflag:s8], $0x0  }
0x24: {  	s3 =	sadd.s32 $0x88, s3;
	s6 =	simm.s32 @!p1 $0x1082;
	[sflag:s4] =	ssyncset.s32 $0xFFFFF086  }
0x25: {  	[simem:s6], [sflag:s4] =	dma.local [hbm:s3], $0xF7A  }
0x26: {  	[smem:$0x3F96] =	sst s1;
	(tag) =	ssettag s2;
	_ =	strace s9  }
0x27: {  	s1 =	sld [smem:$0x3FA6]  }
0x28: {  	s2 =	sld [smem:$0x3FA7]  }
0x29: {  	s4 =	sld [smem:$0x3FA9]  }
0x2a: {  	p0 =	seq.s32 s5, $0x0;
	s5 =	sld [smem:$0x3FAA]  }
0x2b: {  	s6 =	sld [smem:$0x3FAB]  }
0x2c: {  	s7 =	sld [smem:$0x3FAC]  }
0x2d: {  	s3 =	simm.s32 $0x108;
	s8 =	sld [smem:$0x3FAD]  }
0x2e: {  	s3 =	simm.s32 @!p0 $0x1082;
	s9 =	sld [smem:$0x3FAE]  }
0x2f: {  	lr =	sadd.s32 s0, s3;
	s0 =	sld [smem:$0x3FA5]  }
0x30: {  	s3 =	sld [smem:$0x3FA8]  }
0x31: {  	[smem:$0x3FB1] =	sst s10  }
0x32: {  	s10 =	sld [smem:$0x3FAF];
	_ =	sdelay $0x3  }
0x33: {  	p0 =	seq.s32 s10, $0x1;
	s10 =	sld [smem:$0x3FB1];
	_ =	sdelay $0x3  }
0x34: {  	[smem:$0x3FB1] =	sst s10  }
0x35: {  	s10 =	sld [smem:$0x3FB0];
	_ =	sdelay $0x3  }
0x36: {  	p1 =	seq.s32 s10, $0x1;
	s10 =	sld [smem:$0x3FB1];
	_ =	sdelay $0x3  }
0x37: {  	[smem:$0x3FB1] =	sst s10  }
0x38: {  	s10 =	sld [smem:$0x3FB2]  }
0x39: {  	_ = 	snop;
	(pc) =	sbr.ind lr, $3  }
0x3a: {  	_ = 	snop  }
0x3b: {  	_ = 	snop  }
0x3c: {  	p2 =	seq.s32 s10, $0x1;
	s10 =	sld [smem:$0x3FB1]  }
0x3d: {  	_ =	shalt  }
0x3e: {  	_ =	shalt  }
0x3f: {  	_ =	shalt  }
0x40: {  	_ =	shalt  }
0x41: {  	_ =	shalt  }
0x42: {  	_ =	shalt  }
0x43: {  	_ =	shalt  }
0x44: {  	_ =	shalt  }
0x45: {  	_ =	shalt  }
0x46: {  	_ =	shalt  }
0x47: {  	_ =	shalt  }
0x48: {  	_ =	shalt  }
0x49: {  	_ =	shalt  }
0x4a: {  	_ =	shalt  }
0x4b: {  	_ =	shalt  }
0x4c: {  	_ =	shalt  }
0x4d: {  	_ =	shalt  }
0x4e: {  	_ =	shalt  }
0x4f: {  	_ =	shalt  }
0x50: {  	_ =	shalt  }
0x51: {  	_ =	shalt  }
0x52: {  	_ =	shalt  }
0x53: {  	_ =	shalt  }
0x54: {  	_ =	shalt  }
0x55: {  	_ =	shalt  }
0x56: {  	_ =	shalt  }
0x57: {  	_ =	shalt  }
0x58: {  	_ =	shalt  }
0x59: {  	_ =	shalt  }
0x5a: {  	_ =	shalt  }
0x5b: {  	_ =	shalt  }
0x5c: {  	_ =	shalt  }
0x5d: {  	_ =	shalt  }
0x5e: {  	_ =	shalt  }
0x5f: {  	_ =	shalt  }
0x60: {  	_ =	shalt  }
0x61: {  	_ =	shalt  }
0x62: {  	_ =	shalt  }
0x63: {  	_ =	shalt  }
0x64: {  	_ =	shalt  }
0x65: {  	_ =	shalt  }
0x66: {  	_ =	shalt  }
0x67: {  	_ =	shalt  }
0x68: {  	_ =	shalt  }
0x69: {  	_ =	shalt  }
0x6a: {  	_ =	shalt  }
0x6b: {  	_ =	shalt  }
0x6c: {  	_ =	shalt  }
0x6d: {  	_ =	shalt  }
0x6e: {  	_ =	shalt  }
0x6f: {  	_ =	shalt  }
0x70: {  	_ =	shalt  }
0x71: {  	_ =	shalt  }
0x72: {  	_ =	shalt  }
0x73: {  	_ =	shalt  }
0x74: {  	_ =	shalt  }
0x75: {  	_ =	shalt  }
0x76: {  	_ =	shalt  }
0x77: {  	_ =	shalt  }
0x78: {  	_ =	shalt  }
0x79: {  	_ =	shalt  }
0x7a: {  	_ =	shalt  }
0x7b: {  	_ =	shalt  }
0x7c: {  	_ =	shalt  }
0x7d: {  	_ =	shalt  }
0x7e: {  	_ =	shalt  }
0x7f: {  	_ =	shalt  }
0x80: {  	_ =	shalt  }
0x81: {  	_ =	shalt  }
0x82: {  	_ =	shalt  }
0x83: {  	_ =	shalt  }
0x84: {  	_ =	shalt  }
0x85: {  	_ =	shalt  }
0x86: {  	_ =	shalt  }
0x87: {  	_ =	shalt  }
.Lfunc_end0:
.L_simem_size_0:
called_computation_lowered:
.L_overlay_start_0:
0x88: {  	s2 =	sld [smem:$0x3FD9]  }
0x89: {  	s3 =	sld [smem:$0x3FFE];
	_ =	sdelay $0x1  }
0x8a: {  	s1 =	srdreg.scid  }
0x8b: {  	s0 =	sand.u32 $0x1, s1  }
0x8c: {  	s17 =	sshll.u32 s0, $0xA;
	s2 =	sadd.s32 s3, s2  }
0x8d: {  	s2 =	sadd.s32 s2, s17  }
0x8e: {  	[smem:$0x3FBD] =	sst s2  }
0x8f: {  	_ = 	snop  }
0x90: {  	s2 =	sld [smem:$0x3FD0];
	(tm) =	ssettm $0x1  }
0x91: {  	s18 =	sld [smem:$0x3FFB];
	_ =	sdelay $0x3  }
0x92: {  	_ =	strace s18  }
0x93: {  	s3 =	sld [smem:$0x3FFC];
	_ =	sdelay $0x3  }
0x94: {  	_ =	strace s3  }
0x95: {  	s3 =	sld [smem:$0x3FFD];
	_ =	sdelay $0x3  }
0x96: {  	_ =	strace s3  }
0x97: {  	_ =	strace $0x8FFFFFFF  }
0x98: {  	s19 =	sld [smem:$0x3FDB];
	_ =	sdelay $0x1  }
0x99: {  	s4 =	simm.s32 $_scs_section_size  }
0x9a: {  	s5 =	simm.s32 $_size__tile_overlayer_lowered;
	s6 =	simm.s32 $_tile_overlayer_lowered  }
0x9b: {  	s22 =	simm.s32 $0x1BFF;
	s21 =	sshll.u32 s6, $0x1;
	s3 =	sadd.s32 s4, s19  }
0x9c: {  	s7 =	simm.s32 $0x0;
	s20 =	sshll.u32 s5, $0x1;
	s5 =	sadd.s32 s21, s3  }
0x9d: {  	[timem:s7], [sflag:s22] =	dma.local [hbm:s5], s20  }
0x9e: {  	_ =	swait.ge [sflag:s22], s20  }
0x9f: {  	s4 =	ssub.s32 $0x0, s20;
	[sflag:s22] =	ssyncset.done $0x0  }
0xa0: {  	[sflag:s22] =	ssyncadd.s32 s4;
	_ =	sdelay $0x1  }
0xa1: {  	s23 =	simm.s32 $0x1B8B  }
0xa2: {  	_ =	swait.ge [sflag:s23], $0x1  }
0xa3: {  	[sflag:s23] =	ssyncset.done $0x0  }
0xa4: {  	s25 =	simm.s32 $0x1B8E;
	s24 =	sld [smem:$0x3FFE];
	[sflag:s23] =	ssyncadd.s32 $0xFFFFFFFF  }
0xa5: {  	s26 =	simm.s32 $execute0_lowered;
	[smem:$0x3FD2] =	sst s25  }
0xa6: {  	s5 =	sshll.u32 s26, $0x1;
	_ =	strace $0x80000046;
	[dreg:$0x1] =	wrdreg $0xFFFFFFFF  }
0xa7: {  	s28 =	simm.s32 $_size_execute0_lowered;
	s3 =	sadd.s32 s3, s5;
	[dreg:$0x0] =	wrdreg $0x0  }
0xa8: {  	s5 =	sshll.u32 s28, $0x1;
	[dreg:$0x2] =	wrdreg s3  }
0xa9: {  	[dreg:$0x3] =	wrdreg s5  }
0xaa: {  	[dreg:$0x4] =	wrdreg $0xC0  }
0xab: {  	_ =	task [dreg:s7], $0x5FFFF  }
0xac: {  	[dreg:$0x1] =	wrdreg $0xFFFFFFFF  }
0xad: {  	[dreg:$0x0] =	wrdreg $0x60  }
0xae: {  	[dreg:$0x2] =	wrdreg s24  }
0xaf: {  	[dreg:$0x3] =	wrdreg s2  }
0xb0: {  	[dreg:$0x4] =	wrdreg $0x9  }
0xb1: {  	_ =	task.clear_ibuf [dreg:s7], $0x5FFFF;
	_ =	strace $0x90000046  }
0xb2: {  	s29 =	simm.s32 $0x9;
	_ =	strace $0x80000048  }
0xb3: {  	_ =	swait.ge [sflag:s29], $0x1  }
0xb4: {  	[sflag:s29] =	ssyncadd.s32 $0xFFFFFFFF  }
0xb5: {  	_ =	strace $0x90000048  }
0xb6: {  	_ =	sfence  }
0xb7: {  	s30 =	sld [smem:$0x0];
	_ =	sdelay $0x2  }
0xb8: {  	s31 =	sshll.u32 s1, $0xD;
	s1 =	sshrl.u32 s1, $0x2  }
0xb9: {  	s3 =	sand.u32 $0x4000, s31;
	s1 =	sadd.s32 s1, s30  }
0xba: {  	s0 =	sor.u32 s3, s0;
	s1 =	sshll.u32 s1, $0x11  }
0xbb: {  	s0 =	sor.u32 s1, s0  }
0xbc: {  	s0 =	sadd.s32 $0x8F2B, s0  }
0xbd: {  	[sflag:s0] =	ssyncadd.remote.s32 $0x1  }
0xbe: {  	_ =	sfence.sel $0xFFFF  }
0xbf: {  	[dreg:$0x0] =	wrdreg $0xFFFFFFFF;
	(pc) =	sbr.abs _section_cstart, $3  }
0xc0: {  	[dreg:$0x1] =	wrdreg $0xFFFFFFFF  }
0xc1: {  	_ =	task.clear_ibuf [dreg:s7], $0x2FFFF;
	_ =	strace $0x9FFFFFFF  }
0xc2: {  	(tm) =	ssettm $0x7FFFFFFF  }
0xc3: {  	_ =	shalt  }
tec
execute0_lowered:
.L_overlay_start_1:
0x0: {  	(tag) =	ssettag $0x1  }
0x1: {  	s0 =	srdreg.scid;
	s22 =	stileid.u32  }
0x2: {  	s1 =	sand.u32 $0x1, s0;
	s8 =	sshll.u32 s22, $0x1  }
0x3: {  	s0 =	sor.u32 s1, s8  }
0x4: {  	s3 =	rddreg [dreg:$0x0];
	s2 =	simm.s32 $0x0;
	s5 =	smul.u32 $0xC80, s0  }
0x5: {  	[smem:$0x7FF] =	sst s2;
	s8 =	smul.u32 $0x6400, s0  }
0x6: {  	s4 =	rddreg [dreg:$0x1];
	_ =	strace $0x80000047;
	s0 =	smul.u32 $0x1900, s0  }
0x7: {  	s6 =	sshrl.u32 s5, $0x3;
	s10 =	sadd.s32 s4, s8;
	s11 =	sadd.s32 $0x80, s5  }
0x8: {  	s13 =	sadd.s32 $0x100, s5;
	s19 =	sadd.s32 $0x180, s5;
	s21 =	sadd.s32 $0x200, s5  }
0x9: {  	s6 =	sadd.s32 s6, s3;
	[dreg:$0x5] =	wrdreg s10;
	s12 =	sshll.u32 s11, $0x3  }
0xa: {  	s15 =	sshll.u32 s13, $0x3;
	s17 =	sshll.u32 s13, $0x1;
	s20 =	sshll.u32 s19, $0x3  }
0xb: {  	s24 =	sshll.u32 s21, $0x3;
	s26 =	sshll.u32 s21, $0x1;
	s7 =	sadd.s32 $0x5200, s6  }
0xc: {  	s9 =	sadd.s32 $0x2000, s6;
	s6 =	sadd.s32 $0xCC200, s3;
	[dreg:$0x3] =	wrdreg s7  }
0xd: {  	s16 =	sadd.s32 s4, s15;
	s25 =	sadd.s32 s4, s24;
	[dreg:$0x4] =	wrdreg s9  }
0xe: {  	s0 =	sadd.s32 s6, s0;
	s7 =	sshll.u32 s11, $0x1;
	[dreg:$0x9] =	wrdreg s16  }
0xf: {  	s18 =	sadd.s32 s6, s17;
	[dreg:$0xd] =	wrdreg s25;
	s8 =	sadd.s32 s6, s26  }
0x10: {  	s9 =	sadd.s32 $0x280, s5;
	s11 =	sadd.s32 $0x300, s5;
	s17 =	sadd.s32 $0x380, s5  }
0x11: {  	s26 =	sadd.s32 $0x480, s5;
	[dreg:$0x6] =	wrdreg s0;
	s0 =	sadd.s32 s4, s12  }
0x12: {  	s14 =	sadd.s32 s6, s7;
	[dreg:$0xa] =	wrdreg s18;
	s7 =	sshll.u32 s19, $0x1  }
0x13: {  	[dreg:$0xe] =	wrdreg s8;
	s10 =	sshll.u32 s9, $0x3;
	s13 =	sshll.u32 s11, $0x3  }
0x14: {  	s15 =	sshll.u32 s11, $0x1;
	s18 =	sshll.u32 s17, $0x3;
	[dreg:$0x7] =	wrdreg s0  }
0x15: {  	s19 =	sadd.s32 $0x400, s5;
	s8 =	sshll.u32 s26, $0x3;
	[dreg:$0x8] =	wrdreg s14  }
0x16: {  	s0 =	sadd.s32 s4, s20;
	s23 =	sadd.s32 s6, s7;
	s7 =	sshll.u32 s9, $0x1  }
0x17: {  	s14 =	sadd.s32 s4, s13;
	s16 =	sadd.s32 s6, s15;
	[dreg:$0xb] =	wrdreg s0  }
0x18: {  	s21 =	sshll.u32 s19, $0x3;
	s24 =	sshll.u32 s19, $0x1;
	[dreg:$0xc] =	wrdreg s23  }
0x19: {  	s9 =	sadd.s32 $0x500, s5;
	s15 =	sadd.s32 $0x580, s5;
	[dreg:$0x11] =	wrdreg s14  }
0x1a: {  	s0 =	sadd.s32 s4, s10;
	s12 =	sadd.s32 s6, s7;
	[dreg:$0x12] =	wrdreg s16  }
0x1b: {  	s7 =	sshll.u32 s17, $0x1;
	s23 =	sadd.s32 s4, s21;
	s25 =	sadd.s32 s6, s24  }
0x1c: {  	s11 =	sshll.u32 s9, $0x3;
	s13 =	sshll.u32 s9, $0x1;
	[dreg:$0xf] =	wrdreg s0  }
0x1d: {  	s16 =	sshll.u32 s15, $0x3;
	s17 =	sadd.s32 $0x600, s5;
	[dreg:$0x10] =	wrdreg s12  }
0x1e: {  	s24 =	sadd.s32 $0x680, s5;
	s0 =	sadd.s32 s4, s18;
	[dreg:$0x15] =	wrdreg s23  }
0x1f: {  	s20 =	sadd.s32 s6, s7;
	[dreg:$0x16] =	wrdreg s25;
	s7 =	sshll.u32 s26, $0x1  }
0x20: {  	s12 =	sadd.s32 s4, s11;
	s14 =	sadd.s32 s6, s13;
	s19 =	sshll.u32 s17, $0x3  }
0x21: {  	s21 =	sshll.u32 s17, $0x1;
	s25 =	sshll.u32 s24, $0x3;
	[dreg:$0x13] =	wrdreg s0  }
0x22: {  	s26 =	sadd.s32 $0x700, s5;
	s13 =	sadd.s32 $0x780, s5;
	[dreg:$0x14] =	wrdreg s20  }
0x23: {  	s0 =	sadd.s32 s4, s8;
	s10 =	sadd.s32 s6, s7;
	[dreg:$0x19] =	wrdreg s12  }
0x24: {  	[dreg:$0x1a] =	wrdreg s14;
	s7 =	sshll.u32 s15, $0x1;
	s20 =	sadd.s32 s4, s19  }
0x25: {  	s23 =	sadd.s32 s6, s21;
	s9 =	sshll.u32 s26, $0x3;
	[dreg:$0x17] =	wrdreg s0  }
0x26: {  	s11 =	sshll.u32 s26, $0x1;
	s14 =	sshll.u32 s13, $0x3;
	[dreg:$0x18] =	wrdreg s10  }
0x27: {  	s15 =	sadd.s32 $0x800, s5;
	s21 =	sadd.s32 $0x880, s5;
	[dreg:$0x1d] =	wrdreg s20  }
0x28: {  	s0 =	sadd.s32 s4, s16;
	s18 =	sadd.s32 s6, s7;
	[dreg:$0x1e] =	wrdreg s23  }
0x29: {  	s7 =	sshll.u32 s24, $0x1;
	s10 =	sadd.s32 s4, s9;
	[dreg:$0x1b] =	wrdreg s0  }
0x2a: {  	s12 =	sadd.s32 s6, s11;
	s17 =	sshll.u32 s15, $0x3;
	[dreg:$0x1c] =	wrdreg s18  }
0x2b: {  	s19 =	sshll.u32 s15, $0x1;
	s23 =	sshll.u32 s21, $0x3;
	[smem:$0x7C0] =	sst s10  }
0x2c: {  	s24 =	sadd.s32 $0x900, s5;
	s0 =	sadd.s32 s4, s25;
	[smem:$0x7C1] =	sst s12  }
0x2d: {  	s11 =	sadd.s32 $0x980, s5;
	s7 =	sadd.s32 s6, s7;
	[dreg:$0x1f] =	wrdreg s0  }
0x2e: {  	s18 =	sadd.s32 s4, s17;
	s20 =	sadd.s32 s6, s19;
	[smem:$0x7BF] =	sst s7  }
0x2f: {  	s26 =	sshll.u32 s24, $0x3;
	s9 =	sshll.u32 s24, $0x1;
	[smem:$0x7C4] =	sst s18  }
0x30: {  	s12 =	sshll.u32 s11, $0x3;
	s0 =	sadd.s32 s4, s14;
	[smem:$0x7C5] =	sst s20  }
0x31: {  	s7 =	sshll.u32 s13, $0x1;
	s10 =	sadd.s32 s6, s9;
	[smem:$0x7C2] =	sst s0  }
0x32: {  	s19 =	sadd.s32 $0xA80, s5;
	s16 =	sadd.s32 s6, s7;
	[smem:$0x7C9] =	sst s10  }
0x33: {  	s0 =	sadd.s32 s4, s23;
	s7 =	sshll.u32 s21, $0x1;
	[smem:$0x7C3] =	sst s16  }
0x34: {  	s13 =	sadd.s32 $0xA00, s5;
	[smem:$0x7C6] =	sst s0;
	s25 =	sadd.s32 s6, s7  }
0x35: {  	s20 =	sshll.u32 s19, $0x3;
	s7 =	sadd.s32 s4, s26;
	[smem:$0x7C7] =	sst s25  }
0x36: {  	s15 =	sshll.u32 s13, $0x3;
	s0 =	sadd.s32 s4, s12;
	[smem:$0x7C8] =	sst s7  }
0x37: {  	s17 =	sshll.u32 s13, $0x1;
	s16 =	sadd.s32 s4, s15;
	[smem:$0x7CA] =	sst s0  }
0x38: {  	s21 =	sadd.s32 $0xB00, s5;
	s18 =	sadd.s32 s6, s17;
	[smem:$0x7CC] =	sst s16  }
0x39: {  	s24 =	sshll.u32 s21, $0x3;
	s17 =	simm.s32 $0x100;
	[smem:$0x7CD] =	sst s18  }
0x3a: {  	s26 =	sshll.u32 s21, $0x1;
	s21 =	simm.s32 $0x200;
	[smem:$0x7D7] =	sst s17  }
0x3b: {  	s9 =	sadd.s32 $0xB80, s5;
	s0 =	sadd.s32 s4, s20;
	[smem:$0x7DB] =	sst s21  }
0x3c: {  	s5 =	sadd.s32 $0xC00, s5;
	s25 =	sadd.s32 s4, s24;
	[smem:$0x7CE] =	sst s0  }
0x3d: {  	s12 =	sshll.u32 s5, $0x3;
	s8 =	sadd.s32 s6, s26;
	[smem:$0x7D0] =	sst s25  }
0x3e: {  	s13 =	sadd.s32 s4, s12;
	[smem:$0x7D1] =	sst s8  }
0x3f: {  	s16 =	simm.s32 $0xD00;
	[smem:$0x7D4] =	sst s13  }
0x40: {  	s18 =	simm.s32 $0xD80;
	[smem:$0x7D6] =	sst s16  }
0x41: {  	s20 =	simm.s32 $0xE00;
	[smem:$0x7D8] =	sst s18  }
0x42: {  	s24 =	simm.s32 $0x280;
	[smem:$0x7DA] =	sst s20  }
0x43: {  	s26 =	simm.s32 $0x300;
	[smem:$0x7DD] =	sst s24  }
0x44: {  	s17 =	simm.s32 $0x1280;
	[smem:$0x7DF] =	sst s26  }
0x45: {  	s7 =	sshll.u32 s11, $0x1;
	s21 =	simm.s32 $0x1380;
	[smem:$0x7EC] =	sst s17  }
0x46: {  	s10 =	sshll.u32 s9, $0x3;
	s14 =	sadd.s32 s6, s7;
	[smem:$0x7F0] =	sst s21  }
0x47: {  	s0 =	sadd.s32 s4, s10;
	[smem:$0x7CB] =	sst s14  }
0x48: {  	s7 =	sshll.u32 s19, $0x1;
	s19 =	simm.s32 $0x180;
	[smem:$0x7D2] =	sst s0  }
0x49: {  	s30 =	simm.s32 $0x9;
	s25 =	simm.s32 $0xF00;
	[smem:$0x7D9] =	sst s19  }
0x4a: {  	s31 =	simm.s32 $0xC80;
	s4 =	simm.s32 $0xF80;
	[smem:$0x7DE] =	sst s25  }
0x4b: {  	p0 =	por $0x0, $0x0;
	s8 =	simm.s32 $0x1080;
	[smem:$0x7E0] =	sst s4  }
0x4c: {  	s28 =	simm.s32 $0xB00;
	s10 =	simm.s32 $0x1100;
	[smem:$0x7E4] =	sst s8  }
0x4d: {  	s29 =	simm.s32 $0x1780;
	s13 =	simm.s32 $0x1180;
	[smem:$0x7E6] =	sst s10  }
0x4e: {  	s1 =	ssub.s32 $0x2, s1;
	s16 =	simm.s32 $0x600;
	[smem:$0x7E8] =	sst s13  }
0x4f: {  	s12 =	sshrl.u32 s1, $0x1;
	s18 =	simm.s32 $0x680;
	[smem:$0x7EB] =	sst s16  }
0x50: {  	s1 =	ssub.s32 s1, s12;
	s20 =	simm.s32 $0x700;
	[smem:$0x7ED] =	sst s18  }
0x51: {  	s17 =	simm.s32 $0x3900;
	s24 =	simm.s32 $0x1400;
	[smem:$0x7EF] =	sst s20  }
0x52: {  	s12 =	simm.s32 $0x7900;
	s26 =	simm.s32 $0x1480;
	[smem:$0x7F2] =	sst s24  }
0x53: {  	s21 =	simm.s32 $0x2;
	s23 =	sadd.s32 s6, s7;
	[smem:$0x7F4] =	sst s26  }
0x54: {  	s7 =	sshll.u32 s9, $0x1;
	s14 =	sshll.u32 s5, $0x1;
	s0 =	rddreg [dreg:$0x3]  }
0x55: {  	s5 =	simm.s32 $0x380;
	s9 =	simm.s32 $0x480;
	[smem:$0x7CF] =	sst s23  }
0x56: {  	s1 =	smax.u32 s1, $0x1;
	s16 =	simm.s32 $0x80;
	[smem:$0x7E1] =	sst s5  }
0x57: {  	s19 =	simm.s32 $0x1300;
	s4 =	simm.s32 $0x9900;
	[smem:$0x7E5] =	sst s9  }
0x58: {  	s18 =	simm.s32 $0xA100;
	s25 =	simm.s32 $0x800;
	[smem:$0x7EE] =	sst s19  }
0x59: {  	s13 =	simm.s32 $0xB100;
	s8 =	simm.s32 $0x1500;
	[smem:$0x7F3] =	sst s25  }
0x5a: {  	s10 =	simm.s32 $0x1580;
	s20 =	simm.s32 $0x3;
	[smem:$0x7F6] =	sst s8  }
0x5b: {  	s24 =	simm.s32 $0xA00;
	s26 =	simm.s32 $0xA80;
	[smem:$0x7F8] =	sst s10  }
0x5c: {  	s11 =	sadd.s32 s6, s7;
	s15 =	sadd.s32 s6, s14;
	[smem:$0x7FB] =	sst s24  }
0x5d: {  	s23 =	simm.s32 $0xE80;
	s6 =	simm.s32 $0x1000;
	[smem:$0x7FD] =	sst s26  }
0x5e: {  	s7 =	simm.s32 $0x400;
	s5 =	sadd.s32 $0x8C00, s3;
	[smem:$0x7D3] =	sst s11  }
0x5f: {  	s14 =	simm.s32 $0x580;
	s9 =	simm.s32 $0x900;
	[smem:$0x7D5] =	sst s15  }
0x60: {  	s8 =	simm.s32 $0x6;
	s19 =	simm.s32 $0x980;
	[smem:$0x7DC] =	sst s23  }
0x61: {  	s25 =	simm.s32 $0x1680;
	s10 =	simm.s32 $0x8;
	[smem:$0x7E2] =	sst s6  }
0x62: {  	p1 =	sne.s32 s1, $0x1;
	s1 =	sadd.s32 $0xFFFFFFFF, s1;
	[smem:$0x7E3] =	sst s7  }
0x63: {  	s26 =	simm.s32 $0x1800;
	s24 =	simm.s32 $0x1880;
	[smem:$0x7E9] =	sst s14  }
0x64: {  	s6 =	sadd.s32 $0x8400, s3;
	s11 =	simm.s32 $0x500;
	[smem:$0x7F7] =	sst s9  }
0x65: {  	s15 =	simm.s32 $0x1200;
	s3 =	simm.s32 $0x1900;
	[smem:$0x7F9] =	sst s19  }
0x66: {  	s23 =	simm.s32 $0x780;
	s14 =	simm.s32 $0x5900;
	[smem:$0x7FC] =	sst s25  }
.Ltmp0:
0x67: {  	s7 =	simm.s32 $0x880;
	[smem:$0x7E7] =	sst s11;
	(pc) =	sbr.rel @!p1 .LBB2_1-.Ltmp0, $4  }
0x68: {  	s9 =	simm.s32 $0x7;
	s19 =	simm.s32 $0x4;
	[smem:$0x7EA] =	sst s15  }
0x69: {  	s25 =	simm.s32 $0xB80;
	[smem:$0x7F1] =	sst s23;
	s15 =	simm.s32 $0xA900  }
0x6a: {  	s11 =	simm.s32 $0x1;
	[smem:$0x7F5] =	sst s7;
	s23 =	simm.s32 $0x1600  }
0x6b: {  	s7 =	simm.s32 $0x5;
	[smem:$0x7FA] =	sst s23;
	s23 =	simm.s32 $0xC00  }
0x6c: {  	[tilespmem:s2], [sflag:$0x9] =	stream.linear.gather [hbm4b:s0+s2], $0xC80, $0x38;
	[tilespmem:$0xB900] =	vst v63  }
0x6d: {  	_ =	swait.ge [sflag:s30], $0xC80  }
0x6e: {  	[sflag:s30] =	ssyncset.done $0x0  }
0x6f: {  	s22 =	rddreg [dreg:$0x4];
	[sflag:s30] =	ssyncadd.s32 $0xFFFFF380  }
0x70: {  	[tilespmem:s31], [sflag:$0x9] =	stream.linear.gather [hbm4b:s22+s2], $0xC80, $0x38;
	[tilespmem:$0xB900] =	vst v63  }
0x71: {  	_ =	swait.ge [sflag:s30], $0xC80  }
0x72: {  	[sflag:s30] =	ssyncset.done $0x0  }
0x73: {  	[sflag:s30] =	ssyncadd.s32 $0xFFFFF380  }
0x74: {  	[tilespmem:s3], [sflag:$0x1] =	stream.indirect.gather [hbm4b:s5+s16], $0x40, s2, s16, $0xb8;
	[tilespmem:$0xB900] =	vst v63  }
0x75: {  	_ = 	snop  }
0x76: {  	[tilespmem:s4], [sflag:$0x1] =	stream.indirect.gather [hbm4b:s6+s16], $0x10, s31, s16, $0xb8;
	[tilespmem:$0xB900] =	vst v63  }
0x77: {  	s0 =	sld [smem:$0x7D6]  }
0x78: {  	[tilespmem:s17], [sflag:$0x2] =	stream.indirect.gather [hbm4b:s5+s16], $0x40, s16, s16, $0xb8;
	[tilespmem:$0xB900] =	vst v63  }
0x79: {  	s22 =	smov.u32 s1;
	s1 =	sld [smem:$0x7D7]  }
0x7a: {  	[tilespmem:s18], [sflag:$0x2] =	stream.indirect.gather [hbm4b:s6+s16], $0x10, s0, s16, $0xb8;
	[tilespmem:$0xB900] =	vst v63  }
0x7b: {  	s0 =	sld [smem:$0x7D8]  }
0x7c: {  	[tilespmem:s14], [sflag:$0x3] =	stream.indirect.gather [hbm4b:s5+s16], $0x40, s1, s16, $0xb8;
	[tilespmem:$0xB900] =	vst v63  }
0x7d: {  	s1 =	sld [smem:$0x7D9]  }
0x7e: {  	[tilespmem:s15], [sflag:$0x3] =	stream.indirect.gather [hbm4b:s6+s16], $0x10, s0, s16, $0xb8;
	[tilespmem:$0xB900] =	vst v63  }
0x7f: {  	s0 =	sld [smem:$0x7DA]  }
0x80: {  	[tilespmem:s12], [sflag:$0x4] =	stream.indirect.gather [hbm4b:s5+s16], $0x40, s1, s16, $0xb8;
	[tilespmem:$0xB900] =	vst v63  }
0x81: {  	_ = 	snop  }
0x82: {  	[tilespmem:s13], [sflag:$0x4] =	stream.indirect.gather [hbm4b:s6+s16], $0x10, s0, s16, $0xb8;
	[tilespmem:$0xB900] =	vst v63  }
0x83: {  	_ =	swait.ge [sflag:s11], $0x2000  }
0x84: {  	[sflag:s11] =	ssyncset.done $0x0  }
0x85: {  	[sflag:s11] =	ssyncadd.s32 $0xFFFFE000  }
0x86: {  	_ =	swait.ge [sflag:s11], $0x800  }
0x87: {  	[sflag:s11] =	ssyncset.done $0x0  }
0x88: {  	s0 =	rddreg [dreg:$0x5];
	[sflag:s11] =	ssyncadd.s32 $0xFFFFF800  }
0x89: {  	[hbm4b:s0+s2] =	stream.linear.scatter [tilespmem:s3], [sflag:$0x5], $0x2000, $0x38;
	[tilespmem:$0xB900] =	vst v63  }
0x8a: {  	s1 =	rddreg [dreg:$0x6]  }
0x8b: {  	[hbm4b:s1+s2] =	stream.linear.scatter [tilespmem:s4], [sflag:$0x5], $0x800, $0x38;
	[tilespmem:$0xB900] =	vst v63  }
0x8c: {  	_ =	swait.ge [sflag:s7], $0x2000  }
0x8d: {  	[sflag:s7] =	ssyncset.done $0x0  }
0x8e: {  	[sflag:s7] =	ssyncadd.s32 $0xFFFFE000  }
0x8f: {  	_ =	swait.ge [sflag:s7], $0x800  }
0x90: {  	s0 =	sld [smem:$0x7DB]  }
0x91: {  	[sflag:s7] =	ssyncset.done $0x0  }
0x92: {  	s1 =	sld [smem:$0x7DC];
	[sflag:s7] =	ssyncadd.s32 $0xFFFFF800  }
0x93: {  	[tilespmem:s3], [sflag:$0x1] =	stream.indirect.gather [hbm4b:s5+s16], $0x40, s0, s16, $0xb8;
	[tilespmem:$0xB900] =	vst v63  }
0x94: {  	_ = 	snop  }
0x95: {  	[tilespmem:s4], [sflag:$0x1] =	stream.indirect.gather [hbm4b:s6+s16], $0x10, s1, s16, $0xb8;
	[tilespmem:$0xB900] =	vst v63  }
0x96: {  	_ =	swait.ge [sflag:s21], $0x2000  }
0x97: {  	[sflag:s21] =	ssyncset.done $0x0  }
0x98: {  	[sflag:s21] =	ssyncadd.s32 $0xFFFFE000  }
0x99: {  	_ =	swait.ge [sflag:s21], $0x800  }
0x9a: {  	[sflag:s21] =	ssyncset.done $0x0  }
0x9b: {  	s0 =	rddreg [dreg:$0x7];
	[sflag:s21] =	ssyncadd.s32 $0xFFFFF800  }
0x9c: {  	[hbm4b:s0+s2] =	stream.linear.scatter [tilespmem:s17], [sflag:$0x6], $0x2000, $0x38;
	[tilespmem:$0xB900] =	vst v63  }
0x9d: {  	s1 =	rddreg [dreg:$0x8]  }
0x9e: {  	[hbm4b:s1+s2] =	stream.linear.scatter [tilespmem:s18], [sflag:$0x6], $0x800, $0x38;
	[tilespmem:$0xB900] =	vst v63  }
0x9f: {  	_ =	swait.ge [sflag:s8], $0x2000  }
0xa0: {  	[sflag:s8] =	ssyncset.done $0x0  }
0xa1: {  	[sflag:s8] =	ssyncadd.s32 $0xFFFFE000  }
0xa2: {  	_ =	swait.ge [sflag:s8], $0x800  }
0xa3: {  	s0 =	sld [smem:$0x7DD]  }
0xa4: {  	[sflag:s8] =	ssyncset.done $0x0  }
0xa5: {  	s1 =	sld [smem:$0x7DE];
	[sflag:s8] =	ssyncadd.s32 $0xFFFFF800  }
0xa6: {  	[tilespmem:s17], [sflag:$0x2] =	stream.indirect.gather [hbm4b:s5+s16], $0x40, s0, s16, $0xb8;
	[tilespmem:$0xB900] =	vst v63  }
0xa7: {  	_ = 	snop  }
0xa8: {  	[tilespmem:s18], [sflag:$0x2] =	stream.indirect.gather [hbm4b:s6+s16], $0x10, s1, s16, $0xb8;
	[tilespmem:$0xB900] =	vst v63  }
0xa9: {  	_ =	swait.ge [sflag:s20], $0x2000  }
0xaa: {  	[sflag:s20] =	ssyncset.done $0x0  }
0xab: {  	[sflag:s20] =	ssyncadd.s32 $0xFFFFE000  }
0xac: {  	_ =	swait.ge [sflag:s20], $0x800  }
0xad: {  	[sflag:s20] =	ssyncset.done $0x0  }
0xae: {  	s0 =	rddreg [dreg:$0x9];
	[sflag:s20] =	ssyncadd.s32 $0xFFFFF800  }
0xaf: {  	[hbm4b:s0+s2] =	stream.linear.scatter [tilespmem:s14], [sflag:$0x7], $0x2000, $0x38;
	[tilespmem:$0xB900] =	vst v63  }
0xb0: {  	s1 =	rddreg [dreg:$0xa]  }
0xb1: {  	[hbm4b:s1+s2] =	stream.linear.scatter [tilespmem:s15], [sflag:$0x7], $0x800, $0x38;
	[tilespmem:$0xB900] =	vst v63  }
0xb2: {  	_ =	swait.ge [sflag:s9], $0x2000  }
0xb3: {  	[sflag:s9] =	ssyncset.done $0x0  }
0xb4: {  	[sflag:s9] =	ssyncadd.s32 $0xFFFFE000  }
0xb5: {  	_ =	swait.ge [sflag:s9], $0x800  }
0xb6: {  	s0 =	sld [smem:$0x7DF]  }
0xb7: {  	[sflag:s9] =	ssyncset.done $0x0  }
0xb8: {  	s1 =	sld [smem:$0x7E0];
	[sflag:s9] =	ssyncadd.s32 $0xFFFFF800  }
0xb9: {  	[tilespmem:s14], [sflag:$0x3] =	stream.indirect.gather [hbm4b:s5+s16], $0x40, s0, s16, $0xb8;
	[tilespmem:$0xB900] =	vst v63  }
0xba: {  	_ = 	snop  }
0xbb: {  	[tilespmem:s15], [sflag:$0x3] =	stream.indirect.gather [hbm4b:s6+s16], $0x10, s1, s16, $0xb8;
	[tilespmem:$0xB900] =	vst v63  }
0xbc: {  	_ =	swait.ge [sflag:s19], $0x2000  }
0xbd: {  	[sflag:s19] =	ssyncset.done $0x0  }
0xbe: {  	[sflag:s19] =	ssyncadd.s32 $0xFFFFE000  }
0xbf: {  	_ =	swait.ge [sflag:s19], $0x800  }
0xc0: {  	[sflag:s19] =	ssyncset.done $0x0  }
0xc1: {  	s0 =	rddreg [dreg:$0xb];
	[sflag:s19] =	ssyncadd.s32 $0xFFFFF800  }
0xc2: {  	[hbm4b:s0+s2] =	stream.linear.scatter [tilespmem:s12], [sflag:$0x8], $0x2000, $0x38;
	[tilespmem:$0xB900] =	vst v63  }
0xc3: {  	s1 =	rddreg [dreg:$0xc]  }
0xc4: {  	[hbm4b:s1+s2] =	stream.linear.scatter [tilespmem:s13], [sflag:$0x8], $0x800, $0x38;
	[tilespmem:$0xB900] =	vst v63  }
0xc5: {  	_ =	swait.ge [sflag:s10], $0x2000  }
0xc6: {  	[sflag:s10] =	ssyncset.done $0x0  }
0xc7: {  	[sflag:s10] =	ssyncadd.s32 $0xFFFFE000  }
0xc8: {  	_ =	swait.ge [sflag:s10], $0x800  }
0xc9: {  	s0 =	sld [smem:$0x7E1]  }
0xca: {  	[sflag:s10] =	ssyncset.done $0x0  }
0xcb: {  	s1 =	sld [smem:$0x7E2];
	[sflag:s10] =	ssyncadd.s32 $0xFFFFF800  }
0xcc: {  	[tilespmem:s12], [sflag:$0x4] =	stream.indirect.gather [hbm4b:s5+s16], $0x40, s0, s16, $0xb8;
	[tilespmem:$0xB900] =	vst v63  }
0xcd: {  	_ = 	snop  }
0xce: {  	[tilespmem:s13], [sflag:$0x4] =	stream.indirect.gather [hbm4b:s6+s16], $0x10, s1, s16, $0xb8;
	[tilespmem:$0xB900] =	vst v63  }
0xcf: {  	_ =	swait.ge [sflag:s11], $0x2000  }
0xd0: {  	[sflag:s11] =	ssyncset.done $0x0  }
0xd1: {  	[sflag:s11] =	ssyncadd.s32 $0xFFFFE000  }
0xd2: {  	_ =	swait.ge [sflag:s11], $0x800  }
0xd3: {  	[sflag:s11] =	ssyncset.done $0x0  }
0xd4: {  	s0 =	rddreg [dreg:$0xd];
	[sflag:s11] =	ssyncadd.s32 $0xFFFFF800  }
0xd5: {  	[hbm4b:s0+s2] =	stream.linear.scatter [tilespmem:s3], [sflag:$0x5], $0x2000, $0x38;
	[tilespmem:$0xB900] =	vst v63  }
0xd6: {  	s1 =	rddreg [dreg:$0xe]  }
0xd7: {  	[hbm4b:s1+s2] =	stream.linear.scatter [tilespmem:s4], [sflag:$0x5], $0x800, $0x38;
	[tilespmem:$0xB900] =	vst v63  }
0xd8: {  	_ =	swait.ge [sflag:s7], $0x2000  }
0xd9: {  	[sflag:s7] =	ssyncset.done $0x0  }
0xda: {  	[sflag:s7] =	ssyncadd.s32 $0xFFFFE000  }
0xdb: {  	_ =	swait.ge [sflag:s7], $0x800  }
0xdc: {  	s0 =	sld [smem:$0x7E3]  }
0xdd: {  	[sflag:s7] =	ssyncset.done $0x0  }
0xde: {  	s1 =	sld [smem:$0x7E4];
	[sflag:s7] =	ssyncadd.s32 $0xFFFFF800  }
0xdf: {  	[tilespmem:s3], [sflag:$0x1] =	stream.indirect.gather [hbm4b:s5+s16], $0x40, s0, s16, $0xb8;
	[tilespmem:$0xB900] =	vst v63  }
0xe0: {  	_ = 	snop  }
0xe1: {  	[tilespmem:s4], [sflag:$0x1] =	stream.indirect.gather [hbm4b:s6+s16], $0x10, s1, s16, $0xb8;
	[tilespmem:$0xB900] =	vst v63  }
0xe2: {  	_ =	swait.ge [sflag:s21], $0x2000  }
0xe3: {  	[sflag:s21] =	ssyncset.done $0x0  }
0xe4: {  	[sflag:s21] =	ssyncadd.s32 $0xFFFFE000  }
0xe5: {  	_ =	swait.ge [sflag:s21], $0x800  }
0xe6: {  	[sflag:s21] =	ssyncset.done $0x0  }
0xe7: {  	s0 =	rddreg [dreg:$0xf];
	[sflag:s21] =	ssyncadd.s32 $0xFFFFF800  }
0xe8: {  	[hbm4b:s0+s2] =	stream.linear.scatter [tilespmem:s17], [sflag:$0x6], $0x2000, $0x38;
	[tilespmem:$0xB900] =	vst v63  }
0xe9: {  	s1 =	rddreg [dreg:$0x10]  }
0xea: {  	[hbm4b:s1+s2] =	stream.linear.scatter [tilespmem:s18], [sflag:$0x6], $0x800, $0x38;
	[tilespmem:$0xB900] =	vst v63  }
0xeb: {  	_ =	swait.ge [sflag:s8], $0x2000  }
0xec: {  	[sflag:s8] =	ssyncset.done $0x0  }
0xed: {  	[sflag:s8] =	ssyncadd.s32 $0xFFFFE000  }
0xee: {  	_ =	swait.ge [sflag:s8], $0x800  }
0xef: {  	s0 =	sld [smem:$0x7E5]  }
0xf0: {  	[sflag:s8] =	ssyncset.done $0x0  }
0xf1: {  	s1 =	sld [smem:$0x7E6];
	[sflag:s8] =	ssyncadd.s32 $0xFFFFF800  }
0xf2: {  	[tilespmem:s17], [sflag:$0x2] =	stream.indirect.gather [hbm4b:s5+s16], $0x40, s0, s16, $0xb8;
	[tilespmem:$0xB900] =	vst v63  }
0xf3: {  	_ = 	snop  }
0xf4: {  	[tilespmem:s18], [sflag:$0x2] =	stream.indirect.gather [hbm4b:s6+s16], $0x10, s1, s16, $0xb8;
	[tilespmem:$0xB900] =	vst v63  }
0xf5: {  	_ =	swait.ge [sflag:s20], $0x2000  }
0xf6: {  	[sflag:s20] =	ssyncset.done $0x0  }
0xf7: {  	[sflag:s20] =	ssyncadd.s32 $0xFFFFE000  }
0xf8: {  	_ =	swait.ge [sflag:s20], $0x800  }
0xf9: {  	[sflag:s20] =	ssyncset.done $0x0  }
0xfa: {  	s0 =	rddreg [dreg:$0x11];
	[sflag:s20] =	ssyncadd.s32 $0xFFFFF800  }
0xfb: {  	[hbm4b:s0+s2] =	stream.linear.scatter [tilespmem:s14], [sflag:$0x7], $0x2000, $0x38;
	[tilespmem:$0xB900] =	vst v63  }
0xfc: {  	s1 =	rddreg [dreg:$0x12]  }
0xfd: {  	[hbm4b:s1+s2] =	stream.linear.scatter [tilespmem:s15], [sflag:$0x7], $0x800, $0x38;
	[tilespmem:$0xB900] =	vst v63  }
0xfe: {  	_ =	swait.ge [sflag:s9], $0x2000  }
0xff: {  	[sflag:s9] =	ssyncset.done $0x0  }
0x100: {  	[sflag:s9] =	ssyncadd.s32 $0xFFFFE000  }
0x101: {  	_ =	swait.ge [sflag:s9], $0x800  }
0x102: {  	s0 =	sld [smem:$0x7E7]  }
0x103: {  	[sflag:s9] =	ssyncset.done $0x0  }
0x104: {  	s1 =	sld [smem:$0x7E8];
	[sflag:s9] =	ssyncadd.s32 $0xFFFFF800  }
0x105: {  	[tilespmem:s14], [sflag:$0x3] =	stream.indirect.gather [hbm4b:s5+s16], $0x40, s0, s16, $0xb8;
	[tilespmem:$0xB900] =	vst v63  }
0x106: {  	_ = 	snop  }
0x107: {  	[tilespmem:s15], [sflag:$0x3] =	stream.indirect.gather [hbm4b:s6+s16], $0x10, s1, s16, $0xb8;
	[tilespmem:$0xB900] =	vst v63  }
0x108: {  	_ =	swait.ge [sflag:s19], $0x2000  }
0x109: {  	[sflag:s19] =	ssyncset.done $0x0  }
0x10a: {  	[sflag:s19] =	ssyncadd.s32 $0xFFFFE000  }
0x10b: {  	_ =	swait.ge [sflag:s19], $0x800  }
0x10c: {  	[sflag:s19] =	ssyncset.done $0x0  }
0x10d: {  	s0 =	rddreg [dreg:$0x13];
	[sflag:s19] =	ssyncadd.s32 $0xFFFFF800  }
0x10e: {  	[hbm4b:s0+s2] =	stream.linear.scatter [tilespmem:s12], [sflag:$0x8], $0x2000, $0x38;
	[tilespmem:$0xB900] =	vst v63  }
0x10f: {  	s1 =	rddreg [dreg:$0x14]  }
0x110: {  	[hbm4b:s1+s2] =	stream.linear.scatter [tilespmem:s13], [sflag:$0x8], $0x800, $0x38;
	[tilespmem:$0xB900] =	vst v63  }
0x111: {  	_ =	swait.ge [sflag:s10], $0x2000  }
0x112: {  	[sflag:s10] =	ssyncset.done $0x0  }
0x113: {  	[sflag:s10] =	ssyncadd.s32 $0xFFFFE000  }
0x114: {  	_ =	swait.ge [sflag:s10], $0x800  }
0x115: {  	s0 =	sld [smem:$0x7E9]  }
0x116: {  	[sflag:s10] =	ssyncset.done $0x0  }
0x117: {  	s1 =	sld [smem:$0x7EA];
	[sflag:s10] =	ssyncadd.s32 $0xFFFFF800  }
0x118: {  	[tilespmem:s12], [sflag:$0x4] =	stream.indirect.gather [hbm4b:s5+s16], $0x40, s0, s16, $0xb8;
	[tilespmem:$0xB900] =	vst v63  }
0x119: {  	_ = 	snop  }
0x11a: {  	[tilespmem:s13], [sflag:$0x4] =	stream.indirect.gather [hbm4b:s6+s16], $0x10, s1, s16, $0xb8;
	[tilespmem:$0xB900] =	vst v63  }
0x11b: {  	_ =	swait.ge [sflag:s11], $0x2000  }
0x11c: {  	[sflag:s11] =	ssyncset.done $0x0  }
0x11d: {  	[sflag:s11] =	ssyncadd.s32 $0xFFFFE000  }
0x11e: {  	_ =	swait.ge [sflag:s11], $0x800  }
0x11f: {  	[sflag:s11] =	ssyncset.done $0x0  }
0x120: {  	s0 =	rddreg [dreg:$0x15];
	[sflag:s11] =	ssyncadd.s32 $0xFFFFF800  }
0x121: {  	[hbm4b:s0+s2] =	stream.linear.scatter [tilespmem:s3], [sflag:$0x5], $0x2000, $0x38;
	[tilespmem:$0xB900] =	vst v63  }
0x122: {  	s1 =	rddreg [dreg:$0x16]  }
0x123: {  	[hbm4b:s1+s2] =	stream.linear.scatter [tilespmem:s4], [sflag:$0x5], $0x800, $0x38;
	[tilespmem:$0xB900] =	vst v63  }
0x124: {  	_ =	swait.ge [sflag:s7], $0x2000  }
0x125: {  	[sflag:s7] =	ssyncset.done $0x0  }
0x126: {  	[sflag:s7] =	ssyncadd.s32 $0xFFFFE000  }
0x127: {  	_ =	swait.ge [sflag:s7], $0x800  }
0x128: {  	s0 =	sld [smem:$0x7EB]  }
0x129: {  	[sflag:s7] =	ssyncset.done $0x0  }
0x12a: {  	s1 =	sld [smem:$0x7EC];
	[sflag:s7] =	ssyncadd.s32 $0xFFFFF800  }
0x12b: {  	[tilespmem:s3], [sflag:$0x1] =	stream.indirect.gather [hbm4b:s5+s16], $0x40, s0, s16, $0xb8;
	[tilespmem:$0xB900] =	vst v63  }
0x12c: {  	_ = 	snop  }
0x12d: {  	[tilespmem:s4], [sflag:$0x1] =	stream.indirect.gather [hbm4b:s6+s16], $0x10, s1, s16, $0xb8;
	[tilespmem:$0xB900] =	vst v63  }
0x12e: {  	_ =	swait.ge [sflag:s21], $0x2000  }
0x12f: {  	[sflag:s21] =	ssyncset.done $0x0  }
0x130: {  	[sflag:s21] =	ssyncadd.s32 $0xFFFFE000  }
0x131: {  	_ =	swait.ge [sflag:s21], $0x800  }
0x132: {  	[sflag:s21] =	ssyncset.done $0x0  }
0x133: {  	s0 =	rddreg [dreg:$0x17];
	[sflag:s21] =	ssyncadd.s32 $0xFFFFF800  }
0x134: {  	[hbm4b:s0+s2] =	stream.linear.scatter [tilespmem:s17], [sflag:$0x6], $0x2000, $0x38;
	[tilespmem:$0xB900] =	vst v63  }
0x135: {  	s1 =	rddreg [dreg:$0x18]  }
0x136: {  	[hbm4b:s1+s2] =	stream.linear.scatter [tilespmem:s18], [sflag:$0x6], $0x800, $0x38;
	[tilespmem:$0xB900] =	vst v63  }
0x137: {  	_ =	swait.ge [sflag:s8], $0x2000  }
0x138: {  	[sflag:s8] =	ssyncset.done $0x0  }
0x139: {  	[sflag:s8] =	ssyncadd.s32 $0xFFFFE000  }
0x13a: {  	_ =	swait.ge [sflag:s8], $0x800  }
0x13b: {  	s0 =	sld [smem:$0x7ED]  }
0x13c: {  	[sflag:s8] =	ssyncset.done $0x0  }
0x13d: {  	s1 =	sld [smem:$0x7EE];
	[sflag:s8] =	ssyncadd.s32 $0xFFFFF800  }
0x13e: {  	[tilespmem:s17], [sflag:$0x2] =	stream.indirect.gather [hbm4b:s5+s16], $0x40, s0, s16, $0xb8;
	[tilespmem:$0xB900] =	vst v63  }
0x13f: {  	_ = 	snop  }
0x140: {  	[tilespmem:s18], [sflag:$0x2] =	stream.indirect.gather [hbm4b:s6+s16], $0x10, s1, s16, $0xb8;
	[tilespmem:$0xB900] =	vst v63  }
0x141: {  	_ =	swait.ge [sflag:s20], $0x2000  }
0x142: {  	[sflag:s20] =	ssyncset.done $0x0  }
0x143: {  	[sflag:s20] =	ssyncadd.s32 $0xFFFFE000  }
0x144: {  	_ =	swait.ge [sflag:s20], $0x800  }
0x145: {  	[sflag:s20] =	ssyncset.done $0x0  }
0x146: {  	s0 =	rddreg [dreg:$0x19];
	[sflag:s20] =	ssyncadd.s32 $0xFFFFF800  }
0x147: {  	[hbm4b:s0+s2] =	stream.linear.scatter [tilespmem:s14], [sflag:$0x7], $0x2000, $0x38;
	[tilespmem:$0xB900] =	vst v63  }
0x148: {  	s1 =	rddreg [dreg:$0x1a]  }
0x149: {  	[hbm4b:s1+s2] =	stream.linear.scatter [tilespmem:s15], [sflag:$0x7], $0x800, $0x38;
	[tilespmem:$0xB900] =	vst v63  }
0x14a: {  	_ =	swait.ge [sflag:s9], $0x2000  }
0x14b: {  	[sflag:s9] =	ssyncset.done $0x0  }
0x14c: {  	[sflag:s9] =	ssyncadd.s32 $0xFFFFE000  }
0x14d: {  	_ =	swait.ge [sflag:s9], $0x800  }
0x14e: {  	s0 =	sld [smem:$0x7EF]  }
0x14f: {  	[sflag:s9] =	ssyncset.done $0x0  }
0x150: {  	s1 =	sld [smem:$0x7F0];
	[sflag:s9] =	ssyncadd.s32 $0xFFFFF800  }
0x151: {  	[tilespmem:s14], [sflag:$0x3] =	stream.indirect.gather [hbm4b:s5+s16], $0x40, s0, s16, $0xb8;
	[tilespmem:$0xB900] =	vst v63  }
0x152: {  	_ = 	snop  }
0x153: {  	[tilespmem:s15], [sflag:$0x3] =	stream.indirect.gather [hbm4b:s6+s16], $0x10, s1, s16, $0xb8;
	[tilespmem:$0xB900] =	vst v63  }
0x154: {  	_ =	swait.ge [sflag:s19], $0x2000  }
0x155: {  	[sflag:s19] =	ssyncset.done $0x0  }
0x156: {  	[sflag:s19] =	ssyncadd.s32 $0xFFFFE000  }
0x157: {  	_ =	swait.ge [sflag:s19], $0x800  }
0x158: {  	[sflag:s19] =	ssyncset.done $0x0  }
0x159: {  	s0 =	rddreg [dreg:$0x1b];
	[sflag:s19] =	ssyncadd.s32 $0xFFFFF800  }
0x15a: {  	[hbm4b:s0+s2] =	stream.linear.scatter [tilespmem:s12], [sflag:$0x8], $0x2000, $0x38;
	[tilespmem:$0xB900] =	vst v63  }
0x15b: {  	s1 =	rddreg [dreg:$0x1c]  }
0x15c: {  	[hbm4b:s1+s2] =	stream.linear.scatter [tilespmem:s13], [sflag:$0x8], $0x800, $0x38;
	[tilespmem:$0xB900] =	vst v63  }
0x15d: {  	_ =	swait.ge [sflag:s10], $0x2000  }
0x15e: {  	[sflag:s10] =	ssyncset.done $0x0  }
0x15f: {  	[sflag:s10] =	ssyncadd.s32 $0xFFFFE000  }
0x160: {  	_ =	swait.ge [sflag:s10], $0x800  }
0x161: {  	s0 =	sld [smem:$0x7F1]  }
0x162: {  	[sflag:s10] =	ssyncset.done $0x0  }
0x163: {  	s1 =	sld [smem:$0x7F2];
	[sflag:s10] =	ssyncadd.s32 $0xFFFFF800  }
0x164: {  	[tilespmem:s12], [sflag:$0x4] =	stream.indirect.gather [hbm4b:s5+s16], $0x40, s0, s16, $0xb8;
	[tilespmem:$0xB900] =	vst v63  }
0x165: {  	_ = 	snop  }
0x166: {  	[tilespmem:s13], [sflag:$0x4] =	stream.indirect.gather [hbm4b:s6+s16], $0x10, s1, s16, $0xb8;
	[tilespmem:$0xB900] =	vst v63  }
0x167: {  	_ =	swait.ge [sflag:s11], $0x2000  }
0x168: {  	[sflag:s11] =	ssyncset.done $0x0  }
0x169: {  	[sflag:s11] =	ssyncadd.s32 $0xFFFFE000  }
0x16a: {  	_ =	swait.ge [sflag:s11], $0x800  }
0x16b: {  	[sflag:s11] =	ssyncset.done $0x0  }
0x16c: {  	s0 =	rddreg [dreg:$0x1d];
	[sflag:s11] =	ssyncadd.s32 $0xFFFFF800  }
0x16d: {  	[hbm4b:s0+s2] =	stream.linear.scatter [tilespmem:s3], [sflag:$0x5], $0x2000, $0x38;
	[tilespmem:$0xB900] =	vst v63  }
0x16e: {  	s1 =	rddreg [dreg:$0x1e]  }
0x16f: {  	[hbm4b:s1+s2] =	stream.linear.scatter [tilespmem:s4], [sflag:$0x5], $0x800, $0x38;
	[tilespmem:$0xB900] =	vst v63  }
0x170: {  	_ =	swait.ge [sflag:s7], $0x2000  }
0x171: {  	[sflag:s7] =	ssyncset.done $0x0  }
0x172: {  	[sflag:s7] =	ssyncadd.s32 $0xFFFFE000  }
0x173: {  	_ =	swait.ge [sflag:s7], $0x800  }
0x174: {  	s0 =	sld [smem:$0x7F3]  }
0x175: {  	[sflag:s7] =	ssyncset.done $0x0  }
0x176: {  	s1 =	sld [smem:$0x7F4];
	[sflag:s7] =	ssyncadd.s32 $0xFFFFF800  }
0x177: {  	[tilespmem:s3], [sflag:$0x1] =	stream.indirect.gather [hbm4b:s5+s16], $0x40, s0, s16, $0xb8;
	[tilespmem:$0xB900] =	vst v63  }
0x178: {  	_ = 	snop  }
0x179: {  	[tilespmem:s4], [sflag:$0x1] =	stream.indirect.gather [hbm4b:s6+s16], $0x10, s1, s16, $0xb8;
	[tilespmem:$0xB900] =	vst v63  }
0x17a: {  	_ =	swait.ge [sflag:s21], $0x2000  }
0x17b: {  	[sflag:s21] =	ssyncset.done $0x0  }
0x17c: {  	[sflag:s21] =	ssyncadd.s32 $0xFFFFE000  }
0x17d: {  	_ =	swait.ge [sflag:s21], $0x800  }
0x17e: {  	s0 =	rddreg [dreg:$0x1f];
	[sflag:s21] =	ssyncset.done $0x0  }
0x17f: {  	s1 =	sld [smem:$0x7BF];
	[sflag:s21] =	ssyncadd.s32 $0xFFFFF800  }
0x180: {  	[hbm4b:s0+s2] =	stream.linear.scatter [tilespmem:s17], [sflag:$0x6], $0x2000, $0x38;
	[tilespmem:$0xB900] =	vst v63  }
0x181: {  	_ = 	snop  }
0x182: {  	[hbm4b:s1+s2] =	stream.linear.scatter [tilespmem:s18], [sflag:$0x6], $0x800, $0x38;
	[tilespmem:$0xB900] =	vst v63  }
0x183: {  	_ =	swait.ge [sflag:s8], $0x2000  }
0x184: {  	[sflag:s8] =	ssyncset.done $0x0  }
0x185: {  	[sflag:s8] =	ssyncadd.s32 $0xFFFFE000  }
0x186: {  	_ =	swait.ge [sflag:s8], $0x800  }
0x187: {  	s0 =	sld [smem:$0x7F5]  }
0x188: {  	[sflag:s8] =	ssyncset.done $0x0  }
0x189: {  	s1 =	sld [smem:$0x7F6];
	[sflag:s8] =	ssyncadd.s32 $0xFFFFF800  }
0x18a: {  	[tilespmem:s17], [sflag:$0x2] =	stream.indirect.gather [hbm4b:s5+s16], $0x40, s0, s16, $0xb8;
	[tilespmem:$0xB900] =	vst v63  }
0x18b: {  	_ = 	snop  }
0x18c: {  	[tilespmem:s18], [sflag:$0x2] =	stream.indirect.gather [hbm4b:s6+s16], $0x10, s1, s16, $0xb8;
	[tilespmem:$0xB900] =	vst v63  }
0x18d: {  	_ =	swait.ge [sflag:s20], $0x2000  }
0x18e: {  	[sflag:s20] =	ssyncset.done $0x0  }
0x18f: {  	[sflag:s20] =	ssyncadd.s32 $0xFFFFE000  }
0x190: {  	_ =	swait.ge [sflag:s20], $0x800  }
0x191: {  	s0 =	sld [smem:$0x7C0]  }
0x192: {  	[sflag:s20] =	ssyncset.done $0x0  }
0x193: {  	s1 =	sld [smem:$0x7C1];
	[sflag:s20] =	ssyncadd.s32 $0xFFFFF800  }
0x194: {  	[hbm4b:s0+s2] =	stream.linear.scatter [tilespmem:s14], [sflag:$0x7], $0x2000, $0x38;
	[tilespmem:$0xB900] =	vst v63  }
0x195: {  	_ = 	snop  }
0x196: {  	[hbm4b:s1+s2] =	stream.linear.scatter [tilespmem:s15], [sflag:$0x7], $0x800, $0x38;
	[tilespmem:$0xB900] =	vst v63  }
0x197: {  	_ =	swait.ge [sflag:s9], $0x2000  }
0x198: {  	[sflag:s9] =	ssyncset.done $0x0  }
0x199: {  	[sflag:s9] =	ssyncadd.s32 $0xFFFFE000  }
0x19a: {  	_ =	swait.ge [sflag:s9], $0x800  }
0x19b: {  	s0 =	sld [smem:$0x7F7]  }
0x19c: {  	[sflag:s9] =	ssyncset.done $0x0  }
0x19d: {  	s1 =	sld [smem:$0x7F8];
	[sflag:s9] =	ssyncadd.s32 $0xFFFFF800  }
0x19e: {  	[tilespmem:s14], [sflag:$0x3] =	stream.indirect.gather [hbm4b:s5+s16], $0x40, s0, s16, $0xb8;
	[tilespmem:$0xB900] =	vst v63  }
0x19f: {  	_ = 	snop  }
0x1a0: {  	[tilespmem:s15], [sflag:$0x3] =	stream.indirect.gather [hbm4b:s6+s16], $0x10, s1, s16, $0xb8;
	[tilespmem:$0xB900] =	vst v63  }
0x1a1: {  	_ =	swait.ge [sflag:s19], $0x2000  }
0x1a2: {  	[sflag:s19] =	ssyncset.done $0x0  }
0x1a3: {  	[sflag:s19] =	ssyncadd.s32 $0xFFFFE000  }
0x1a4: {  	_ =	swait.ge [sflag:s19], $0x800  }
0x1a5: {  	s0 =	sld [smem:$0x7C2]  }
0x1a6: {  	[sflag:s19] =	ssyncset.done $0x0  }
0x1a7: {  	s1 =	sld [smem:$0x7C3];
	[sflag:s19] =	ssyncadd.s32 $0xFFFFF800  }
0x1a8: {  	[hbm4b:s0+s2] =	stream.linear.scatter [tilespmem:s12], [sflag:$0x8], $0x2000, $0x38;
	[tilespmem:$0xB900] =	vst v63  }
0x1a9: {  	_ = 	snop  }
0x1aa: {  	[hbm4b:s1+s2] =	stream.linear.scatter [tilespmem:s13], [sflag:$0x8], $0x800, $0x38;
	[tilespmem:$0xB900] =	vst v63  }
0x1ab: {  	_ =	swait.ge [sflag:s10], $0x2000  }
0x1ac: {  	[sflag:s10] =	ssyncset.done $0x0  }
0x1ad: {  	[sflag:s10] =	ssyncadd.s32 $0xFFFFE000  }
0x1ae: {  	_ =	swait.ge [sflag:s10], $0x800  }
0x1af: {  	s0 =	sld [smem:$0x7F9]  }
0x1b0: {  	[sflag:s10] =	ssyncset.done $0x0  }
0x1b1: {  	s1 =	sld [smem:$0x7FA];
	[sflag:s10] =	ssyncadd.s32 $0xFFFFF800  }
0x1b2: {  	[tilespmem:s12], [sflag:$0x4] =	stream.indirect.gather [hbm4b:s5+s16], $0x40, s0, s16, $0xb8;
	[tilespmem:$0xB900] =	vst v63  }
0x1b3: {  	_ = 	snop  }
0x1b4: {  	[tilespmem:s13], [sflag:$0x4] =	stream.indirect.gather [hbm4b:s6+s16], $0x10, s1, s16, $0xb8;
	[tilespmem:$0xB900] =	vst v63  }
0x1b5: {  	_ =	swait.ge [sflag:s11], $0x2000  }
0x1b6: {  	[sflag:s11] =	ssyncset.done $0x0  }
0x1b7: {  	[sflag:s11] =	ssyncadd.s32 $0xFFFFE000  }
0x1b8: {  	_ =	swait.ge [sflag:s11], $0x800  }
0x1b9: {  	s0 =	sld [smem:$0x7C4]  }
0x1ba: {  	[sflag:s11] =	ssyncset.done $0x0  }
0x1bb: {  	s1 =	sld [smem:$0x7C5];
	[sflag:s11] =	ssyncadd.s32 $0xFFFFF800  }
0x1bc: {  	[hbm4b:s0+s2] =	stream.linear.scatter [tilespmem:s3], [sflag:$0x5], $0x2000, $0x38;
	[tilespmem:$0xB900] =	vst v63  }
0x1bd: {  	_ = 	snop  }
0x1be: {  	[hbm4b:s1+s2] =	stream.linear.scatter [tilespmem:s4], [sflag:$0x5], $0x800, $0x38;
	[tilespmem:$0xB900] =	vst v63  }
0x1bf: {  	_ =	swait.ge [sflag:s7], $0x2000  }
0x1c0: {  	[sflag:s7] =	ssyncset.done $0x0  }
0x1c1: {  	[sflag:s7] =	ssyncadd.s32 $0xFFFFE000  }
0x1c2: {  	_ =	swait.ge [sflag:s7], $0x800  }
0x1c3: {  	s0 =	sld [smem:$0x7FB]  }
0x1c4: {  	[sflag:s7] =	ssyncset.done $0x0  }
0x1c5: {  	s1 =	sld [smem:$0x7FC];
	[sflag:s7] =	ssyncadd.s32 $0xFFFFF800  }
0x1c6: {  	[tilespmem:s3], [sflag:$0x1] =	stream.indirect.gather [hbm4b:s5+s16], $0x40, s0, s16, $0xb8;
	[tilespmem:$0xB900] =	vst v63  }
0x1c7: {  	_ = 	snop  }
0x1c8: {  	[tilespmem:s4], [sflag:$0x1] =	stream.indirect.gather [hbm4b:s6+s16], $0x10, s1, s16, $0xb8;
	[tilespmem:$0xB900] =	vst v63  }
0x1c9: {  	_ =	swait.ge [sflag:s21], $0x2000  }
0x1ca: {  	[sflag:s21] =	ssyncset.done $0x0  }
0x1cb: {  	[sflag:s21] =	ssyncadd.s32 $0xFFFFE000  }
0x1cc: {  	_ =	swait.ge [sflag:s21], $0x800  }
0x1cd: {  	s0 =	sld [smem:$0x7C6]  }
0x1ce: {  	[sflag:s21] =	ssyncset.done $0x0  }
0x1cf: {  	s1 =	sld [smem:$0x7C7];
	[sflag:s21] =	ssyncadd.s32 $0xFFFFF800  }
0x1d0: {  	[hbm4b:s0+s2] =	stream.linear.scatter [tilespmem:s17], [sflag:$0x6], $0x2000, $0x38;
	[tilespmem:$0xB900] =	vst v63  }
0x1d1: {  	_ = 	snop  }
0x1d2: {  	[hbm4b:s1+s2] =	stream.linear.scatter [tilespmem:s18], [sflag:$0x6], $0x800, $0x38;
	[tilespmem:$0xB900] =	vst v63  }
0x1d3: {  	_ =	swait.ge [sflag:s8], $0x2000  }
0x1d4: {  	[sflag:s8] =	ssyncset.done $0x0  }
0x1d5: {  	[sflag:s8] =	ssyncadd.s32 $0xFFFFE000  }
0x1d6: {  	_ =	swait.ge [sflag:s8], $0x800  }
0x1d7: {  	s1 =	sld [smem:$0x7FD]  }
0x1d8: {  	[sflag:s8] =	ssyncset.done $0x0  }
0x1d9: {  	[sflag:s8] =	ssyncadd.s32 $0xFFFFF800  }
0x1da: {  	[tilespmem:s17], [sflag:$0x2] =	stream.indirect.gather [hbm4b:s5+s16], $0x40, s1, s16, $0xb8;
	[tilespmem:$0xB900] =	vst v63  }
0x1db: {  	s1 =	simm.s32 $0x1700  }
0x1dc: {  	[tilespmem:s18], [sflag:$0x2] =	stream.indirect.gather [hbm4b:s6+s16], $0x10, s1, s16, $0xb8;
	[tilespmem:$0xB900] =	vst v63  }
0x1dd: {  	_ =	swait.ge [sflag:s20], $0x2000  }
0x1de: {  	[sflag:s20] =	ssyncset.done $0x0  }
0x1df: {  	[sflag:s20] =	ssyncadd.s32 $0xFFFFE000  }
0x1e0: {  	_ =	swait.ge [sflag:s20], $0x800  }
0x1e1: {  	s0 =	sld [smem:$0x7C8]  }
0x1e2: {  	[sflag:s20] =	ssyncset.done $0x0  }
0x1e3: {  	s1 =	sld [smem:$0x7C9];
	[sflag:s20] =	ssyncadd.s32 $0xFFFFF800  }
0x1e4: {  	[hbm4b:s0+s2] =	stream.linear.scatter [tilespmem:s14], [sflag:$0x7], $0x2000, $0x38;
	[tilespmem:$0xB900] =	vst v63  }
0x1e5: {  	_ = 	snop  }
0x1e6: {  	[hbm4b:s1+s2] =	stream.linear.scatter [tilespmem:s15], [sflag:$0x7], $0x800, $0x38;
	[tilespmem:$0xB900] =	vst v63  }
0x1e7: {  	_ =	swait.ge [sflag:s9], $0x2000  }
0x1e8: {  	[sflag:s9] =	ssyncset.done $0x0  }
0x1e9: {  	[sflag:s9] =	ssyncadd.s32 $0xFFFFE000  }
0x1ea: {  	_ =	swait.ge [sflag:s9], $0x800  }
0x1eb: {  	[sflag:s9] =	ssyncset.done $0x0  }
0x1ec: {  	[sflag:s9] =	ssyncadd.s32 $0xFFFFF800  }
0x1ed: {  	[tilespmem:s14], [sflag:$0x3] =	stream.indirect.gather [hbm4b:s5+s16], $0x40, s28, s16, $0xb8;
	[tilespmem:$0xB900] =	vst v63  }
0x1ee: {  	_ = 	snop  }
0x1ef: {  	[tilespmem:s15], [sflag:$0x3] =	stream.indirect.gather [hbm4b:s6+s16], $0x10, s29, s16, $0xb8;
	[tilespmem:$0xB900] =	vst v63  }
0x1f0: {  	_ =	swait.ge [sflag:s19], $0x2000  }
0x1f1: {  	[sflag:s19] =	ssyncset.done $0x0  }
0x1f2: {  	[sflag:s19] =	ssyncadd.s32 $0xFFFFE000  }
0x1f3: {  	_ =	swait.ge [sflag:s19], $0x800  }
0x1f4: {  	s0 =	sld [smem:$0x7CA]  }
0x1f5: {  	[sflag:s19] =	ssyncset.done $0x0  }
0x1f6: {  	s1 =	sld [smem:$0x7CB];
	[sflag:s19] =	ssyncadd.s32 $0xFFFFF800  }
0x1f7: {  	[hbm4b:s0+s2] =	stream.linear.scatter [tilespmem:s12], [sflag:$0x8], $0x2000, $0x38;
	[tilespmem:$0xB900] =	vst v63  }
0x1f8: {  	_ = 	snop  }
0x1f9: {  	[hbm4b:s1+s2] =	stream.linear.scatter [tilespmem:s13], [sflag:$0x8], $0x800, $0x38;
	[tilespmem:$0xB900] =	vst v63  }
0x1fa: {  	_ =	swait.ge [sflag:s10], $0x2000  }
0x1fb: {  	[sflag:s10] =	ssyncset.done $0x0  }
0x1fc: {  	[sflag:s10] =	ssyncadd.s32 $0xFFFFE000  }
0x1fd: {  	_ =	swait.ge [sflag:s10], $0x800  }
0x1fe: {  	[sflag:s10] =	ssyncset.done $0x0  }
0x1ff: {  	[sflag:s10] =	ssyncadd.s32 $0xFFFFF800  }
0x200: {  	[tilespmem:s12], [sflag:$0x4] =	stream.indirect.gather [hbm4b:s5+s16], $0x40, s25, s16, $0xb8;
	[tilespmem:$0xB900] =	vst v63  }
0x201: {  	_ = 	snop  }
0x202: {  	[tilespmem:s13], [sflag:$0x4] =	stream.indirect.gather [hbm4b:s6+s16], $0x10, s26, s16, $0xb8;
	[tilespmem:$0xB900] =	vst v63  }
0x203: {  	_ =	swait.ge [sflag:s11], $0x2000  }
0x204: {  	[sflag:s11] =	ssyncset.done $0x0  }
0x205: {  	[sflag:s11] =	ssyncadd.s32 $0xFFFFE000  }
0x206: {  	_ =	swait.ge [sflag:s11], $0x800  }
0x207: {  	s0 =	sld [smem:$0x7CC]  }
0x208: {  	[sflag:s11] =	ssyncset.done $0x0  }
0x209: {  	s1 =	sld [smem:$0x7CD];
	[sflag:s11] =	ssyncadd.s32 $0xFFFFF800  }
0x20a: {  	[hbm4b:s0+s2] =	stream.linear.scatter [tilespmem:s3], [sflag:$0x5], $0x2000, $0x38;
	[tilespmem:$0xB900] =	vst v63  }
0x20b: {  	_ = 	snop  }
0x20c: {  	[hbm4b:s1+s2] =	stream.linear.scatter [tilespmem:s4], [sflag:$0x5], $0x800, $0x38;
	[tilespmem:$0xB900] =	vst v63  }
0x20d: {  	_ =	swait.ge [sflag:s7], $0x2000  }
0x20e: {  	[sflag:s7] =	ssyncset.done $0x0  }
0x20f: {  	[sflag:s7] =	ssyncadd.s32 $0xFFFFE000  }
0x210: {  	_ =	swait.ge [sflag:s7], $0x800  }
0x211: {  	[sflag:s7] =	ssyncset.done $0x0  }
0x212: {  	[sflag:s7] =	ssyncadd.s32 $0xFFFFF800  }
0x213: {  	[tilespmem:s3], [sflag:$0x1] =	stream.indirect.gather [hbm4b:s5+s16], $0x40, s23, s16, $0xb8;
	[tilespmem:$0xB900] =	vst v63  }
0x214: {  	_ = 	snop  }
0x215: {  	[tilespmem:s4], [sflag:$0x1] =	stream.indirect.gather [hbm4b:s6+s16], $0x10, s24, s16, $0xb8;
	[tilespmem:$0xB900] =	vst v63  }
0x216: {  	_ =	swait.ge [sflag:s21], $0x2000  }
0x217: {  	[sflag:s21] =	ssyncset.done $0x0  }
0x218: {  	[sflag:s21] =	ssyncadd.s32 $0xFFFFE000  }
0x219: {  	_ =	swait.ge [sflag:s21], $0x800  }
0x21a: {  	s0 =	sld [smem:$0x7CE]  }
0x21b: {  	[sflag:s21] =	ssyncset.done $0x0  }
0x21c: {  	s1 =	sld [smem:$0x7CF];
	[sflag:s21] =	ssyncadd.s32 $0xFFFFF800  }
0x21d: {  	[hbm4b:s0+s2] =	stream.linear.scatter [tilespmem:s17], [sflag:$0x6], $0x2000, $0x38;
	[tilespmem:$0xB900] =	vst v63  }
0x21e: {  	_ = 	snop  }
0x21f: {  	[hbm4b:s1+s2] =	stream.linear.scatter [tilespmem:s18], [sflag:$0x6], $0x800, $0x38;
	[tilespmem:$0xB900] =	vst v63  }
0x220: {  	_ =	swait.ge [sflag:s20], $0x2000  }
0x221: {  	[sflag:s20] =	ssyncset.done $0x0  }
0x222: {  	[sflag:s20] =	ssyncadd.s32 $0xFFFFE000  }
0x223: {  	_ =	swait.ge [sflag:s20], $0x800  }
0x224: {  	s0 =	sld [smem:$0x7D0]  }
0x225: {  	[sflag:s20] =	ssyncset.done $0x0  }
0x226: {  	s1 =	sld [smem:$0x7D1];
	[sflag:s20] =	ssyncadd.s32 $0xFFFFF800  }
0x227: {  	[hbm4b:s0+s2] =	stream.linear.scatter [tilespmem:s14], [sflag:$0x7], $0x2000, $0x38;
	[tilespmem:$0xB900] =	vst v63  }
0x228: {  	_ = 	snop  }
0x229: {  	[hbm4b:s1+s2] =	stream.linear.scatter [tilespmem:s15], [sflag:$0x7], $0x800, $0x38;
	[tilespmem:$0xB900] =	vst v63  }
0x22a: {  	_ =	swait.ge [sflag:s19], $0x2000  }
0x22b: {  	[sflag:s19] =	ssyncset.done $0x0  }
0x22c: {  	[sflag:s19] =	ssyncadd.s32 $0xFFFFE000  }
0x22d: {  	_ =	swait.ge [sflag:s19], $0x800  }
0x22e: {  	s0 =	sld [smem:$0x7D2]  }
0x22f: {  	[sflag:s19] =	ssyncset.done $0x0  }
0x230: {  	s1 =	sld [smem:$0x7D3];
	[sflag:s19] =	ssyncadd.s32 $0xFFFFF800  }
0x231: {  	[hbm4b:s0+s2] =	stream.linear.scatter [tilespmem:s12], [sflag:$0x8], $0x2000, $0x38;
	[tilespmem:$0xB900] =	vst v63  }
0x232: {  	_ = 	snop  }
0x233: {  	[hbm4b:s1+s2] =	stream.linear.scatter [tilespmem:s13], [sflag:$0x8], $0x800, $0x38;
	[tilespmem:$0xB900] =	vst v63  }
0x234: {  	_ =	swait.ge [sflag:s11], $0x2000  }
0x235: {  	[sflag:s11] =	ssyncset.done $0x0  }
0x236: {  	[sflag:s11] =	ssyncadd.s32 $0xFFFFE000  }
0x237: {  	_ =	swait.ge [sflag:s11], $0x800  }
0x238: {  	s0 =	sld [smem:$0x7D4]  }
0x239: {  	[sflag:s11] =	ssyncset.done $0x0  }
0x23a: {  	s1 =	sld [smem:$0x7D5];
	[sflag:s11] =	ssyncadd.s32 $0xFFFFF800  }
0x23b: {  	[hbm4b:s0+s2] =	stream.linear.scatter [tilespmem:s3], [sflag:$0x5], $0x2000, $0x38;
	[tilespmem:$0xB900] =	vst v63  }
0x23c: {  	_ = 	snop  }
0x23d: {  	[hbm4b:s1+s2] =	stream.linear.scatter [tilespmem:s4], [sflag:$0x5], $0x800, $0x38;
	[tilespmem:$0xB900] =	vst v63  }
0x23e: {  	_ =	swait.ge [sflag:s7], $0x2000  }
0x23f: {  	[sflag:s7] =	ssyncset.done $0x0  }
0x240: {  	[sflag:s7] =	ssyncadd.s32 $0xFFFFE000  }
0x241: {  	_ =	swait.ge [sflag:s7], $0x800  }
0x242: {  	[sflag:s7] =	ssyncset.done $0x0  }
0x243: {  	[sflag:s7] =	ssyncadd.s32 $0xFFFFF800  }
0x244: {  	_ =	swait.ge [sflag:s8], $0x2000  }
0x245: {  	[sflag:s8] =	ssyncset.done $0x0  }
0x246: {  	[sflag:s8] =	ssyncadd.s32 $0xFFFFE000  }
0x247: {  	_ =	swait.ge [sflag:s8], $0x800  }
0x248: {  	[sflag:s8] =	ssyncset.done $0x0  }
0x249: {  	[sflag:s8] =	ssyncadd.s32 $0xFFFFF800  }
0x24a: {  	_ =	swait.ge [sflag:s9], $0x2000  }
0x24b: {  	[sflag:s9] =	ssyncset.done $0x0  }
0x24c: {  	[sflag:s9] =	ssyncadd.s32 $0xFFFFE000  }
0x24d: {  	_ =	swait.ge [sflag:s9], $0x800  }
0x24e: {  	[sflag:s9] =	ssyncset.done $0x0  }
0x24f: {  	p1 =	sne.s32 s22, $0x1;
	[sflag:s9] =	ssyncadd.s32 $0xFFFFF800  }
.Ltmp1:
0x250: {  	_ =	swait.ge [sflag:s10], $0x2000;
	(pc) =	sbr.rel @!p1 .LBB2_3-.Ltmp1, $4  }
0x251: {  	[sflag:s10] =	ssyncset.done $0x0  }
0x252: {  	[sflag:s10] =	ssyncadd.s32 $0xFFFFE000  }
0x253: {  	p0 =	por $0x1, $0x1;
	_ =	swait.ge [sflag:s10], $0x800  }
0x254: {  	s1 =	sadd.s32 $0xFFFFFFFF, s22;
	s0 =	rddreg [dreg:$0x3];
	[sflag:s10] =	ssyncset.done $0x0  }
.LBB2_4:
0x255: {  	[sflag:s10] =	ssyncadd.s32 $0xFFFFF800  }
0x256: {  	[tilespmem:s2], [sflag:$0x9] =	stream.linear.gather [hbm4b:s0+s2], $0xC80, $0x38;
	[tilespmem:$0xB900] =	vst v63  }
0x257: {  	_ =	swait.ge [sflag:s30], $0xC80  }
0x258: {  	[sflag:s30] =	ssyncset.done $0x0  }
0x259: {  	s22 =	rddreg [dreg:$0x4];
	[sflag:s30] =	ssyncadd.s32 $0xFFFFF380  }
0x25a: {  	[tilespmem:s31], [sflag:$0x9] =	stream.linear.gather [hbm4b:s22+s2], $0xC80, $0x38;
	[tilespmem:$0xB900] =	vst v63  }
0x25b: {  	_ =	swait.ge [sflag:s30], $0xC80  }
0x25c: {  	[sflag:s30] =	ssyncset.done $0x0  }
0x25d: {  	[sflag:s30] =	ssyncadd.s32 $0xFFFFF380  }
0x25e: {  	[tilespmem:s3], [sflag:$0x1] =	stream.indirect.gather [hbm4b:s5+s16], $0x40, s2, s16, $0xb8;
	[tilespmem:$0xB900] =	vst v63  }
0x25f: {  	_ = 	snop  }
0x260: {  	[tilespmem:s4], [sflag:$0x1] =	stream.indirect.gather [hbm4b:s6+s16], $0x10, s31, s16, $0xb8;
	[tilespmem:$0xB900] =	vst v63  }
0x261: {  	s0 =	sld [smem:$0x7D6]  }
0x262: {  	[tilespmem:s17], [sflag:$0x2] =	stream.indirect.gather [hbm4b:s5+s16], $0x40, s16, s16, $0xb8;
	[tilespmem:$0xB900] =	vst v63  }
0x263: {  	s22 =	sld [smem:$0x7D7]  }
0x264: {  	[tilespmem:s18], [sflag:$0x2] =	stream.indirect.gather [hbm4b:s6+s16], $0x10, s0, s16, $0xb8;
	[tilespmem:$0xB900] =	vst v63  }
0x265: {  	s0 =	sld [smem:$0x7D8]  }
0x266: {  	[tilespmem:s14], [sflag:$0x3] =	stream.indirect.gather [hbm4b:s5+s16], $0x40, s22, s16, $0xb8;
	[tilespmem:$0xB900] =	vst v63  }
0x267: {  	s22 =	sld [smem:$0x7D9]  }
0x268: {  	[tilespmem:s15], [sflag:$0x3] =	stream.indirect.gather [hbm4b:s6+s16], $0x10, s0, s16, $0xb8;
	[tilespmem:$0xB900] =	vst v63  }
0x269: {  	s0 =	sld [smem:$0x7DA]  }
0x26a: {  	[tilespmem:s12], [sflag:$0x4] =	stream.indirect.gather [hbm4b:s5+s16], $0x40, s22, s16, $0xb8;
	[tilespmem:$0xB900] =	vst v63  }
0x26b: {  	_ = 	snop  }
0x26c: {  	[tilespmem:s13], [sflag:$0x4] =	stream.indirect.gather [hbm4b:s6+s16], $0x10, s0, s16, $0xb8;
	[tilespmem:$0xB900] =	vst v63  }
0x26d: {  	_ =	swait.ge [sflag:s11], $0x2000  }
0x26e: {  	[sflag:s11] =	ssyncset.done $0x0  }
0x26f: {  	[sflag:s11] =	ssyncadd.s32 $0xFFFFE000  }
0x270: {  	_ =	swait.ge [sflag:s11], $0x800  }
0x271: {  	[sflag:s11] =	ssyncset.done $0x0  }
0x272: {  	s0 =	rddreg [dreg:$0x5];
	[sflag:s11] =	ssyncadd.s32 $0xFFFFF800  }
0x273: {  	[hbm4b:s0+s2] =	stream.linear.scatter [tilespmem:s3], [sflag:$0x5], $0x2000, $0x38;
	[tilespmem:$0xB900] =	vst v63  }
0x274: {  	s22 =	rddreg [dreg:$0x6]  }
0x275: {  	[hbm4b:s22+s2] =	stream.linear.scatter [tilespmem:s4], [sflag:$0x5], $0x800, $0x38;
	[tilespmem:$0xB900] =	vst v63  }
0x276: {  	_ =	swait.ge [sflag:s7], $0x2000  }
0x277: {  	[sflag:s7] =	ssyncset.done $0x0  }
0x278: {  	[sflag:s7] =	ssyncadd.s32 $0xFFFFE000  }
0x279: {  	_ =	swait.ge [sflag:s7], $0x800  }
0x27a: {  	s0 =	sld [smem:$0x7DB]  }
0x27b: {  	[sflag:s7] =	ssyncset.done $0x0  }
0x27c: {  	s22 =	sld [smem:$0x7DC];
	[sflag:s7] =	ssyncadd.s32 $0xFFFFF800  }
0x27d: {  	[tilespmem:s3], [sflag:$0x1] =	stream.indirect.gather [hbm4b:s5+s16], $0x40, s0, s16, $0xb8;
	[tilespmem:$0xB900] =	vst v63  }
0x27e: {  	_ = 	snop  }
0x27f: {  	[tilespmem:s4], [sflag:$0x1] =	stream.indirect.gather [hbm4b:s6+s16], $0x10, s22, s16, $0xb8;
	[tilespmem:$0xB900] =	vst v63  }
0x280: {  	_ =	swait.ge [sflag:s21], $0x2000  }
0x281: {  	[sflag:s21] =	ssyncset.done $0x0  }
0x282: {  	[sflag:s21] =	ssyncadd.s32 $0xFFFFE000  }
0x283: {  	_ =	swait.ge [sflag:s21], $0x800  }
0x284: {  	[sflag:s21] =	ssyncset.done $0x0  }
0x285: {  	s0 =	rddreg [dreg:$0x7];
	[sflag:s21] =	ssyncadd.s32 $0xFFFFF800  }
0x286: {  	[hbm4b:s0+s2] =	stream.linear.scatter [tilespmem:s17], [sflag:$0x6], $0x2000, $0x38;
	[tilespmem:$0xB900] =	vst v63  }
0x287: {  	s22 =	rddreg [dreg:$0x8]  }
0x288: {  	[hbm4b:s22+s2] =	stream.linear.scatter [tilespmem:s18], [sflag:$0x6], $0x800, $0x38;
	[tilespmem:$0xB900] =	vst v63  }
0x289: {  	_ =	swait.ge [sflag:s8], $0x2000  }
0x28a: {  	[sflag:s8] =	ssyncset.done $0x0  }
0x28b: {  	[sflag:s8] =	ssyncadd.s32 $0xFFFFE000  }
0x28c: {  	_ =	swait.ge [sflag:s8], $0x800  }
0x28d: {  	s0 =	sld [smem:$0x7DD]  }
0x28e: {  	[sflag:s8] =	ssyncset.done $0x0  }
0x28f: {  	s22 =	sld [smem:$0x7DE];
	[sflag:s8] =	ssyncadd.s32 $0xFFFFF800  }
0x290: {  	[tilespmem:s17], [sflag:$0x2] =	stream.indirect.gather [hbm4b:s5+s16], $0x40, s0, s16, $0xb8;
	[tilespmem:$0xB900] =	vst v63  }
0x291: {  	_ = 	snop  }
0x292: {  	[tilespmem:s18], [sflag:$0x2] =	stream.indirect.gather [hbm4b:s6+s16], $0x10, s22, s16, $0xb8;
	[tilespmem:$0xB900] =	vst v63  }
0x293: {  	_ =	swait.ge [sflag:s20], $0x2000  }
0x294: {  	[sflag:s20] =	ssyncset.done $0x0  }
0x295: {  	[sflag:s20] =	ssyncadd.s32 $0xFFFFE000  }
0x296: {  	_ =	swait.ge [sflag:s20], $0x800  }
0x297: {  	[sflag:s20] =	ssyncset.done $0x0  }
0x298: {  	s0 =	rddreg [dreg:$0x9];
	[sflag:s20] =	ssyncadd.s32 $0xFFFFF800  }
0x299: {  	[hbm4b:s0+s2] =	stream.linear.scatter [tilespmem:s14], [sflag:$0x7], $0x2000, $0x38;
	[tilespmem:$0xB900] =	vst v63  }
0x29a: {  	s22 =	rddreg [dreg:$0xa]  }
0x29b: {  	[hbm4b:s22+s2] =	stream.linear.scatter [tilespmem:s15], [sflag:$0x7], $0x800, $0x38;
	[tilespmem:$0xB900] =	vst v63  }
0x29c: {  	_ =	swait.ge [sflag:s9], $0x2000  }
0x29d: {  	[sflag:s9] =	ssyncset.done $0x0  }
0x29e: {  	[sflag:s9] =	ssyncadd.s32 $0xFFFFE000  }
0x29f: {  	_ =	swait.ge [sflag:s9], $0x800  }
0x2a0: {  	s0 =	sld [smem:$0x7DF]  }
0x2a1: {  	[sflag:s9] =	ssyncset.done $0x0  }
0x2a2: {  	s22 =	sld [smem:$0x7E0];
	[sflag:s9] =	ssyncadd.s32 $0xFFFFF800  }
0x2a3: {  	[tilespmem:s14], [sflag:$0x3] =	stream.indirect.gather [hbm4b:s5+s16], $0x40, s0, s16, $0xb8;
	[tilespmem:$0xB900] =	vst v63  }
0x2a4: {  	_ = 	snop  }
0x2a5: {  	[tilespmem:s15], [sflag:$0x3] =	stream.indirect.gather [hbm4b:s6+s16], $0x10, s22, s16, $0xb8;
	[tilespmem:$0xB900] =	vst v63  }
0x2a6: {  	_ =	swait.ge [sflag:s19], $0x2000  }
0x2a7: {  	[sflag:s19] =	ssyncset.done $0x0  }
0x2a8: {  	[sflag:s19] =	ssyncadd.s32 $0xFFFFE000  }
0x2a9: {  	_ =	swait.ge [sflag:s19], $0x800  }
0x2aa: {  	[sflag:s19] =	ssyncset.done $0x0  }
0x2ab: {  	s0 =	rddreg [dreg:$0xb];
	[sflag:s19] =	ssyncadd.s32 $0xFFFFF800  }
0x2ac: {  	[hbm4b:s0+s2] =	stream.linear.scatter [tilespmem:s12], [sflag:$0x8], $0x2000, $0x38;
	[tilespmem:$0xB900] =	vst v63  }
0x2ad: {  	s22 =	rddreg [dreg:$0xc]  }
0x2ae: {  	[hbm4b:s22+s2] =	stream.linear.scatter [tilespmem:s13], [sflag:$0x8], $0x800, $0x38;
	[tilespmem:$0xB900] =	vst v63  }
0x2af: {  	_ =	swait.ge [sflag:s10], $0x2000  }
0x2b0: {  	[sflag:s10] =	ssyncset.done $0x0  }
0x2b1: {  	[sflag:s10] =	ssyncadd.s32 $0xFFFFE000  }
0x2b2: {  	_ =	swait.ge [sflag:s10], $0x800  }
0x2b3: {  	s0 =	sld [smem:$0x7E1]  }
0x2b4: {  	[sflag:s10] =	ssyncset.done $0x0  }
0x2b5: {  	s22 =	sld [smem:$0x7E2];
	[sflag:s10] =	ssyncadd.s32 $0xFFFFF800  }
0x2b6: {  	[tilespmem:s12], [sflag:$0x4] =	stream.indirect.gather [hbm4b:s5+s16], $0x40, s0, s16, $0xb8;
	[tilespmem:$0xB900] =	vst v63  }
0x2b7: {  	_ = 	snop  }
0x2b8: {  	[tilespmem:s13], [sflag:$0x4] =	stream.indirect.gather [hbm4b:s6+s16], $0x10, s22, s16, $0xb8;
	[tilespmem:$0xB900] =	vst v63  }
0x2b9: {  	_ =	swait.ge [sflag:s11], $0x2000  }
0x2ba: {  	[sflag:s11] =	ssyncset.done $0x0  }
0x2bb: {  	[sflag:s11] =	ssyncadd.s32 $0xFFFFE000  }
0x2bc: {  	_ =	swait.ge [sflag:s11], $0x800  }
0x2bd: {  	[sflag:s11] =	ssyncset.done $0x0  }
0x2be: {  	s0 =	rddreg [dreg:$0xd];
	[sflag:s11] =	ssyncadd.s32 $0xFFFFF800  }
0x2bf: {  	[hbm4b:s0+s2] =	stream.linear.scatter [tilespmem:s3], [sflag:$0x5], $0x2000, $0x38;
	[tilespmem:$0xB900] =	vst v63  }
0x2c0: {  	s22 =	rddreg [dreg:$0xe]  }
0x2c1: {  	[hbm4b:s22+s2] =	stream.linear.scatter [tilespmem:s4], [sflag:$0x5], $0x800, $0x38;
	[tilespmem:$0xB900] =	vst v63  }
0x2c2: {  	_ =	swait.ge [sflag:s7], $0x2000  }
0x2c3: {  	[sflag:s7] =	ssyncset.done $0x0  }
0x2c4: {  	[sflag:s7] =	ssyncadd.s32 $0xFFFFE000  }
0x2c5: {  	_ =	swait.ge [sflag:s7], $0x800  }
0x2c6: {  	s0 =	sld [smem:$0x7E3]  }
0x2c7: {  	[sflag:s7] =	ssyncset.done $0x0  }
0x2c8: {  	s22 =	sld [smem:$0x7E4];
	[sflag:s7] =	ssyncadd.s32 $0xFFFFF800  }
0x2c9: {  	[tilespmem:s3], [sflag:$0x1] =	stream.indirect.gather [hbm4b:s5+s16], $0x40, s0, s16, $0xb8;
	[tilespmem:$0xB900] =	vst v63  }
0x2ca: {  	_ = 	snop  }
0x2cb: {  	[tilespmem:s4], [sflag:$0x1] =	stream.indirect.gather [hbm4b:s6+s16], $0x10, s22, s16, $0xb8;
	[tilespmem:$0xB900] =	vst v63  }
0x2cc: {  	_ =	swait.ge [sflag:s21], $0x2000  }
0x2cd: {  	[sflag:s21] =	ssyncset.done $0x0  }
0x2ce: {  	[sflag:s21] =	ssyncadd.s32 $0xFFFFE000  }
0x2cf: {  	_ =	swait.ge [sflag:s21], $0x800  }
0x2d0: {  	[sflag:s21] =	ssyncset.done $0x0  }
0x2d1: {  	s0 =	rddreg [dreg:$0xf];
	[sflag:s21] =	ssyncadd.s32 $0xFFFFF800  }
0x2d2: {  	[hbm4b:s0+s2] =	stream.linear.scatter [tilespmem:s17], [sflag:$0x6], $0x2000, $0x38;
	[tilespmem:$0xB900] =	vst v63  }
0x2d3: {  	s22 =	rddreg [dreg:$0x10]  }
0x2d4: {  	[hbm4b:s22+s2] =	stream.linear.scatter [tilespmem:s18], [sflag:$0x6], $0x800, $0x38;
	[tilespmem:$0xB900] =	vst v63  }
0x2d5: {  	_ =	swait.ge [sflag:s8], $0x2000  }
0x2d6: {  	[sflag:s8] =	ssyncset.done $0x0  }
0x2d7: {  	[sflag:s8] =	ssyncadd.s32 $0xFFFFE000  }
0x2d8: {  	_ =	swait.ge [sflag:s8], $0x800  }
0x2d9: {  	s0 =	sld [smem:$0x7E5]  }
0x2da: {  	[sflag:s8] =	ssyncset.done $0x0  }
0x2db: {  	s22 =	sld [smem:$0x7E6];
	[sflag:s8] =	ssyncadd.s32 $0xFFFFF800  }
0x2dc: {  	[tilespmem:s17], [sflag:$0x2] =	stream.indirect.gather [hbm4b:s5+s16], $0x40, s0, s16, $0xb8;
	[tilespmem:$0xB900] =	vst v63  }
0x2dd: {  	_ = 	snop  }
0x2de: {  	[tilespmem:s18], [sflag:$0x2] =	stream.indirect.gather [hbm4b:s6+s16], $0x10, s22, s16, $0xb8;
	[tilespmem:$0xB900] =	vst v63  }
0x2df: {  	_ =	swait.ge [sflag:s20], $0x2000  }
0x2e0: {  	[sflag:s20] =	ssyncset.done $0x0  }
0x2e1: {  	[sflag:s20] =	ssyncadd.s32 $0xFFFFE000  }
0x2e2: {  	_ =	swait.ge [sflag:s20], $0x800  }
0x2e3: {  	[sflag:s20] =	ssyncset.done $0x0  }
0x2e4: {  	s0 =	rddreg [dreg:$0x11];
	[sflag:s20] =	ssyncadd.s32 $0xFFFFF800  }
0x2e5: {  	[hbm4b:s0+s2] =	stream.linear.scatter [tilespmem:s14], [sflag:$0x7], $0x2000, $0x38;
	[tilespmem:$0xB900] =	vst v63  }
0x2e6: {  	s22 =	rddreg [dreg:$0x12]  }
0x2e7: {  	[hbm4b:s22+s2] =	stream.linear.scatter [tilespmem:s15], [sflag:$0x7], $0x800, $0x38;
	[tilespmem:$0xB900] =	vst v63  }
0x2e8: {  	_ =	swait.ge [sflag:s9], $0x2000  }
0x2e9: {  	[sflag:s9] =	ssyncset.done $0x0  }
0x2ea: {  	[sflag:s9] =	ssyncadd.s32 $0xFFFFE000  }
0x2eb: {  	_ =	swait.ge [sflag:s9], $0x800  }
0x2ec: {  	s0 =	sld [smem:$0x7E7]  }
0x2ed: {  	[sflag:s9] =	ssyncset.done $0x0  }
0x2ee: {  	s22 =	sld [smem:$0x7E8];
	[sflag:s9] =	ssyncadd.s32 $0xFFFFF800  }
0x2ef: {  	[tilespmem:s14], [sflag:$0x3] =	stream.indirect.gather [hbm4b:s5+s16], $0x40, s0, s16, $0xb8;
	[tilespmem:$0xB900] =	vst v63  }
0x2f0: {  	_ = 	snop  }
0x2f1: {  	[tilespmem:s15], [sflag:$0x3] =	stream.indirect.gather [hbm4b:s6+s16], $0x10, s22, s16, $0xb8;
	[tilespmem:$0xB900] =	vst v63  }
0x2f2: {  	_ =	swait.ge [sflag:s19], $0x2000  }
0x2f3: {  	[sflag:s19] =	ssyncset.done $0x0  }
0x2f4: {  	[sflag:s19] =	ssyncadd.s32 $0xFFFFE000  }
0x2f5: {  	_ =	swait.ge [sflag:s19], $0x800  }
0x2f6: {  	[sflag:s19] =	ssyncset.done $0x0  }
0x2f7: {  	s0 =	rddreg [dreg:$0x13];
	[sflag:s19] =	ssyncadd.s32 $0xFFFFF800  }
0x2f8: {  	[hbm4b:s0+s2] =	stream.linear.scatter [tilespmem:s12], [sflag:$0x8], $0x2000, $0x38;
	[tilespmem:$0xB900] =	vst v63  }
0x2f9: {  	s22 =	rddreg [dreg:$0x14]  }
0x2fa: {  	[hbm4b:s22+s2] =	stream.linear.scatter [tilespmem:s13], [sflag:$0x8], $0x800, $0x38;
	[tilespmem:$0xB900] =	vst v63  }
0x2fb: {  	_ =	swait.ge [sflag:s10], $0x2000  }
0x2fc: {  	[sflag:s10] =	ssyncset.done $0x0  }
0x2fd: {  	[sflag:s10] =	ssyncadd.s32 $0xFFFFE000  }
0x2fe: {  	_ =	swait.ge [sflag:s10], $0x800  }
0x2ff: {  	s0 =	sld [smem:$0x7E9]  }
0x300: {  	[sflag:s10] =	ssyncset.done $0x0  }
0x301: {  	s22 =	sld [smem:$0x7EA];
	[sflag:s10] =	ssyncadd.s32 $0xFFFFF800  }
0x302: {  	[tilespmem:s12], [sflag:$0x4] =	stream.indirect.gather [hbm4b:s5+s16], $0x40, s0, s16, $0xb8;
	[tilespmem:$0xB900] =	vst v63  }
0x303: {  	_ = 	snop  }
0x304: {  	[tilespmem:s13], [sflag:$0x4] =	stream.indirect.gather [hbm4b:s6+s16], $0x10, s22, s16, $0xb8;
	[tilespmem:$0xB900] =	vst v63  }
0x305: {  	_ =	swait.ge [sflag:s11], $0x2000  }
0x306: {  	[sflag:s11] =	ssyncset.done $0x0  }
0x307: {  	[sflag:s11] =	ssyncadd.s32 $0xFFFFE000  }
0x308: {  	_ =	swait.ge [sflag:s11], $0x800  }
0x309: {  	[sflag:s11] =	ssyncset.done $0x0  }
0x30a: {  	s0 =	rddreg [dreg:$0x15];
	[sflag:s11] =	ssyncadd.s32 $0xFFFFF800  }
0x30b: {  	[hbm4b:s0+s2] =	stream.linear.scatter [tilespmem:s3], [sflag:$0x5], $0x2000, $0x38;
	[tilespmem:$0xB900] =	vst v63  }
0x30c: {  	s22 =	rddreg [dreg:$0x16]  }
0x30d: {  	[hbm4b:s22+s2] =	stream.linear.scatter [tilespmem:s4], [sflag:$0x5], $0x800, $0x38;
	[tilespmem:$0xB900] =	vst v63  }
0x30e: {  	_ =	swait.ge [sflag:s7], $0x2000  }
0x30f: {  	[sflag:s7] =	ssyncset.done $0x0  }
0x310: {  	[sflag:s7] =	ssyncadd.s32 $0xFFFFE000  }
0x311: {  	_ =	swait.ge [sflag:s7], $0x800  }
0x312: {  	s0 =	sld [smem:$0x7EB]  }
0x313: {  	[sflag:s7] =	ssyncset.done $0x0  }
0x314: {  	s22 =	sld [smem:$0x7EC];
	[sflag:s7] =	ssyncadd.s32 $0xFFFFF800  }
0x315: {  	[tilespmem:s3], [sflag:$0x1] =	stream.indirect.gather [hbm4b:s5+s16], $0x40, s0, s16, $0xb8;
	[tilespmem:$0xB900] =	vst v63  }
0x316: {  	_ = 	snop  }
0x317: {  	[tilespmem:s4], [sflag:$0x1] =	stream.indirect.gather [hbm4b:s6+s16], $0x10, s22, s16, $0xb8;
	[tilespmem:$0xB900] =	vst v63  }
0x318: {  	_ =	swait.ge [sflag:s21], $0x2000  }
0x319: {  	[sflag:s21] =	ssyncset.done $0x0  }
0x31a: {  	[sflag:s21] =	ssyncadd.s32 $0xFFFFE000  }
0x31b: {  	_ =	swait.ge [sflag:s21], $0x800  }
0x31c: {  	[sflag:s21] =	ssyncset.done $0x0  }
0x31d: {  	s0 =	rddreg [dreg:$0x17];
	[sflag:s21] =	ssyncadd.s32 $0xFFFFF800  }
0x31e: {  	[hbm4b:s0+s2] =	stream.linear.scatter [tilespmem:s17], [sflag:$0x6], $0x2000, $0x38;
	[tilespmem:$0xB900] =	vst v63  }
0x31f: {  	s22 =	rddreg [dreg:$0x18]  }
0x320: {  	[hbm4b:s22+s2] =	stream.linear.scatter [tilespmem:s18], [sflag:$0x6], $0x800, $0x38;
	[tilespmem:$0xB900] =	vst v63  }
0x321: {  	_ =	swait.ge [sflag:s8], $0x2000  }
0x322: {  	[sflag:s8] =	ssyncset.done $0x0  }
0x323: {  	[sflag:s8] =	ssyncadd.s32 $0xFFFFE000  }
0x324: {  	_ =	swait.ge [sflag:s8], $0x800  }
0x325: {  	s0 =	sld [smem:$0x7ED]  }
0x326: {  	[sflag:s8] =	ssyncset.done $0x0  }
0x327: {  	s22 =	sld [smem:$0x7EE];
	[sflag:s8] =	ssyncadd.s32 $0xFFFFF800  }
0x328: {  	[tilespmem:s17], [sflag:$0x2] =	stream.indirect.gather [hbm4b:s5+s16], $0x40, s0, s16, $0xb8;
	[tilespmem:$0xB900] =	vst v63  }
0x329: {  	_ = 	snop  }
0x32a: {  	[tilespmem:s18], [sflag:$0x2] =	stream.indirect.gather [hbm4b:s6+s16], $0x10, s22, s16, $0xb8;
	[tilespmem:$0xB900] =	vst v63  }
0x32b: {  	_ =	swait.ge [sflag:s20], $0x2000  }
0x32c: {  	[sflag:s20] =	ssyncset.done $0x0  }
0x32d: {  	[sflag:s20] =	ssyncadd.s32 $0xFFFFE000  }
0x32e: {  	_ =	swait.ge [sflag:s20], $0x800  }
0x32f: {  	[sflag:s20] =	ssyncset.done $0x0  }
0x330: {  	s0 =	rddreg [dreg:$0x19];
	[sflag:s20] =	ssyncadd.s32 $0xFFFFF800  }
0x331: {  	[hbm4b:s0+s2] =	stream.linear.scatter [tilespmem:s14], [sflag:$0x7], $0x2000, $0x38;
	[tilespmem:$0xB900] =	vst v63  }
0x332: {  	s22 =	rddreg [dreg:$0x1a]  }
0x333: {  	[hbm4b:s22+s2] =	stream.linear.scatter [tilespmem:s15], [sflag:$0x7], $0x800, $0x38;
	[tilespmem:$0xB900] =	vst v63  }
0x334: {  	_ =	swait.ge [sflag:s9], $0x2000  }
0x335: {  	[sflag:s9] =	ssyncset.done $0x0  }
0x336: {  	[sflag:s9] =	ssyncadd.s32 $0xFFFFE000  }
0x337: {  	_ =	swait.ge [sflag:s9], $0x800  }
0x338: {  	s0 =	sld [smem:$0x7EF]  }
0x339: {  	[sflag:s9] =	ssyncset.done $0x0  }
0x33a: {  	s22 =	sld [smem:$0x7F0];
	[sflag:s9] =	ssyncadd.s32 $0xFFFFF800  }
0x33b: {  	[tilespmem:s14], [sflag:$0x3] =	stream.indirect.gather [hbm4b:s5+s16], $0x40, s0, s16, $0xb8;
	[tilespmem:$0xB900] =	vst v63  }
0x33c: {  	_ = 	snop  }
0x33d: {  	[tilespmem:s15], [sflag:$0x3] =	stream.indirect.gather [hbm4b:s6+s16], $0x10, s22, s16, $0xb8;
	[tilespmem:$0xB900] =	vst v63  }
0x33e: {  	_ =	swait.ge [sflag:s19], $0x2000  }
0x33f: {  	[sflag:s19] =	ssyncset.done $0x0  }
0x340: {  	[sflag:s19] =	ssyncadd.s32 $0xFFFFE000  }
0x341: {  	_ =	swait.ge [sflag:s19], $0x800  }
0x342: {  	[sflag:s19] =	ssyncset.done $0x0  }
0x343: {  	s0 =	rddreg [dreg:$0x1b];
	[sflag:s19] =	ssyncadd.s32 $0xFFFFF800  }
0x344: {  	[hbm4b:s0+s2] =	stream.linear.scatter [tilespmem:s12], [sflag:$0x8], $0x2000, $0x38;
	[tilespmem:$0xB900] =	vst v63  }
0x345: {  	s22 =	rddreg [dreg:$0x1c]  }
0x346: {  	[hbm4b:s22+s2] =	stream.linear.scatter [tilespmem:s13], [sflag:$0x8], $0x800, $0x38;
	[tilespmem:$0xB900] =	vst v63  }
0x347: {  	_ =	swait.ge [sflag:s10], $0x2000  }
0x348: {  	[sflag:s10] =	ssyncset.done $0x0  }
0x349: {  	[sflag:s10] =	ssyncadd.s32 $0xFFFFE000  }
0x34a: {  	_ =	swait.ge [sflag:s10], $0x800  }
0x34b: {  	s0 =	sld [smem:$0x7F1]  }
0x34c: {  	[sflag:s10] =	ssyncset.done $0x0  }
0x34d: {  	s22 =	sld [smem:$0x7F2];
	[sflag:s10] =	ssyncadd.s32 $0xFFFFF800  }
0x34e: {  	[tilespmem:s12], [sflag:$0x4] =	stream.indirect.gather [hbm4b:s5+s16], $0x40, s0, s16, $0xb8;
	[tilespmem:$0xB900] =	vst v63  }
0x34f: {  	_ = 	snop  }
0x350: {  	[tilespmem:s13], [sflag:$0x4] =	stream.indirect.gather [hbm4b:s6+s16], $0x10, s22, s16, $0xb8;
	[tilespmem:$0xB900] =	vst v63  }
0x351: {  	_ =	swait.ge [sflag:s11], $0x2000  }
0x352: {  	[sflag:s11] =	ssyncset.done $0x0  }
0x353: {  	[sflag:s11] =	ssyncadd.s32 $0xFFFFE000  }
0x354: {  	_ =	swait.ge [sflag:s11], $0x800  }
0x355: {  	[sflag:s11] =	ssyncset.done $0x0  }
0x356: {  	s0 =	rddreg [dreg:$0x1d];
	[sflag:s11] =	ssyncadd.s32 $0xFFFFF800  }
0x357: {  	[hbm4b:s0+s2] =	stream.linear.scatter [tilespmem:s3], [sflag:$0x5], $0x2000, $0x38;
	[tilespmem:$0xB900] =	vst v63  }
0x358: {  	s22 =	rddreg [dreg:$0x1e]  }
0x359: {  	[hbm4b:s22+s2] =	stream.linear.scatter [tilespmem:s4], [sflag:$0x5], $0x800, $0x38;
	[tilespmem:$0xB900] =	vst v63  }
0x35a: {  	_ =	swait.ge [sflag:s7], $0x2000  }
0x35b: {  	[sflag:s7] =	ssyncset.done $0x0  }
0x35c: {  	[sflag:s7] =	ssyncadd.s32 $0xFFFFE000  }
0x35d: {  	_ =	swait.ge [sflag:s7], $0x800  }
0x35e: {  	s0 =	sld [smem:$0x7F3]  }
0x35f: {  	[sflag:s7] =	ssyncset.done $0x0  }
0x360: {  	s22 =	sld [smem:$0x7F4];
	[sflag:s7] =	ssyncadd.s32 $0xFFFFF800  }
0x361: {  	[tilespmem:s3], [sflag:$0x1] =	stream.indirect.gather [hbm4b:s5+s16], $0x40, s0, s16, $0xb8;
	[tilespmem:$0xB900] =	vst v63  }
0x362: {  	_ = 	snop  }
0x363: {  	[tilespmem:s4], [sflag:$0x1] =	stream.indirect.gather [hbm4b:s6+s16], $0x10, s22, s16, $0xb8;
	[tilespmem:$0xB900] =	vst v63  }
0x364: {  	_ =	swait.ge [sflag:s21], $0x2000  }
0x365: {  	[sflag:s21] =	ssyncset.done $0x0  }
0x366: {  	[sflag:s21] =	ssyncadd.s32 $0xFFFFE000  }
0x367: {  	_ =	swait.ge [sflag:s21], $0x800  }
0x368: {  	s0 =	rddreg [dreg:$0x1f];
	[sflag:s21] =	ssyncset.done $0x0  }
0x369: {  	s22 =	sld [smem:$0x7BF];
	[sflag:s21] =	ssyncadd.s32 $0xFFFFF800  }
0x36a: {  	[hbm4b:s0+s2] =	stream.linear.scatter [tilespmem:s17], [sflag:$0x6], $0x2000, $0x38;
	[tilespmem:$0xB900] =	vst v63  }
0x36b: {  	_ = 	snop  }
0x36c: {  	[hbm4b:s22+s2] =	stream.linear.scatter [tilespmem:s18], [sflag:$0x6], $0x800, $0x38;
	[tilespmem:$0xB900] =	vst v63  }
0x36d: {  	_ =	swait.ge [sflag:s8], $0x2000  }
0x36e: {  	[sflag:s8] =	ssyncset.done $0x0  }
0x36f: {  	[sflag:s8] =	ssyncadd.s32 $0xFFFFE000  }
0x370: {  	_ =	swait.ge [sflag:s8], $0x800  }
0x371: {  	s0 =	sld [smem:$0x7F5]  }
0x372: {  	[sflag:s8] =	ssyncset.done $0x0  }
0x373: {  	s22 =	sld [smem:$0x7F6];
	[sflag:s8] =	ssyncadd.s32 $0xFFFFF800  }
0x374: {  	[tilespmem:s17], [sflag:$0x2] =	stream.indirect.gather [hbm4b:s5+s16], $0x40, s0, s16, $0xb8;
	[tilespmem:$0xB900] =	vst v63  }
0x375: {  	_ = 	snop  }
0x376: {  	[tilespmem:s18], [sflag:$0x2] =	stream.indirect.gather [hbm4b:s6+s16], $0x10, s22, s16, $0xb8;
	[tilespmem:$0xB900] =	vst v63  }
0x377: {  	_ =	swait.ge [sflag:s20], $0x2000  }
0x378: {  	[sflag:s20] =	ssyncset.done $0x0  }
0x379: {  	[sflag:s20] =	ssyncadd.s32 $0xFFFFE000  }
0x37a: {  	_ =	swait.ge [sflag:s20], $0x800  }
0x37b: {  	s0 =	sld [smem:$0x7C0]  }
0x37c: {  	[sflag:s20] =	ssyncset.done $0x0  }
0x37d: {  	s22 =	sld [smem:$0x7C1];
	[sflag:s20] =	ssyncadd.s32 $0xFFFFF800  }
0x37e: {  	[hbm4b:s0+s2] =	stream.linear.scatter [tilespmem:s14], [sflag:$0x7], $0x2000, $0x38;
	[tilespmem:$0xB900] =	vst v63  }
0x37f: {  	_ = 	snop  }
0x380: {  	[hbm4b:s22+s2] =	stream.linear.scatter [tilespmem:s15], [sflag:$0x7], $0x800, $0x38;
	[tilespmem:$0xB900] =	vst v63  }
0x381: {  	_ =	swait.ge [sflag:s9], $0x2000  }
0x382: {  	[sflag:s9] =	ssyncset.done $0x0  }
0x383: {  	[sflag:s9] =	ssyncadd.s32 $0xFFFFE000  }
0x384: {  	_ =	swait.ge [sflag:s9], $0x800  }
0x385: {  	s0 =	sld [smem:$0x7F7]  }
0x386: {  	[sflag:s9] =	ssyncset.done $0x0  }
0x387: {  	s22 =	sld [smem:$0x7F8];
	[sflag:s9] =	ssyncadd.s32 $0xFFFFF800  }
0x388: {  	[tilespmem:s14], [sflag:$0x3] =	stream.indirect.gather [hbm4b:s5+s16], $0x40, s0, s16, $0xb8;
	[tilespmem:$0xB900] =	vst v63  }
0x389: {  	_ = 	snop  }
0x38a: {  	[tilespmem:s15], [sflag:$0x3] =	stream.indirect.gather [hbm4b:s6+s16], $0x10, s22, s16, $0xb8;
	[tilespmem:$0xB900] =	vst v63  }
0x38b: {  	_ =	swait.ge [sflag:s19], $0x2000  }
0x38c: {  	[sflag:s19] =	ssyncset.done $0x0  }
0x38d: {  	[sflag:s19] =	ssyncadd.s32 $0xFFFFE000  }
0x38e: {  	_ =	swait.ge [sflag:s19], $0x800  }
0x38f: {  	s0 =	sld [smem:$0x7C2]  }
0x390: {  	[sflag:s19] =	ssyncset.done $0x0  }
0x391: {  	s22 =	sld [smem:$0x7C3];
	[sflag:s19] =	ssyncadd.s32 $0xFFFFF800  }
0x392: {  	[hbm4b:s0+s2] =	stream.linear.scatter [tilespmem:s12], [sflag:$0x8], $0x2000, $0x38;
	[tilespmem:$0xB900] =	vst v63  }
0x393: {  	_ = 	snop  }
0x394: {  	[hbm4b:s22+s2] =	stream.linear.scatter [tilespmem:s13], [sflag:$0x8], $0x800, $0x38;
	[tilespmem:$0xB900] =	vst v63  }
0x395: {  	_ =	swait.ge [sflag:s10], $0x2000  }
0x396: {  	[sflag:s10] =	ssyncset.done $0x0  }
0x397: {  	[sflag:s10] =	ssyncadd.s32 $0xFFFFE000  }
0x398: {  	_ =	swait.ge [sflag:s10], $0x800  }
0x399: {  	s0 =	sld [smem:$0x7F9]  }
0x39a: {  	[sflag:s10] =	ssyncset.done $0x0  }
0x39b: {  	s22 =	sld [smem:$0x7FA];
	[sflag:s10] =	ssyncadd.s32 $0xFFFFF800  }
0x39c: {  	[tilespmem:s12], [sflag:$0x4] =	stream.indirect.gather [hbm4b:s5+s16], $0x40, s0, s16, $0xb8;
	[tilespmem:$0xB900] =	vst v63  }
0x39d: {  	_ = 	snop  }
0x39e: {  	[tilespmem:s13], [sflag:$0x4] =	stream.indirect.gather [hbm4b:s6+s16], $0x10, s22, s16, $0xb8;
	[tilespmem:$0xB900] =	vst v63  }
0x39f: {  	_ =	swait.ge [sflag:s11], $0x2000  }
0x3a0: {  	[sflag:s11] =	ssyncset.done $0x0  }
0x3a1: {  	[sflag:s11] =	ssyncadd.s32 $0xFFFFE000  }
0x3a2: {  	_ =	swait.ge [sflag:s11], $0x800  }
0x3a3: {  	s0 =	sld [smem:$0x7C4]  }
0x3a4: {  	[sflag:s11] =	ssyncset.done $0x0  }
0x3a5: {  	s22 =	sld [smem:$0x7C5];
	[sflag:s11] =	ssyncadd.s32 $0xFFFFF800  }
0x3a6: {  	[hbm4b:s0+s2] =	stream.linear.scatter [tilespmem:s3], [sflag:$0x5], $0x2000, $0x38;
	[tilespmem:$0xB900] =	vst v63  }
0x3a7: {  	_ = 	snop  }
0x3a8: {  	[hbm4b:s22+s2] =	stream.linear.scatter [tilespmem:s4], [sflag:$0x5], $0x800, $0x38;
	[tilespmem:$0xB900] =	vst v63  }
0x3a9: {  	_ =	swait.ge [sflag:s7], $0x2000  }
0x3aa: {  	[sflag:s7] =	ssyncset.done $0x0  }
0x3ab: {  	[sflag:s7] =	ssyncadd.s32 $0xFFFFE000  }
0x3ac: {  	_ =	swait.ge [sflag:s7], $0x800  }
0x3ad: {  	s0 =	sld [smem:$0x7FB]  }
0x3ae: {  	[sflag:s7] =	ssyncset.done $0x0  }
0x3af: {  	s22 =	sld [smem:$0x7FC];
	[sflag:s7] =	ssyncadd.s32 $0xFFFFF800  }
0x3b0: {  	[tilespmem:s3], [sflag:$0x1] =	stream.indirect.gather [hbm4b:s5+s16], $0x40, s0, s16, $0xb8;
	[tilespmem:$0xB900] =	vst v63  }
0x3b1: {  	_ = 	snop  }
0x3b2: {  	[tilespmem:s4], [sflag:$0x1] =	stream.indirect.gather [hbm4b:s6+s16], $0x10, s22, s16, $0xb8;
	[tilespmem:$0xB900] =	vst v63  }
0x3b3: {  	_ =	swait.ge [sflag:s21], $0x2000  }
0x3b4: {  	[sflag:s21] =	ssyncset.done $0x0  }
0x3b5: {  	[sflag:s21] =	ssyncadd.s32 $0xFFFFE000  }
0x3b6: {  	_ =	swait.ge [sflag:s21], $0x800  }
0x3b7: {  	s0 =	sld [smem:$0x7C6]  }
0x3b8: {  	[sflag:s21] =	ssyncset.done $0x0  }
0x3b9: {  	s22 =	sld [smem:$0x7C7];
	[sflag:s21] =	ssyncadd.s32 $0xFFFFF800  }
0x3ba: {  	[hbm4b:s0+s2] =	stream.linear.scatter [tilespmem:s17], [sflag:$0x6], $0x2000, $0x38;
	[tilespmem:$0xB900] =	vst v63  }
0x3bb: {  	_ = 	snop  }
0x3bc: {  	[hbm4b:s22+s2] =	stream.linear.scatter [tilespmem:s18], [sflag:$0x6], $0x800, $0x38;
	[tilespmem:$0xB900] =	vst v63  }
0x3bd: {  	_ =	swait.ge [sflag:s8], $0x2000  }
0x3be: {  	[sflag:s8] =	ssyncset.done $0x0  }
0x3bf: {  	[sflag:s8] =	ssyncadd.s32 $0xFFFFE000  }
0x3c0: {  	_ =	swait.ge [sflag:s8], $0x800  }
0x3c1: {  	s22 =	sld [smem:$0x7FD]  }
0x3c2: {  	[sflag:s8] =	ssyncset.done $0x0  }
0x3c3: {  	[sflag:s8] =	ssyncadd.s32 $0xFFFFF800  }
0x3c4: {  	[tilespmem:s17], [sflag:$0x2] =	stream.indirect.gather [hbm4b:s5+s16], $0x40, s22, s16, $0xb8;
	[tilespmem:$0xB900] =	vst v63  }
0x3c5: {  	s22 =	simm.s32 $0x1700  }
0x3c6: {  	[tilespmem:s18], [sflag:$0x2] =	stream.indirect.gather [hbm4b:s6+s16], $0x10, s22, s16, $0xb8;
	[tilespmem:$0xB900] =	vst v63  }
0x3c7: {  	_ =	swait.ge [sflag:s20], $0x2000  }
0x3c8: {  	[sflag:s20] =	ssyncset.done $0x0  }
0x3c9: {  	[sflag:s20] =	ssyncadd.s32 $0xFFFFE000  }
0x3ca: {  	_ =	swait.ge [sflag:s20], $0x800  }
0x3cb: {  	s0 =	sld [smem:$0x7C8]  }
0x3cc: {  	[sflag:s20] =	ssyncset.done $0x0  }
0x3cd: {  	s22 =	sld [smem:$0x7C9];
	[sflag:s20] =	ssyncadd.s32 $0xFFFFF800  }
0x3ce: {  	[hbm4b:s0+s2] =	stream.linear.scatter [tilespmem:s14], [sflag:$0x7], $0x2000, $0x38;
	[tilespmem:$0xB900] =	vst v63  }
0x3cf: {  	_ = 	snop  }
0x3d0: {  	[hbm4b:s22+s2] =	stream.linear.scatter [tilespmem:s15], [sflag:$0x7], $0x800, $0x38;
	[tilespmem:$0xB900] =	vst v63  }
0x3d1: {  	_ =	swait.ge [sflag:s9], $0x2000  }
0x3d2: {  	[sflag:s9] =	ssyncset.done $0x0  }
0x3d3: {  	[sflag:s9] =	ssyncadd.s32 $0xFFFFE000  }
0x3d4: {  	_ =	swait.ge [sflag:s9], $0x800  }
0x3d5: {  	[sflag:s9] =	ssyncset.done $0x0  }
0x3d6: {  	[sflag:s9] =	ssyncadd.s32 $0xFFFFF800  }
0x3d7: {  	[tilespmem:s14], [sflag:$0x3] =	stream.indirect.gather [hbm4b:s5+s16], $0x40, s28, s16, $0xb8;
	[tilespmem:$0xB900] =	vst v63  }
0x3d8: {  	_ = 	snop  }
0x3d9: {  	[tilespmem:s15], [sflag:$0x3] =	stream.indirect.gather [hbm4b:s6+s16], $0x10, s29, s16, $0xb8;
	[tilespmem:$0xB900] =	vst v63  }
0x3da: {  	_ =	swait.ge [sflag:s19], $0x2000  }
0x3db: {  	[sflag:s19] =	ssyncset.done $0x0  }
0x3dc: {  	[sflag:s19] =	ssyncadd.s32 $0xFFFFE000  }
0x3dd: {  	_ =	swait.ge [sflag:s19], $0x800  }
0x3de: {  	s0 =	sld [smem:$0x7CA]  }
0x3df: {  	[sflag:s19] =	ssyncset.done $0x0  }
0x3e0: {  	s22 =	sld [smem:$0x7CB];
	[sflag:s19] =	ssyncadd.s32 $0xFFFFF800  }
0x3e1: {  	[hbm4b:s0+s2] =	stream.linear.scatter [tilespmem:s12], [sflag:$0x8], $0x2000, $0x38;
	[tilespmem:$0xB900] =	vst v63  }
0x3e2: {  	_ = 	snop  }
0x3e3: {  	[hbm4b:s22+s2] =	stream.linear.scatter [tilespmem:s13], [sflag:$0x8], $0x800, $0x38;
	[tilespmem:$0xB900] =	vst v63  }
0x3e4: {  	_ =	swait.ge [sflag:s10], $0x2000  }
0x3e5: {  	[sflag:s10] =	ssyncset.done $0x0  }
0x3e6: {  	[sflag:s10] =	ssyncadd.s32 $0xFFFFE000  }
0x3e7: {  	_ =	swait.ge [sflag:s10], $0x800  }
0x3e8: {  	[sflag:s10] =	ssyncset.done $0x0  }
0x3e9: {  	[sflag:s10] =	ssyncadd.s32 $0xFFFFF800  }
0x3ea: {  	[tilespmem:s12], [sflag:$0x4] =	stream.indirect.gather [hbm4b:s5+s16], $0x40, s25, s16, $0xb8;
	[tilespmem:$0xB900] =	vst v63  }
0x3eb: {  	_ = 	snop  }
0x3ec: {  	[tilespmem:s13], [sflag:$0x4] =	stream.indirect.gather [hbm4b:s6+s16], $0x10, s26, s16, $0xb8;
	[tilespmem:$0xB900] =	vst v63  }
0x3ed: {  	_ =	swait.ge [sflag:s11], $0x2000  }
0x3ee: {  	[sflag:s11] =	ssyncset.done $0x0  }
0x3ef: {  	[sflag:s11] =	ssyncadd.s32 $0xFFFFE000  }
0x3f0: {  	_ =	swait.ge [sflag:s11], $0x800  }
0x3f1: {  	s0 =	sld [smem:$0x7CC]  }
0x3f2: {  	[sflag:s11] =	ssyncset.done $0x0  }
0x3f3: {  	s22 =	sld [smem:$0x7CD];
	[sflag:s11] =	ssyncadd.s32 $0xFFFFF800  }
0x3f4: {  	[hbm4b:s0+s2] =	stream.linear.scatter [tilespmem:s3], [sflag:$0x5], $0x2000, $0x38;
	[tilespmem:$0xB900] =	vst v63  }
0x3f5: {  	_ = 	snop  }
0x3f6: {  	[hbm4b:s22+s2] =	stream.linear.scatter [tilespmem:s4], [sflag:$0x5], $0x800, $0x38;
	[tilespmem:$0xB900] =	vst v63  }
0x3f7: {  	_ =	swait.ge [sflag:s7], $0x2000  }
0x3f8: {  	[sflag:s7] =	ssyncset.done $0x0  }
0x3f9: {  	[sflag:s7] =	ssyncadd.s32 $0xFFFFE000  }
0x3fa: {  	_ =	swait.ge [sflag:s7], $0x800  }
0x3fb: {  	[sflag:s7] =	ssyncset.done $0x0  }
0x3fc: {  	[sflag:s7] =	ssyncadd.s32 $0xFFFFF800  }
0x3fd: {  	[tilespmem:s3], [sflag:$0x1] =	stream.indirect.gather [hbm4b:s5+s16], $0x40, s23, s16, $0xb8;
	[tilespmem:$0xB900] =	vst v63  }
0x3fe: {  	_ = 	snop  }
0x3ff: {  	[tilespmem:s4], [sflag:$0x1] =	stream.indirect.gather [hbm4b:s6+s16], $0x10, s24, s16, $0xb8;
	[tilespmem:$0xB900] =	vst v63  }
0x400: {  	_ =	swait.ge [sflag:s21], $0x2000  }
0x401: {  	[sflag:s21] =	ssyncset.done $0x0  }
0x402: {  	[sflag:s21] =	ssyncadd.s32 $0xFFFFE000  }
0x403: {  	_ =	swait.ge [sflag:s21], $0x800  }
0x404: {  	s0 =	sld [smem:$0x7CE]  }
0x405: {  	[sflag:s21] =	ssyncset.done $0x0  }
0x406: {  	s22 =	sld [smem:$0x7CF];
	[sflag:s21] =	ssyncadd.s32 $0xFFFFF800  }
0x407: {  	[hbm4b:s0+s2] =	stream.linear.scatter [tilespmem:s17], [sflag:$0x6], $0x2000, $0x38;
	[tilespmem:$0xB900] =	vst v63  }
0x408: {  	_ = 	snop  }
0x409: {  	[hbm4b:s22+s2] =	stream.linear.scatter [tilespmem:s18], [sflag:$0x6], $0x800, $0x38;
	[tilespmem:$0xB900] =	vst v63  }
0x40a: {  	_ =	swait.ge [sflag:s20], $0x2000  }
0x40b: {  	[sflag:s20] =	ssyncset.done $0x0  }
0x40c: {  	[sflag:s20] =	ssyncadd.s32 $0xFFFFE000  }
0x40d: {  	_ =	swait.ge [sflag:s20], $0x800  }
0x40e: {  	s0 =	sld [smem:$0x7D0]  }
0x40f: {  	[sflag:s20] =	ssyncset.done $0x0  }
0x410: {  	s22 =	sld [smem:$0x7D1];
	[sflag:s20] =	ssyncadd.s32 $0xFFFFF800  }
0x411: {  	[hbm4b:s0+s2] =	stream.linear.scatter [tilespmem:s14], [sflag:$0x7], $0x2000, $0x38;
	[tilespmem:$0xB900] =	vst v63  }
0x412: {  	_ = 	snop  }
0x413: {  	[hbm4b:s22+s2] =	stream.linear.scatter [tilespmem:s15], [sflag:$0x7], $0x800, $0x38;
	[tilespmem:$0xB900] =	vst v63  }
0x414: {  	_ =	swait.ge [sflag:s19], $0x2000  }
0x415: {  	[sflag:s19] =	ssyncset.done $0x0  }
0x416: {  	[sflag:s19] =	ssyncadd.s32 $0xFFFFE000  }
0x417: {  	_ =	swait.ge [sflag:s19], $0x800  }
0x418: {  	s0 =	sld [smem:$0x7D2]  }
0x419: {  	[sflag:s19] =	ssyncset.done $0x0  }
0x41a: {  	s22 =	sld [smem:$0x7D3];
	[sflag:s19] =	ssyncadd.s32 $0xFFFFF800  }
0x41b: {  	[hbm4b:s0+s2] =	stream.linear.scatter [tilespmem:s12], [sflag:$0x8], $0x2000, $0x38;
	[tilespmem:$0xB900] =	vst v63  }
0x41c: {  	_ = 	snop  }
0x41d: {  	[hbm4b:s22+s2] =	stream.linear.scatter [tilespmem:s13], [sflag:$0x8], $0x800, $0x38;
	[tilespmem:$0xB900] =	vst v63  }
0x41e: {  	_ =	swait.ge [sflag:s11], $0x2000  }
0x41f: {  	[sflag:s11] =	ssyncset.done $0x0  }
0x420: {  	[sflag:s11] =	ssyncadd.s32 $0xFFFFE000  }
0x421: {  	_ =	swait.ge [sflag:s11], $0x800  }
0x422: {  	s0 =	sld [smem:$0x7D4]  }
0x423: {  	[sflag:s11] =	ssyncset.done $0x0  }
0x424: {  	s22 =	sld [smem:$0x7D5];
	[sflag:s11] =	ssyncadd.s32 $0xFFFFF800  }
0x425: {  	[hbm4b:s0+s2] =	stream.linear.scatter [tilespmem:s3], [sflag:$0x5], $0x2000, $0x38;
	[tilespmem:$0xB900] =	vst v63  }
0x426: {  	_ = 	snop  }
0x427: {  	[hbm4b:s22+s2] =	stream.linear.scatter [tilespmem:s4], [sflag:$0x5], $0x800, $0x38;
	[tilespmem:$0xB900] =	vst v63  }
0x428: {  	_ =	swait.ge [sflag:s7], $0x2000  }
0x429: {  	[sflag:s7] =	ssyncset.done $0x0  }
0x42a: {  	[sflag:s7] =	ssyncadd.s32 $0xFFFFE000  }
0x42b: {  	_ =	swait.ge [sflag:s7], $0x800  }
0x42c: {  	[sflag:s7] =	ssyncset.done $0x0  }
0x42d: {  	[sflag:s7] =	ssyncadd.s32 $0xFFFFF800  }
0x42e: {  	_ =	swait.ge [sflag:s8], $0x2000  }
0x42f: {  	[sflag:s8] =	ssyncset.done $0x0  }
0x430: {  	[sflag:s8] =	ssyncadd.s32 $0xFFFFE000  }
0x431: {  	_ =	swait.ge [sflag:s8], $0x800  }
0x432: {  	[sflag:s8] =	ssyncset.done $0x0  }
0x433: {  	[sflag:s8] =	ssyncadd.s32 $0xFFFFF800  }
0x434: {  	_ =	swait.ge [sflag:s9], $0x2000  }
0x435: {  	[sflag:s9] =	ssyncset.done $0x0  }
0x436: {  	[sflag:s9] =	ssyncadd.s32 $0xFFFFE000  }
0x437: {  	_ =	swait.ge [sflag:s9], $0x800  }
0x438: {  	[sflag:s9] =	ssyncset.done $0x0  }
0x439: {  	p1 =	sne.s32 s1, $0x1;
	[sflag:s9] =	ssyncadd.s32 $0xFFFFF800  }
.Ltmp2:
0x43a: {  	_ =	swait.ge [sflag:s10], $0x2000;
	(pc) =	sbr.rel @p1 .LBB2_4-.Ltmp2, $4  }
0x43b: {  	[sflag:s10] =	ssyncset.done $0x0  }
0x43c: {  	[sflag:s10] =	ssyncadd.s32 $0xFFFFE000  }
0x43d: {  	_ =	swait.ge [sflag:s10], $0x800  }
0x43e: {  	s1 =	sadd.s32 $0xFFFFFFFF, s1;
	s0 =	rddreg [dreg:$0x3];
	[sflag:s10] =	ssyncset.done $0x0  }
0x43f: {  	s24 =	simm.s32 $0x1700  }
0x440: {  	s29 =	simm.s32 $0x1780;
	s28 =	simm.s32 $0xB00;
	s26 =	simm.s32 $0x1800  }
0x441: {  	s25 =	simm.s32 $0xB80;
	s23 =	simm.s32 $0xC00;
	s22 =	stileid.u32  }
.LBB2_6:
0x442: {  	[sflag:s10] =	ssyncadd.s32 @p0 $0xFFFFF800  }
0x443: {  	[tilespmem:s2], [sflag:$0x9] =	stream.linear.gather [hbm4b:s0+s2], $0xC80, $0x38;
	[tilespmem:$0xB900] =	vst v63  }
0x444: {  	_ =	swait.ge [sflag:s30], $0xC80  }
0x445: {  	[sflag:s30] =	ssyncset.done $0x0  }
0x446: {  	s1 =	rddreg [dreg:$0x4];
	[sflag:s30] =	ssyncadd.s32 $0xFFFFF380  }
0x447: {  	[tilespmem:s31], [sflag:$0x9] =	stream.linear.gather [hbm4b:s1+s2], $0xC80, $0x38;
	[tilespmem:$0xB900] =	vst v63  }
0x448: {  	_ =	swait.ge [sflag:s30], $0xC80  }
0x449: {  	[sflag:s30] =	ssyncset.done $0x0  }
0x44a: {  	[sflag:s30] =	ssyncadd.s32 $0xFFFFF380  }
0x44b: {  	[tilespmem:s3], [sflag:$0x1] =	stream.indirect.gather [hbm4b:s5+s16], $0x40, s2, s16, $0xb8;
	[tilespmem:$0xB900] =	vst v63  }
0x44c: {  	_ = 	snop  }
0x44d: {  	[tilespmem:s4], [sflag:$0x1] =	stream.indirect.gather [hbm4b:s6+s16], $0x10, s31, s16, $0xb8;
	[tilespmem:$0xB900] =	vst v63  }
0x44e: {  	s30 =	sld [smem:$0x7D6]  }
0x44f: {  	[tilespmem:s17], [sflag:$0x2] =	stream.indirect.gather [hbm4b:s5+s16], $0x40, s16, s16, $0xb8;
	[tilespmem:$0xB900] =	vst v63  }
0x450: {  	s1 =	sld [smem:$0x7D7]  }
0x451: {  	[tilespmem:s18], [sflag:$0x2] =	stream.indirect.gather [hbm4b:s6+s16], $0x10, s30, s16, $0xb8;
	[tilespmem:$0xB900] =	vst v63  }
0x452: {  	s31 =	sld [smem:$0x7D8]  }
0x453: {  	[tilespmem:s14], [sflag:$0x3] =	stream.indirect.gather [hbm4b:s5+s16], $0x40, s1, s16, $0xb8;
	[tilespmem:$0xB900] =	vst v63  }
0x454: {  	s30 =	sld [smem:$0x7D9]  }
0x455: {  	[tilespmem:s15], [sflag:$0x3] =	stream.indirect.gather [hbm4b:s6+s16], $0x10, s31, s16, $0xb8;
	[tilespmem:$0xB900] =	vst v63  }
0x456: {  	s31 =	sld [smem:$0x7DA]  }
0x457: {  	[tilespmem:s12], [sflag:$0x4] =	stream.indirect.gather [hbm4b:s5+s16], $0x40, s30, s16, $0xb8;
	[tilespmem:$0xB900] =	vst v63  }
0x458: {  	_ = 	snop  }
0x459: {  	[tilespmem:s13], [sflag:$0x4] =	stream.indirect.gather [hbm4b:s6+s16], $0x10, s31, s16, $0xb8;
	[tilespmem:$0xB900] =	vst v63  }
0x45a: {  	_ =	swait.ge [sflag:s11], $0x2000  }
0x45b: {  	[sflag:s11] =	ssyncset.done $0x0  }
0x45c: {  	[sflag:s11] =	ssyncadd.s32 $0xFFFFE000  }
0x45d: {  	_ =	swait.ge [sflag:s11], $0x800  }
0x45e: {  	[sflag:s11] =	ssyncset.done $0x0  }
0x45f: {  	s30 =	rddreg [dreg:$0x5];
	[sflag:s11] =	ssyncadd.s32 $0xFFFFF800  }
0x460: {  	[hbm4b:s30+s2] =	stream.linear.scatter [tilespmem:s3], [sflag:$0x5], $0x2000, $0x38;
	[tilespmem:$0xB900] =	vst v63  }
0x461: {  	s31 =	rddreg [dreg:$0x6]  }
0x462: {  	[hbm4b:s31+s2] =	stream.linear.scatter [tilespmem:s4], [sflag:$0x5], $0x800, $0x38;
	[tilespmem:$0xB900] =	vst v63  }
0x463: {  	_ =	swait.ge [sflag:s7], $0x2000  }
0x464: {  	[sflag:s7] =	ssyncset.done $0x0  }
0x465: {  	[sflag:s7] =	ssyncadd.s32 $0xFFFFE000  }
0x466: {  	_ =	swait.ge [sflag:s7], $0x800  }
0x467: {  	s30 =	sld [smem:$0x7DB]  }
0x468: {  	[sflag:s7] =	ssyncset.done $0x0  }
0x469: {  	s31 =	sld [smem:$0x7DC];
	[sflag:s7] =	ssyncadd.s32 $0xFFFFF800  }
0x46a: {  	[tilespmem:s3], [sflag:$0x1] =	stream.indirect.gather [hbm4b:s5+s16], $0x40, s30, s16, $0xb8;
	[tilespmem:$0xB900] =	vst v63  }
0x46b: {  	_ = 	snop  }
0x46c: {  	[tilespmem:s4], [sflag:$0x1] =	stream.indirect.gather [hbm4b:s6+s16], $0x10, s31, s16, $0xb8;
	[tilespmem:$0xB900] =	vst v63  }
0x46d: {  	_ =	swait.ge [sflag:s21], $0x2000  }
0x46e: {  	[sflag:s21] =	ssyncset.done $0x0  }
0x46f: {  	[sflag:s21] =	ssyncadd.s32 $0xFFFFE000  }
0x470: {  	_ =	swait.ge [sflag:s21], $0x800  }
0x471: {  	[sflag:s21] =	ssyncset.done $0x0  }
0x472: {  	s30 =	rddreg [dreg:$0x7];
	[sflag:s21] =	ssyncadd.s32 $0xFFFFF800  }
0x473: {  	[hbm4b:s30+s2] =	stream.linear.scatter [tilespmem:s17], [sflag:$0x6], $0x2000, $0x38;
	[tilespmem:$0xB900] =	vst v63  }
0x474: {  	s31 =	rddreg [dreg:$0x8]  }
0x475: {  	[hbm4b:s31+s2] =	stream.linear.scatter [tilespmem:s18], [sflag:$0x6], $0x800, $0x38;
	[tilespmem:$0xB900] =	vst v63  }
0x476: {  	_ =	swait.ge [sflag:s8], $0x2000  }
0x477: {  	[sflag:s8] =	ssyncset.done $0x0  }
0x478: {  	[sflag:s8] =	ssyncadd.s32 $0xFFFFE000  }
0x479: {  	_ =	swait.ge [sflag:s8], $0x800  }
0x47a: {  	s30 =	sld [smem:$0x7DD]  }
0x47b: {  	[sflag:s8] =	ssyncset.done $0x0  }
0x47c: {  	s31 =	sld [smem:$0x7DE];
	[sflag:s8] =	ssyncadd.s32 $0xFFFFF800  }
0x47d: {  	[tilespmem:s17], [sflag:$0x2] =	stream.indirect.gather [hbm4b:s5+s16], $0x40, s30, s16, $0xb8;
	[tilespmem:$0xB900] =	vst v63  }
0x47e: {  	_ = 	snop  }
0x47f: {  	[tilespmem:s18], [sflag:$0x2] =	stream.indirect.gather [hbm4b:s6+s16], $0x10, s31, s16, $0xb8;
	[tilespmem:$0xB900] =	vst v63  }
0x480: {  	_ =	swait.ge [sflag:s20], $0x2000  }
0x481: {  	[sflag:s20] =	ssyncset.done $0x0  }
0x482: {  	[sflag:s20] =	ssyncadd.s32 $0xFFFFE000  }
0x483: {  	_ =	swait.ge [sflag:s20], $0x800  }
0x484: {  	[sflag:s20] =	ssyncset.done $0x0  }
0x485: {  	s30 =	rddreg [dreg:$0x9];
	[sflag:s20] =	ssyncadd.s32 $0xFFFFF800  }
0x486: {  	[hbm4b:s30+s2] =	stream.linear.scatter [tilespmem:s14], [sflag:$0x7], $0x2000, $0x38;
	[tilespmem:$0xB900] =	vst v63  }
0x487: {  	s31 =	rddreg [dreg:$0xa]  }
0x488: {  	[hbm4b:s31+s2] =	stream.linear.scatter [tilespmem:s15], [sflag:$0x7], $0x800, $0x38;
	[tilespmem:$0xB900] =	vst v63  }
0x489: {  	_ =	swait.ge [sflag:s9], $0x2000  }
0x48a: {  	[sflag:s9] =	ssyncset.done $0x0  }
0x48b: {  	[sflag:s9] =	ssyncadd.s32 $0xFFFFE000  }
0x48c: {  	_ =	swait.ge [sflag:s9], $0x800  }
0x48d: {  	s30 =	sld [smem:$0x7DF]  }
0x48e: {  	[sflag:s9] =	ssyncset.done $0x0  }
0x48f: {  	s31 =	sld [smem:$0x7E0];
	[sflag:s9] =	ssyncadd.s32 $0xFFFFF800  }
0x490: {  	[tilespmem:s14], [sflag:$0x3] =	stream.indirect.gather [hbm4b:s5+s16], $0x40, s30, s16, $0xb8;
	[tilespmem:$0xB900] =	vst v63  }
0x491: {  	_ = 	snop  }
0x492: {  	[tilespmem:s15], [sflag:$0x3] =	stream.indirect.gather [hbm4b:s6+s16], $0x10, s31, s16, $0xb8;
	[tilespmem:$0xB900] =	vst v63  }
0x493: {  	_ =	swait.ge [sflag:s19], $0x2000  }
0x494: {  	[sflag:s19] =	ssyncset.done $0x0  }
0x495: {  	[sflag:s19] =	ssyncadd.s32 $0xFFFFE000  }
0x496: {  	_ =	swait.ge [sflag:s19], $0x800  }
0x497: {  	[sflag:s19] =	ssyncset.done $0x0  }
0x498: {  	s30 =	rddreg [dreg:$0xb];
	[sflag:s19] =	ssyncadd.s32 $0xFFFFF800  }
0x499: {  	[hbm4b:s30+s2] =	stream.linear.scatter [tilespmem:s12], [sflag:$0x8], $0x2000, $0x38;
	[tilespmem:$0xB900] =	vst v63  }
0x49a: {  	s31 =	rddreg [dreg:$0xc]  }
0x49b: {  	[hbm4b:s31+s2] =	stream.linear.scatter [tilespmem:s13], [sflag:$0x8], $0x800, $0x38;
	[tilespmem:$0xB900] =	vst v63  }
0x49c: {  	_ =	swait.ge [sflag:s10], $0x2000  }
0x49d: {  	[sflag:s10] =	ssyncset.done $0x0  }
0x49e: {  	[sflag:s10] =	ssyncadd.s32 $0xFFFFE000  }
0x49f: {  	_ =	swait.ge [sflag:s10], $0x800  }
0x4a0: {  	s30 =	sld [smem:$0x7E1]  }
0x4a1: {  	[sflag:s10] =	ssyncset.done $0x0  }
0x4a2: {  	s31 =	sld [smem:$0x7E2];
	[sflag:s10] =	ssyncadd.s32 $0xFFFFF800  }
0x4a3: {  	[tilespmem:s12], [sflag:$0x4] =	stream.indirect.gather [hbm4b:s5+s16], $0x40, s30, s16, $0xb8;
	[tilespmem:$0xB900] =	vst v63  }
0x4a4: {  	_ = 	snop  }
0x4a5: {  	[tilespmem:s13], [sflag:$0x4] =	stream.indirect.gather [hbm4b:s6+s16], $0x10, s31, s16, $0xb8;
	[tilespmem:$0xB900] =	vst v63  }
0x4a6: {  	_ =	swait.ge [sflag:s11], $0x2000  }
0x4a7: {  	[sflag:s11] =	ssyncset.done $0x0  }
0x4a8: {  	[sflag:s11] =	ssyncadd.s32 $0xFFFFE000  }
0x4a9: {  	_ =	swait.ge [sflag:s11], $0x800  }
0x4aa: {  	[sflag:s11] =	ssyncset.done $0x0  }
0x4ab: {  	s30 =	rddreg [dreg:$0xd];
	[sflag:s11] =	ssyncadd.s32 $0xFFFFF800  }
0x4ac: {  	[hbm4b:s30+s2] =	stream.linear.scatter [tilespmem:s3], [sflag:$0x5], $0x2000, $0x38;
	[tilespmem:$0xB900] =	vst v63  }
0x4ad: {  	s31 =	rddreg [dreg:$0xe]  }
0x4ae: {  	[hbm4b:s31+s2] =	stream.linear.scatter [tilespmem:s4], [sflag:$0x5], $0x800, $0x38;
	[tilespmem:$0xB900] =	vst v63  }
0x4af: {  	_ =	swait.ge [sflag:s7], $0x2000  }
0x4b0: {  	[sflag:s7] =	ssyncset.done $0x0  }
0x4b1: {  	[sflag:s7] =	ssyncadd.s32 $0xFFFFE000  }
0x4b2: {  	_ =	swait.ge [sflag:s7], $0x800  }
0x4b3: {  	s30 =	sld [smem:$0x7E3]  }
0x4b4: {  	[sflag:s7] =	ssyncset.done $0x0  }
0x4b5: {  	s31 =	sld [smem:$0x7E4];
	[sflag:s7] =	ssyncadd.s32 $0xFFFFF800  }
0x4b6: {  	[tilespmem:s3], [sflag:$0x1] =	stream.indirect.gather [hbm4b:s5+s16], $0x40, s30, s16, $0xb8;
	[tilespmem:$0xB900] =	vst v63  }
0x4b7: {  	_ = 	snop  }
0x4b8: {  	[tilespmem:s4], [sflag:$0x1] =	stream.indirect.gather [hbm4b:s6+s16], $0x10, s31, s16, $0xb8;
	[tilespmem:$0xB900] =	vst v63  }
0x4b9: {  	_ =	swait.ge [sflag:s21], $0x2000  }
0x4ba: {  	[sflag:s21] =	ssyncset.done $0x0  }
0x4bb: {  	[sflag:s21] =	ssyncadd.s32 $0xFFFFE000  }
0x4bc: {  	_ =	swait.ge [sflag:s21], $0x800  }
0x4bd: {  	[sflag:s21] =	ssyncset.done $0x0  }
0x4be: {  	s30 =	rddreg [dreg:$0xf];
	[sflag:s21] =	ssyncadd.s32 $0xFFFFF800  }
0x4bf: {  	[hbm4b:s30+s2] =	stream.linear.scatter [tilespmem:s17], [sflag:$0x6], $0x2000, $0x38;
	[tilespmem:$0xB900] =	vst v63  }
0x4c0: {  	s31 =	rddreg [dreg:$0x10]  }
0x4c1: {  	[hbm4b:s31+s2] =	stream.linear.scatter [tilespmem:s18], [sflag:$0x6], $0x800, $0x38;
	[tilespmem:$0xB900] =	vst v63  }
0x4c2: {  	_ =	swait.ge [sflag:s8], $0x2000  }
0x4c3: {  	[sflag:s8] =	ssyncset.done $0x0  }
0x4c4: {  	[sflag:s8] =	ssyncadd.s32 $0xFFFFE000  }
0x4c5: {  	_ =	swait.ge [sflag:s8], $0x800  }
0x4c6: {  	s30 =	sld [smem:$0x7E5]  }
0x4c7: {  	[sflag:s8] =	ssyncset.done $0x0  }
0x4c8: {  	s31 =	sld [smem:$0x7E6];
	[sflag:s8] =	ssyncadd.s32 $0xFFFFF800  }
0x4c9: {  	[tilespmem:s17], [sflag:$0x2] =	stream.indirect.gather [hbm4b:s5+s16], $0x40, s30, s16, $0xb8;
	[tilespmem:$0xB900] =	vst v63  }
0x4ca: {  	_ = 	snop  }
0x4cb: {  	[tilespmem:s18], [sflag:$0x2] =	stream.indirect.gather [hbm4b:s6+s16], $0x10, s31, s16, $0xb8;
	[tilespmem:$0xB900] =	vst v63  }
0x4cc: {  	_ =	swait.ge [sflag:s20], $0x2000  }
0x4cd: {  	[sflag:s20] =	ssyncset.done $0x0  }
0x4ce: {  	[sflag:s20] =	ssyncadd.s32 $0xFFFFE000  }
0x4cf: {  	_ =	swait.ge [sflag:s20], $0x800  }
0x4d0: {  	[sflag:s20] =	ssyncset.done $0x0  }
0x4d1: {  	s30 =	rddreg [dreg:$0x11];
	[sflag:s20] =	ssyncadd.s32 $0xFFFFF800  }
0x4d2: {  	[hbm4b:s30+s2] =	stream.linear.scatter [tilespmem:s14], [sflag:$0x7], $0x2000, $0x38;
	[tilespmem:$0xB900] =	vst v63  }
0x4d3: {  	s31 =	rddreg [dreg:$0x12]  }
0x4d4: {  	[hbm4b:s31+s2] =	stream.linear.scatter [tilespmem:s15], [sflag:$0x7], $0x800, $0x38;
	[tilespmem:$0xB900] =	vst v63  }
0x4d5: {  	_ =	swait.ge [sflag:s9], $0x2000  }
0x4d6: {  	[sflag:s9] =	ssyncset.done $0x0  }
0x4d7: {  	[sflag:s9] =	ssyncadd.s32 $0xFFFFE000  }
0x4d8: {  	_ =	swait.ge [sflag:s9], $0x800  }
0x4d9: {  	s30 =	sld [smem:$0x7E7]  }
0x4da: {  	[sflag:s9] =	ssyncset.done $0x0  }
0x4db: {  	s31 =	sld [smem:$0x7E8];
	[sflag:s9] =	ssyncadd.s32 $0xFFFFF800  }
0x4dc: {  	[tilespmem:s14], [sflag:$0x3] =	stream.indirect.gather [hbm4b:s5+s16], $0x40, s30, s16, $0xb8;
	[tilespmem:$0xB900] =	vst v63  }
0x4dd: {  	_ = 	snop  }
0x4de: {  	[tilespmem:s15], [sflag:$0x3] =	stream.indirect.gather [hbm4b:s6+s16], $0x10, s31, s16, $0xb8;
	[tilespmem:$0xB900] =	vst v63  }
0x4df: {  	_ =	swait.ge [sflag:s19], $0x2000  }
0x4e0: {  	[sflag:s19] =	ssyncset.done $0x0  }
0x4e1: {  	[sflag:s19] =	ssyncadd.s32 $0xFFFFE000  }
0x4e2: {  	_ =	swait.ge [sflag:s19], $0x800  }
0x4e3: {  	[sflag:s19] =	ssyncset.done $0x0  }
0x4e4: {  	s30 =	rddreg [dreg:$0x13];
	[sflag:s19] =	ssyncadd.s32 $0xFFFFF800  }
0x4e5: {  	[hbm4b:s30+s2] =	stream.linear.scatter [tilespmem:s12], [sflag:$0x8], $0x2000, $0x38;
	[tilespmem:$0xB900] =	vst v63  }
0x4e6: {  	s31 =	rddreg [dreg:$0x14]  }
0x4e7: {  	[hbm4b:s31+s2] =	stream.linear.scatter [tilespmem:s13], [sflag:$0x8], $0x800, $0x38;
	[tilespmem:$0xB900] =	vst v63  }
0x4e8: {  	_ =	swait.ge [sflag:s10], $0x2000  }
0x4e9: {  	[sflag:s10] =	ssyncset.done $0x0  }
0x4ea: {  	[sflag:s10] =	ssyncadd.s32 $0xFFFFE000  }
0x4eb: {  	_ =	swait.ge [sflag:s10], $0x800  }
0x4ec: {  	s30 =	sld [smem:$0x7E9]  }
0x4ed: {  	[sflag:s10] =	ssyncset.done $0x0  }
0x4ee: {  	s31 =	sld [smem:$0x7EA];
	[sflag:s10] =	ssyncadd.s32 $0xFFFFF800  }
0x4ef: {  	[tilespmem:s12], [sflag:$0x4] =	stream.indirect.gather [hbm4b:s5+s16], $0x40, s30, s16, $0xb8;
	[tilespmem:$0xB900] =	vst v63  }
0x4f0: {  	_ = 	snop  }
0x4f1: {  	[tilespmem:s13], [sflag:$0x4] =	stream.indirect.gather [hbm4b:s6+s16], $0x10, s31, s16, $0xb8;
	[tilespmem:$0xB900] =	vst v63  }
0x4f2: {  	_ =	swait.ge [sflag:s11], $0x2000  }
0x4f3: {  	[sflag:s11] =	ssyncset.done $0x0  }
0x4f4: {  	[sflag:s11] =	ssyncadd.s32 $0xFFFFE000  }
0x4f5: {  	_ =	swait.ge [sflag:s11], $0x800  }
0x4f6: {  	[sflag:s11] =	ssyncset.done $0x0  }
0x4f7: {  	s30 =	rddreg [dreg:$0x15];
	[sflag:s11] =	ssyncadd.s32 $0xFFFFF800  }
0x4f8: {  	[hbm4b:s30+s2] =	stream.linear.scatter [tilespmem:s3], [sflag:$0x5], $0x2000, $0x38;
	[tilespmem:$0xB900] =	vst v63  }
0x4f9: {  	s31 =	rddreg [dreg:$0x16]  }
0x4fa: {  	[hbm4b:s31+s2] =	stream.linear.scatter [tilespmem:s4], [sflag:$0x5], $0x800, $0x38;
	[tilespmem:$0xB900] =	vst v63  }
0x4fb: {  	_ =	swait.ge [sflag:s7], $0x2000  }
0x4fc: {  	[sflag:s7] =	ssyncset.done $0x0  }
0x4fd: {  	[sflag:s7] =	ssyncadd.s32 $0xFFFFE000  }
0x4fe: {  	_ =	swait.ge [sflag:s7], $0x800  }
0x4ff: {  	s30 =	sld [smem:$0x7EB]  }
0x500: {  	[sflag:s7] =	ssyncset.done $0x0  }
0x501: {  	s31 =	sld [smem:$0x7EC];
	[sflag:s7] =	ssyncadd.s32 $0xFFFFF800  }
0x502: {  	[tilespmem:s3], [sflag:$0x1] =	stream.indirect.gather [hbm4b:s5+s16], $0x40, s30, s16, $0xb8;
	[tilespmem:$0xB900] =	vst v63  }
0x503: {  	_ = 	snop  }
0x504: {  	[tilespmem:s4], [sflag:$0x1] =	stream.indirect.gather [hbm4b:s6+s16], $0x10, s31, s16, $0xb8;
	[tilespmem:$0xB900] =	vst v63  }
0x505: {  	_ =	swait.ge [sflag:s21], $0x2000  }
0x506: {  	[sflag:s21] =	ssyncset.done $0x0  }
0x507: {  	[sflag:s21] =	ssyncadd.s32 $0xFFFFE000  }
0x508: {  	_ =	swait.ge [sflag:s21], $0x800  }
0x509: {  	[sflag:s21] =	ssyncset.done $0x0  }
0x50a: {  	s30 =	rddreg [dreg:$0x17];
	[sflag:s21] =	ssyncadd.s32 $0xFFFFF800  }
0x50b: {  	[hbm4b:s30+s2] =	stream.linear.scatter [tilespmem:s17], [sflag:$0x6], $0x2000, $0x38;
	[tilespmem:$0xB900] =	vst v63  }
0x50c: {  	s31 =	rddreg [dreg:$0x18]  }
0x50d: {  	[hbm4b:s31+s2] =	stream.linear.scatter [tilespmem:s18], [sflag:$0x6], $0x800, $0x38;
	[tilespmem:$0xB900] =	vst v63  }
0x50e: {  	_ =	swait.ge [sflag:s8], $0x2000  }
0x50f: {  	[sflag:s8] =	ssyncset.done $0x0  }
0x510: {  	[sflag:s8] =	ssyncadd.s32 $0xFFFFE000  }
0x511: {  	_ =	swait.ge [sflag:s8], $0x800  }
0x512: {  	s30 =	sld [smem:$0x7ED]  }
0x513: {  	[sflag:s8] =	ssyncset.done $0x0  }
0x514: {  	s31 =	sld [smem:$0x7EE];
	[sflag:s8] =	ssyncadd.s32 $0xFFFFF800  }
0x515: {  	[tilespmem:s17], [sflag:$0x2] =	stream.indirect.gather [hbm4b:s5+s16], $0x40, s30, s16, $0xb8;
	[tilespmem:$0xB900] =	vst v63  }
0x516: {  	_ = 	snop  }
0x517: {  	[tilespmem:s18], [sflag:$0x2] =	stream.indirect.gather [hbm4b:s6+s16], $0x10, s31, s16, $0xb8;
	[tilespmem:$0xB900] =	vst v63  }
0x518: {  	_ =	swait.ge [sflag:s20], $0x2000  }
0x519: {  	[sflag:s20] =	ssyncset.done $0x0  }
0x51a: {  	[sflag:s20] =	ssyncadd.s32 $0xFFFFE000  }
0x51b: {  	_ =	swait.ge [sflag:s20], $0x800  }
0x51c: {  	[sflag:s20] =	ssyncset.done $0x0  }
0x51d: {  	s30 =	rddreg [dreg:$0x19];
	[sflag:s20] =	ssyncadd.s32 $0xFFFFF800  }
0x51e: {  	[hbm4b:s30+s2] =	stream.linear.scatter [tilespmem:s14], [sflag:$0x7], $0x2000, $0x38;
	[tilespmem:$0xB900] =	vst v63  }
0x51f: {  	s31 =	rddreg [dreg:$0x1a]  }
0x520: {  	[hbm4b:s31+s2] =	stream.linear.scatter [tilespmem:s15], [sflag:$0x7], $0x800, $0x38;
	[tilespmem:$0xB900] =	vst v63  }
0x521: {  	_ =	swait.ge [sflag:s9], $0x2000  }
0x522: {  	[sflag:s9] =	ssyncset.done $0x0  }
0x523: {  	[sflag:s9] =	ssyncadd.s32 $0xFFFFE000  }
0x524: {  	_ =	swait.ge [sflag:s9], $0x800  }
0x525: {  	s30 =	sld [smem:$0x7EF]  }
0x526: {  	[sflag:s9] =	ssyncset.done $0x0  }
0x527: {  	s31 =	sld [smem:$0x7F0];
	[sflag:s9] =	ssyncadd.s32 $0xFFFFF800  }
0x528: {  	[tilespmem:s14], [sflag:$0x3] =	stream.indirect.gather [hbm4b:s5+s16], $0x40, s30, s16, $0xb8;
	[tilespmem:$0xB900] =	vst v63  }
0x529: {  	_ = 	snop  }
0x52a: {  	[tilespmem:s15], [sflag:$0x3] =	stream.indirect.gather [hbm4b:s6+s16], $0x10, s31, s16, $0xb8;
	[tilespmem:$0xB900] =	vst v63  }
0x52b: {  	_ =	swait.ge [sflag:s19], $0x2000  }
0x52c: {  	[sflag:s19] =	ssyncset.done $0x0  }
0x52d: {  	[sflag:s19] =	ssyncadd.s32 $0xFFFFE000  }
0x52e: {  	_ =	swait.ge [sflag:s19], $0x800  }
0x52f: {  	[sflag:s19] =	ssyncset.done $0x0  }
0x530: {  	s30 =	rddreg [dreg:$0x1b];
	[sflag:s19] =	ssyncadd.s32 $0xFFFFF800  }
0x531: {  	[hbm4b:s30+s2] =	stream.linear.scatter [tilespmem:s12], [sflag:$0x8], $0x2000, $0x38;
	[tilespmem:$0xB900] =	vst v63  }
0x532: {  	s31 =	rddreg [dreg:$0x1c]  }
0x533: {  	[hbm4b:s31+s2] =	stream.linear.scatter [tilespmem:s13], [sflag:$0x8], $0x800, $0x38;
	[tilespmem:$0xB900] =	vst v63  }
0x534: {  	_ =	swait.ge [sflag:s10], $0x2000  }
0x535: {  	[sflag:s10] =	ssyncset.done $0x0  }
0x536: {  	[sflag:s10] =	ssyncadd.s32 $0xFFFFE000  }
0x537: {  	_ =	swait.ge [sflag:s10], $0x800  }
0x538: {  	s30 =	sld [smem:$0x7F1]  }
0x539: {  	[sflag:s10] =	ssyncset.done $0x0  }
0x53a: {  	s31 =	sld [smem:$0x7F2];
	[sflag:s10] =	ssyncadd.s32 $0xFFFFF800  }
0x53b: {  	[tilespmem:s12], [sflag:$0x4] =	stream.indirect.gather [hbm4b:s5+s16], $0x40, s30, s16, $0xb8;
	[tilespmem:$0xB900] =	vst v63  }
0x53c: {  	_ = 	snop  }
0x53d: {  	[tilespmem:s13], [sflag:$0x4] =	stream.indirect.gather [hbm4b:s6+s16], $0x10, s31, s16, $0xb8;
	[tilespmem:$0xB900] =	vst v63  }
0x53e: {  	_ =	swait.ge [sflag:s11], $0x2000  }
0x53f: {  	[sflag:s11] =	ssyncset.done $0x0  }
0x540: {  	[sflag:s11] =	ssyncadd.s32 $0xFFFFE000  }
0x541: {  	_ =	swait.ge [sflag:s11], $0x800  }
0x542: {  	[sflag:s11] =	ssyncset.done $0x0  }
0x543: {  	s30 =	rddreg [dreg:$0x1d];
	[sflag:s11] =	ssyncadd.s32 $0xFFFFF800  }
0x544: {  	[hbm4b:s30+s2] =	stream.linear.scatter [tilespmem:s3], [sflag:$0x5], $0x2000, $0x38;
	[tilespmem:$0xB900] =	vst v63  }
0x545: {  	s31 =	rddreg [dreg:$0x1e]  }
0x546: {  	[hbm4b:s31+s2] =	stream.linear.scatter [tilespmem:s4], [sflag:$0x5], $0x800, $0x38;
	[tilespmem:$0xB900] =	vst v63  }
0x547: {  	_ =	swait.ge [sflag:s7], $0x2000  }
0x548: {  	[sflag:s7] =	ssyncset.done $0x0  }
0x549: {  	[sflag:s7] =	ssyncadd.s32 $0xFFFFE000  }
0x54a: {  	_ =	swait.ge [sflag:s7], $0x800  }
0x54b: {  	s30 =	sld [smem:$0x7F3]  }
0x54c: {  	[sflag:s7] =	ssyncset.done $0x0  }
0x54d: {  	s31 =	sld [smem:$0x7F4];
	[sflag:s7] =	ssyncadd.s32 $0xFFFFF800  }
0x54e: {  	[tilespmem:s3], [sflag:$0x1] =	stream.indirect.gather [hbm4b:s5+s16], $0x40, s30, s16, $0xb8;
	[tilespmem:$0xB900] =	vst v63  }
0x54f: {  	_ = 	snop  }
0x550: {  	[tilespmem:s4], [sflag:$0x1] =	stream.indirect.gather [hbm4b:s6+s16], $0x10, s31, s16, $0xb8;
	[tilespmem:$0xB900] =	vst v63  }
0x551: {  	_ =	swait.ge [sflag:s21], $0x2000  }
0x552: {  	[sflag:s21] =	ssyncset.done $0x0  }
0x553: {  	[sflag:s21] =	ssyncadd.s32 $0xFFFFE000  }
0x554: {  	_ =	swait.ge [sflag:s21], $0x800  }
0x555: {  	s30 =	rddreg [dreg:$0x1f];
	[sflag:s21] =	ssyncset.done $0x0  }
0x556: {  	s31 =	sld [smem:$0x7BF];
	[sflag:s21] =	ssyncadd.s32 $0xFFFFF800  }
0x557: {  	[hbm4b:s30+s2] =	stream.linear.scatter [tilespmem:s17], [sflag:$0x6], $0x2000, $0x38;
	[tilespmem:$0xB900] =	vst v63  }
0x558: {  	_ = 	snop  }
0x559: {  	[hbm4b:s31+s2] =	stream.linear.scatter [tilespmem:s18], [sflag:$0x6], $0x800, $0x38;
	[tilespmem:$0xB900] =	vst v63  }
0x55a: {  	_ =	swait.ge [sflag:s8], $0x2000  }
0x55b: {  	[sflag:s8] =	ssyncset.done $0x0  }
0x55c: {  	[sflag:s8] =	ssyncadd.s32 $0xFFFFE000  }
0x55d: {  	_ =	swait.ge [sflag:s8], $0x800  }
0x55e: {  	s30 =	sld [smem:$0x7F5]  }
0x55f: {  	[sflag:s8] =	ssyncset.done $0x0  }
0x560: {  	s31 =	sld [smem:$0x7F6];
	[sflag:s8] =	ssyncadd.s32 $0xFFFFF800  }
0x561: {  	[tilespmem:s17], [sflag:$0x2] =	stream.indirect.gather [hbm4b:s5+s16], $0x40, s30, s16, $0xb8;
	[tilespmem:$0xB900] =	vst v63  }
0x562: {  	_ = 	snop  }
0x563: {  	[tilespmem:s18], [sflag:$0x2] =	stream.indirect.gather [hbm4b:s6+s16], $0x10, s31, s16, $0xb8;
	[tilespmem:$0xB900] =	vst v63  }
0x564: {  	_ =	swait.ge [sflag:s20], $0x2000  }
0x565: {  	[sflag:s20] =	ssyncset.done $0x0  }
0x566: {  	[sflag:s20] =	ssyncadd.s32 $0xFFFFE000  }
0x567: {  	_ =	swait.ge [sflag:s20], $0x800  }
0x568: {  	s30 =	sld [smem:$0x7C0]  }
0x569: {  	[sflag:s20] =	ssyncset.done $0x0  }
0x56a: {  	s31 =	sld [smem:$0x7C1];
	[sflag:s20] =	ssyncadd.s32 $0xFFFFF800  }
0x56b: {  	[hbm4b:s30+s2] =	stream.linear.scatter [tilespmem:s14], [sflag:$0x7], $0x2000, $0x38;
	[tilespmem:$0xB900] =	vst v63  }
0x56c: {  	_ = 	snop  }
0x56d: {  	[hbm4b:s31+s2] =	stream.linear.scatter [tilespmem:s15], [sflag:$0x7], $0x800, $0x38;
	[tilespmem:$0xB900] =	vst v63  }
0x56e: {  	_ =	swait.ge [sflag:s9], $0x2000  }
0x56f: {  	[sflag:s9] =	ssyncset.done $0x0  }
0x570: {  	[sflag:s9] =	ssyncadd.s32 $0xFFFFE000  }
0x571: {  	_ =	swait.ge [sflag:s9], $0x800  }
0x572: {  	s30 =	sld [smem:$0x7F7]  }
0x573: {  	[sflag:s9] =	ssyncset.done $0x0  }
0x574: {  	s31 =	sld [smem:$0x7F8];
	[sflag:s9] =	ssyncadd.s32 $0xFFFFF800  }
0x575: {  	[tilespmem:s14], [sflag:$0x3] =	stream.indirect.gather [hbm4b:s5+s16], $0x40, s30, s16, $0xb8;
	[tilespmem:$0xB900] =	vst v63  }
0x576: {  	_ = 	snop  }
0x577: {  	[tilespmem:s15], [sflag:$0x3] =	stream.indirect.gather [hbm4b:s6+s16], $0x10, s31, s16, $0xb8;
	[tilespmem:$0xB900] =	vst v63  }
0x578: {  	_ =	swait.ge [sflag:s19], $0x2000  }
0x579: {  	[sflag:s19] =	ssyncset.done $0x0  }
0x57a: {  	[sflag:s19] =	ssyncadd.s32 $0xFFFFE000  }
0x57b: {  	_ =	swait.ge [sflag:s19], $0x800  }
0x57c: {  	s30 =	sld [smem:$0x7C2]  }
0x57d: {  	[sflag:s19] =	ssyncset.done $0x0  }
0x57e: {  	s31 =	sld [smem:$0x7C3];
	[sflag:s19] =	ssyncadd.s32 $0xFFFFF800  }
0x57f: {  	[hbm4b:s30+s2] =	stream.linear.scatter [tilespmem:s12], [sflag:$0x8], $0x2000, $0x38;
	[tilespmem:$0xB900] =	vst v63  }
0x580: {  	_ = 	snop  }
0x581: {  	[hbm4b:s31+s2] =	stream.linear.scatter [tilespmem:s13], [sflag:$0x8], $0x800, $0x38;
	[tilespmem:$0xB900] =	vst v63  }
0x582: {  	_ =	swait.ge [sflag:s10], $0x2000  }
0x583: {  	[sflag:s10] =	ssyncset.done $0x0  }
0x584: {  	[sflag:s10] =	ssyncadd.s32 $0xFFFFE000  }
0x585: {  	_ =	swait.ge [sflag:s10], $0x800  }
0x586: {  	s30 =	sld [smem:$0x7F9]  }
0x587: {  	[sflag:s10] =	ssyncset.done $0x0  }
0x588: {  	s31 =	sld [smem:$0x7FA];
	[sflag:s10] =	ssyncadd.s32 $0xFFFFF800  }
0x589: {  	[tilespmem:s12], [sflag:$0x4] =	stream.indirect.gather [hbm4b:s5+s16], $0x40, s30, s16, $0xb8;
	[tilespmem:$0xB900] =	vst v63  }
0x58a: {  	_ = 	snop  }
0x58b: {  	[tilespmem:s13], [sflag:$0x4] =	stream.indirect.gather [hbm4b:s6+s16], $0x10, s31, s16, $0xb8;
	[tilespmem:$0xB900] =	vst v63  }
0x58c: {  	_ =	swait.ge [sflag:s11], $0x2000  }
0x58d: {  	[sflag:s11] =	ssyncset.done $0x0  }
0x58e: {  	[sflag:s11] =	ssyncadd.s32 $0xFFFFE000  }
0x58f: {  	_ =	swait.ge [sflag:s11], $0x800  }
0x590: {  	s30 =	sld [smem:$0x7C4]  }
0x591: {  	[sflag:s11] =	ssyncset.done $0x0  }
0x592: {  	s31 =	sld [smem:$0x7C5];
	[sflag:s11] =	ssyncadd.s32 $0xFFFFF800  }
0x593: {  	[hbm4b:s30+s2] =	stream.linear.scatter [tilespmem:s3], [sflag:$0x5], $0x2000, $0x38;
	[tilespmem:$0xB900] =	vst v63  }
0x594: {  	_ = 	snop  }
0x595: {  	[hbm4b:s31+s2] =	stream.linear.scatter [tilespmem:s4], [sflag:$0x5], $0x800, $0x38;
	[tilespmem:$0xB900] =	vst v63  }
0x596: {  	_ =	swait.ge [sflag:s7], $0x2000  }
0x597: {  	[sflag:s7] =	ssyncset.done $0x0  }
0x598: {  	[sflag:s7] =	ssyncadd.s32 $0xFFFFE000  }
0x599: {  	_ =	swait.ge [sflag:s7], $0x800  }
0x59a: {  	s30 =	sld [smem:$0x7FB]  }
0x59b: {  	[sflag:s7] =	ssyncset.done $0x0  }
0x59c: {  	s31 =	sld [smem:$0x7FC];
	[sflag:s7] =	ssyncadd.s32 $0xFFFFF800  }
0x59d: {  	[tilespmem:s3], [sflag:$0x1] =	stream.indirect.gather [hbm4b:s5+s16], $0x40, s30, s16, $0xb8;
	[tilespmem:$0xB900] =	vst v63  }
0x59e: {  	_ = 	snop  }
0x59f: {  	[tilespmem:s4], [sflag:$0x1] =	stream.indirect.gather [hbm4b:s6+s16], $0x10, s31, s16, $0xb8;
	[tilespmem:$0xB900] =	vst v63  }
0x5a0: {  	_ =	swait.ge [sflag:s21], $0x2000  }
0x5a1: {  	[sflag:s21] =	ssyncset.done $0x0  }
0x5a2: {  	[sflag:s21] =	ssyncadd.s32 $0xFFFFE000  }
0x5a3: {  	_ =	swait.ge [sflag:s21], $0x800  }
0x5a4: {  	s1 =	sld [smem:$0x7C6]  }
0x5a5: {  	[sflag:s21] =	ssyncset.done $0x0  }
0x5a6: {  	s30 =	sld [smem:$0x7C7];
	[sflag:s21] =	ssyncadd.s32 $0xFFFFF800  }
0x5a7: {  	[hbm4b:s1+s2] =	stream.linear.scatter [tilespmem:s17], [sflag:$0x6], $0x2000, $0x38;
	[tilespmem:$0xB900] =	vst v63  }
0x5a8: {  	_ = 	snop  }
0x5a9: {  	[hbm4b:s30+s2] =	stream.linear.scatter [tilespmem:s18], [sflag:$0x6], $0x800, $0x38;
	[tilespmem:$0xB900] =	vst v63  }
0x5aa: {  	_ =	swait.ge [sflag:s8], $0x2000  }
0x5ab: {  	[sflag:s8] =	ssyncset.done $0x0  }
0x5ac: {  	[sflag:s8] =	ssyncadd.s32 $0xFFFFE000  }
0x5ad: {  	_ =	swait.ge [sflag:s8], $0x800  }
0x5ae: {  	s31 =	sld [smem:$0x7FD]  }
0x5af: {  	[sflag:s8] =	ssyncset.done $0x0  }
0x5b0: {  	[sflag:s8] =	ssyncadd.s32 $0xFFFFF800  }
0x5b1: {  	[tilespmem:s17], [sflag:$0x2] =	stream.indirect.gather [hbm4b:s5+s16], $0x40, s31, s16, $0xb8;
	[tilespmem:$0xB900] =	vst v63  }
0x5b2: {  	_ = 	snop  }
0x5b3: {  	[tilespmem:s18], [sflag:$0x2] =	stream.indirect.gather [hbm4b:s6+s16], $0x10, s24, s16, $0xb8;
	[tilespmem:$0xB900] =	vst v63  }
0x5b4: {  	_ =	swait.ge [sflag:s20], $0x2000  }
0x5b5: {  	[sflag:s20] =	ssyncset.done $0x0  }
0x5b6: {  	[sflag:s20] =	ssyncadd.s32 $0xFFFFE000  }
0x5b7: {  	_ =	swait.ge [sflag:s20], $0x800  }
0x5b8: {  	s1 =	sld [smem:$0x7C8]  }
0x5b9: {  	[sflag:s20] =	ssyncset.done $0x0  }
0x5ba: {  	s24 =	sld [smem:$0x7C9];
	[sflag:s20] =	ssyncadd.s32 $0xFFFFF800  }
0x5bb: {  	[hbm4b:s1+s2] =	stream.linear.scatter [tilespmem:s14], [sflag:$0x7], $0x2000, $0x38;
	[tilespmem:$0xB900] =	vst v63  }
0x5bc: {  	_ = 	snop  }
0x5bd: {  	[hbm4b:s24+s2] =	stream.linear.scatter [tilespmem:s15], [sflag:$0x7], $0x800, $0x38;
	[tilespmem:$0xB900] =	vst v63  }
0x5be: {  	_ =	swait.ge [sflag:s9], $0x2000  }
0x5bf: {  	[sflag:s9] =	ssyncset.done $0x0  }
0x5c0: {  	[sflag:s9] =	ssyncadd.s32 $0xFFFFE000  }
0x5c1: {  	_ =	swait.ge [sflag:s9], $0x800  }
0x5c2: {  	[sflag:s9] =	ssyncset.done $0x0  }
0x5c3: {  	[sflag:s9] =	ssyncadd.s32 $0xFFFFF800  }
0x5c4: {  	[tilespmem:s14], [sflag:$0x3] =	stream.indirect.gather [hbm4b:s5+s16], $0x40, s28, s16, $0xb8;
	[tilespmem:$0xB900] =	vst v63  }
0x5c5: {  	_ = 	snop  }
0x5c6: {  	[tilespmem:s15], [sflag:$0x3] =	stream.indirect.gather [hbm4b:s6+s16], $0x10, s29, s16, $0xb8;
	[tilespmem:$0xB900] =	vst v63  }
0x5c7: {  	_ =	swait.ge [sflag:s19], $0x2000  }
0x5c8: {  	[sflag:s19] =	ssyncset.done $0x0  }
0x5c9: {  	[sflag:s19] =	ssyncadd.s32 $0xFFFFE000  }
0x5ca: {  	_ =	swait.ge [sflag:s19], $0x800  }
0x5cb: {  	s28 =	sld [smem:$0x7CA]  }
0x5cc: {  	[sflag:s19] =	ssyncset.done $0x0  }
0x5cd: {  	s29 =	sld [smem:$0x7CB];
	[sflag:s19] =	ssyncadd.s32 $0xFFFFF800  }
0x5ce: {  	[hbm4b:s28+s2] =	stream.linear.scatter [tilespmem:s12], [sflag:$0x8], $0x2000, $0x38;
	[tilespmem:$0xB900] =	vst v63  }
0x5cf: {  	_ = 	snop  }
0x5d0: {  	[hbm4b:s29+s2] =	stream.linear.scatter [tilespmem:s13], [sflag:$0x8], $0x800, $0x38;
	[tilespmem:$0xB900] =	vst v63  }
0x5d1: {  	_ =	swait.ge [sflag:s10], $0x2000  }
0x5d2: {  	[sflag:s10] =	ssyncset.done $0x0  }
0x5d3: {  	[sflag:s10] =	ssyncadd.s32 $0xFFFFE000  }
0x5d4: {  	_ =	swait.ge [sflag:s10], $0x800  }
0x5d5: {  	[sflag:s10] =	ssyncset.done $0x0  }
0x5d6: {  	[sflag:s10] =	ssyncadd.s32 $0xFFFFF800  }
0x5d7: {  	[tilespmem:s12], [sflag:$0x4] =	stream.indirect.gather [hbm4b:s5+s16], $0x40, s25, s16, $0xb8;
	[tilespmem:$0xB900] =	vst v63  }
0x5d8: {  	_ = 	snop  }
0x5d9: {  	[tilespmem:s13], [sflag:$0x4] =	stream.indirect.gather [hbm4b:s6+s16], $0x10, s26, s16, $0xb8;
	[tilespmem:$0xB900] =	vst v63  }
0x5da: {  	_ =	swait.ge [sflag:s11], $0x2000  }
0x5db: {  	[sflag:s11] =	ssyncset.done $0x0  }
0x5dc: {  	[sflag:s11] =	ssyncadd.s32 $0xFFFFE000  }
0x5dd: {  	_ =	swait.ge [sflag:s11], $0x800  }
0x5de: {  	s30 =	sld [smem:$0x7CC]  }
0x5df: {  	[sflag:s11] =	ssyncset.done $0x0  }
0x5e0: {  	s31 =	sld [smem:$0x7CD];
	[sflag:s11] =	ssyncadd.s32 $0xFFFFF800  }
0x5e1: {  	[hbm4b:s30+s2] =	stream.linear.scatter [tilespmem:s3], [sflag:$0x5], $0x2000, $0x38;
	[tilespmem:$0xB900] =	vst v63  }
0x5e2: {  	_ = 	snop  }
0x5e3: {  	[hbm4b:s31+s2] =	stream.linear.scatter [tilespmem:s4], [sflag:$0x5], $0x800, $0x38;
	[tilespmem:$0xB900] =	vst v63  }
0x5e4: {  	_ =	swait.ge [sflag:s7], $0x2000  }
0x5e5: {  	[sflag:s7] =	ssyncset.done $0x0  }
0x5e6: {  	[sflag:s7] =	ssyncadd.s32 $0xFFFFE000  }
0x5e7: {  	_ =	swait.ge [sflag:s7], $0x800  }
0x5e8: {  	[sflag:s7] =	ssyncset.done $0x0  }
0x5e9: {  	[sflag:s7] =	ssyncadd.s32 $0xFFFFF800  }
0x5ea: {  	[tilespmem:s3], [sflag:$0x1] =	stream.indirect.gather [hbm4b:s5+s16], $0x40, s23, s16, $0xb8;
	[tilespmem:$0xB900] =	vst v63  }
0x5eb: {  	s5 =	simm.s32 $0x1880  }
0x5ec: {  	[tilespmem:s4], [sflag:$0x1] =	stream.indirect.gather [hbm4b:s6+s16], $0x10, s5, s16, $0xb8;
	[tilespmem:$0xB900] =	vst v63  }
0x5ed: {  	_ =	swait.ge [sflag:s21], $0x2000  }
0x5ee: {  	[sflag:s21] =	ssyncset.done $0x0  }
0x5ef: {  	[sflag:s21] =	ssyncadd.s32 $0xFFFFE000  }
0x5f0: {  	_ =	swait.ge [sflag:s21], $0x800  }
0x5f1: {  	s23 =	sld [smem:$0x7CE]  }
0x5f2: {  	[sflag:s21] =	ssyncset.done $0x0  }
0x5f3: {  	s24 =	sld [smem:$0x7CF];
	[sflag:s21] =	ssyncadd.s32 $0xFFFFF800  }
0x5f4: {  	[hbm4b:s23+s2] =	stream.linear.scatter [tilespmem:s17], [sflag:$0x6], $0x2000, $0x38;
	[tilespmem:$0xB900] =	vst v63  }
0x5f5: {  	_ = 	snop  }
0x5f6: {  	[hbm4b:s24+s2] =	stream.linear.scatter [tilespmem:s18], [sflag:$0x6], $0x800, $0x38;
	[tilespmem:$0xB900] =	vst v63  }
0x5f7: {  	_ =	swait.ge [sflag:s20], $0x2000  }
0x5f8: {  	[sflag:s20] =	ssyncset.done $0x0  }
0x5f9: {  	[sflag:s20] =	ssyncadd.s32 $0xFFFFE000  }
0x5fa: {  	_ =	swait.ge [sflag:s20], $0x800  }
0x5fb: {  	s25 =	sld [smem:$0x7D0]  }
0x5fc: {  	[sflag:s20] =	ssyncset.done $0x0  }
0x5fd: {  	s26 =	sld [smem:$0x7D1];
	[sflag:s20] =	ssyncadd.s32 $0xFFFFF800  }
0x5fe: {  	[hbm4b:s25+s2] =	stream.linear.scatter [tilespmem:s14], [sflag:$0x7], $0x2000, $0x38;
	[tilespmem:$0xB900] =	vst v63  }
0x5ff: {  	_ = 	snop  }
0x600: {  	[hbm4b:s26+s2] =	stream.linear.scatter [tilespmem:s15], [sflag:$0x7], $0x800, $0x38;
	[tilespmem:$0xB900] =	vst v63  }
0x601: {  	_ =	swait.ge [sflag:s19], $0x2000  }
0x602: {  	[sflag:s19] =	ssyncset.done $0x0  }
0x603: {  	[sflag:s19] =	ssyncadd.s32 $0xFFFFE000  }
0x604: {  	_ =	swait.ge [sflag:s19], $0x800  }
0x605: {  	s28 =	sld [smem:$0x7D2]  }
0x606: {  	[sflag:s19] =	ssyncset.done $0x0  }
0x607: {  	s29 =	sld [smem:$0x7D3];
	[sflag:s19] =	ssyncadd.s32 $0xFFFFF800  }
0x608: {  	[hbm4b:s28+s2] =	stream.linear.scatter [tilespmem:s12], [sflag:$0x8], $0x2000, $0x38;
	[tilespmem:$0xB900] =	vst v63  }
0x609: {  	_ = 	snop  }
0x60a: {  	[hbm4b:s29+s2] =	stream.linear.scatter [tilespmem:s13], [sflag:$0x8], $0x800, $0x38;
	[tilespmem:$0xB900] =	vst v63  }
0x60b: {  	_ =	swait.ge [sflag:s11], $0x2000  }
0x60c: {  	[sflag:s11] =	ssyncset.done $0x0  }
0x60d: {  	[sflag:s11] =	ssyncadd.s32 $0xFFFFE000  }
0x60e: {  	_ =	swait.ge [sflag:s11], $0x800  }
0x60f: {  	s30 =	sld [smem:$0x7D4]  }
0x610: {  	[sflag:s11] =	ssyncset.done $0x0  }
0x611: {  	s31 =	sld [smem:$0x7D5];
	[sflag:s11] =	ssyncadd.s32 $0xFFFFF800  }
0x612: {  	[hbm4b:s30+s2] =	stream.linear.scatter [tilespmem:s3], [sflag:$0x5], $0x2000, $0x38;
	[tilespmem:$0xB900] =	vst v63  }
0x613: {  	_ = 	snop  }
0x614: {  	[hbm4b:s31+s2] =	stream.linear.scatter [tilespmem:s4], [sflag:$0x5], $0x800, $0x38;
	[tilespmem:$0xB900] =	vst v63  }
0x615: {  	_ =	swait.ge [sflag:s7], $0x2000  }
0x616: {  	[sflag:s7] =	ssyncset.done $0x0  }
0x617: {  	[sflag:s7] =	ssyncadd.s32 $0xFFFFE000  }
0x618: {  	_ =	swait.ge [sflag:s7], $0x800  }
0x619: {  	[sflag:s7] =	ssyncset.done $0x0  }
0x61a: {  	[sflag:s7] =	ssyncadd.s32 $0xFFFFF800  }
0x61b: {  	_ =	swait.ge [sflag:s8], $0x2000  }
0x61c: {  	[sflag:s8] =	ssyncset.done $0x0  }
0x61d: {  	[sflag:s8] =	ssyncadd.s32 $0xFFFFE000  }
0x61e: {  	_ =	swait.ge [sflag:s8], $0x800  }
0x61f: {  	[sflag:s8] =	ssyncset.done $0x0  }
0x620: {  	[sflag:s8] =	ssyncadd.s32 $0xFFFFF800  }
0x621: {  	_ =	swait.ge [sflag:s9], $0x2000  }
0x622: {  	[sflag:s9] =	ssyncset.done $0x0  }
0x623: {  	[sflag:s9] =	ssyncadd.s32 $0xFFFFE000  }
0x624: {  	_ =	swait.ge [sflag:s9], $0x800  }
0x625: {  	[sflag:s9] =	ssyncset.done $0x0  }
0x626: {  	[sflag:s9] =	ssyncadd.s32 $0xFFFFF800  }
0x627: {  	_ =	swait.ge [sflag:s10], $0x2000  }
0x628: {  	[sflag:s10] =	ssyncset.done $0x0  }
0x629: {  	[sflag:s10] =	ssyncadd.s32 $0xFFFFE000  }
0x62a: {  	_ =	swait.ge [sflag:s10], $0x800  }
0x62b: {  	[sflag:s10] =	ssyncset.done $0x0  }
0x62c: {  	[sflag:s10] =	ssyncadd.s32 $0xFFFFF800  }
0x62d: {  	_ =	sfence.sel $0x180000  }
0x62e: {  	[bflag:$0x0] =	sbarrier.arrive $0xFFFF  }
0x62f: {  	_ =	strace $0x90000047  }
0x630: {  	[bflag:$0x2] =	sbarrier.arrive $0xFFFF  }
0x631: {  	p0 =	sne.s32 s22, $0x0;
	s0 =	rddreg [dreg:$0x2]  }
0x632: {  	s0 =	sadd.s32 @!p0 $0x100000, s0  }
0x633: {  	[sflag:s0] =	ssyncadd.tile.s32 @!p0 $0x1;
	_ =	shalt  }
.LBB2_1:
.Ltmp3:
0x634: {  	(pc) =	sbr.rel .LBB2_6-.Ltmp3, $3  }
0x635: {  	_ =	sdelay $0x1  }
0x636: {  	s24 =	simm.s32 $0x1700;
	s29 =	simm.s32 $0x1780;
	s28 =	simm.s32 $0xB00  }
0x637: {  	s26 =	simm.s32 $0x1800;
	s25 =	simm.s32 $0xB80;
	s23 =	simm.s32 $0xC00  }
.LBB2_3:
.Ltmp4:
0x638: {  	(pc) =	sbr.rel .LBB2_6-.Ltmp4, $4  }
0x639: {  	_ = 	snop  }
0x63a: {  	s24 =	simm.s32 $0x1700  }
0x63b: {  	s29 =	simm.s32 $0x1780;
	s28 =	simm.s32 $0xB00;
	s26 =	simm.s32 $0x1800  }
0x63c: {  	s25 =	simm.s32 $0xB80;
	s23 =	simm.s32 $0xC00;
	s22 =	stileid.u32  }
.Lfunc_end2:
_tile_overlayer_lowered:
.L_overlay_start_2:
0x63d: {  	(tag) =	ssettag $0x2  }
0x63e: {  	s0 =	rddreg [dreg:$0x0];
	s2 =	stileid.u32  }
0x63f: {  	s1 =	rddreg [dreg:$0x1];
	p0 =	sne.s32 s2, $0x0  }
0x640: {  	s3 =	rddreg [dreg:$0x2];
	[bflag:$0x3] =	sbarrier.arrive $0xFFFF;
	s2 =	simm.s32 @!p0 $0x1C09  }
0x641: {  	[timem:s3], [sflag:s2] =	dma.local @!p0 [hbm:s0], s1  }
0x642: {  	s0 =	simm.s32 @!p0 $0x9  }
0x643: {  	_ =	swait.ge @!p0 [sflag:s0], s1  }
0x644: {  	s1 =	ssub.s32 @!p0 $0x0, s1;
	[sflag:s0] =	ssyncset.done @!p0 $0x0  }
0x645: {  	[sflag:s0] =	ssyncadd.s32 @!p0 s1  }
0x646: {  	[bflag:$0x3] =	sbarrier.arrive $0xFFFF  }
0x647: {  	_ =	shalt  }

</sc_bundles>
